<compile_context>
chip_gen: v7x
topology: tpu7x:2x2x1
jax: 0.10.2.dev20260603
libtpu: 0.0.44.dev20260713+nightly
codegen_flags: <defaults>
</compile_context>

<pallas_src>
import functools

import jax
import jax.numpy as jnp
from jax import lax
from jax.experimental import pallas as pl
from jax.experimental.pallas import tpu as pltpu
from jax.experimental.pallas import tpu_sc as plsc

NUM_NODES = 100000
NUM_SEGMENTS = 2048
FEATURE_DIM = 128

NUM_CHUNKS = 4
NUM_FGROUPS = 8
ROWS_PER_CHUNK = NUM_NODES // NUM_CHUNKS
TILE_ROWS = 1000
TILES_PER_CHUNK = ROWS_PER_CHUNK // TILE_ROWS
FULL_GROUPS = TILE_ROWS // 16
TAIL_ROWS = TILE_ROWS - FULL_GROUPS * 16
NUM_GROUPS = FULL_GROUPS + 1
ZBUF_ROWS = 256
SEG_SLICE = NUM_SEGMENTS // NUM_CHUNKS


def _sc_body(x_hbm, batch_hbm, out_hbm,
             xb0, xb1, ib0, ib1, zbuf, cnt, cbuf, rbuf, obuf, inv,
             shacc, shcnt,
             sx0, sx1, si0, si1, ss0, ss1):
    nc = 2
    core = lax.axis_index("c")
    sub = lax.axis_index("s")
    wid = sub * nc + core
    chunk = wid // NUM_FGROUPS
    q = wid % NUM_FGROUPS
    f0 = q * 16
    row_base = chunk * ROWS_PER_CHUNK

    xbufs = (xb0, xb1)
    ibufs = (ib0, ib1)
    xsems = (sx0, sx1)
    isems = (si0, si1)
    ssems = (ss0, ss1)

    def start(k):
        slot = k % 2
        row0 = row_base + k * TILE_ROWS
        cx = pltpu.async_copy(
            x_hbm.at[pl.ds(row0, TILE_ROWS), pl.ds(f0, 16)],
            xbufs[slot], xsems[slot])
        ci = pltpu.async_copy(
            batch_hbm.at[pl.ds(row0, TILE_ROWS)],
            ibufs[slot], isems[slot])
        return cx, ci

    handles = {0: start(0)}

    plane = shacc.at[sub]

    zf = jnp.zeros((16,), jnp.float32)

    def zbz(i, _):
        zbuf[i] = zf
        return _

    lax.fori_loop(0, ZBUF_ROWS, zbz, None)
    for j in range(NUM_SEGMENTS // ZBUF_ROWS):
        pltpu.sync_copy(zbuf, plane.at[pl.ds(j * ZBUF_ROWS, ZBUF_ROWS)])

    def zcnt(i, _):
        cnt[pl.ds(i * 16, 16)] = zf
        return _

    lax.fori_loop(0, NUM_SEGMENTS // 16, zcnt, None)

    lanes = lax.iota(jnp.int32, 16)
    ones16 = jnp.ones((16,), jnp.float32)

    scat = {}
    for k in range(TILES_PER_CHUNK):
        slot = k % 2
        if k - 1 >= 0:
            scat.pop(k - 1).wait()
        if k + 1 < TILES_PER_CHUNK:
            handles[k + 1] = start(k + 1)
        cx, ci = handles.pop(k)
        cx.wait()
        ci.wait()
        xb = xbufs[slot]
        ib = ibufs[slot]

        scat[k] = pltpu.async_copy(xb, plane.at[ib], ssems[slot], add=True)

        def cgroup(g, _):
            is_tail = g == FULL_GROUPS
            off = jnp.where(is_tail, TILE_ROWS - 16, g * 16)
            lo = jnp.where(is_tail, 16 - TAIL_ROWS, 0)
            ids16 = ib[pl.ds(off, 16)]
            mask = lanes >= lo
            idx = jnp.where(mask, ids16, 0)
            plsc.addupdate_scatter(cnt, [idx], ones16, mask=mask)
            return _

        lax.fori_loop(0, NUM_GROUPS, cgroup, None)
    scat.pop(TILES_PER_CHUNK - 1).wait()

    @pl.when(q == core)
    def _():
        pltpu.sync_copy(cnt, shcnt.at[chunk])

    plsc.subcore_barrier()

    pltpu.sync_copy(shcnt, cbuf)
    sg0 = chunk * SEG_SLICE
    for j in range(NUM_CHUNKS):
        pltpu.sync_copy(
            shacc.at[j * NUM_CHUNKS + q // 2, pl.ds(sg0, SEG_SLICE)],
            rbuf.at[j])

    one = jnp.float32(1.0)

    def invf(i, _):
        s = pl.ds(i * 16, 16)
        c = cbuf[0, s] + cbuf[1, s] + cbuf[2, s] + cbuf[3, s]
        inv[s] = one / c
        return _

    lax.fori_loop(0, NUM_SEGMENTS // 16, invf, None)

    def blockf(b, _):
        inv16 = inv[pl.ds(sg0 + b * 16, 16)]
        for u in range(16):
            i = b * 16 + u
            v = rbuf[0, i] + rbuf[1, i] + rbuf[2, i] + rbuf[3, i]
            obuf[i] = v * inv16[u]
        return _

    lax.fori_loop(0, SEG_SLICE // 16, blockf, None)

    pltpu.async_copy(
        obuf, out_hbm.at[pl.ds(sg0, SEG_SLICE), pl.ds(f0, 16)], sx0).wait()


def _segment_mean(x, batch):
    mesh = plsc.VectorSubcoreMesh(core_axis_name="c", subcore_axis_name="s")
    k = functools.partial(
        pl.kernel,
        out_type=jax.ShapeDtypeStruct((NUM_SEGMENTS, FEATURE_DIM),
                                      jnp.float32),
        mesh=mesh,
        compiler_params=pltpu.CompilerParams(use_tc_tiling_on_sc=False,
                                             needs_layout_passes=False),
        scratch_types=[
            pltpu.VMEM((TILE_ROWS, 16), jnp.float32),
            pltpu.VMEM((TILE_ROWS, 16), jnp.float32),
            pltpu.VMEM((TILE_ROWS,), jnp.int32),
            pltpu.VMEM((TILE_ROWS,), jnp.int32),
            pltpu.VMEM((ZBUF_ROWS, 16), jnp.float32),
            pltpu.VMEM((NUM_SEGMENTS,), jnp.float32),
            pltpu.VMEM((NUM_CHUNKS, NUM_SEGMENTS), jnp.float32),
            pltpu.VMEM((NUM_CHUNKS, SEG_SLICE, 16), jnp.float32),
            pltpu.VMEM((SEG_SLICE, 16), jnp.float32),
            pltpu.VMEM((NUM_SEGMENTS,), jnp.float32),
            pltpu.VMEM_SHARED((16, NUM_SEGMENTS, 16), jnp.float32),
            pltpu.VMEM_SHARED((NUM_CHUNKS, NUM_SEGMENTS), jnp.float32),
            pltpu.SemaphoreType.DMA,
            pltpu.SemaphoreType.DMA,
            pltpu.SemaphoreType.DMA,
            pltpu.SemaphoreType.DMA,
            pltpu.SemaphoreType.DMA,
            pltpu.SemaphoreType.DMA,
        ],
    )(_sc_body)
    return k(x, batch)


def kernel(x, batch, grid_size):
    del grid_size
    return _segment_mean(x, batch.astype(jnp.int32))

# --- scband reference (transcript-rebuilt; emitter-appended) ---
"""Pipeline reference for scband-graph-pooling-52089363366521 (READ-ONLY COPY).

The authoritative reference and input builder live on the scoring server;
editing this copy changes nothing except your own understanding.
"""

import jax, jax.numpy as jnp
import numpy as np


def setup_inputs(seed: int = 0) -> dict:
    key = jax.random.key(seed)
    k1, k2 = jax.random.split(key)
    num_nodes = 100000
    feature_dim = 128
    num_graphs = 2048
    x = jax.random.normal(k1, (num_nodes, feature_dim), dtype=jnp.float32)
    batch = jnp.sort(jax.random.randint(k2, (num_nodes,), 0, num_graphs, dtype=jnp.int64))
    # guarantee max id == num_graphs-1 so batch_size is deterministic
    batch = batch.at[-1].set(num_graphs - 1)
    return {"x": x, "batch": batch, "grid_size": 7}


def reference(x, batch, grid_size=7):
    # pooling_method == 'mean': per-graph mean of node features
    batch_size = 2048
    sums = jax.ops.segment_sum(x, batch, num_segments=batch_size)
    counts = jax.ops.segment_sum(jnp.ones((x.shape[0],), dtype=x.dtype), batch, num_segments=batch_size)
    pooled = sums / counts[:, None]
    return pooled

if __name__ == "__main__":
    import jax
    _d = setup_inputs()
    print(jax.jit(kernel)(*tuple(_d.values())))

</pallas_src>

<mosaic_0001>
#map = affine_map<(d0, d1) -> (0, 0)>
#map1 = affine_map<(d0, d1) -> (0)>
module attributes {stable_mosaic.version = 14 : i64} {
  func.func @_sc_body(%arg0: i32, %arg1: i32, %arg2: memref<100000x128xf32, #tpu.memory_space<hbm>>, %arg3: memref<100000xi32, #tpu.memory_space<hbm>>, %arg4: memref<2048x128xf32, #tpu.memory_space<hbm>>, %arg5: memref<1000x16xf32, #tpu.memory_space<vmem>>, %arg6: memref<1000x16xf32, #tpu.memory_space<vmem>>, %arg7: memref<1000xi32, #tpu.memory_space<vmem>>, %arg8: memref<1000xi32, #tpu.memory_space<vmem>>, %arg9: memref<256x16xf32, #tpu.memory_space<vmem>>, %arg10: memref<2048xf32, #tpu.memory_space<vmem>>, %arg11: memref<4x2048xf32, #tpu.memory_space<vmem>>, %arg12: memref<4x512x16xf32, #tpu.memory_space<vmem>>, %arg13: memref<512x16xf32, #tpu.memory_space<vmem>>, %arg14: memref<2048xf32, #tpu.memory_space<vmem>>, %arg15: memref<16x2048x16xf32, #tpu.memory_space<vmem_shared>>, %arg16: memref<4x2048xf32, #tpu.memory_space<vmem_shared>>, %arg17: memref<!tpu.dma_semaphore, #tpu.memory_space<semaphore_mem>>, %arg18: memref<!tpu.dma_semaphore, #tpu.memory_space<semaphore_mem>>, %arg19: memref<!tpu.dma_semaphore, #tpu.memory_space<semaphore_mem>>, %arg20: memref<!tpu.dma_semaphore, #tpu.memory_space<semaphore_mem>>, %arg21: memref<!tpu.dma_semaphore, #tpu.memory_space<semaphore_mem>>, %arg22: memref<!tpu.dma_semaphore, #tpu.memory_space<semaphore_mem>>) attributes {dimension_semantics = [#tpu.dimension_semantics<core_parallel>, #tpu.dimension_semantics<subcore_parallel>], iteration_bounds = array<i64: 2, 16>, scalar_prefetch = 0 : i64, scratch_operands = 18 : i64, tpu.core_type = #tpu.core_type<sc_vector_subcore>, window_params = [{transform_indices = #map}, {transform_indices = #map1}, {transform_indices = #map}]} {
    %mul3A = arith.constant 2 : i32
    %mul3A_0 = arith.muli %arg1, %mul3A : i32
    %add3A = arith.addi %mul3A_0, %arg0 : i32
    %jit3A = arith.constant 8 : i32
    %div3A = arith.divsi %add3A, %jit3A : i32
    %sign3A = arith.constant 0 : i32
    %sign3A_1 = arith.cmpi sgt, %add3A, %sign3A : i32
    %sign3A_2 = arith.extui %sign3A_1 : i1 to i32
    %sign3A_3 = arith.constant 0 : i32
    %sign3A_4 = arith.cmpi slt, %add3A, %sign3A_3 : i32
    %sign3A_5 = arith.extui %sign3A_4 : i1 to i32
    %sign3A_6 = arith.subi %sign3A_2, %sign3A_5 : i32
    %sign3A_7 = arith.constant 0 : i32
    %sign3A_8 = arith.cmpi sgt, %jit3A, %sign3A_7 : i32
    %sign3A_9 = arith.extui %sign3A_8 : i1 to i32
    %sign3A_10 = arith.constant 0 : i32
    %sign3A_11 = arith.cmpi slt, %jit3A, %sign3A_10 : i32
    %sign3A_12 = arith.extui %sign3A_11 : i1 to i32
    %sign3A_13 = arith.subi %sign3A_9, %sign3A_12 : i32
    %ne3A = arith.cmpi ne, %sign3A_6, %sign3A_13 : i32
    %rem3A = arith.remsi %add3A, %jit3A : i32
    %ne3A_14 = arith.constant 0 : i32
    %ne3A_15 = arith.cmpi ne, %rem3A, %ne3A_14 : i32
    %and3A = arith.andi %ne3A, %ne3A_15 : i1
    %sub3A = arith.constant 1 : i32
    %sub3A_16 = arith.subi %div3A, %sub3A : i32
    %select_n3A = arith.select %and3A, %sub3A_16, %div3A : i32
    %jit3A_17 = arith.constant 8 : i32
    %eq3A = arith.constant 0 : i32
    %eq3A_18 = arith.cmpi eq, %jit3A_17, %eq3A : i32
    %jit3A_19 = arith.constant 1 : i32
    %select_n3A_20 = arith.select %eq3A_18, %jit3A_19, %jit3A_17 : i32
    %rem3A_21 = arith.remsi %add3A, %select_n3A_20 : i32
    %ne3A_22 = arith.constant 0 : i32
    %ne3A_23 = arith.cmpi ne, %rem3A_21, %ne3A_22 : i32
    %lt3A = arith.constant 0 : i32
    %lt3A_24 = arith.cmpi slt, %rem3A_21, %lt3A : i32
    %lt3A_25 = arith.constant 0 : i32
    %lt3A_26 = arith.cmpi slt, %select_n3A_20, %lt3A_25 : i32
    %ne3A_27 = arith.xori %lt3A_24, %lt3A_26 : i1
    %and3A_28 = arith.andi %ne3A_27, %ne3A_23 : i1
    %add3A_29 = arith.addi %rem3A_21, %select_n3A_20 : i32
    %select_n3A_30 = arith.select %and3A_28, %add3A_29, %rem3A_21 : i32
    %mul3A_31 = arith.constant 16 : i32
    %mul3A_32 = arith.muli %select_n3A_30, %mul3A_31 : i32
    %mul3A_33 = arith.constant 25000 : i32
    %mul3A_34 = arith.muli %select_n3A, %mul3A_33 : i32
    %add3A_35 = arith.constant 0 : i32
    %add3A_36 = arith.addi %mul3A_34, %add3A_35 : i32
    %dma_start3A = tpu.memref_slice %arg2[%add3A_36, %mul3A_32] : memref<100000x128xf32, #tpu.memory_space<hbm>> -> memref<1000x16xf32, #tpu.memory_space<hbm>>
    %dma_start3A_37 = tpu.memref_slice %arg2[%add3A_36, %mul3A_32] : memref<100000x128xf32, #tpu.memory_space<hbm>> -> memref<1000x16xf32, #tpu.memory_space<hbm>>
    tpu.enqueue_dma source(%dma_start3A_37 : memref<1000x16xf32, #tpu.memory_space<hbm>>) target(%arg5 : memref<1000x16xf32, #tpu.memory_space<vmem>>) target_semaphore(%arg17 : memref<!tpu.dma_semaphore, #tpu.memory_space<semaphore_mem>>)
    %dma_start3A_38 = tpu.memref_slice %arg3[%add3A_36] : memref<100000xi32, #tpu.memory_space<hbm>> -> memref<1000xi32, #tpu.memory_space<hbm>>
    %dma_start3A_39 = tpu.memref_slice %arg3[%add3A_36] : memref<100000xi32, #tpu.memory_space<hbm>> -> memref<1000xi32, #tpu.memory_space<hbm>>
    tpu.enqueue_dma source(%dma_start3A_39 : memref<1000xi32, #tpu.memory_space<hbm>>) target(%arg7 : memref<1000xi32, #tpu.memory_space<vmem>>) target_semaphore(%arg19 : memref<!tpu.dma_semaphore, #tpu.memory_space<semaphore_mem>>)
    %broadcast_in_dim3A = arith.constant 0.000000e+00 : f32
    %broadcast_in_dim3A_40 = vector.broadcast %broadcast_in_dim3A : f32 to vector<16xf32>
    %scan3A = arith.constant 0 : i32
    %scan3A_41 = arith.constant 256 : i32
    %scan3A_42 = arith.addi %scan3A, %scan3A_41 : i32
    %scan3A_43 = arith.constant 1 : i32
    scf.for %scan3A_896 = %scan3A to %scan3A_42 step %scan3A_43  : i32 {
      %swap3A = arith.index_cast %scan3A_896 : i32 to index
      %swap3A_897 = arith.constant 0 : index
      %swap3A_898 = tpu.vector_load %arg9[%swap3A, %swap3A_897] {strides = array<i32>} : memref<256x16xf32, #tpu.memory_space<vmem>>, vector<16xf32>,
      tpu.vector_store %arg9[%swap3A, %swap3A_897], %broadcast_in_dim3A_40 {strides = array<i32>} : memref<256x16xf32, #tpu.memory_space<vmem>>, vector<16xf32>,
    }
    %scan3A_44 = arith.constant 256 : i32
    "tpu.region"() ({
      %run_scoped3A_896 = tpu.sem_alloc : memref<!tpu.dma_semaphore, #tpu.memory_space<semaphore_mem>>
      %dma_start3A_897 = arith.constant 0 : i32
      %dma_start3A_898 = arith.constant 0 : i32
      %dma_start3A_899 = tpu.memref_slice %arg15[%arg1, %dma_start3A_897, %dma_start3A_898] : memref<16x2048x16xf32, #tpu.memory_space<vmem_shared>> -> memref<1x2048x16xf32, #tpu.memory_space<vmem_shared>>
      %dma_start3A_900 = tpu.memref_squeeze %dma_start3A_899 : memref<1x2048x16xf32, #tpu.memory_space<vmem_shared>> -> memref<2048x16xf32, #tpu.memory_space<vmem_shared>>
      %dma_start3A_901 = arith.constant 0 : i32
      %dma_start3A_902 = arith.constant 0 : i32
      %dma_start3A_903 = tpu.memref_slice %dma_start3A_900[%dma_start3A_901, %dma_start3A_902] : memref<2048x16xf32, #tpu.memory_space<vmem_shared>> -> memref<256x16xf32, #tpu.memory_space<vmem_shared>>
      %dma_start3A_904 = arith.constant 0 : i32
      %dma_start3A_905 = arith.constant 0 : i32
      %dma_start3A_906 = tpu.memref_slice %arg15[%arg1, %dma_start3A_904, %dma_start3A_905] : memref<16x2048x16xf32, #tpu.memory_space<vmem_shared>> -> memref<1x2048x16xf32, #tpu.memory_space<vmem_shared>>
      %dma_start3A_907 = tpu.memref_squeeze %dma_start3A_906 : memref<1x2048x16xf32, #tpu.memory_space<vmem_shared>> -> memref<2048x16xf32, #tpu.memory_space<vmem_shared>>
      %dma_start3A_908 = arith.constant 0 : i32
      %dma_start3A_909 = arith.constant 0 : i32
      %dma_start3A_910 = tpu.memref_slice %dma_start3A_907[%dma_start3A_908, %dma_start3A_909] : memref<2048x16xf32, #tpu.memory_space<vmem_shared>> -> memref<256x16xf32, #tpu.memory_space<vmem_shared>>
      tpu.enqueue_dma source(%arg9 : memref<256x16xf32, #tpu.memory_space<vmem>>) target(%dma_start3A_910 : memref<256x16xf32, #tpu.memory_space<vmem_shared>>) target_semaphore(%run_scoped3A_896 : memref<!tpu.dma_semaphore, #tpu.memory_space<semaphore_mem>>)
      %dma_wait3A_911 = arith.constant 0 : i32
      %dma_wait3A_912 = arith.constant 0 : i32
      %dma_wait3A_913 = tpu.memref_slice %arg15[%arg1, %dma_wait3A_911, %dma_wait3A_912] : memref<16x2048x16xf32, #tpu.memory_space<vmem_shared>> -> memref<1x2048x16xf32, #tpu.memory_space<vmem_shared>>
      %dma_wait3A_914 = tpu.memref_squeeze %dma_wait3A_913 : memref<1x2048x16xf32, #tpu.memory_space<vmem_shared>> -> memref<2048x16xf32, #tpu.memory_space<vmem_shared>>
      %dma_wait3A_915 = arith.constant 0 : i32
      %dma_wait3A_916 = arith.constant 0 : i32
      %dma_wait3A_917 = tpu.memref_slice %dma_wait3A_914[%dma_wait3A_915, %dma_wait3A_916] : memref<2048x16xf32, #tpu.memory_space<vmem_shared>> -> memref<256x16xf32, #tpu.memory_space<vmem_shared>>
      %dma_wait3A_918 = arith.constant 0 : i32
      %dma_wait3A_919 = arith.constant 0 : i32
      %dma_wait3A_920 = tpu.memref_slice %arg15[%arg1, %dma_wait3A_918, %dma_wait3A_919] : memref<16x2048x16xf32, #tpu.memory_space<vmem_shared>> -> memref<1x2048x16xf32, #tpu.memory_space<vmem_shared>>
      %dma_wait3A_921 = tpu.memref_squeeze %dma_wait3A_920 : memref<1x2048x16xf32, #tpu.memory_space<vmem_shared>> -> memref<2048x16xf32, #tpu.memory_space<vmem_shared>>
      %dma_wait3A_922 = arith.constant 0 : i32
      %dma_wait3A_923 = arith.constant 0 : i32
      %dma_wait3A_924 = tpu.memref_slice %dma_wait3A_921[%dma_wait3A_922, %dma_wait3A_923] : memref<2048x16xf32, #tpu.memory_space<vmem_shared>> -> memref<256x16xf32, #tpu.memory_space<vmem_shared>>
      tpu.wait_dma2 semaphore(%run_scoped3A_896 : memref<!tpu.dma_semaphore, #tpu.memory_space<semaphore_mem>>) src(%arg9 : memref<256x16xf32, #tpu.memory_space<vmem>>) dst(%dma_wait3A_924 : memref<256x16xf32, #tpu.memory_space<vmem_shared>>)
      tpu.yield
    }) : () -> ()
    "tpu.region"() ({
      %run_scoped3A_896 = tpu.sem_alloc : memref<!tpu.dma_semaphore, #tpu.memory_space<semaphore_mem>>
      %dma_start3A_897 = arith.constant 0 : i32
      %dma_start3A_898 = arith.constant 0 : i32
      %dma_start3A_899 = tpu.memref_slice %arg15[%arg1, %dma_start3A_897, %dma_start3A_898] : memref<16x2048x16xf32, #tpu.memory_space<vmem_shared>> -> memref<1x2048x16xf32, #tpu.memory_space<vmem_shared>>
      %dma_start3A_900 = tpu.memref_squeeze %dma_start3A_899 : memref<1x2048x16xf32, #tpu.memory_space<vmem_shared>> -> memref<2048x16xf32, #tpu.memory_space<vmem_shared>>
      %dma_start3A_901 = arith.constant 256 : i32
      %dma_start3A_902 = arith.constant 0 : i32
      %dma_start3A_903 = tpu.memref_slice %dma_start3A_900[%dma_start3A_901, %dma_start3A_902] : memref<2048x16xf32, #tpu.memory_space<vmem_shared>> -> memref<256x16xf32, #tpu.memory_space<vmem_shared>>
      %dma_start3A_904 = arith.constant 0 : i32
      %dma_start3A_905 = arith.constant 0 : i32
      %dma_start3A_906 = tpu.memref_slice %arg15[%arg1, %dma_start3A_904, %dma_start3A_905] : memref<16x2048x16xf32, #tpu.memory_space<vmem_shared>> -> memref<1x2048x16xf32, #tpu.memory_space<vmem_shared>>
      %dma_start3A_907 = tpu.memref_squeeze %dma_start3A_906 : memref<1x2048x16xf32, #tpu.memory_space<vmem_shared>> -> memref<2048x16xf32, #tpu.memory_space<vmem_shared>>
      %dma_start3A_908 = arith.constant 256 : i32
      %dma_start3A_909 = arith.constant 0 : i32
      %dma_start3A_910 = tpu.memref_slice %dma_start3A_907[%dma_start3A_908, %dma_start3A_909] : memref<2048x16xf32, #tpu.memory_space<vmem_shared>> -> memref<256x16xf32, #tpu.memory_space<vmem_shared>>
      tpu.enqueue_dma source(%arg9 : memref<256x16xf32, #tpu.memory_space<vmem>>) target(%dma_start3A_910 : memref<256x16xf32, #tpu.memory_space<vmem_shared>>) target_semaphore(%run_scoped3A_896 : memref<!tpu.dma_semaphore, #tpu.memory_space<semaphore_mem>>)
      %dma_wait3A_911 = arith.constant 0 : i32
      %dma_wait3A_912 = arith.constant 0 : i32
      %dma_wait3A_913 = tpu.memref_slice %arg15[%arg1, %dma_wait3A_911, %dma_wait3A_912] : memref<16x2048x16xf32, #tpu.memory_space<vmem_shared>> -> memref<1x2048x16xf32, #tpu.memory_space<vmem_shared>>
      %dma_wait3A_914 = tpu.memref_squeeze %dma_wait3A_913 : memref<1x2048x16xf32, #tpu.memory_space<vmem_shared>> -> memref<2048x16xf32, #tpu.memory_space<vmem_shared>>
      %dma_wait3A_915 = arith.constant 256 : i32
      %dma_wait3A_916 = arith.constant 0 : i32
      %dma_wait3A_917 = tpu.memref_slice %dma_wait3A_914[%dma_wait3A_915, %dma_wait3A_916] : memref<2048x16xf32, #tpu.memory_space<vmem_shared>> -> memref<256x16xf32, #tpu.memory_space<vmem_shared>>
      %dma_wait3A_918 = arith.constant 0 : i32
      %dma_wait3A_919 = arith.constant 0 : i32
      %dma_wait3A_920 = tpu.memref_slice %arg15[%arg1, %dma_wait3A_918, %dma_wait3A_919] : memref<16x2048x16xf32, #tpu.memory_space<vmem_shared>> -> memref<1x2048x16xf32, #tpu.memory_space<vmem_shared>>
      %dma_wait3A_921 = tpu.memref_squeeze %dma_wait3A_920 : memref<1x2048x16xf32, #tpu.memory_space<vmem_shared>> -> memref<2048x16xf32, #tpu.memory_space<vmem_shared>>
      %dma_wait3A_922 = arith.constant 256 : i32
      %dma_wait3A_923 = arith.constant 0 : i32
      %dma_wait3A_924 = tpu.memref_slice %dma_wait3A_921[%dma_wait3A_922, %dma_wait3A_923] : memref<2048x16xf32, #tpu.memory_space<vmem_shared>> -> memref<256x16xf32, #tpu.memory_space<vmem_shared>>
      tpu.wait_dma2 semaphore(%run_scoped3A_896 : memref<!tpu.dma_semaphore, #tpu.memory_space<semaphore_mem>>) src(%arg9 : memref<256x16xf32, #tpu.memory_space<vmem>>) dst(%dma_wait3A_924 : memref<256x16xf32, #tpu.memory_space<vmem_shared>>)
      tpu.yield
    }) : () -> ()
    "tpu.region"() ({
      %run_scoped3A_896 = tpu.sem_alloc : memref<!tpu.dma_semaphore, #tpu.memory_space<semaphore_mem>>
      %dma_start3A_897 = arith.constant 0 : i32
      %dma_start3A_898 = arith.constant 0 : i32
      %dma_start3A_899 = tpu.memref_slice %arg15[%arg1, %dma_start3A_897, %dma_start3A_898] : memref<16x2048x16xf32, #tpu.memory_space<vmem_shared>> -> memref<1x2048x16xf32, #tpu.memory_space<vmem_shared>>
      %dma_start3A_900 = tpu.memref_squeeze %dma_start3A_899 : memref<1x2048x16xf32, #tpu.memory_space<vmem_shared>> -> memref<2048x16xf32, #tpu.memory_space<vmem_shared>>
      %dma_start3A_901 = arith.constant 512 : i32
      %dma_start3A_902 = arith.constant 0 : i32
      %dma_start3A_903 = tpu.memref_slice %dma_start3A_900[%dma_start3A_901, %dma_start3A_902] : memref<2048x16xf32, #tpu.memory_space<vmem_shared>> -> memref<256x16xf32, #tpu.memory_space<vmem_shared>>
      %dma_start3A_904 = arith.constant 0 : i32
      %dma_start3A_905 = arith.constant 0 : i32
      %dma_start3A_906 = tpu.memref_slice %arg15[%arg1, %dma_start3A_904, %dma_start3A_905] : memref<16x2048x16xf32, #tpu.memory_space<vmem_shared>> -> memref<1x2048x16xf32, #tpu.memory_space<vmem_shared>>
      %dma_start3A_907 = tpu.memref_squeeze %dma_start3A_906 : memref<1x2048x16xf32, #tpu.memory_space<vmem_shared>> -> memref<2048x16xf32, #tpu.memory_space<vmem_shared>>
      %dma_start3A_908 = arith.constant 512 : i32
      %dma_start3A_909 = arith.constant 0 : i32
      %dma_start3A_910 = tpu.memref_slice %dma_start3A_907[%dma_start3A_908, %dma_start3A_909] : memref<2048x16xf32, #tpu.memory_space<vmem_shared>> -> memref<256x16xf32, #tpu.memory_space<vmem_shared>>
      tpu.enqueue_dma source(%arg9 : memref<256x16xf32, #tpu.memory_space<vmem>>) target(%dma_start3A_910 : memref<256x16xf32, #tpu.memory_space<vmem_shared>>) target_semaphore(%run_scoped3A_896 : memref<!tpu.dma_semaphore, #tpu.memory_space<semaphore_mem>>)
      %dma_wait3A_911 = arith.constant 0 : i32
      %dma_wait3A_912 = arith.constant 0 : i32
      %dma_wait3A_913 = tpu.memref_slice %arg15[%arg1, %dma_wait3A_911, %dma_wait3A_912] : memref<16x2048x16xf32, #tpu.memory_space<vmem_shared>> -> memref<1x2048x16xf32, #tpu.memory_space<vmem_shared>>
      %dma_wait3A_914 = tpu.memref_squeeze %dma_wait3A_913 : memref<1x2048x16xf32, #tpu.memory_space<vmem_shared>> -> memref<2048x16xf32, #tpu.memory_space<vmem_shared>>
      %dma_wait3A_915 = arith.constant 512 : i32
      %dma_wait3A_916 = arith.constant 0 : i32
      %dma_wait3A_917 = tpu.memref_slice %dma_wait3A_914[%dma_wait3A_915, %dma_wait3A_916] : memref<2048x16xf32, #tpu.memory_space<vmem_shared>> -> memref<256x16xf32, #tpu.memory_space<vmem_shared>>
      %dma_wait3A_918 = arith.constant 0 : i32
      %dma_wait3A_919 = arith.constant 0 : i32
      %dma_wait3A_920 = tpu.memref_slice %arg15[%arg1, %dma_wait3A_918, %dma_wait3A_919] : memref<16x2048x16xf32, #tpu.memory_space<vmem_shared>> -> memref<1x2048x16xf32, #tpu.memory_space<vmem_shared>>
      %dma_wait3A_921 = tpu.memref_squeeze %dma_wait3A_920 : memref<1x2048x16xf32, #tpu.memory_space<vmem_shared>> -> memref<2048x16xf32, #tpu.memory_space<vmem_shared>>
      %dma_wait3A_922 = arith.constant 512 : i32
      %dma_wait3A_923 = arith.constant 0 : i32
      %dma_wait3A_924 = tpu.memref_slice %dma_wait3A_921[%dma_wait3A_922, %dma_wait3A_923] : memref<2048x16xf32, #tpu.memory_space<vmem_shared>> -> memref<256x16xf32, #tpu.memory_space<vmem_shared>>
      tpu.wait_dma2 semaphore(%run_scoped3A_896 : memref<!tpu.dma_semaphore, #tpu.memory_space<semaphore_mem>>) src(%arg9 : memref<256x16xf32, #tpu.memory_space<vmem>>) dst(%dma_wait3A_924 : memref<256x16xf32, #tpu.memory_space<vmem_shared>>)
      tpu.yield
    }) : () -> ()
    "tpu.region"() ({
      %run_scoped3A_896 = tpu.sem_alloc : memref<!tpu.dma_semaphore, #tpu.memory_space<semaphore_mem>>
      %dma_start3A_897 = arith.constant 0 : i32
      %dma_start3A_898 = arith.constant 0 : i32
      %dma_start3A_899 = tpu.memref_slice %arg15[%arg1, %dma_start3A_897, %dma_start3A_898] : memref<16x2048x16xf32, #tpu.memory_space<vmem_shared>> -> memref<1x2048x16xf32, #tpu.memory_space<vmem_shared>>
      %dma_start3A_900 = tpu.memref_squeeze %dma_start3A_899 : memref<1x2048x16xf32, #tpu.memory_space<vmem_shared>> -> memref<2048x16xf32, #tpu.memory_space<vmem_shared>>
      %dma_start3A_901 = arith.constant 768 : i32
      %dma_start3A_902 = arith.constant 0 : i32
      %dma_start3A_903 = tpu.memref_slice %dma_start3A_900[%dma_start3A_901, %dma_start3A_902] : memref<2048x16xf32, #tpu.memory_space<vmem_shared>> -> memref<256x16xf32, #tpu.memory_space<vmem_shared>>
      %dma_start3A_904 = arith.constant 0 : i32
      %dma_start3A_905 = arith.constant 0 : i32
      %dma_start3A_906 = tpu.memref_slice %arg15[%arg1, %dma_start3A_904, %dma_start3A_905] : memref<16x2048x16xf32, #tpu.memory_space<vmem_shared>> -> memref<1x2048x16xf32, #tpu.memory_space<vmem_shared>>
      %dma_start3A_907 = tpu.memref_squeeze %dma_start3A_906 : memref<1x2048x16xf32, #tpu.memory_space<vmem_shared>> -> memref<2048x16xf32, #tpu.memory_space<vmem_shared>>
      %dma_start3A_908 = arith.constant 768 : i32
      %dma_start3A_909 = arith.constant 0 : i32
      %dma_start3A_910 = tpu.memref_slice %dma_start3A_907[%dma_start3A_908, %dma_start3A_909] : memref<2048x16xf32, #tpu.memory_space<vmem_shared>> -> memref<256x16xf32, #tpu.memory_space<vmem_shared>>
      tpu.enqueue_dma source(%arg9 : memref<256x16xf32, #tpu.memory_space<vmem>>) target(%dma_start3A_910 : memref<256x16xf32, #tpu.memory_space<vmem_shared>>) target_semaphore(%run_scoped3A_896 : memref<!tpu.dma_semaphore, #tpu.memory_space<semaphore_mem>>)
      %dma_wait3A_911 = arith.constant 0 : i32
      %dma_wait3A_912 = arith.constant 0 : i32
      %dma_wait3A_913 = tpu.memref_slice %arg15[%arg1, %dma_wait3A_911, %dma_wait3A_912] : memref<16x2048x16xf32, #tpu.memory_space<vmem_shared>> -> memref<1x2048x16xf32, #tpu.memory_space<vmem_shared>>
      %dma_wait3A_914 = tpu.memref_squeeze %dma_wait3A_913 : memref<1x2048x16xf32, #tpu.memory_space<vmem_shared>> -> memref<2048x16xf32, #tpu.memory_space<vmem_shared>>
      %dma_wait3A_915 = arith.constant 768 : i32
      %dma_wait3A_916 = arith.constant 0 : i32
      %dma_wait3A_917 = tpu.memref_slice %dma_wait3A_914[%dma_wait3A_915, %dma_wait3A_916] : memref<2048x16xf32, #tpu.memory_space<vmem_shared>> -> memref<256x16xf32, #tpu.memory_space<vmem_shared>>
      %dma_wait3A_918 = arith.constant 0 : i32
      %dma_wait3A_919 = arith.constant 0 : i32
      %dma_wait3A_920 = tpu.memref_slice %arg15[%arg1, %dma_wait3A_918, %dma_wait3A_919] : memref<16x2048x16xf32, #tpu.memory_space<vmem_shared>> -> memref<1x2048x16xf32, #tpu.memory_space<vmem_shared>>
      %dma_wait3A_921 = tpu.memref_squeeze %dma_wait3A_920 : memref<1x2048x16xf32, #tpu.memory_space<vmem_shared>> -> memref<2048x16xf32, #tpu.memory_space<vmem_shared>>
      %dma_wait3A_922 = arith.constant 768 : i32
      %dma_wait3A_923 = arith.constant 0 : i32
      %dma_wait3A_924 = tpu.memref_slice %dma_wait3A_921[%dma_wait3A_922, %dma_wait3A_923] : memref<2048x16xf32, #tpu.memory_space<vmem_shared>> -> memref<256x16xf32, #tpu.memory_space<vmem_shared>>
      tpu.wait_dma2 semaphore(%run_scoped3A_896 : memref<!tpu.dma_semaphore, #tpu.memory_space<semaphore_mem>>) src(%arg9 : memref<256x16xf32, #tpu.memory_space<vmem>>) dst(%dma_wait3A_924 : memref<256x16xf32, #tpu.memory_space<vmem_shared>>)
      tpu.yield
    }) : () -> ()
    "tpu.region"() ({
      %run_scoped3A_896 = tpu.sem_alloc : memref<!tpu.dma_semaphore, #tpu.memory_space<semaphore_mem>>
      %dma_start3A_897 = arith.constant 0 : i32
      %dma_start3A_898 = arith.constant 0 : i32
      %dma_start3A_899 = tpu.memref_slice %arg15[%arg1, %dma_start3A_897, %dma_start3A_898] : memref<16x2048x16xf32, #tpu.memory_space<vmem_shared>> -> memref<1x2048x16xf32, #tpu.memory_space<vmem_shared>>
      %dma_start3A_900 = tpu.memref_squeeze %dma_start3A_899 : memref<1x2048x16xf32, #tpu.memory_space<vmem_shared>> -> memref<2048x16xf32, #tpu.memory_space<vmem_shared>>
      %dma_start3A_901 = arith.constant 1024 : i32
      %dma_start3A_902 = arith.constant 0 : i32
      %dma_start3A_903 = tpu.memref_slice %dma_start3A_900[%dma_start3A_901, %dma_start3A_902] : memref<2048x16xf32, #tpu.memory_space<vmem_shared>> -> memref<256x16xf32, #tpu.memory_space<vmem_shared>>
      %dma_start3A_904 = arith.constant 0 : i32
      %dma_start3A_905 = arith.constant 0 : i32
      %dma_start3A_906 = tpu.memref_slice %arg15[%arg1, %dma_start3A_904, %dma_start3A_905] : memref<16x2048x16xf32, #tpu.memory_space<vmem_shared>> -> memref<1x2048x16xf32, #tpu.memory_space<vmem_shared>>
      %dma_start3A_907 = tpu.memref_squeeze %dma_start3A_906 : memref<1x2048x16xf32, #tpu.memory_space<vmem_shared>> -> memref<2048x16xf32, #tpu.memory_space<vmem_shared>>
      %dma_start3A_908 = arith.constant 1024 : i32
      %dma_start3A_909 = arith.constant 0 : i32
      %dma_start3A_910 = tpu.memref_slice %dma_start3A_907[%dma_start3A_908, %dma_start3A_909] : memref<2048x16xf32, #tpu.memory_space<vmem_shared>> -> memref<256x16xf32, #tpu.memory_space<vmem_shared>>
      tpu.enqueue_dma source(%arg9 : memref<256x16xf32, #tpu.memory_space<vmem>>) target(%dma_start3A_910 : memref<256x16xf32, #tpu.memory_space<vmem_shared>>) target_semaphore(%run_scoped3A_896 : memref<!tpu.dma_semaphore, #tpu.memory_space<semaphore_mem>>)
      %dma_wait3A_911 = arith.constant 0 : i32
      %dma_wait3A_912 = arith.constant 0 : i32
      %dma_wait3A_913 = tpu.memref_slice %arg15[%arg1, %dma_wait3A_911, %dma_wait3A_912] : memref<16x2048x16xf32, #tpu.memory_space<vmem_shared>> -> memref<1x2048x16xf32, #tpu.memory_space<vmem_shared>>
      %dma_wait3A_914 = tpu.memref_squeeze %dma_wait3A_913 : memref<1x2048x16xf32, #tpu.memory_space<vmem_shared>> -> memref<2048x16xf32, #tpu.memory_space<vmem_shared>>
      %dma_wait3A_915 = arith.constant 1024 : i32
      %dma_wait3A_916 = arith.constant 0 : i32
      %dma_wait3A_917 = tpu.memref_slice %dma_wait3A_914[%dma_wait3A_915, %dma_wait3A_916] : memref<2048x16xf32, #tpu.memory_space<vmem_shared>> -> memref<256x16xf32, #tpu.memory_space<vmem_shared>>
      %dma_wait3A_918 = arith.constant 0 : i32
      %dma_wait3A_919 = arith.constant 0 : i32
      %dma_wait3A_920 = tpu.memref_slice %arg15[%arg1, %dma_wait3A_918, %dma_wait3A_919] : memref<16x2048x16xf32, #tpu.memory_space<vmem_shared>> -> memref<1x2048x16xf32, #tpu.memory_space<vmem_shared>>
      %dma_wait3A_921 = tpu.memref_squeeze %dma_wait3A_920 : memref<1x2048x16xf32, #tpu.memory_space<vmem_shared>> -> memref<2048x16xf32, #tpu.memory_space<vmem_shared>>
      %dma_wait3A_922 = arith.constant 1024 : i32
      %dma_wait3A_923 = arith.constant 0 : i32
      %dma_wait3A_924 = tpu.memref_slice %dma_wait3A_921[%dma_wait3A_922, %dma_wait3A_923] : memref<2048x16xf32, #tpu.memory_space<vmem_shared>> -> memref<256x16xf32, #tpu.memory_space<vmem_shared>>
      tpu.wait_dma2 semaphore(%run_scoped3A_896 : memref<!tpu.dma_semaphore, #tpu.memory_space<semaphore_mem>>) src(%arg9 : memref<256x16xf32, #tpu.memory_space<vmem>>) dst(%dma_wait3A_924 : memref<256x16xf32, #tpu.memory_space<vmem_shared>>)
      tpu.yield
    }) : () -> ()
    "tpu.region"() ({
      %run_scoped3A_896 = tpu.sem_alloc : memref<!tpu.dma_semaphore, #tpu.memory_space<semaphore_mem>>
      %dma_start3A_897 = arith.constant 0 : i32
      %dma_start3A_898 = arith.constant 0 : i32
      %dma_start3A_899 = tpu.memref_slice %arg15[%arg1, %dma_start3A_897, %dma_start3A_898] : memref<16x2048x16xf32, #tpu.memory_space<vmem_shared>> -> memref<1x2048x16xf32, #tpu.memory_space<vmem_shared>>
      %dma_start3A_900 = tpu.memref_squeeze %dma_start3A_899 : memref<1x2048x16xf32, #tpu.memory_space<vmem_shared>> -> memref<2048x16xf32, #tpu.memory_space<vmem_shared>>
      %dma_start3A_901 = arith.constant 1280 : i32
      %dma_start3A_902 = arith.constant 0 : i32
      %dma_start3A_903 = tpu.memref_slice %dma_start3A_900[%dma_start3A_901, %dma_start3A_902] : memref<2048x16xf32, #tpu.memory_space<vmem_shared>> -> memref<256x16xf32, #tpu.memory_space<vmem_shared>>
      %dma_start3A_904 = arith.constant 0 : i32
      %dma_start3A_905 = arith.constant 0 : i32
      %dma_start3A_906 = tpu.memref_slice %arg15[%arg1, %dma_start3A_904, %dma_start3A_905] : memref<16x2048x16xf32, #tpu.memory_space<vmem_shared>> -> memref<1x2048x16xf32, #tpu.memory_space<vmem_shared>>
      %dma_start3A_907 = tpu.memref_squeeze %dma_start3A_906 : memref<1x2048x16xf32, #tpu.memory_space<vmem_shared>> -> memref<2048x16xf32, #tpu.memory_space<vmem_shared>>
      %dma_start3A_908 = arith.constant 1280 : i32
      %dma_start3A_909 = arith.constant 0 : i32
      %dma_start3A_910 = tpu.memref_slice %dma_start3A_907[%dma_start3A_908, %dma_start3A_909] : memref<2048x16xf32, #tpu.memory_space<vmem_shared>> -> memref<256x16xf32, #tpu.memory_space<vmem_shared>>
      tpu.enqueue_dma source(%arg9 : memref<256x16xf32, #tpu.memory_space<vmem>>) target(%dma_start3A_910 : memref<256x16xf32, #tpu.memory_space<vmem_shared>>) target_semaphore(%run_scoped3A_896 : memref<!tpu.dma_semaphore, #tpu.memory_space<semaphore_mem>>)
      %dma_wait3A_911 = arith.constant 0 : i32
      %dma_wait3A_912 = arith.constant 0 : i32
      %dma_wait3A_913 = tpu.memref_slice %arg15[%arg1, %dma_wait3A_911, %dma_wait3A_912] : memref<16x2048x16xf32, #tpu.memory_space<vmem_shared>> -> memref<1x2048x16xf32, #tpu.memory_space<vmem_shared>>
      %dma_wait3A_914 = tpu.memref_squeeze %dma_wait3A_913 : memref<1x2048x16xf32, #tpu.memory_space<vmem_shared>> -> memref<2048x16xf32, #tpu.memory_space<vmem_shared>>
      %dma_wait3A_915 = arith.constant 1280 : i32
      %dma_wait3A_916 = arith.constant 0 : i32
      %dma_wait3A_917 = tpu.memref_slice %dma_wait3A_914[%dma_wait3A_915, %dma_wait3A_916] : memref<2048x16xf32, #tpu.memory_space<vmem_shared>> -> memref<256x16xf32, #tpu.memory_space<vmem_shared>>
      %dma_wait3A_918 = arith.constant 0 : i32
      %dma_wait3A_919 = arith.constant 0 : i32
      %dma_wait3A_920 = tpu.memref_slice %arg15[%arg1, %dma_wait3A_918, %dma_wait3A_919] : memref<16x2048x16xf32, #tpu.memory_space<vmem_shared>> -> memref<1x2048x16xf32, #tpu.memory_space<vmem_shared>>
      %dma_wait3A_921 = tpu.memref_squeeze %dma_wait3A_920 : memref<1x2048x16xf32, #tpu.memory_space<vmem_shared>> -> memref<2048x16xf32, #tpu.memory_space<vmem_shared>>
      %dma_wait3A_922 = arith.constant 1280 : i32
      %dma_wait3A_923 = arith.constant 0 : i32
      %dma_wait3A_924 = tpu.memref_slice %dma_wait3A_921[%dma_wait3A_922, %dma_wait3A_923] : memref<2048x16xf32, #tpu.memory_space<vmem_shared>> -> memref<256x16xf32, #tpu.memory_space<vmem_shared>>
      tpu.wait_dma2 semaphore(%run_scoped3A_896 : memref<!tpu.dma_semaphore, #tpu.memory_space<semaphore_mem>>) src(%arg9 : memref<256x16xf32, #tpu.memory_space<vmem>>) dst(%dma_wait3A_924 : memref<256x16xf32, #tpu.memory_space<vmem_shared>>)
      tpu.yield
    }) : () -> ()
    "tpu.region"() ({
      %run_scoped3A_896 = tpu.sem_alloc : memref<!tpu.dma_semaphore, #tpu.memory_space<semaphore_mem>>
      %dma_start3A_897 = arith.constant 0 : i32
      %dma_start3A_898 = arith.constant 0 : i32
      %dma_start3A_899 = tpu.memref_slice %arg15[%arg1, %dma_start3A_897, %dma_start3A_898] : memref<16x2048x16xf32, #tpu.memory_space<vmem_shared>> -> memref<1x2048x16xf32, #tpu.memory_space<vmem_shared>>
      %dma_start3A_900 = tpu.memref_squeeze %dma_start3A_899 : memref<1x2048x16xf32, #tpu.memory_space<vmem_shared>> -> memref<2048x16xf32, #tpu.memory_space<vmem_shared>>
      %dma_start3A_901 = arith.constant 1536 : i32
      %dma_start3A_902 = arith.constant 0 : i32
      %dma_start3A_903 = tpu.memref_slice %dma_start3A_900[%dma_start3A_901, %dma_start3A_902] : memref<2048x16xf32, #tpu.memory_space<vmem_shared>> -> memref<256x16xf32, #tpu.memory_space<vmem_shared>>
      %dma_start3A_904 = arith.constant 0 : i32
      %dma_start3A_905 = arith.constant 0 : i32
      %dma_start3A_906 = tpu.memref_slice %arg15[%arg1, %dma_start3A_904, %dma_start3A_905] : memref<16x2048x16xf32, #tpu.memory_space<vmem_shared>> -> memref<1x2048x16xf32, #tpu.memory_space<vmem_shared>>
      %dma_start3A_907 = tpu.memref_squeeze %dma_start3A_906 : memref<1x2048x16xf32, #tpu.memory_space<vmem_shared>> -> memref<2048x16xf32, #tpu.memory_space<vmem_shared>>
      %dma_start3A_908 = arith.constant 1536 : i32
      %dma_start3A_909 = arith.constant 0 : i32
      %dma_start3A_910 = tpu.memref_slice %dma_start3A_907[%dma_start3A_908, %dma_start3A_909] : memref<2048x16xf32, #tpu.memory_space<vmem_shared>> -> memref<256x16xf32, #tpu.memory_space<vmem_shared>>
      tpu.enqueue_dma source(%arg9 : memref<256x16xf32, #tpu.memory_space<vmem>>) target(%dma_start3A_910 : memref<256x16xf32, #tpu.memory_space<vmem_shared>>) target_semaphore(%run_scoped3A_896 : memref<!tpu.dma_semaphore, #tpu.memory_space<semaphore_mem>>)
      %dma_wait3A_911 = arith.constant 0 : i32
      %dma_wait3A_912 = arith.constant 0 : i32
      %dma_wait3A_913 = tpu.memref_slice %arg15[%arg1, %dma_wait3A_911, %dma_wait3A_912] : memref<16x2048x16xf32, #tpu.memory_space<vmem_shared>> -> memref<1x2048x16xf32, #tpu.memory_space<vmem_shared>>
      %dma_wait3A_914 = tpu.memref_squeeze %dma_wait3A_913 : memref<1x2048x16xf32, #tpu.memory_space<vmem_shared>> -> memref<2048x16xf32, #tpu.memory_space<vmem_shared>>
      %dma_wait3A_915 = arith.constant 1536 : i32
      %dma_wait3A_916 = arith.constant 0 : i32
      %dma_wait3A_917 = tpu.memref_slice %dma_wait3A_914[%dma_wait3A_915, %dma_wait3A_916] : memref<2048x16xf32, #tpu.memory_space<vmem_shared>> -> memref<256x16xf32, #tpu.memory_space<vmem_shared>>
      %dma_wait3A_918 = arith.constant 0 : i32
      %dma_wait3A_919 = arith.constant 0 : i32
      %dma_wait3A_920 = tpu.memref_slice %arg15[%arg1, %dma_wait3A_918, %dma_wait3A_919] : memref<16x2048x16xf32, #tpu.memory_space<vmem_shared>> -> memref<1x2048x16xf32, #tpu.memory_space<vmem_shared>>
      %dma_wait3A_921 = tpu.memref_squeeze %dma_wait3A_920 : memref<1x2048x16xf32, #tpu.memory_space<vmem_shared>> -> memref<2048x16xf32, #tpu.memory_space<vmem_shared>>
      %dma_wait3A_922 = arith.constant 1536 : i32
      %dma_wait3A_923 = arith.constant 0 : i32
      %dma_wait3A_924 = tpu.memref_slice %dma_wait3A_921[%dma_wait3A_922, %dma_wait3A_923] : memref<2048x16xf32, #tpu.memory_space<vmem_shared>> -> memref<256x16xf32, #tpu.memory_space<vmem_shared>>
      tpu.wait_dma2 semaphore(%run_scoped3A_896 : memref<!tpu.dma_semaphore, #tpu.memory_space<semaphore_mem>>) src(%arg9 : memref<256x16xf32, #tpu.memory_space<vmem>>) dst(%dma_wait3A_924 : memref<256x16xf32, #tpu.memory_space<vmem_shared>>)
      tpu.yield
    }) : () -> ()
    "tpu.region"() ({
      %run_scoped3A_896 = tpu.sem_alloc : memref<!tpu.dma_semaphore, #tpu.memory_space<semaphore_mem>>
      %dma_start3A_897 = arith.constant 0 : i32
      %dma_start3A_898 = arith.constant 0 : i32
      %dma_start3A_899 = tpu.memref_slice %arg15[%arg1, %dma_start3A_897, %dma_start3A_898] : memref<16x2048x16xf32, #tpu.memory_space<vmem_shared>> -> memref<1x2048x16xf32, #tpu.memory_space<vmem_shared>>
      %dma_start3A_900 = tpu.memref_squeeze %dma_start3A_899 : memref<1x2048x16xf32, #tpu.memory_space<vmem_shared>> -> memref<2048x16xf32, #tpu.memory_space<vmem_shared>>
      %dma_start3A_901 = arith.constant 1792 : i32
      %dma_start3A_902 = arith.constant 0 : i32
      %dma_start3A_903 = tpu.memref_slice %dma_start3A_900[%dma_start3A_901, %dma_start3A_902] : memref<2048x16xf32, #tpu.memory_space<vmem_shared>> -> memref<256x16xf32, #tpu.memory_space<vmem_shared>>
      %dma_start3A_904 = arith.constant 0 : i32
      %dma_start3A_905 = arith.constant 0 : i32
      %dma_start3A_906 = tpu.memref_slice %arg15[%arg1, %dma_start3A_904, %dma_start3A_905] : memref<16x2048x16xf32, #tpu.memory_space<vmem_shared>> -> memref<1x2048x16xf32, #tpu.memory_space<vmem_shared>>
      %dma_start3A_907 = tpu.memref_squeeze %dma_start3A_906 : memref<1x2048x16xf32, #tpu.memory_space<vmem_shared>> -> memref<2048x16xf32, #tpu.memory_space<vmem_shared>>
      %dma_start3A_908 = arith.constant 1792 : i32
      %dma_start3A_909 = arith.constant 0 : i32
      %dma_start3A_910 = tpu.memref_slice %dma_start3A_907[%dma_start3A_908, %dma_start3A_909] : memref<2048x16xf32, #tpu.memory_space<vmem_shared>> -> memref<256x16xf32, #tpu.memory_space<vmem_shared>>
      tpu.enqueue_dma source(%arg9 : memref<256x16xf32, #tpu.memory_space<vmem>>) target(%dma_start3A_910 : memref<256x16xf32, #tpu.memory_space<vmem_shared>>) target_semaphore(%run_scoped3A_896 : memref<!tpu.dma_semaphore, #tpu.memory_space<semaphore_mem>>)
      %dma_wait3A_911 = arith.constant 0 : i32
      %dma_wait3A_912 = arith.constant 0 : i32
      %dma_wait3A_913 = tpu.memref_slice %arg15[%arg1, %dma_wait3A_911, %dma_wait3A_912] : memref<16x2048x16xf32, #tpu.memory_space<vmem_shared>> -> memref<1x2048x16xf32, #tpu.memory_space<vmem_shared>>
      %dma_wait3A_914 = tpu.memref_squeeze %dma_wait3A_913 : memref<1x2048x16xf32, #tpu.memory_space<vmem_shared>> -> memref<2048x16xf32, #tpu.memory_space<vmem_shared>>
      %dma_wait3A_915 = arith.constant 1792 : i32
      %dma_wait3A_916 = arith.constant 0 : i32
      %dma_wait3A_917 = tpu.memref_slice %dma_wait3A_914[%dma_wait3A_915, %dma_wait3A_916] : memref<2048x16xf32, #tpu.memory_space<vmem_shared>> -> memref<256x16xf32, #tpu.memory_space<vmem_shared>>
      %dma_wait3A_918 = arith.constant 0 : i32
      %dma_wait3A_919 = arith.constant 0 : i32
      %dma_wait3A_920 = tpu.memref_slice %arg15[%arg1, %dma_wait3A_918, %dma_wait3A_919] : memref<16x2048x16xf32, #tpu.memory_space<vmem_shared>> -> memref<1x2048x16xf32, #tpu.memory_space<vmem_shared>>
      %dma_wait3A_921 = tpu.memref_squeeze %dma_wait3A_920 : memref<1x2048x16xf32, #tpu.memory_space<vmem_shared>> -> memref<2048x16xf32, #tpu.memory_space<vmem_shared>>
      %dma_wait3A_922 = arith.constant 1792 : i32
      %dma_wait3A_923 = arith.constant 0 : i32
      %dma_wait3A_924 = tpu.memref_slice %dma_wait3A_921[%dma_wait3A_922, %dma_wait3A_923] : memref<2048x16xf32, #tpu.memory_space<vmem_shared>> -> memref<256x16xf32, #tpu.memory_space<vmem_shared>>
      tpu.wait_dma2 semaphore(%run_scoped3A_896 : memref<!tpu.dma_semaphore, #tpu.memory_space<semaphore_mem>>) src(%arg9 : memref<256x16xf32, #tpu.memory_space<vmem>>) dst(%dma_wait3A_924 : memref<256x16xf32, #tpu.memory_space<vmem_shared>>)
      tpu.yield
    }) : () -> ()
    %scan3A_45 = arith.constant 0 : i32
    %scan3A_46 = arith.constant 128 : i32
    %scan3A_47 = arith.addi %scan3A_45, %scan3A_46 : i32
    %scan3A_48 = arith.constant 1 : i32
    scf.for %scan3A_896 = %scan3A_45 to %scan3A_47 step %scan3A_48  : i32 {
      %mul3A_897 = arith.constant 16 : i32
      %mul3A_898 = arith.muli %scan3A_896, %mul3A_897 : i32
      %swap3A = arith.index_cast %mul3A_898 : i32 to index
      %swap3A_899 = tpu.vector_load %arg10[%swap3A] {strides = array<i32>} : memref<2048xf32, #tpu.memory_space<vmem>>, vector<16xf32>,
      tpu.vector_store %arg10[%swap3A], %broadcast_in_dim3A_40 {strides = array<i32>} : memref<2048xf32, #tpu.memory_space<vmem>>, vector<16xf32>,
    }
    %scan3A_49 = arith.constant 128 : i32
    %iota3A = tpu.iota {dimensions = array<i32: 0>} : vector<16xi32>
    %broadcast_in_dim3A_50 = arith.constant 1.000000e+00 : f32
    %broadcast_in_dim3A_51 = vector.broadcast %broadcast_in_dim3A_50 : f32 to vector<16xf32>
    %add3A_52 = arith.constant 1000 : i32
    %add3A_53 = arith.addi %mul3A_34, %add3A_52 : i32
    %dma_start3A_54 = tpu.memref_slice %arg2[%add3A_53, %mul3A_32] : memref<100000x128xf32, #tpu.memory_space<hbm>> -> memref<1000x16xf32, #tpu.memory_space<hbm>>
    %dma_start3A_55 = tpu.memref_slice %arg2[%add3A_53, %mul3A_32] : memref<100000x128xf32, #tpu.memory_space<hbm>> -> memref<1000x16xf32, #tpu.memory_space<hbm>>
    tpu.enqueue_dma source(%dma_start3A_55 : memref<1000x16xf32, #tpu.memory_space<hbm>>) target(%arg6 : memref<1000x16xf32, #tpu.memory_space<vmem>>) target_semaphore(%arg18 : memref<!tpu.dma_semaphore, #tpu.memory_space<semaphore_mem>>)
    %dma_start3A_56 = tpu.memref_slice %arg3[%add3A_53] : memref<100000xi32, #tpu.memory_space<hbm>> -> memref<1000xi32, #tpu.memory_space<hbm>>
    %dma_start3A_57 = tpu.memref_slice %arg3[%add3A_53] : memref<100000xi32, #tpu.memory_space<hbm>> -> memref<1000xi32, #tpu.memory_space<hbm>>
    tpu.enqueue_dma source(%dma_start3A_57 : memref<1000xi32, #tpu.memory_space<hbm>>) target(%arg8 : memref<1000xi32, #tpu.memory_space<vmem>>) target_semaphore(%arg20 : memref<!tpu.dma_semaphore, #tpu.memory_space<semaphore_mem>>)
    %dma_wait3A = tpu.memref_slice %arg2[%add3A_36, %mul3A_32] : memref<100000x128xf32, #tpu.memory_space<hbm>> -> memref<1000x16xf32, #tpu.memory_space<hbm>>
    %dma_wait3A_58 = tpu.memref_slice %arg2[%add3A_36, %mul3A_32] : memref<100000x128xf32, #tpu.memory_space<hbm>> -> memref<1000x16xf32, #tpu.memory_space<hbm>>
    tpu.wait_dma2 semaphore(%arg17 : memref<!tpu.dma_semaphore, #tpu.memory_space<semaphore_mem>>) src(%dma_wait3A_58 : memref<1000x16xf32, #tpu.memory_space<hbm>>) dst(%arg5 : memref<1000x16xf32, #tpu.memory_space<vmem>>)
    %dma_wait3A_59 = tpu.memref_slice %arg3[%add3A_36] : memref<100000xi32, #tpu.memory_space<hbm>> -> memref<1000xi32, #tpu.memory_space<hbm>>
    %dma_wait3A_60 = tpu.memref_slice %arg3[%add3A_36] : memref<100000xi32, #tpu.memory_space<hbm>> -> memref<1000xi32, #tpu.memory_space<hbm>>
    tpu.wait_dma2 semaphore(%arg19 : memref<!tpu.dma_semaphore, #tpu.memory_space<semaphore_mem>>) src(%dma_wait3A_60 : memref<1000xi32, #tpu.memory_space<hbm>>) dst(%arg7 : memref<1000xi32, #tpu.memory_space<vmem>>)
    %dma_start3A_61 = arith.constant 0 : i32
    %dma_start3A_62 = arith.constant 0 : i32
    %dma_start3A_63 = tpu.memref_slice %arg15[%arg1, %dma_start3A_61, %dma_start3A_62] : memref<16x2048x16xf32, #tpu.memory_space<vmem_shared>> -> memref<1x2048x16xf32, #tpu.memory_space<vmem_shared>>
    %dma_start3A_64 = tpu.memref_squeeze %dma_start3A_63 : memref<1x2048x16xf32, #tpu.memory_space<vmem_shared>> -> memref<2048x16xf32, #tpu.memory_space<vmem_shared>>
    %dma_start3A_65 = arith.constant 0 : i32
    %dma_start3A_66 = arith.constant 0 : i32
    %dma_start3A_67 = tpu.memref_slice %dma_start3A_64[%dma_start3A_65, %dma_start3A_66] : memref<2048x16xf32, #tpu.memory_space<vmem_shared>> -> memref<2048x16xf32, #tpu.memory_space<vmem_shared>>
    tpu.enqueue_indirect_dma source(%arg5 : memref<1000x16xf32, #tpu.memory_space<vmem>>) target(%dma_start3A_67 : memref<2048x16xf32, #tpu.memory_space<vmem_shared>>) offsets(%arg7 : memref<1000xi32, #tpu.memory_space<vmem>>) semaphore(%arg21 : memref<!tpu.dma_semaphore, #tpu.memory_space<semaphore_mem>>) {add = true}
    %scan3A_68 = arith.constant 0 : i32
    %scan3A_69 = arith.constant 63 : i32
    %scan3A_70 = arith.addi %scan3A_68, %scan3A_69 : i32
    %scan3A_71 = arith.constant 1 : i32
    scf.for %scan3A_896 = %scan3A_68 to %scan3A_70 step %scan3A_71  : i32 {
      %eq3A_897 = arith.constant 62 : i32
      %eq3A_898 = arith.cmpi eq, %scan3A_896, %eq3A_897 : i32
      %mul3A_899 = arith.constant 16 : i32
      %mul3A_900 = arith.muli %scan3A_896, %mul3A_899 : i32
      %jit3A_901 = arith.constant 984 : i32
      %select_n3A_902 = arith.select %eq3A_898, %jit3A_901, %mul3A_900 : i32
      %jit3A_903 = arith.constant 8 : i32
      %jit3A_904 = arith.constant 0 : i32
      %select_n3A_905 = arith.select %eq3A_898, %jit3A_903, %jit3A_904 : i32
      %get3A = arith.index_cast %select_n3A_902 : i32 to index
      %get3A_906 = tpu.vector_load %arg7[%get3A] {strides = array<i32>} : memref<1000xi32, #tpu.memory_space<vmem>>, vector<16xi32>,
      %ge3A = vector.broadcast %select_n3A_905 : i32 to vector<16xi32>
      %ge3A_907 = arith.cmpi sge, %iota3A, %ge3A : vector<16xi32>
      %jit3A_908 = arith.constant 0 : i32
      %broadcast_in_dim3A_909 = vector.broadcast %jit3A_908 : i32 to vector<16xi32>
      %select_n3A_910 = arith.select %ge3A_907, %get3A_906, %broadcast_in_dim3A_909 : vector<16xi1>, vector<16xi32>
      tpu.vector_store_idx %arg10[%select_n3A_910], %broadcast_in_dim3A_51 masked %ge3A_907 {add = true} : memref<2048xf32, #tpu.memory_space<vmem>>[vector<16xi32>], vector<16xf32>, vector<16xi1>
    }
    %scan3A_72 = arith.constant 63 : i32
    %dma_wait3A_73 = arith.constant 0 : i32
    %dma_wait3A_74 = arith.constant 0 : i32
    %dma_wait3A_75 = tpu.memref_slice %arg15[%arg1, %dma_wait3A_73, %dma_wait3A_74] : memref<16x2048x16xf32, #tpu.memory_space<vmem_shared>> -> memref<1x2048x16xf32, #tpu.memory_space<vmem_shared>>
    %dma_wait3A_76 = tpu.memref_squeeze %dma_wait3A_75 : memref<1x2048x16xf32, #tpu.memory_space<vmem_shared>> -> memref<2048x16xf32, #tpu.memory_space<vmem_shared>>
    %dma_wait3A_77 = arith.constant 0 : i32
    %dma_wait3A_78 = arith.constant 0 : i32
    %dma_wait3A_79 = tpu.memref_slice %dma_wait3A_76[%dma_wait3A_77, %dma_wait3A_78] : memref<2048x16xf32, #tpu.memory_space<vmem_shared>> -> memref<2048x16xf32, #tpu.memory_space<vmem_shared>>
    tpu.wait_indirect_dma semaphore(%arg21 : memref<!tpu.dma_semaphore, #tpu.memory_space<semaphore_mem>>) src(%arg5 : memref<1000x16xf32, #tpu.memory_space<vmem>>) dst(%dma_wait3A_79 : memref<2048x16xf32, #tpu.memory_space<vmem_shared>>)
    %add3A_80 = arith.constant 2000 : i32
    %add3A_81 = arith.addi %mul3A_34, %add3A_80 : i32
    %dma_start3A_82 = tpu.memref_slice %arg2[%add3A_81, %mul3A_32] : memref<100000x128xf32, #tpu.memory_space<hbm>> -> memref<1000x16xf32, #tpu.memory_space<hbm>>
    %dma_start3A_83 = tpu.memref_slice %arg2[%add3A_81, %mul3A_32] : memref<100000x128xf32, #tpu.memory_space<hbm>> -> memref<1000x16xf32, #tpu.memory_space<hbm>>
    tpu.enqueue_dma source(%dma_start3A_83 : memref<1000x16xf32, #tpu.memory_space<hbm>>) target(%arg5 : memref<1000x16xf32, #tpu.memory_space<vmem>>) target_semaphore(%arg17 : memref<!tpu.dma_semaphore, #tpu.memory_space<semaphore_mem>>)
    %dma_start3A_84 = tpu.memref_slice %arg3[%add3A_81] : memref<100000xi32, #tpu.memory_space<hbm>> -> memref<1000xi32, #tpu.memory_space<hbm>>
    %dma_start3A_85 = tpu.memref_slice %arg3[%add3A_81] : memref<100000xi32, #tpu.memory_space<hbm>> -> memref<1000xi32, #tpu.memory_space<hbm>>
    tpu.enqueue_dma source(%dma_start3A_85 : memref<1000xi32, #tpu.memory_space<hbm>>) target(%arg7 : memref<1000xi32, #tpu.memory_space<vmem>>) target_semaphore(%arg19 : memref<!tpu.dma_semaphore, #tpu.memory_space<semaphore_mem>>)
    %dma_wait3A_86 = tpu.memref_slice %arg2[%add3A_53, %mul3A_32] : memref<100000x128xf32, #tpu.memory_space<hbm>> -> memref<1000x16xf32, #tpu.memory_space<hbm>>
    %dma_wait3A_87 = tpu.memref_slice %arg2[%add3A_53, %mul3A_32] : memref<100000x128xf32, #tpu.memory_space<hbm>> -> memref<1000x16xf32, #tpu.memory_space<hbm>>
    tpu.wait_dma2 semaphore(%arg18 : memref<!tpu.dma_semaphore, #tpu.memory_space<semaphore_mem>>) src(%dma_wait3A_87 : memref<1000x16xf32, #tpu.memory_space<hbm>>) dst(%arg6 : memref<1000x16xf32, #tpu.memory_space<vmem>>)
    %dma_wait3A_88 = tpu.memref_slice %arg3[%add3A_53] : memref<100000xi32, #tpu.memory_space<hbm>> -> memref<1000xi32, #tpu.memory_space<hbm>>
    %dma_wait3A_89 = tpu.memref_slice %arg3[%add3A_53] : memref<100000xi32, #tpu.memory_space<hbm>> -> memref<1000xi32, #tpu.memory_space<hbm>>
    tpu.wait_dma2 semaphore(%arg20 : memref<!tpu.dma_semaphore, #tpu.memory_space<semaphore_mem>>) src(%dma_wait3A_89 : memref<1000xi32, #tpu.memory_space<hbm>>) dst(%arg8 : memref<1000xi32, #tpu.memory_space<vmem>>)
    %dma_start3A_90 = arith.constant 0 : i32
    %dma_start3A_91 = arith.constant 0 : i32
    %dma_start3A_92 = tpu.memref_slice %arg15[%arg1, %dma_start3A_90, %dma_start3A_91] : memref<16x2048x16xf32, #tpu.memory_space<vmem_shared>> -> memref<1x2048x16xf32, #tpu.memory_space<vmem_shared>>
    %dma_start3A_93 = tpu.memref_squeeze %dma_start3A_92 : memref<1x2048x16xf32, #tpu.memory_space<vmem_shared>> -> memref<2048x16xf32, #tpu.memory_space<vmem_shared>>
    %dma_start3A_94 = arith.constant 0 : i32
    %dma_start3A_95 = arith.constant 0 : i32
    %dma_start3A_96 = tpu.memref_slice %dma_start3A_93[%dma_start3A_94, %dma_start3A_95] : memref<2048x16xf32, #tpu.memory_space<vmem_shared>> -> memref<2048x16xf32, #tpu.memory_space<vmem_shared>>
    tpu.enqueue_indirect_dma source(%arg6 : memref<1000x16xf32, #tpu.memory_space<vmem>>) target(%dma_start3A_96 : memref<2048x16xf32, #tpu.memory_space<vmem_shared>>) offsets(%arg8 : memref<1000xi32, #tpu.memory_space<vmem>>) semaphore(%arg22 : memref<!tpu.dma_semaphore, #tpu.memory_space<semaphore_mem>>) {add = true}
    %scan3A_97 = arith.constant 0 : i32
    %scan3A_98 = arith.constant 63 : i32
    %scan3A_99 = arith.addi %scan3A_97, %scan3A_98 : i32
    %scan3A_100 = arith.constant 1 : i32
    scf.for %scan3A_896 = %scan3A_97 to %scan3A_99 step %scan3A_100  : i32 {
      %eq3A_897 = arith.constant 62 : i32
      %eq3A_898 = arith.cmpi eq, %scan3A_896, %eq3A_897 : i32
      %mul3A_899 = arith.constant 16 : i32
      %mul3A_900 = arith.muli %scan3A_896, %mul3A_899 : i32
      %jit3A_901 = arith.constant 984 : i32
      %select_n3A_902 = arith.select %eq3A_898, %jit3A_901, %mul3A_900 : i32
      %jit3A_903 = arith.constant 8 : i32
      %jit3A_904 = arith.constant 0 : i32
      %select_n3A_905 = arith.select %eq3A_898, %jit3A_903, %jit3A_904 : i32
      %get3A = arith.index_cast %select_n3A_902 : i32 to index
      %get3A_906 = tpu.vector_load %arg8[%get3A] {strides = array<i32>} : memref<1000xi32, #tpu.memory_space<vmem>>, vector<16xi32>,
      %ge3A = vector.broadcast %select_n3A_905 : i32 to vector<16xi32>
      %ge3A_907 = arith.cmpi sge, %iota3A, %ge3A : vector<16xi32>
      %jit3A_908 = arith.constant 0 : i32
      %broadcast_in_dim3A_909 = vector.broadcast %jit3A_908 : i32 to vector<16xi32>
      %select_n3A_910 = arith.select %ge3A_907, %get3A_906, %broadcast_in_dim3A_909 : vector<16xi1>, vector<16xi32>
      tpu.vector_store_idx %arg10[%select_n3A_910], %broadcast_in_dim3A_51 masked %ge3A_907 {add = true} : memref<2048xf32, #tpu.memory_space<vmem>>[vector<16xi32>], vector<16xf32>, vector<16xi1>
    }
    %scan3A_101 = arith.constant 63 : i32
    %dma_wait3A_102 = arith.constant 0 : i32
    %dma_wait3A_103 = arith.constant 0 : i32
    %dma_wait3A_104 = tpu.memref_slice %arg15[%arg1, %dma_wait3A_102, %dma_wait3A_103] : memref<16x2048x16xf32, #tpu.memory_space<vmem_shared>> -> memref<1x2048x16xf32, #tpu.memory_space<vmem_shared>>
    %dma_wait3A_105 = tpu.memref_squeeze %dma_wait3A_104 : memref<1x2048x16xf32, #tpu.memory_space<vmem_shared>> -> memref<2048x16xf32, #tpu.memory_space<vmem_shared>>
    %dma_wait3A_106 = arith.constant 0 : i32
    %dma_wait3A_107 = arith.constant 0 : i32
    %dma_wait3A_108 = tpu.memref_slice %dma_wait3A_105[%dma_wait3A_106, %dma_wait3A_107] : memref<2048x16xf32, #tpu.memory_space<vmem_shared>> -> memref<2048x16xf32, #tpu.memory_space<vmem_shared>>
    tpu.wait_indirect_dma semaphore(%arg22 : memref<!tpu.dma_semaphore, #tpu.memory_space<semaphore_mem>>) src(%arg6 : memref<1000x16xf32, #tpu.memory_space<vmem>>) dst(%dma_wait3A_108 : memref<2048x16xf32, #tpu.memory_space<vmem_shared>>)
    %add3A_109 = arith.constant 3000 : i32
    %add3A_110 = arith.addi %mul3A_34, %add3A_109 : i32
    %dma_start3A_111 = tpu.memref_slice %arg2[%add3A_110, %mul3A_32] : memref<100000x128xf32, #tpu.memory_space<hbm>> -> memref<1000x16xf32, #tpu.memory_space<hbm>>
    %dma_start3A_112 = tpu.memref_slice %arg2[%add3A_110, %mul3A_32] : memref<100000x128xf32, #tpu.memory_space<hbm>> -> memref<1000x16xf32, #tpu.memory_space<hbm>>
    tpu.enqueue_dma source(%dma_start3A_112 : memref<1000x16xf32, #tpu.memory_space<hbm>>) target(%arg6 : memref<1000x16xf32, #tpu.memory_space<vmem>>) target_semaphore(%arg18 : memref<!tpu.dma_semaphore, #tpu.memory_space<semaphore_mem>>)
    %dma_start3A_113 = tpu.memref_slice %arg3[%add3A_110] : memref<100000xi32, #tpu.memory_space<hbm>> -> memref<1000xi32, #tpu.memory_space<hbm>>
    %dma_start3A_114 = tpu.memref_slice %arg3[%add3A_110] : memref<100000xi32, #tpu.memory_space<hbm>> -> memref<1000xi32, #tpu.memory_space<hbm>>
    tpu.enqueue_dma source(%dma_start3A_114 : memref<1000xi32, #tpu.memory_space<hbm>>) target(%arg8 : memref<1000xi32, #tpu.memory_space<vmem>>) target_semaphore(%arg20 : memref<!tpu.dma_semaphore, #tpu.memory_space<semaphore_mem>>)
    %dma_wait3A_115 = tpu.memref_slice %arg2[%add3A_81, %mul3A_32] : memref<100000x128xf32, #tpu.memory_space<hbm>> -> memref<1000x16xf32, #tpu.memory_space<hbm>>
    %dma_wait3A_116 = tpu.memref_slice %arg2[%add3A_81, %mul3A_32] : memref<100000x128xf32, #tpu.memory_space<hbm>> -> memref<1000x16xf32, #tpu.memory_space<hbm>>
    tpu.wait_dma2 semaphore(%arg17 : memref<!tpu.dma_semaphore, #tpu.memory_space<semaphore_mem>>) src(%dma_wait3A_116 : memref<1000x16xf32, #tpu.memory_space<hbm>>) dst(%arg5 : memref<1000x16xf32, #tpu.memory_space<vmem>>)
    %dma_wait3A_117 = tpu.memref_slice %arg3[%add3A_81] : memref<100000xi32, #tpu.memory_space<hbm>> -> memref<1000xi32, #tpu.memory_space<hbm>>
    %dma_wait3A_118 = tpu.memref_slice %arg3[%add3A_81] : memref<100000xi32, #tpu.memory_space<hbm>> -> memref<1000xi32, #tpu.memory_space<hbm>>
    tpu.wait_dma2 semaphore(%arg19 : memref<!tpu.dma_semaphore, #tpu.memory_space<semaphore_mem>>) src(%dma_wait3A_118 : memref<1000xi32, #tpu.memory_space<hbm>>) dst(%arg7 : memref<1000xi32, #tpu.memory_space<vmem>>)
    %dma_start3A_119 = arith.constant 0 : i32
    %dma_start3A_120 = arith.constant 0 : i32
    %dma_start3A_121 = tpu.memref_slice %arg15[%arg1, %dma_start3A_119, %dma_start3A_120] : memref<16x2048x16xf32, #tpu.memory_space<vmem_shared>> -> memref<1x2048x16xf32, #tpu.memory_space<vmem_shared>>
    %dma_start3A_122 = tpu.memref_squeeze %dma_start3A_121 : memref<1x2048x16xf32, #tpu.memory_space<vmem_shared>> -> memref<2048x16xf32, #tpu.memory_space<vmem_shared>>
    %dma_start3A_123 = arith.constant 0 : i32
    %dma_start3A_124 = arith.constant 0 : i32
    %dma_start3A_125 = tpu.memref_slice %dma_start3A_122[%dma_start3A_123, %dma_start3A_124] : memref<2048x16xf32, #tpu.memory_space<vmem_shared>> -> memref<2048x16xf32, #tpu.memory_space<vmem_shared>>
    tpu.enqueue_indirect_dma source(%arg5 : memref<1000x16xf32, #tpu.memory_space<vmem>>) target(%dma_start3A_125 : memref<2048x16xf32, #tpu.memory_space<vmem_shared>>) offsets(%arg7 : memref<1000xi32, #tpu.memory_space<vmem>>) semaphore(%arg21 : memref<!tpu.dma_semaphore, #tpu.memory_space<semaphore_mem>>) {add = true}
    %scan3A_126 = arith.constant 0 : i32
    %scan3A_127 = arith.constant 63 : i32
    %scan3A_128 = arith.addi %scan3A_126, %scan3A_127 : i32
    %scan3A_129 = arith.constant 1 : i32
    scf.for %scan3A_896 = %scan3A_126 to %scan3A_128 step %scan3A_129  : i32 {
      %eq3A_897 = arith.constant 62 : i32
      %eq3A_898 = arith.cmpi eq, %scan3A_896, %eq3A_897 : i32
      %mul3A_899 = arith.constant 16 : i32
      %mul3A_900 = arith.muli %scan3A_896, %mul3A_899 : i32
      %jit3A_901 = arith.constant 984 : i32
      %select_n3A_902 = arith.select %eq3A_898, %jit3A_901, %mul3A_900 : i32
      %jit3A_903 = arith.constant 8 : i32
      %jit3A_904 = arith.constant 0 : i32
      %select_n3A_905 = arith.select %eq3A_898, %jit3A_903, %jit3A_904 : i32
      %get3A = arith.index_cast %select_n3A_902 : i32 to index
      %get3A_906 = tpu.vector_load %arg7[%get3A] {strides = array<i32>} : memref<1000xi32, #tpu.memory_space<vmem>>, vector<16xi32>,
      %ge3A = vector.broadcast %select_n3A_905 : i32 to vector<16xi32>
      %ge3A_907 = arith.cmpi sge, %iota3A, %ge3A : vector<16xi32>
      %jit3A_908 = arith.constant 0 : i32
      %broadcast_in_dim3A_909 = vector.broadcast %jit3A_908 : i32 to vector<16xi32>
      %select_n3A_910 = arith.select %ge3A_907, %get3A_906, %broadcast_in_dim3A_909 : vector<16xi1>, vector<16xi32>
      tpu.vector_store_idx %arg10[%select_n3A_910], %broadcast_in_dim3A_51 masked %ge3A_907 {add = true} : memref<2048xf32, #tpu.memory_space<vmem>>[vector<16xi32>], vector<16xf32>, vector<16xi1>
    }
    %scan3A_130 = arith.constant 63 : i32
    %dma_wait3A_131 = arith.constant 0 : i32
    %dma_wait3A_132 = arith.constant 0 : i32
    %dma_wait3A_133 = tpu.memref_slice %arg15[%arg1, %dma_wait3A_131, %dma_wait3A_132] : memref<16x2048x16xf32, #tpu.memory_space<vmem_shared>> -> memref<1x2048x16xf32, #tpu.memory_space<vmem_shared>>
    %dma_wait3A_134 = tpu.memref_squeeze %dma_wait3A_133 : memref<1x2048x16xf32, #tpu.memory_space<vmem_shared>> -> memref<2048x16xf32, #tpu.memory_space<vmem_shared>>
    %dma_wait3A_135 = arith.constant 0 : i32
    %dma_wait3A_136 = arith.constant 0 : i32
    %dma_wait3A_137 = tpu.memref_slice %dma_wait3A_134[%dma_wait3A_135, %dma_wait3A_136] : memref<2048x16xf32, #tpu.memory_space<vmem_shared>> -> memref<2048x16xf32, #tpu.memory_space<vmem_shared>>
    tpu.wait_indirect_dma semaphore(%arg21 : memref<!tpu.dma_semaphore, #tpu.memory_space<semaphore_mem>>) src(%arg5 : memref<1000x16xf32, #tpu.memory_space<vmem>>) dst(%dma_wait3A_137 : memref<2048x16xf32, #tpu.memory_space<vmem_shared>>)
    %add3A_138 = arith.constant 4000 : i32
    %add3A_139 = arith.addi %mul3A_34, %add3A_138 : i32
    %dma_start3A_140 = tpu.memref_slice %arg2[%add3A_139, %mul3A_32] : memref<100000x128xf32, #tpu.memory_space<hbm>> -> memref<1000x16xf32, #tpu.memory_space<hbm>>
    %dma_start3A_141 = tpu.memref_slice %arg2[%add3A_139, %mul3A_32] : memref<100000x128xf32, #tpu.memory_space<hbm>> -> memref<1000x16xf32, #tpu.memory_space<hbm>>
    tpu.enqueue_dma source(%dma_start3A_141 : memref<1000x16xf32, #tpu.memory_space<hbm>>) target(%arg5 : memref<1000x16xf32, #tpu.memory_space<vmem>>) target_semaphore(%arg17 : memref<!tpu.dma_semaphore, #tpu.memory_space<semaphore_mem>>)
    %dma_start3A_142 = tpu.memref_slice %arg3[%add3A_139] : memref<100000xi32, #tpu.memory_space<hbm>> -> memref<1000xi32, #tpu.memory_space<hbm>>
    %dma_start3A_143 = tpu.memref_slice %arg3[%add3A_139] : memref<100000xi32, #tpu.memory_space<hbm>> -> memref<1000xi32, #tpu.memory_space<hbm>>
    tpu.enqueue_dma source(%dma_start3A_143 : memref<1000xi32, #tpu.memory_space<hbm>>) target(%arg7 : memref<1000xi32, #tpu.memory_space<vmem>>) target_semaphore(%arg19 : memref<!tpu.dma_semaphore, #tpu.memory_space<semaphore_mem>>)
    %dma_wait3A_144 = tpu.memref_slice %arg2[%add3A_110, %mul3A_32] : memref<100000x128xf32, #tpu.memory_space<hbm>> -> memref<1000x16xf32, #tpu.memory_space<hbm>>
    %dma_wait3A_145 = tpu.memref_slice %arg2[%add3A_110, %mul3A_32] : memref<100000x128xf32, #tpu.memory_space<hbm>> -> memref<1000x16xf32, #tpu.memory_space<hbm>>
    tpu.wait_dma2 semaphore(%arg18 : memref<!tpu.dma_semaphore, #tpu.memory_space<semaphore_mem>>) src(%dma_wait3A_145 : memref<1000x16xf32, #tpu.memory_space<hbm>>) dst(%arg6 : memref<1000x16xf32, #tpu.memory_space<vmem>>)
    %dma_wait3A_146 = tpu.memref_slice %arg3[%add3A_110] : memref<100000xi32, #tpu.memory_space<hbm>> -> memref<1000xi32, #tpu.memory_space<hbm>>
    %dma_wait3A_147 = tpu.memref_slice %arg3[%add3A_110] : memref<100000xi32, #tpu.memory_space<hbm>> -> memref<1000xi32, #tpu.memory_space<hbm>>
    tpu.wait_dma2 semaphore(%arg20 : memref<!tpu.dma_semaphore, #tpu.memory_space<semaphore_mem>>) src(%dma_wait3A_147 : memref<1000xi32, #tpu.memory_space<hbm>>) dst(%arg8 : memref<1000xi32, #tpu.memory_space<vmem>>)
    %dma_start3A_148 = arith.constant 0 : i32
    %dma_start3A_149 = arith.constant 0 : i32
    %dma_start3A_150 = tpu.memref_slice %arg15[%arg1, %dma_start3A_148, %dma_start3A_149] : memref<16x2048x16xf32, #tpu.memory_space<vmem_shared>> -> memref<1x2048x16xf32, #tpu.memory_space<vmem_shared>>
    %dma_start3A_151 = tpu.memref_squeeze %dma_start3A_150 : memref<1x2048x16xf32, #tpu.memory_space<vmem_shared>> -> memref<2048x16xf32, #tpu.memory_space<vmem_shared>>
    %dma_start3A_152 = arith.constant 0 : i32
    %dma_start3A_153 = arith.constant 0 : i32
    %dma_start3A_154 = tpu.memref_slice %dma_start3A_151[%dma_start3A_152, %dma_start3A_153] : memref<2048x16xf32, #tpu.memory_space<vmem_shared>> -> memref<2048x16xf32, #tpu.memory_space<vmem_shared>>
    tpu.enqueue_indirect_dma source(%arg6 : memref<1000x16xf32, #tpu.memory_space<vmem>>) target(%dma_start3A_154 : memref<2048x16xf32, #tpu.memory_space<vmem_shared>>) offsets(%arg8 : memref<1000xi32, #tpu.memory_space<vmem>>) semaphore(%arg22 : memref<!tpu.dma_semaphore, #tpu.memory_space<semaphore_mem>>) {add = true}
    %scan3A_155 = arith.constant 0 : i32
    %scan3A_156 = arith.constant 63 : i32
    %scan3A_157 = arith.addi %scan3A_155, %scan3A_156 : i32
    %scan3A_158 = arith.constant 1 : i32
    scf.for %scan3A_896 = %scan3A_155 to %scan3A_157 step %scan3A_158  : i32 {
      %eq3A_897 = arith.constant 62 : i32
      %eq3A_898 = arith.cmpi eq, %scan3A_896, %eq3A_897 : i32
      %mul3A_899 = arith.constant 16 : i32
      %mul3A_900 = arith.muli %scan3A_896, %mul3A_899 : i32
      %jit3A_901 = arith.constant 984 : i32
      %select_n3A_902 = arith.select %eq3A_898, %jit3A_901, %mul3A_900 : i32
      %jit3A_903 = arith.constant 8 : i32
      %jit3A_904 = arith.constant 0 : i32
      %select_n3A_905 = arith.select %eq3A_898, %jit3A_903, %jit3A_904 : i32
      %get3A = arith.index_cast %select_n3A_902 : i32 to index
      %get3A_906 = tpu.vector_load %arg8[%get3A] {strides = array<i32>} : memref<1000xi32, #tpu.memory_space<vmem>>, vector<16xi32>,
      %ge3A = vector.broadcast %select_n3A_905 : i32 to vector<16xi32>
      %ge3A_907 = arith.cmpi sge, %iota3A, %ge3A : vector<16xi32>
      %jit3A_908 = arith.constant 0 : i32
      %broadcast_in_dim3A_909 = vector.broadcast %jit3A_908 : i32 to vector<16xi32>
      %select_n3A_910 = arith.select %ge3A_907, %get3A_906, %broadcast_in_dim3A_909 : vector<16xi1>, vector<16xi32>
      tpu.vector_store_idx %arg10[%select_n3A_910], %broadcast_in_dim3A_51 masked %ge3A_907 {add = true} : memref<2048xf32, #tpu.memory_space<vmem>>[vector<16xi32>], vector<16xf32>, vector<16xi1>
    }
    %scan3A_159 = arith.constant 63 : i32
    %dma_wait3A_160 = arith.constant 0 : i32
    %dma_wait3A_161 = arith.constant 0 : i32
    %dma_wait3A_162 = tpu.memref_slice %arg15[%arg1, %dma_wait3A_160, %dma_wait3A_161] : memref<16x2048x16xf32, #tpu.memory_space<vmem_shared>> -> memref<1x2048x16xf32, #tpu.memory_space<vmem_shared>>
    %dma_wait3A_163 = tpu.memref_squeeze %dma_wait3A_162 : memref<1x2048x16xf32, #tpu.memory_space<vmem_shared>> -> memref<2048x16xf32, #tpu.memory_space<vmem_shared>>
    %dma_wait3A_164 = arith.constant 0 : i32
    %dma_wait3A_165 = arith.constant 0 : i32
    %dma_wait3A_166 = tpu.memref_slice %dma_wait3A_163[%dma_wait3A_164, %dma_wait3A_165] : memref<2048x16xf32, #tpu.memory_space<vmem_shared>> -> memref<2048x16xf32, #tpu.memory_space<vmem_shared>>
    tpu.wait_indirect_dma semaphore(%arg22 : memref<!tpu.dma_semaphore, #tpu.memory_space<semaphore_mem>>) src(%arg6 : memref<1000x16xf32, #tpu.memory_space<vmem>>) dst(%dma_wait3A_166 : memref<2048x16xf32, #tpu.memory_space<vmem_shared>>)
    %add3A_167 = arith.constant 5000 : i32
    %add3A_168 = arith.addi %mul3A_34, %add3A_167 : i32
    %dma_start3A_169 = tpu.memref_slice %arg2[%add3A_168, %mul3A_32] : memref<100000x128xf32, #tpu.memory_space<hbm>> -> memref<1000x16xf32, #tpu.memory_space<hbm>>
    %dma_start3A_170 = tpu.memref_slice %arg2[%add3A_168, %mul3A_32] : memref<100000x128xf32, #tpu.memory_space<hbm>> -> memref<1000x16xf32, #tpu.memory_space<hbm>>
    tpu.enqueue_dma source(%dma_start3A_170 : memref<1000x16xf32, #tpu.memory_space<hbm>>) target(%arg6 : memref<1000x16xf32, #tpu.memory_space<vmem>>) target_semaphore(%arg18 : memref<!tpu.dma_semaphore, #tpu.memory_space<semaphore_mem>>)
    %dma_start3A_171 = tpu.memref_slice %arg3[%add3A_168] : memref<100000xi32, #tpu.memory_space<hbm>> -> memref<1000xi32, #tpu.memory_space<hbm>>
    %dma_start3A_172 = tpu.memref_slice %arg3[%add3A_168] : memref<100000xi32, #tpu.memory_space<hbm>> -> memref<1000xi32, #tpu.memory_space<hbm>>
    tpu.enqueue_dma source(%dma_start3A_172 : memref<1000xi32, #tpu.memory_space<hbm>>) target(%arg8 : memref<1000xi32, #tpu.memory_space<vmem>>) target_semaphore(%arg20 : memref<!tpu.dma_semaphore, #tpu.memory_space<semaphore_mem>>)
    %dma_wait3A_173 = tpu.memref_slice %arg2[%add3A_139, %mul3A_32] : memref<100000x128xf32, #tpu.memory_space<hbm>> -> memref<1000x16xf32, #tpu.memory_space<hbm>>
    %dma_wait3A_174 = tpu.memref_slice %arg2[%add3A_139, %mul3A_32] : memref<100000x128xf32, #tpu.memory_space<hbm>> -> memref<1000x16xf32, #tpu.memory_space<hbm>>
    tpu.wait_dma2 semaphore(%arg17 : memref<!tpu.dma_semaphore, #tpu.memory_space<semaphore_mem>>) src(%dma_wait3A_174 : memref<1000x16xf32, #tpu.memory_space<hbm>>) dst(%arg5 : memref<1000x16xf32, #tpu.memory_space<vmem>>)
    %dma_wait3A_175 = tpu.memref_slice %arg3[%add3A_139] : memref<100000xi32, #tpu.memory_space<hbm>> -> memref<1000xi32, #tpu.memory_space<hbm>>
    %dma_wait3A_176 = tpu.memref_slice %arg3[%add3A_139] : memref<100000xi32, #tpu.memory_space<hbm>> -> memref<1000xi32, #tpu.memory_space<hbm>>
    tpu.wait_dma2 semaphore(%arg19 : memref<!tpu.dma_semaphore, #tpu.memory_space<semaphore_mem>>) src(%dma_wait3A_176 : memref<1000xi32, #tpu.memory_space<hbm>>) dst(%arg7 : memref<1000xi32, #tpu.memory_space<vmem>>)
    %dma_start3A_177 = arith.constant 0 : i32
    %dma_start3A_178 = arith.constant 0 : i32
    %dma_start3A_179 = tpu.memref_slice %arg15[%arg1, %dma_start3A_177, %dma_start3A_178] : memref<16x2048x16xf32, #tpu.memory_space<vmem_shared>> -> memref<1x2048x16xf32, #tpu.memory_space<vmem_shared>>
    %dma_start3A_180 = tpu.memref_squeeze %dma_start3A_179 : memref<1x2048x16xf32, #tpu.memory_space<vmem_shared>> -> memref<2048x16xf32, #tpu.memory_space<vmem_shared>>
    %dma_start3A_181 = arith.constant 0 : i32
    %dma_start3A_182 = arith.constant 0 : i32
    %dma_start3A_183 = tpu.memref_slice %dma_start3A_180[%dma_start3A_181, %dma_start3A_182] : memref<2048x16xf32, #tpu.memory_space<vmem_shared>> -> memref<2048x16xf32, #tpu.memory_space<vmem_shared>>
    tpu.enqueue_indirect_dma source(%arg5 : memref<1000x16xf32, #tpu.memory_space<vmem>>) target(%dma_start3A_183 : memref<2048x16xf32, #tpu.memory_space<vmem_shared>>) offsets(%arg7 : memref<1000xi32, #tpu.memory_space<vmem>>) semaphore(%arg21 : memref<!tpu.dma_semaphore, #tpu.memory_space<semaphore_mem>>) {add = true}
    %scan3A_184 = arith.constant 0 : i32
    %scan3A_185 = arith.constant 63 : i32
    %scan3A_186 = arith.addi %scan3A_184, %scan3A_185 : i32
    %scan3A_187 = arith.constant 1 : i32
    scf.for %scan3A_896 = %scan3A_184 to %scan3A_186 step %scan3A_187  : i32 {
      %eq3A_897 = arith.constant 62 : i32
      %eq3A_898 = arith.cmpi eq, %scan3A_896, %eq3A_897 : i32
      %mul3A_899 = arith.constant 16 : i32
      %mul3A_900 = arith.muli %scan3A_896, %mul3A_899 : i32
      %jit3A_901 = arith.constant 984 : i32
      %select_n3A_902 = arith.select %eq3A_898, %jit3A_901, %mul3A_900 : i32
      %jit3A_903 = arith.constant 8 : i32
      %jit3A_904 = arith.constant 0 : i32
      %select_n3A_905 = arith.select %eq3A_898, %jit3A_903, %jit3A_904 : i32
      %get3A = arith.index_cast %select_n3A_902 : i32 to index
      %get3A_906 = tpu.vector_load %arg7[%get3A] {strides = array<i32>} : memref<1000xi32, #tpu.memory_space<vmem>>, vector<16xi32>,
      %ge3A = vector.broadcast %select_n3A_905 : i32 to vector<16xi32>
      %ge3A_907 = arith.cmpi sge, %iota3A, %ge3A : vector<16xi32>
      %jit3A_908 = arith.constant 0 : i32
      %broadcast_in_dim3A_909 = vector.broadcast %jit3A_908 : i32 to vector<16xi32>
      %select_n3A_910 = arith.select %ge3A_907, %get3A_906, %broadcast_in_dim3A_909 : vector<16xi1>, vector<16xi32>
      tpu.vector_store_idx %arg10[%select_n3A_910], %broadcast_in_dim3A_51 masked %ge3A_907 {add = true} : memref<2048xf32, #tpu.memory_space<vmem>>[vector<16xi32>], vector<16xf32>, vector<16xi1>
    }
    %scan3A_188 = arith.constant 63 : i32
    %dma_wait3A_189 = arith.constant 0 : i32
    %dma_wait3A_190 = arith.constant 0 : i32
    %dma_wait3A_191 = tpu.memref_slice %arg15[%arg1, %dma_wait3A_189, %dma_wait3A_190] : memref<16x2048x16xf32, #tpu.memory_space<vmem_shared>> -> memref<1x2048x16xf32, #tpu.memory_space<vmem_shared>>
    %dma_wait3A_192 = tpu.memref_squeeze %dma_wait3A_191 : memref<1x2048x16xf32, #tpu.memory_space<vmem_shared>> -> memref<2048x16xf32, #tpu.memory_space<vmem_shared>>
    %dma_wait3A_193 = arith.constant 0 : i32
    %dma_wait3A_194 = arith.constant 0 : i32
    %dma_wait3A_195 = tpu.memref_slice %dma_wait3A_192[%dma_wait3A_193, %dma_wait3A_194] : memref<2048x16xf32, #tpu.memory_space<vmem_shared>> -> memref<2048x16xf32, #tpu.memory_space<vmem_shared>>
    tpu.wait_indirect_dma semaphore(%arg21 : memref<!tpu.dma_semaphore, #tpu.memory_space<semaphore_mem>>) src(%arg5 : memref<1000x16xf32, #tpu.memory_space<vmem>>) dst(%dma_wait3A_195 : memref<2048x16xf32, #tpu.memory_space<vmem_shared>>)
    %add3A_196 = arith.constant 6000 : i32
    %add3A_197 = arith.addi %mul3A_34, %add3A_196 : i32
    %dma_start3A_198 = tpu.memref_slice %arg2[%add3A_197, %mul3A_32] : memref<100000x128xf32, #tpu.memory_space<hbm>> -> memref<1000x16xf32, #tpu.memory_space<hbm>>
    %dma_start3A_199 = tpu.memref_slice %arg2[%add3A_197, %mul3A_32] : memref<100000x128xf32, #tpu.memory_space<hbm>> -> memref<1000x16xf32, #tpu.memory_space<hbm>>
    tpu.enqueue_dma source(%dma_start3A_199 : memref<1000x16xf32, #tpu.memory_space<hbm>>) target(%arg5 : memref<1000x16xf32, #tpu.memory_space<vmem>>) target_semaphore(%arg17 : memref<!tpu.dma_semaphore, #tpu.memory_space<semaphore_mem>>)
    %dma_start3A_200 = tpu.memref_slice %arg3[%add3A_197] : memref<100000xi32, #tpu.memory_space<hbm>> -> memref<1000xi32, #tpu.memory_space<hbm>>
    %dma_start3A_201 = tpu.memref_slice %arg3[%add3A_197] : memref<100000xi32, #tpu.memory_space<hbm>> -> memref<1000xi32, #tpu.memory_space<hbm>>
    tpu.enqueue_dma source(%dma_start3A_201 : memref<1000xi32, #tpu.memory_space<hbm>>) target(%arg7 : memref<1000xi32, #tpu.memory_space<vmem>>) target_semaphore(%arg19 : memref<!tpu.dma_semaphore, #tpu.memory_space<semaphore_mem>>)
    %dma_wait3A_202 = tpu.memref_slice %arg2[%add3A_168, %mul3A_32] : memref<100000x128xf32, #tpu.memory_space<hbm>> -> memref<1000x16xf32, #tpu.memory_space<hbm>>
    %dma_wait3A_203 = tpu.memref_slice %arg2[%add3A_168, %mul3A_32] : memref<100000x128xf32, #tpu.memory_space<hbm>> -> memref<1000x16xf32, #tpu.memory_space<hbm>>
    tpu.wait_dma2 semaphore(%arg18 : memref<!tpu.dma_semaphore, #tpu.memory_space<semaphore_mem>>) src(%dma_wait3A_203 : memref<1000x16xf32, #tpu.memory_space<hbm>>) dst(%arg6 : memref<1000x16xf32, #tpu.memory_space<vmem>>)
    %dma_wait3A_204 = tpu.memref_slice %arg3[%add3A_168] : memref<100000xi32, #tpu.memory_space<hbm>> -> memref<1000xi32, #tpu.memory_space<hbm>>
    %dma_wait3A_205 = tpu.memref_slice %arg3[%add3A_168] : memref<100000xi32, #tpu.memory_space<hbm>> -> memref<1000xi32, #tpu.memory_space<hbm>>
    tpu.wait_dma2 semaphore(%arg20 : memref<!tpu.dma_semaphore, #tpu.memory_space<semaphore_mem>>) src(%dma_wait3A_205 : memref<1000xi32, #tpu.memory_space<hbm>>) dst(%arg8 : memref<1000xi32, #tpu.memory_space<vmem>>)
    %dma_start3A_206 = arith.constant 0 : i32
    %dma_start3A_207 = arith.constant 0 : i32
    %dma_start3A_208 = tpu.memref_slice %arg15[%arg1, %dma_start3A_206, %dma_start3A_207] : memref<16x2048x16xf32, #tpu.memory_space<vmem_shared>> -> memref<1x2048x16xf32, #tpu.memory_space<vmem_shared>>
    %dma_start3A_209 = tpu.memref_squeeze %dma_start3A_208 : memref<1x2048x16xf32, #tpu.memory_space<vmem_shared>> -> memref<2048x16xf32, #tpu.memory_space<vmem_shared>>
    %dma_start3A_210 = arith.constant 0 : i32
    %dma_start3A_211 = arith.constant 0 : i32
    %dma_start3A_212 = tpu.memref_slice %dma_start3A_209[%dma_start3A_210, %dma_start3A_211] : memref<2048x16xf32, #tpu.memory_space<vmem_shared>> -> memref<2048x16xf32, #tpu.memory_space<vmem_shared>>
    tpu.enqueue_indirect_dma source(%arg6 : memref<1000x16xf32, #tpu.memory_space<vmem>>) target(%dma_start3A_212 : memref<2048x16xf32, #tpu.memory_space<vmem_shared>>) offsets(%arg8 : memref<1000xi32, #tpu.memory_space<vmem>>) semaphore(%arg22 : memref<!tpu.dma_semaphore, #tpu.memory_space<semaphore_mem>>) {add = true}
    %scan3A_213 = arith.constant 0 : i32
    %scan3A_214 = arith.constant 63 : i32
    %scan3A_215 = arith.addi %scan3A_213, %scan3A_214 : i32
    %scan3A_216 = arith.constant 1 : i32
    scf.for %scan3A_896 = %scan3A_213 to %scan3A_215 step %scan3A_216  : i32 {
      %eq3A_897 = arith.constant 62 : i32
      %eq3A_898 = arith.cmpi eq, %scan3A_896, %eq3A_897 : i32
      %mul3A_899 = arith.constant 16 : i32
      %mul3A_900 = arith.muli %scan3A_896, %mul3A_899 : i32
      %jit3A_901 = arith.constant 984 : i32
      %select_n3A_902 = arith.select %eq3A_898, %jit3A_901, %mul3A_900 : i32
      %jit3A_903 = arith.constant 8 : i32
      %jit3A_904 = arith.constant 0 : i32
      %select_n3A_905 = arith.select %eq3A_898, %jit3A_903, %jit3A_904 : i32
      %get3A = arith.index_cast %select_n3A_902 : i32 to index
      %get3A_906 = tpu.vector_load %arg8[%get3A] {strides = array<i32>} : memref<1000xi32, #tpu.memory_space<vmem>>, vector<16xi32>,
      %ge3A = vector.broadcast %select_n3A_905 : i32 to vector<16xi32>
      %ge3A_907 = arith.cmpi sge, %iota3A, %ge3A : vector<16xi32>
      %jit3A_908 = arith.constant 0 : i32
      %broadcast_in_dim3A_909 = vector.broadcast %jit3A_908 : i32 to vector<16xi32>
      %select_n3A_910 = arith.select %ge3A_907, %get3A_906, %broadcast_in_dim3A_909 : vector<16xi1>, vector<16xi32>
      tpu.vector_store_idx %arg10[%select_n3A_910], %broadcast_in_dim3A_51 masked %ge3A_907 {add = true} : memref<2048xf32, #tpu.memory_space<vmem>>[vector<16xi32>], vector<16xf32>, vector<16xi1>
    }
    %scan3A_217 = arith.constant 63 : i32
    %dma_wait3A_218 = arith.constant 0 : i32
    %dma_wait3A_219 = arith.constant 0 : i32
    %dma_wait3A_220 = tpu.memref_slice %arg15[%arg1, %dma_wait3A_218, %dma_wait3A_219] : memref<16x2048x16xf32, #tpu.memory_space<vmem_shared>> -> memref<1x2048x16xf32, #tpu.memory_space<vmem_shared>>
    %dma_wait3A_221 = tpu.memref_squeeze %dma_wait3A_220 : memref<1x2048x16xf32, #tpu.memory_space<vmem_shared>> -> memref<2048x16xf32, #tpu.memory_space<vmem_shared>>
    %dma_wait3A_222 = arith.constant 0 : i32
    %dma_wait3A_223 = arith.constant 0 : i32
    %dma_wait3A_224 = tpu.memref_slice %dma_wait3A_221[%dma_wait3A_222, %dma_wait3A_223] : memref<2048x16xf32, #tpu.memory_space<vmem_shared>> -> memref<2048x16xf32, #tpu.memory_space<vmem_shared>>
    tpu.wait_indirect_dma semaphore(%arg22 : memref<!tpu.dma_semaphore, #tpu.memory_space<semaphore_mem>>) src(%arg6 : memref<1000x16xf32, #tpu.memory_space<vmem>>) dst(%dma_wait3A_224 : memref<2048x16xf32, #tpu.memory_space<vmem_shared>>)
    %add3A_225 = arith.constant 7000 : i32
    %add3A_226 = arith.addi %mul3A_34, %add3A_225 : i32
    %dma_start3A_227 = tpu.memref_slice %arg2[%add3A_226, %mul3A_32] : memref<100000x128xf32, #tpu.memory_space<hbm>> -> memref<1000x16xf32, #tpu.memory_space<hbm>>
    %dma_start3A_228 = tpu.memref_slice %arg2[%add3A_226, %mul3A_32] : memref<100000x128xf32, #tpu.memory_space<hbm>> -> memref<1000x16xf32, #tpu.memory_space<hbm>>
    tpu.enqueue_dma source(%dma_start3A_228 : memref<1000x16xf32, #tpu.memory_space<hbm>>) target(%arg6 : memref<1000x16xf32, #tpu.memory_space<vmem>>) target_semaphore(%arg18 : memref<!tpu.dma_semaphore, #tpu.memory_space<semaphore_mem>>)
    %dma_start3A_229 = tpu.memref_slice %arg3[%add3A_226] : memref<100000xi32, #tpu.memory_space<hbm>> -> memref<1000xi32, #tpu.memory_space<hbm>>
    %dma_start3A_230 = tpu.memref_slice %arg3[%add3A_226] : memref<100000xi32, #tpu.memory_space<hbm>> -> memref<1000xi32, #tpu.memory_space<hbm>>
    tpu.enqueue_dma source(%dma_start3A_230 : memref<1000xi32, #tpu.memory_space<hbm>>) target(%arg8 : memref<1000xi32, #tpu.memory_space<vmem>>) target_semaphore(%arg20 : memref<!tpu.dma_semaphore, #tpu.memory_space<semaphore_mem>>)
    %dma_wait3A_231 = tpu.memref_slice %arg2[%add3A_197, %mul3A_32] : memref<100000x128xf32, #tpu.memory_space<hbm>> -> memref<1000x16xf32, #tpu.memory_space<hbm>>
    %dma_wait3A_232 = tpu.memref_slice %arg2[%add3A_197, %mul3A_32] : memref<100000x128xf32, #tpu.memory_space<hbm>> -> memref<1000x16xf32, #tpu.memory_space<hbm>>
    tpu.wait_dma2 semaphore(%arg17 : memref<!tpu.dma_semaphore, #tpu.memory_space<semaphore_mem>>) src(%dma_wait3A_232 : memref<1000x16xf32, #tpu.memory_space<hbm>>) dst(%arg5 : memref<1000x16xf32, #tpu.memory_space<vmem>>)
    %dma_wait3A_233 = tpu.memref_slice %arg3[%add3A_197] : memref<100000xi32, #tpu.memory_space<hbm>> -> memref<1000xi32, #tpu.memory_space<hbm>>
    %dma_wait3A_234 = tpu.memref_slice %arg3[%add3A_197] : memref<100000xi32, #tpu.memory_space<hbm>> -> memref<1000xi32, #tpu.memory_space<hbm>>
    tpu.wait_dma2 semaphore(%arg19 : memref<!tpu.dma_semaphore, #tpu.memory_space<semaphore_mem>>) src(%dma_wait3A_234 : memref<1000xi32, #tpu.memory_space<hbm>>) dst(%arg7 : memref<1000xi32, #tpu.memory_space<vmem>>)
    %dma_start3A_235 = arith.constant 0 : i32
    %dma_start3A_236 = arith.constant 0 : i32
    %dma_start3A_237 = tpu.memref_slice %arg15[%arg1, %dma_start3A_235, %dma_start3A_236] : memref<16x2048x16xf32, #tpu.memory_space<vmem_shared>> -> memref<1x2048x16xf32, #tpu.memory_space<vmem_shared>>
    %dma_start3A_238 = tpu.memref_squeeze %dma_start3A_237 : memref<1x2048x16xf32, #tpu.memory_space<vmem_shared>> -> memref<2048x16xf32, #tpu.memory_space<vmem_shared>>
    %dma_start3A_239 = arith.constant 0 : i32
    %dma_start3A_240 = arith.constant 0 : i32
    %dma_start3A_241 = tpu.memref_slice %dma_start3A_238[%dma_start3A_239, %dma_start3A_240] : memref<2048x16xf32, #tpu.memory_space<vmem_shared>> -> memref<2048x16xf32, #tpu.memory_space<vmem_shared>>
    tpu.enqueue_indirect_dma source(%arg5 : memref<1000x16xf32, #tpu.memory_space<vmem>>) target(%dma_start3A_241 : memref<2048x16xf32, #tpu.memory_space<vmem_shared>>) offsets(%arg7 : memref<1000xi32, #tpu.memory_space<vmem>>) semaphore(%arg21 : memref<!tpu.dma_semaphore, #tpu.memory_space<semaphore_mem>>) {add = true}
    %scan3A_242 = arith.constant 0 : i32
    %scan3A_243 = arith.constant 63 : i32
    %scan3A_244 = arith.addi %scan3A_242, %scan3A_243 : i32
    %scan3A_245 = arith.constant 1 : i32
    scf.for %scan3A_896 = %scan3A_242 to %scan3A_244 step %scan3A_245  : i32 {
      %eq3A_897 = arith.constant 62 : i32
      %eq3A_898 = arith.cmpi eq, %scan3A_896, %eq3A_897 : i32
      %mul3A_899 = arith.constant 16 : i32
      %mul3A_900 = arith.muli %scan3A_896, %mul3A_899 : i32
      %jit3A_901 = arith.constant 984 : i32
      %select_n3A_902 = arith.select %eq3A_898, %jit3A_901, %mul3A_900 : i32
      %jit3A_903 = arith.constant 8 : i32
      %jit3A_904 = arith.constant 0 : i32
      %select_n3A_905 = arith.select %eq3A_898, %jit3A_903, %jit3A_904 : i32
      %get3A = arith.index_cast %select_n3A_902 : i32 to index
      %get3A_906 = tpu.vector_load %arg7[%get3A] {strides = array<i32>} : memref<1000xi32, #tpu.memory_space<vmem>>, vector<16xi32>,
      %ge3A = vector.broadcast %select_n3A_905 : i32 to vector<16xi32>
      %ge3A_907 = arith.cmpi sge, %iota3A, %ge3A : vector<16xi32>
      %jit3A_908 = arith.constant 0 : i32
      %broadcast_in_dim3A_909 = vector.broadcast %jit3A_908 : i32 to vector<16xi32>
      %select_n3A_910 = arith.select %ge3A_907, %get3A_906, %broadcast_in_dim3A_909 : vector<16xi1>, vector<16xi32>
      tpu.vector_store_idx %arg10[%select_n3A_910], %broadcast_in_dim3A_51 masked %ge3A_907 {add = true} : memref<2048xf32, #tpu.memory_space<vmem>>[vector<16xi32>], vector<16xf32>, vector<16xi1>
    }
    %scan3A_246 = arith.constant 63 : i32
    %dma_wait3A_247 = arith.constant 0 : i32
    %dma_wait3A_248 = arith.constant 0 : i32
    %dma_wait3A_249 = tpu.memref_slice %arg15[%arg1, %dma_wait3A_247, %dma_wait3A_248] : memref<16x2048x16xf32, #tpu.memory_space<vmem_shared>> -> memref<1x2048x16xf32, #tpu.memory_space<vmem_shared>>
    %dma_wait3A_250 = tpu.memref_squeeze %dma_wait3A_249 : memref<1x2048x16xf32, #tpu.memory_space<vmem_shared>> -> memref<2048x16xf32, #tpu.memory_space<vmem_shared>>
    %dma_wait3A_251 = arith.constant 0 : i32
    %dma_wait3A_252 = arith.constant 0 : i32
    %dma_wait3A_253 = tpu.memref_slice %dma_wait3A_250[%dma_wait3A_251, %dma_wait3A_252] : memref<2048x16xf32, #tpu.memory_space<vmem_shared>> -> memref<2048x16xf32, #tpu.memory_space<vmem_shared>>
    tpu.wait_indirect_dma semaphore(%arg21 : memref<!tpu.dma_semaphore, #tpu.memory_space<semaphore_mem>>) src(%arg5 : memref<1000x16xf32, #tpu.memory_space<vmem>>) dst(%dma_wait3A_253 : memref<2048x16xf32, #tpu.memory_space<vmem_shared>>)
    %add3A_254 = arith.constant 8000 : i32
    %add3A_255 = arith.addi %mul3A_34, %add3A_254 : i32
    %dma_start3A_256 = tpu.memref_slice %arg2[%add3A_255, %mul3A_32] : memref<100000x128xf32, #tpu.memory_space<hbm>> -> memref<1000x16xf32, #tpu.memory_space<hbm>>
    %dma_start3A_257 = tpu.memref_slice %arg2[%add3A_255, %mul3A_32] : memref<100000x128xf32, #tpu.memory_space<hbm>> -> memref<1000x16xf32, #tpu.memory_space<hbm>>
    tpu.enqueue_dma source(%dma_start3A_257 : memref<1000x16xf32, #tpu.memory_space<hbm>>) target(%arg5 : memref<1000x16xf32, #tpu.memory_space<vmem>>) target_semaphore(%arg17 : memref<!tpu.dma_semaphore, #tpu.memory_space<semaphore_mem>>)
    %dma_start3A_258 = tpu.memref_slice %arg3[%add3A_255] : memref<100000xi32, #tpu.memory_space<hbm>> -> memref<1000xi32, #tpu.memory_space<hbm>>
    %dma_start3A_259 = tpu.memref_slice %arg3[%add3A_255] : memref<100000xi32, #tpu.memory_space<hbm>> -> memref<1000xi32, #tpu.memory_space<hbm>>
    tpu.enqueue_dma source(%dma_start3A_259 : memref<1000xi32, #tpu.memory_space<hbm>>) target(%arg7 : memref<1000xi32, #tpu.memory_space<vmem>>) target_semaphore(%arg19 : memref<!tpu.dma_semaphore, #tpu.memory_space<semaphore_mem>>)
    %dma_wait3A_260 = tpu.memref_slice %arg2[%add3A_226, %mul3A_32] : memref<100000x128xf32, #tpu.memory_space<hbm>> -> memref<1000x16xf32, #tpu.memory_space<hbm>>
    %dma_wait3A_261 = tpu.memref_slice %arg2[%add3A_226, %mul3A_32] : memref<100000x128xf32, #tpu.memory_space<hbm>> -> memref<1000x16xf32, #tpu.memory_space<hbm>>
    tpu.wait_dma2 semaphore(%arg18 : memref<!tpu.dma_semaphore, #tpu.memory_space<semaphore_mem>>) src(%dma_wait3A_261 : memref<1000x16xf32, #tpu.memory_space<hbm>>) dst(%arg6 : memref<1000x16xf32, #tpu.memory_space<vmem>>)
    %dma_wait3A_262 = tpu.memref_slice %arg3[%add3A_226] : memref<100000xi32, #tpu.memory_space<hbm>> -> memref<1000xi32, #tpu.memory_space<hbm>>
    %dma_wait3A_263 = tpu.memref_slice %arg3[%add3A_226] : memref<100000xi32, #tpu.memory_space<hbm>> -> memref<1000xi32, #tpu.memory_space<hbm>>
    tpu.wait_dma2 semaphore(%arg20 : memref<!tpu.dma_semaphore, #tpu.memory_space<semaphore_mem>>) src(%dma_wait3A_263 : memref<1000xi32, #tpu.memory_space<hbm>>) dst(%arg8 : memref<1000xi32, #tpu.memory_space<vmem>>)
    %dma_start3A_264 = arith.constant 0 : i32
    %dma_start3A_265 = arith.constant 0 : i32
    %dma_start3A_266 = tpu.memref_slice %arg15[%arg1, %dma_start3A_264, %dma_start3A_265] : memref<16x2048x16xf32, #tpu.memory_space<vmem_shared>> -> memref<1x2048x16xf32, #tpu.memory_space<vmem_shared>>
    %dma_start3A_267 = tpu.memref_squeeze %dma_start3A_266 : memref<1x2048x16xf32, #tpu.memory_space<vmem_shared>> -> memref<2048x16xf32, #tpu.memory_space<vmem_shared>>
    %dma_start3A_268 = arith.constant 0 : i32
    %dma_start3A_269 = arith.constant 0 : i32
    %dma_start3A_270 = tpu.memref_slice %dma_start3A_267[%dma_start3A_268, %dma_start3A_269] : memref<2048x16xf32, #tpu.memory_space<vmem_shared>> -> memref<2048x16xf32, #tpu.memory_space<vmem_shared>>
    tpu.enqueue_indirect_dma source(%arg6 : memref<1000x16xf32, #tpu.memory_space<vmem>>) target(%dma_start3A_270 : memref<2048x16xf32, #tpu.memory_space<vmem_shared>>) offsets(%arg8 : memref<1000xi32, #tpu.memory_space<vmem>>) semaphore(%arg22 : memref<!tpu.dma_semaphore, #tpu.memory_space<semaphore_mem>>) {add = true}
    %scan3A_271 = arith.constant 0 : i32
    %scan3A_272 = arith.constant 63 : i32
    %scan3A_273 = arith.addi %scan3A_271, %scan3A_272 : i32
    %scan3A_274 = arith.constant 1 : i32
    scf.for %scan3A_896 = %scan3A_271 to %scan3A_273 step %scan3A_274  : i32 {
      %eq3A_897 = arith.constant 62 : i32
      %eq3A_898 = arith.cmpi eq, %scan3A_896, %eq3A_897 : i32
      %mul3A_899 = arith.constant 16 : i32
      %mul3A_900 = arith.muli %scan3A_896, %mul3A_899 : i32
      %jit3A_901 = arith.constant 984 : i32
      %select_n3A_902 = arith.select %eq3A_898, %jit3A_901, %mul3A_900 : i32
      %jit3A_903 = arith.constant 8 : i32
      %jit3A_904 = arith.constant 0 : i32
      %select_n3A_905 = arith.select %eq3A_898, %jit3A_903, %jit3A_904 : i32
      %get3A = arith.index_cast %select_n3A_902 : i32 to index
      %get3A_906 = tpu.vector_load %arg8[%get3A] {strides = array<i32>} : memref<1000xi32, #tpu.memory_space<vmem>>, vector<16xi32>,
      %ge3A = vector.broadcast %select_n3A_905 : i32 to vector<16xi32>
      %ge3A_907 = arith.cmpi sge, %iota3A, %ge3A : vector<16xi32>
      %jit3A_908 = arith.constant 0 : i32
      %broadcast_in_dim3A_909 = vector.broadcast %jit3A_908 : i32 to vector<16xi32>
      %select_n3A_910 = arith.select %ge3A_907, %get3A_906, %broadcast_in_dim3A_909 : vector<16xi1>, vector<16xi32>
      tpu.vector_store_idx %arg10[%select_n3A_910], %broadcast_in_dim3A_51 masked %ge3A_907 {add = true} : memref<2048xf32, #tpu.memory_space<vmem>>[vector<16xi32>], vector<16xf32>, vector<16xi1>
    }
    %scan3A_275 = arith.constant 63 : i32
    %dma_wait3A_276 = arith.constant 0 : i32
    %dma_wait3A_277 = arith.constant 0 : i32
    %dma_wait3A_278 = tpu.memref_slice %arg15[%arg1, %dma_wait3A_276, %dma_wait3A_277] : memref<16x2048x16xf32, #tpu.memory_space<vmem_shared>> -> memref<1x2048x16xf32, #tpu.memory_space<vmem_shared>>
    %dma_wait3A_279 = tpu.memref_squeeze %dma_wait3A_278 : memref<1x2048x16xf32, #tpu.memory_space<vmem_shared>> -> memref<2048x16xf32, #tpu.memory_space<vmem_shared>>
    %dma_wait3A_280 = arith.constant 0 : i32
    %dma_wait3A_281 = arith.constant 0 : i32
    %dma_wait3A_282 = tpu.memref_slice %dma_wait3A_279[%dma_wait3A_280, %dma_wait3A_281] : memref<2048x16xf32, #tpu.memory_space<vmem_shared>> -> memref<2048x16xf32, #tpu.memory_space<vmem_shared>>
    tpu.wait_indirect_dma semaphore(%arg22 : memref<!tpu.dma_semaphore, #tpu.memory_space<semaphore_mem>>) src(%arg6 : memref<1000x16xf32, #tpu.memory_space<vmem>>) dst(%dma_wait3A_282 : memref<2048x16xf32, #tpu.memory_space<vmem_shared>>)
    %add3A_283 = arith.constant 9000 : i32
    %add3A_284 = arith.addi %mul3A_34, %add3A_283 : i32
    %dma_start3A_285 = tpu.memref_slice %arg2[%add3A_284, %mul3A_32] : memref<100000x128xf32, #tpu.memory_space<hbm>> -> memref<1000x16xf32, #tpu.memory_space<hbm>>
    %dma_start3A_286 = tpu.memref_slice %arg2[%add3A_284, %mul3A_32] : memref<100000x128xf32, #tpu.memory_space<hbm>> -> memref<1000x16xf32, #tpu.memory_space<hbm>>
    tpu.enqueue_dma source(%dma_start3A_286 : memref<1000x16xf32, #tpu.memory_space<hbm>>) target(%arg6 : memref<1000x16xf32, #tpu.memory_space<vmem>>) target_semaphore(%arg18 : memref<!tpu.dma_semaphore, #tpu.memory_space<semaphore_mem>>)
    %dma_start3A_287 = tpu.memref_slice %arg3[%add3A_284] : memref<100000xi32, #tpu.memory_space<hbm>> -> memref<1000xi32, #tpu.memory_space<hbm>>
    %dma_start3A_288 = tpu.memref_slice %arg3[%add3A_284] : memref<100000xi32, #tpu.memory_space<hbm>> -> memref<1000xi32, #tpu.memory_space<hbm>>
    tpu.enqueue_dma source(%dma_start3A_288 : memref<1000xi32, #tpu.memory_space<hbm>>) target(%arg8 : memref<1000xi32, #tpu.memory_space<vmem>>) target_semaphore(%arg20 : memref<!tpu.dma_semaphore, #tpu.memory_space<semaphore_mem>>)
    %dma_wait3A_289 = tpu.memref_slice %arg2[%add3A_255, %mul3A_32] : memref<100000x128xf32, #tpu.memory_space<hbm>> -> memref<1000x16xf32, #tpu.memory_space<hbm>>
    %dma_wait3A_290 = tpu.memref_slice %arg2[%add3A_255, %mul3A_32] : memref<100000x128xf32, #tpu.memory_space<hbm>> -> memref<1000x16xf32, #tpu.memory_space<hbm>>
    tpu.wait_dma2 semaphore(%arg17 : memref<!tpu.dma_semaphore, #tpu.memory_space<semaphore_mem>>) src(%dma_wait3A_290 : memref<1000x16xf32, #tpu.memory_space<hbm>>) dst(%arg5 : memref<1000x16xf32, #tpu.memory_space<vmem>>)
    %dma_wait3A_291 = tpu.memref_slice %arg3[%add3A_255] : memref<100000xi32, #tpu.memory_space<hbm>> -> memref<1000xi32, #tpu.memory_space<hbm>>
    %dma_wait3A_292 = tpu.memref_slice %arg3[%add3A_255] : memref<100000xi32, #tpu.memory_space<hbm>> -> memref<1000xi32, #tpu.memory_space<hbm>>
    tpu.wait_dma2 semaphore(%arg19 : memref<!tpu.dma_semaphore, #tpu.memory_space<semaphore_mem>>) src(%dma_wait3A_292 : memref<1000xi32, #tpu.memory_space<hbm>>) dst(%arg7 : memref<1000xi32, #tpu.memory_space<vmem>>)
    %dma_start3A_293 = arith.constant 0 : i32
    %dma_start3A_294 = arith.constant 0 : i32
    %dma_start3A_295 = tpu.memref_slice %arg15[%arg1, %dma_start3A_293, %dma_start3A_294] : memref<16x2048x16xf32, #tpu.memory_space<vmem_shared>> -> memref<1x2048x16xf32, #tpu.memory_space<vmem_shared>>
    %dma_start3A_296 = tpu.memref_squeeze %dma_start3A_295 : memref<1x2048x16xf32, #tpu.memory_space<vmem_shared>> -> memref<2048x16xf32, #tpu.memory_space<vmem_shared>>
    %dma_start3A_297 = arith.constant 0 : i32
    %dma_start3A_298 = arith.constant 0 : i32
    %dma_start3A_299 = tpu.memref_slice %dma_start3A_296[%dma_start3A_297, %dma_start3A_298] : memref<2048x16xf32, #tpu.memory_space<vmem_shared>> -> memref<2048x16xf32, #tpu.memory_space<vmem_shared>>
    tpu.enqueue_indirect_dma source(%arg5 : memref<1000x16xf32, #tpu.memory_space<vmem>>) target(%dma_start3A_299 : memref<2048x16xf32, #tpu.memory_space<vmem_shared>>) offsets(%arg7 : memref<1000xi32, #tpu.memory_space<vmem>>) semaphore(%arg21 : memref<!tpu.dma_semaphore, #tpu.memory_space<semaphore_mem>>) {add = true}
    %scan3A_300 = arith.constant 0 : i32
    %scan3A_301 = arith.constant 63 : i32
    %scan3A_302 = arith.addi %scan3A_300, %scan3A_301 : i32
    %scan3A_303 = arith.constant 1 : i32
    scf.for %scan3A_896 = %scan3A_300 to %scan3A_302 step %scan3A_303  : i32 {
      %eq3A_897 = arith.constant 62 : i32
      %eq3A_898 = arith.cmpi eq, %scan3A_896, %eq3A_897 : i32
      %mul3A_899 = arith.constant 16 : i32
      %mul3A_900 = arith.muli %scan3A_896, %mul3A_899 : i32
      %jit3A_901 = arith.constant 984 : i32
      %select_n3A_902 = arith.select %eq3A_898, %jit3A_901, %mul3A_900 : i32
      %jit3A_903 = arith.constant 8 : i32
      %jit3A_904 = arith.constant 0 : i32
      %select_n3A_905 = arith.select %eq3A_898, %jit3A_903, %jit3A_904 : i32
      %get3A = arith.index_cast %select_n3A_902 : i32 to index
      %get3A_906 = tpu.vector_load %arg7[%get3A] {strides = array<i32>} : memref<1000xi32, #tpu.memory_space<vmem>>, vector<16xi32>,
      %ge3A = vector.broadcast %select_n3A_905 : i32 to vector<16xi32>
      %ge3A_907 = arith.cmpi sge, %iota3A, %ge3A : vector<16xi32>
      %jit3A_908 = arith.constant 0 : i32
      %broadcast_in_dim3A_909 = vector.broadcast %jit3A_908 : i32 to vector<16xi32>
      %select_n3A_910 = arith.select %ge3A_907, %get3A_906, %broadcast_in_dim3A_909 : vector<16xi1>, vector<16xi32>
      tpu.vector_store_idx %arg10[%select_n3A_910], %broadcast_in_dim3A_51 masked %ge3A_907 {add = true} : memref<2048xf32, #tpu.memory_space<vmem>>[vector<16xi32>], vector<16xf32>, vector<16xi1>
    }
    %scan3A_304 = arith.constant 63 : i32
    %dma_wait3A_305 = arith.constant 0 : i32
    %dma_wait3A_306 = arith.constant 0 : i32
    %dma_wait3A_307 = tpu.memref_slice %arg15[%arg1, %dma_wait3A_305, %dma_wait3A_306] : memref<16x2048x16xf32, #tpu.memory_space<vmem_shared>> -> memref<1x2048x16xf32, #tpu.memory_space<vmem_shared>>
    %dma_wait3A_308 = tpu.memref_squeeze %dma_wait3A_307 : memref<1x2048x16xf32, #tpu.memory_space<vmem_shared>> -> memref<2048x16xf32, #tpu.memory_space<vmem_shared>>
    %dma_wait3A_309 = arith.constant 0 : i32
    %dma_wait3A_310 = arith.constant 0 : i32
    %dma_wait3A_311 = tpu.memref_slice %dma_wait3A_308[%dma_wait3A_309, %dma_wait3A_310] : memref<2048x16xf32, #tpu.memory_space<vmem_shared>> -> memref<2048x16xf32, #tpu.memory_space<vmem_shared>>
    tpu.wait_indirect_dma semaphore(%arg21 : memref<!tpu.dma_semaphore, #tpu.memory_space<semaphore_mem>>) src(%arg5 : memref<1000x16xf32, #tpu.memory_space<vmem>>) dst(%dma_wait3A_311 : memref<2048x16xf32, #tpu.memory_space<vmem_shared>>)
    %add3A_312 = arith.constant 10000 : i32
    %add3A_313 = arith.addi %mul3A_34, %add3A_312 : i32
    %dma_start3A_314 = tpu.memref_slice %arg2[%add3A_313, %mul3A_32] : memref<100000x128xf32, #tpu.memory_space<hbm>> -> memref<1000x16xf32, #tpu.memory_space<hbm>>
    %dma_start3A_315 = tpu.memref_slice %arg2[%add3A_313, %mul3A_32] : memref<100000x128xf32, #tpu.memory_space<hbm>> -> memref<1000x16xf32, #tpu.memory_space<hbm>>
    tpu.enqueue_dma source(%dma_start3A_315 : memref<1000x16xf32, #tpu.memory_space<hbm>>) target(%arg5 : memref<1000x16xf32, #tpu.memory_space<vmem>>) target_semaphore(%arg17 : memref<!tpu.dma_semaphore, #tpu.memory_space<semaphore_mem>>)
    %dma_start3A_316 = tpu.memref_slice %arg3[%add3A_313] : memref<100000xi32, #tpu.memory_space<hbm>> -> memref<1000xi32, #tpu.memory_space<hbm>>
    %dma_start3A_317 = tpu.memref_slice %arg3[%add3A_313] : memref<100000xi32, #tpu.memory_space<hbm>> -> memref<1000xi32, #tpu.memory_space<hbm>>
    tpu.enqueue_dma source(%dma_start3A_317 : memref<1000xi32, #tpu.memory_space<hbm>>) target(%arg7 : memref<1000xi32, #tpu.memory_space<vmem>>) target_semaphore(%arg19 : memref<!tpu.dma_semaphore, #tpu.memory_space<semaphore_mem>>)
    %dma_wait3A_318 = tpu.memref_slice %arg2[%add3A_284, %mul3A_32] : memref<100000x128xf32, #tpu.memory_space<hbm>> -> memref<1000x16xf32, #tpu.memory_space<hbm>>
    %dma_wait3A_319 = tpu.memref_slice %arg2[%add3A_284, %mul3A_32] : memref<100000x128xf32, #tpu.memory_space<hbm>> -> memref<1000x16xf32, #tpu.memory_space<hbm>>
    tpu.wait_dma2 semaphore(%arg18 : memref<!tpu.dma_semaphore, #tpu.memory_space<semaphore_mem>>) src(%dma_wait3A_319 : memref<1000x16xf32, #tpu.memory_space<hbm>>) dst(%arg6 : memref<1000x16xf32, #tpu.memory_space<vmem>>)
    %dma_wait3A_320 = tpu.memref_slice %arg3[%add3A_284] : memref<100000xi32, #tpu.memory_space<hbm>> -> memref<1000xi32, #tpu.memory_space<hbm>>
    %dma_wait3A_321 = tpu.memref_slice %arg3[%add3A_284] : memref<100000xi32, #tpu.memory_space<hbm>> -> memref<1000xi32, #tpu.memory_space<hbm>>
    tpu.wait_dma2 semaphore(%arg20 : memref<!tpu.dma_semaphore, #tpu.memory_space<semaphore_mem>>) src(%dma_wait3A_321 : memref<1000xi32, #tpu.memory_space<hbm>>) dst(%arg8 : memref<1000xi32, #tpu.memory_space<vmem>>)
    %dma_start3A_322 = arith.constant 0 : i32
    %dma_start3A_323 = arith.constant 0 : i32
    %dma_start3A_324 = tpu.memref_slice %arg15[%arg1, %dma_start3A_322, %dma_start3A_323] : memref<16x2048x16xf32, #tpu.memory_space<vmem_shared>> -> memref<1x2048x16xf32, #tpu.memory_space<vmem_shared>>
    %dma_start3A_325 = tpu.memref_squeeze %dma_start3A_324 : memref<1x2048x16xf32, #tpu.memory_space<vmem_shared>> -> memref<2048x16xf32, #tpu.memory_space<vmem_shared>>
    %dma_start3A_326 = arith.constant 0 : i32
    %dma_start3A_327 = arith.constant 0 : i32
    %dma_start3A_328 = tpu.memref_slice %dma_start3A_325[%dma_start3A_326, %dma_start3A_327] : memref<2048x16xf32, #tpu.memory_space<vmem_shared>> -> memref<2048x16xf32, #tpu.memory_space<vmem_shared>>
    tpu.enqueue_indirect_dma source(%arg6 : memref<1000x16xf32, #tpu.memory_space<vmem>>) target(%dma_start3A_328 : memref<2048x16xf32, #tpu.memory_space<vmem_shared>>) offsets(%arg8 : memref<1000xi32, #tpu.memory_space<vmem>>) semaphore(%arg22 : memref<!tpu.dma_semaphore, #tpu.memory_space<semaphore_mem>>) {add = true}
    %scan3A_329 = arith.constant 0 : i32
    %scan3A_330 = arith.constant 63 : i32
    %scan3A_331 = arith.addi %scan3A_329, %scan3A_330 : i32
    %scan3A_332 = arith.constant 1 : i32
    scf.for %scan3A_896 = %scan3A_329 to %scan3A_331 step %scan3A_332  : i32 {
      %eq3A_897 = arith.constant 62 : i32
      %eq3A_898 = arith.cmpi eq, %scan3A_896, %eq3A_897 : i32
      %mul3A_899 = arith.constant 16 : i32
      %mul3A_900 = arith.muli %scan3A_896, %mul3A_899 : i32
      %jit3A_901 = arith.constant 984 : i32
      %select_n3A_902 = arith.select %eq3A_898, %jit3A_901, %mul3A_900 : i32
      %jit3A_903 = arith.constant 8 : i32
      %jit3A_904 = arith.constant 0 : i32
      %select_n3A_905 = arith.select %eq3A_898, %jit3A_903, %jit3A_904 : i32
      %get3A = arith.index_cast %select_n3A_902 : i32 to index
      %get3A_906 = tpu.vector_load %arg8[%get3A] {strides = array<i32>} : memref<1000xi32, #tpu.memory_space<vmem>>, vector<16xi32>,
      %ge3A = vector.broadcast %select_n3A_905 : i32 to vector<16xi32>
      %ge3A_907 = arith.cmpi sge, %iota3A, %ge3A : vector<16xi32>
      %jit3A_908 = arith.constant 0 : i32
      %broadcast_in_dim3A_909 = vector.broadcast %jit3A_908 : i32 to vector<16xi32>
      %select_n3A_910 = arith.select %ge3A_907, %get3A_906, %broadcast_in_dim3A_909 : vector<16xi1>, vector<16xi32>
      tpu.vector_store_idx %arg10[%select_n3A_910], %broadcast_in_dim3A_51 masked %ge3A_907 {add = true} : memref<2048xf32, #tpu.memory_space<vmem>>[vector<16xi32>], vector<16xf32>, vector<16xi1>
    }
    %scan3A_333 = arith.constant 63 : i32
    %dma_wait3A_334 = arith.constant 0 : i32
    %dma_wait3A_335 = arith.constant 0 : i32
    %dma_wait3A_336 = tpu.memref_slice %arg15[%arg1, %dma_wait3A_334, %dma_wait3A_335] : memref<16x2048x16xf32, #tpu.memory_space<vmem_shared>> -> memref<1x2048x16xf32, #tpu.memory_space<vmem_shared>>
    %dma_wait3A_337 = tpu.memref_squeeze %dma_wait3A_336 : memref<1x2048x16xf32, #tpu.memory_space<vmem_shared>> -> memref<2048x16xf32, #tpu.memory_space<vmem_shared>>
    %dma_wait3A_338 = arith.constant 0 : i32
    %dma_wait3A_339 = arith.constant 0 : i32
    %dma_wait3A_340 = tpu.memref_slice %dma_wait3A_337[%dma_wait3A_338, %dma_wait3A_339] : memref<2048x16xf32, #tpu.memory_space<vmem_shared>> -> memref<2048x16xf32, #tpu.memory_space<vmem_shared>>
    tpu.wait_indirect_dma semaphore(%arg22 : memref<!tpu.dma_semaphore, #tpu.memory_space<semaphore_mem>>) src(%arg6 : memref<1000x16xf32, #tpu.memory_space<vmem>>) dst(%dma_wait3A_340 : memref<2048x16xf32, #tpu.memory_space<vmem_shared>>)
    %add3A_341 = arith.constant 11000 : i32
    %add3A_342 = arith.addi %mul3A_34, %add3A_341 : i32
    %dma_start3A_343 = tpu.memref_slice %arg2[%add3A_342, %mul3A_32] : memref<100000x128xf32, #tpu.memory_space<hbm>> -> memref<1000x16xf32, #tpu.memory_space<hbm>>
    %dma_start3A_344 = tpu.memref_slice %arg2[%add3A_342, %mul3A_32] : memref<100000x128xf32, #tpu.memory_space<hbm>> -> memref<1000x16xf32, #tpu.memory_space<hbm>>
    tpu.enqueue_dma source(%dma_start3A_344 : memref<1000x16xf32, #tpu.memory_space<hbm>>) target(%arg6 : memref<1000x16xf32, #tpu.memory_space<vmem>>) target_semaphore(%arg18 : memref<!tpu.dma_semaphore, #tpu.memory_space<semaphore_mem>>)
    %dma_start3A_345 = tpu.memref_slice %arg3[%add3A_342] : memref<100000xi32, #tpu.memory_space<hbm>> -> memref<1000xi32, #tpu.memory_space<hbm>>
    %dma_start3A_346 = tpu.memref_slice %arg3[%add3A_342] : memref<100000xi32, #tpu.memory_space<hbm>> -> memref<1000xi32, #tpu.memory_space<hbm>>
    tpu.enqueue_dma source(%dma_start3A_346 : memref<1000xi32, #tpu.memory_space<hbm>>) target(%arg8 : memref<1000xi32, #tpu.memory_space<vmem>>) target_semaphore(%arg20 : memref<!tpu.dma_semaphore, #tpu.memory_space<semaphore_mem>>)
    %dma_wait3A_347 = tpu.memref_slice %arg2[%add3A_313, %mul3A_32] : memref<100000x128xf32, #tpu.memory_space<hbm>> -> memref<1000x16xf32, #tpu.memory_space<hbm>>
    %dma_wait3A_348 = tpu.memref_slice %arg2[%add3A_313, %mul3A_32] : memref<100000x128xf32, #tpu.memory_space<hbm>> -> memref<1000x16xf32, #tpu.memory_space<hbm>>
    tpu.wait_dma2 semaphore(%arg17 : memref<!tpu.dma_semaphore, #tpu.memory_space<semaphore_mem>>) src(%dma_wait3A_348 : memref<1000x16xf32, #tpu.memory_space<hbm>>) dst(%arg5 : memref<1000x16xf32, #tpu.memory_space<vmem>>)
    %dma_wait3A_349 = tpu.memref_slice %arg3[%add3A_313] : memref<100000xi32, #tpu.memory_space<hbm>> -> memref<1000xi32, #tpu.memory_space<hbm>>
    %dma_wait3A_350 = tpu.memref_slice %arg3[%add3A_313] : memref<100000xi32, #tpu.memory_space<hbm>> -> memref<1000xi32, #tpu.memory_space<hbm>>
    tpu.wait_dma2 semaphore(%arg19 : memref<!tpu.dma_semaphore, #tpu.memory_space<semaphore_mem>>) src(%dma_wait3A_350 : memref<1000xi32, #tpu.memory_space<hbm>>) dst(%arg7 : memref<1000xi32, #tpu.memory_space<vmem>>)
    %dma_start3A_351 = arith.constant 0 : i32
    %dma_start3A_352 = arith.constant 0 : i32
    %dma_start3A_353 = tpu.memref_slice %arg15[%arg1, %dma_start3A_351, %dma_start3A_352] : memref<16x2048x16xf32, #tpu.memory_space<vmem_shared>> -> memref<1x2048x16xf32, #tpu.memory_space<vmem_shared>>
    %dma_start3A_354 = tpu.memref_squeeze %dma_start3A_353 : memref<1x2048x16xf32, #tpu.memory_space<vmem_shared>> -> memref<2048x16xf32, #tpu.memory_space<vmem_shared>>
    %dma_start3A_355 = arith.constant 0 : i32
    %dma_start3A_356 = arith.constant 0 : i32
    %dma_start3A_357 = tpu.memref_slice %dma_start3A_354[%dma_start3A_355, %dma_start3A_356] : memref<2048x16xf32, #tpu.memory_space<vmem_shared>> -> memref<2048x16xf32, #tpu.memory_space<vmem_shared>>
    tpu.enqueue_indirect_dma source(%arg5 : memref<1000x16xf32, #tpu.memory_space<vmem>>) target(%dma_start3A_357 : memref<2048x16xf32, #tpu.memory_space<vmem_shared>>) offsets(%arg7 : memref<1000xi32, #tpu.memory_space<vmem>>) semaphore(%arg21 : memref<!tpu.dma_semaphore, #tpu.memory_space<semaphore_mem>>) {add = true}
    %scan3A_358 = arith.constant 0 : i32
    %scan3A_359 = arith.constant 63 : i32
    %scan3A_360 = arith.addi %scan3A_358, %scan3A_359 : i32
    %scan3A_361 = arith.constant 1 : i32
    scf.for %scan3A_896 = %scan3A_358 to %scan3A_360 step %scan3A_361  : i32 {
      %eq3A_897 = arith.constant 62 : i32
      %eq3A_898 = arith.cmpi eq, %scan3A_896, %eq3A_897 : i32
      %mul3A_899 = arith.constant 16 : i32
      %mul3A_900 = arith.muli %scan3A_896, %mul3A_899 : i32
      %jit3A_901 = arith.constant 984 : i32
      %select_n3A_902 = arith.select %eq3A_898, %jit3A_901, %mul3A_900 : i32
      %jit3A_903 = arith.constant 8 : i32
      %jit3A_904 = arith.constant 0 : i32
      %select_n3A_905 = arith.select %eq3A_898, %jit3A_903, %jit3A_904 : i32
      %get3A = arith.index_cast %select_n3A_902 : i32 to index
      %get3A_906 = tpu.vector_load %arg7[%get3A] {strides = array<i32>} : memref<1000xi32, #tpu.memory_space<vmem>>, vector<16xi32>,
      %ge3A = vector.broadcast %select_n3A_905 : i32 to vector<16xi32>
      %ge3A_907 = arith.cmpi sge, %iota3A, %ge3A : vector<16xi32>
      %jit3A_908 = arith.constant 0 : i32
      %broadcast_in_dim3A_909 = vector.broadcast %jit3A_908 : i32 to vector<16xi32>
      %select_n3A_910 = arith.select %ge3A_907, %get3A_906, %broadcast_in_dim3A_909 : vector<16xi1>, vector<16xi32>
      tpu.vector_store_idx %arg10[%select_n3A_910], %broadcast_in_dim3A_51 masked %ge3A_907 {add = true} : memref<2048xf32, #tpu.memory_space<vmem>>[vector<16xi32>], vector<16xf32>, vector<16xi1>
    }
    %scan3A_362 = arith.constant 63 : i32
    %dma_wait3A_363 = arith.constant 0 : i32
    %dma_wait3A_364 = arith.constant 0 : i32
    %dma_wait3A_365 = tpu.memref_slice %arg15[%arg1, %dma_wait3A_363, %dma_wait3A_364] : memref<16x2048x16xf32, #tpu.memory_space<vmem_shared>> -> memref<1x2048x16xf32, #tpu.memory_space<vmem_shared>>
    %dma_wait3A_366 = tpu.memref_squeeze %dma_wait3A_365 : memref<1x2048x16xf32, #tpu.memory_space<vmem_shared>> -> memref<2048x16xf32, #tpu.memory_space<vmem_shared>>
    %dma_wait3A_367 = arith.constant 0 : i32
    %dma_wait3A_368 = arith.constant 0 : i32
    %dma_wait3A_369 = tpu.memref_slice %dma_wait3A_366[%dma_wait3A_367, %dma_wait3A_368] : memref<2048x16xf32, #tpu.memory_space<vmem_shared>> -> memref<2048x16xf32, #tpu.memory_space<vmem_shared>>
    tpu.wait_indirect_dma semaphore(%arg21 : memref<!tpu.dma_semaphore, #tpu.memory_space<semaphore_mem>>) src(%arg5 : memref<1000x16xf32, #tpu.memory_space<vmem>>) dst(%dma_wait3A_369 : memref<2048x16xf32, #tpu.memory_space<vmem_shared>>)
    %add3A_370 = arith.constant 12000 : i32
    %add3A_371 = arith.addi %mul3A_34, %add3A_370 : i32
    %dma_start3A_372 = tpu.memref_slice %arg2[%add3A_371, %mul3A_32] : memref<100000x128xf32, #tpu.memory_space<hbm>> -> memref<1000x16xf32, #tpu.memory_space<hbm>>
    %dma_start3A_373 = tpu.memref_slice %arg2[%add3A_371, %mul3A_32] : memref<100000x128xf32, #tpu.memory_space<hbm>> -> memref<1000x16xf32, #tpu.memory_space<hbm>>
    tpu.enqueue_dma source(%dma_start3A_373 : memref<1000x16xf32, #tpu.memory_space<hbm>>) target(%arg5 : memref<1000x16xf32, #tpu.memory_space<vmem>>) target_semaphore(%arg17 : memref<!tpu.dma_semaphore, #tpu.memory_space<semaphore_mem>>)
    %dma_start3A_374 = tpu.memref_slice %arg3[%add3A_371] : memref<100000xi32, #tpu.memory_space<hbm>> -> memref<1000xi32, #tpu.memory_space<hbm>>
    %dma_start3A_375 = tpu.memref_slice %arg3[%add3A_371] : memref<100000xi32, #tpu.memory_space<hbm>> -> memref<1000xi32, #tpu.memory_space<hbm>>
    tpu.enqueue_dma source(%dma_start3A_375 : memref<1000xi32, #tpu.memory_space<hbm>>) target(%arg7 : memref<1000xi32, #tpu.memory_space<vmem>>) target_semaphore(%arg19 : memref<!tpu.dma_semaphore, #tpu.memory_space<semaphore_mem>>)
    %dma_wait3A_376 = tpu.memref_slice %arg2[%add3A_342, %mul3A_32] : memref<100000x128xf32, #tpu.memory_space<hbm>> -> memref<1000x16xf32, #tpu.memory_space<hbm>>
    %dma_wait3A_377 = tpu.memref_slice %arg2[%add3A_342, %mul3A_32] : memref<100000x128xf32, #tpu.memory_space<hbm>> -> memref<1000x16xf32, #tpu.memory_space<hbm>>
    tpu.wait_dma2 semaphore(%arg18 : memref<!tpu.dma_semaphore, #tpu.memory_space<semaphore_mem>>) src(%dma_wait3A_377 : memref<1000x16xf32, #tpu.memory_space<hbm>>) dst(%arg6 : memref<1000x16xf32, #tpu.memory_space<vmem>>)
    %dma_wait3A_378 = tpu.memref_slice %arg3[%add3A_342] : memref<100000xi32, #tpu.memory_space<hbm>> -> memref<1000xi32, #tpu.memory_space<hbm>>
    %dma_wait3A_379 = tpu.memref_slice %arg3[%add3A_342] : memref<100000xi32, #tpu.memory_space<hbm>> -> memref<1000xi32, #tpu.memory_space<hbm>>
    tpu.wait_dma2 semaphore(%arg20 : memref<!tpu.dma_semaphore, #tpu.memory_space<semaphore_mem>>) src(%dma_wait3A_379 : memref<1000xi32, #tpu.memory_space<hbm>>) dst(%arg8 : memref<1000xi32, #tpu.memory_space<vmem>>)
    %dma_start3A_380 = arith.constant 0 : i32
    %dma_start3A_381 = arith.constant 0 : i32
    %dma_start3A_382 = tpu.memref_slice %arg15[%arg1, %dma_start3A_380, %dma_start3A_381] : memref<16x2048x16xf32, #tpu.memory_space<vmem_shared>> -> memref<1x2048x16xf32, #tpu.memory_space<vmem_shared>>
    %dma_start3A_383 = tpu.memref_squeeze %dma_start3A_382 : memref<1x2048x16xf32, #tpu.memory_space<vmem_shared>> -> memref<2048x16xf32, #tpu.memory_space<vmem_shared>>
    %dma_start3A_384 = arith.constant 0 : i32
    %dma_start3A_385 = arith.constant 0 : i32
    %dma_start3A_386 = tpu.memref_slice %dma_start3A_383[%dma_start3A_384, %dma_start3A_385] : memref<2048x16xf32, #tpu.memory_space<vmem_shared>> -> memref<2048x16xf32, #tpu.memory_space<vmem_shared>>
    tpu.enqueue_indirect_dma source(%arg6 : memref<1000x16xf32, #tpu.memory_space<vmem>>) target(%dma_start3A_386 : memref<2048x16xf32, #tpu.memory_space<vmem_shared>>) offsets(%arg8 : memref<1000xi32, #tpu.memory_space<vmem>>) semaphore(%arg22 : memref<!tpu.dma_semaphore, #tpu.memory_space<semaphore_mem>>) {add = true}
    %scan3A_387 = arith.constant 0 : i32
    %scan3A_388 = arith.constant 63 : i32
    %scan3A_389 = arith.addi %scan3A_387, %scan3A_388 : i32
    %scan3A_390 = arith.constant 1 : i32
    scf.for %scan3A_896 = %scan3A_387 to %scan3A_389 step %scan3A_390  : i32 {
      %eq3A_897 = arith.constant 62 : i32
      %eq3A_898 = arith.cmpi eq, %scan3A_896, %eq3A_897 : i32
      %mul3A_899 = arith.constant 16 : i32
      %mul3A_900 = arith.muli %scan3A_896, %mul3A_899 : i32
      %jit3A_901 = arith.constant 984 : i32
      %select_n3A_902 = arith.select %eq3A_898, %jit3A_901, %mul3A_900 : i32
      %jit3A_903 = arith.constant 8 : i32
      %jit3A_904 = arith.constant 0 : i32
      %select_n3A_905 = arith.select %eq3A_898, %jit3A_903, %jit3A_904 : i32
      %get3A = arith.index_cast %select_n3A_902 : i32 to index
      %get3A_906 = tpu.vector_load %arg8[%get3A] {strides = array<i32>} : memref<1000xi32, #tpu.memory_space<vmem>>, vector<16xi32>,
      %ge3A = vector.broadcast %select_n3A_905 : i32 to vector<16xi32>
      %ge3A_907 = arith.cmpi sge, %iota3A, %ge3A : vector<16xi32>
      %jit3A_908 = arith.constant 0 : i32
      %broadcast_in_dim3A_909 = vector.broadcast %jit3A_908 : i32 to vector<16xi32>
      %select_n3A_910 = arith.select %ge3A_907, %get3A_906, %broadcast_in_dim3A_909 : vector<16xi1>, vector<16xi32>
      tpu.vector_store_idx %arg10[%select_n3A_910], %broadcast_in_dim3A_51 masked %ge3A_907 {add = true} : memref<2048xf32, #tpu.memory_space<vmem>>[vector<16xi32>], vector<16xf32>, vector<16xi1>
    }
    %scan3A_391 = arith.constant 63 : i32
    %dma_wait3A_392 = arith.constant 0 : i32
    %dma_wait3A_393 = arith.constant 0 : i32
    %dma_wait3A_394 = tpu.memref_slice %arg15[%arg1, %dma_wait3A_392, %dma_wait3A_393] : memref<16x2048x16xf32, #tpu.memory_space<vmem_shared>> -> memref<1x2048x16xf32, #tpu.memory_space<vmem_shared>>
    %dma_wait3A_395 = tpu.memref_squeeze %dma_wait3A_394 : memref<1x2048x16xf32, #tpu.memory_space<vmem_shared>> -> memref<2048x16xf32, #tpu.memory_space<vmem_shared>>
    %dma_wait3A_396 = arith.constant 0 : i32
    %dma_wait3A_397 = arith.constant 0 : i32
    %dma_wait3A_398 = tpu.memref_slice %dma_wait3A_395[%dma_wait3A_396, %dma_wait3A_397] : memref<2048x16xf32, #tpu.memory_space<vmem_shared>> -> memref<2048x16xf32, #tpu.memory_space<vmem_shared>>
    tpu.wait_indirect_dma semaphore(%arg22 : memref<!tpu.dma_semaphore, #tpu.memory_space<semaphore_mem>>) src(%arg6 : memref<1000x16xf32, #tpu.memory_space<vmem>>) dst(%dma_wait3A_398 : memref<2048x16xf32, #tpu.memory_space<vmem_shared>>)
    %add3A_399 = arith.constant 13000 : i32
    %add3A_400 = arith.addi %mul3A_34, %add3A_399 : i32
    %dma_start3A_401 = tpu.memref_slice %arg2[%add3A_400, %mul3A_32] : memref<100000x128xf32, #tpu.memory_space<hbm>> -> memref<1000x16xf32, #tpu.memory_space<hbm>>
    %dma_start3A_402 = tpu.memref_slice %arg2[%add3A_400, %mul3A_32] : memref<100000x128xf32, #tpu.memory_space<hbm>> -> memref<1000x16xf32, #tpu.memory_space<hbm>>
    tpu.enqueue_dma source(%dma_start3A_402 : memref<1000x16xf32, #tpu.memory_space<hbm>>) target(%arg6 : memref<1000x16xf32, #tpu.memory_space<vmem>>) target_semaphore(%arg18 : memref<!tpu.dma_semaphore, #tpu.memory_space<semaphore_mem>>)
    %dma_start3A_403 = tpu.memref_slice %arg3[%add3A_400] : memref<100000xi32, #tpu.memory_space<hbm>> -> memref<1000xi32, #tpu.memory_space<hbm>>
    %dma_start3A_404 = tpu.memref_slice %arg3[%add3A_400] : memref<100000xi32, #tpu.memory_space<hbm>> -> memref<1000xi32, #tpu.memory_space<hbm>>
    tpu.enqueue_dma source(%dma_start3A_404 : memref<1000xi32, #tpu.memory_space<hbm>>) target(%arg8 : memref<1000xi32, #tpu.memory_space<vmem>>) target_semaphore(%arg20 : memref<!tpu.dma_semaphore, #tpu.memory_space<semaphore_mem>>)
    %dma_wait3A_405 = tpu.memref_slice %arg2[%add3A_371, %mul3A_32] : memref<100000x128xf32, #tpu.memory_space<hbm>> -> memref<1000x16xf32, #tpu.memory_space<hbm>>
    %dma_wait3A_406 = tpu.memref_slice %arg2[%add3A_371, %mul3A_32] : memref<100000x128xf32, #tpu.memory_space<hbm>> -> memref<1000x16xf32, #tpu.memory_space<hbm>>
    tpu.wait_dma2 semaphore(%arg17 : memref<!tpu.dma_semaphore, #tpu.memory_space<semaphore_mem>>) src(%dma_wait3A_406 : memref<1000x16xf32, #tpu.memory_space<hbm>>) dst(%arg5 : memref<1000x16xf32, #tpu.memory_space<vmem>>)
    %dma_wait3A_407 = tpu.memref_slice %arg3[%add3A_371] : memref<100000xi32, #tpu.memory_space<hbm>> -> memref<1000xi32, #tpu.memory_space<hbm>>
    %dma_wait3A_408 = tpu.memref_slice %arg3[%add3A_371] : memref<100000xi32, #tpu.memory_space<hbm>> -> memref<1000xi32, #tpu.memory_space<hbm>>
    tpu.wait_dma2 semaphore(%arg19 : memref<!tpu.dma_semaphore, #tpu.memory_space<semaphore_mem>>) src(%dma_wait3A_408 : memref<1000xi32, #tpu.memory_space<hbm>>) dst(%arg7 : memref<1000xi32, #tpu.memory_space<vmem>>)
    %dma_start3A_409 = arith.constant 0 : i32
    %dma_start3A_410 = arith.constant 0 : i32
    %dma_start3A_411 = tpu.memref_slice %arg15[%arg1, %dma_start3A_409, %dma_start3A_410] : memref<16x2048x16xf32, #tpu.memory_space<vmem_shared>> -> memref<1x2048x16xf32, #tpu.memory_space<vmem_shared>>
    %dma_start3A_412 = tpu.memref_squeeze %dma_start3A_411 : memref<1x2048x16xf32, #tpu.memory_space<vmem_shared>> -> memref<2048x16xf32, #tpu.memory_space<vmem_shared>>
    %dma_start3A_413 = arith.constant 0 : i32
    %dma_start3A_414 = arith.constant 0 : i32
    %dma_start3A_415 = tpu.memref_slice %dma_start3A_412[%dma_start3A_413, %dma_start3A_414] : memref<2048x16xf32, #tpu.memory_space<vmem_shared>> -> memref<2048x16xf32, #tpu.memory_space<vmem_shared>>
    tpu.enqueue_indirect_dma source(%arg5 : memref<1000x16xf32, #tpu.memory_space<vmem>>) target(%dma_start3A_415 : memref<2048x16xf32, #tpu.memory_space<vmem_shared>>) offsets(%arg7 : memref<1000xi32, #tpu.memory_space<vmem>>) semaphore(%arg21 : memref<!tpu.dma_semaphore, #tpu.memory_space<semaphore_mem>>) {add = true}
    %scan3A_416 = arith.constant 0 : i32
    %scan3A_417 = arith.constant 63 : i32
    %scan3A_418 = arith.addi %scan3A_416, %scan3A_417 : i32
    %scan3A_419 = arith.constant 1 : i32
    scf.for %scan3A_896 = %scan3A_416 to %scan3A_418 step %scan3A_419  : i32 {
      %eq3A_897 = arith.constant 62 : i32
      %eq3A_898 = arith.cmpi eq, %scan3A_896, %eq3A_897 : i32
      %mul3A_899 = arith.constant 16 : i32
      %mul3A_900 = arith.muli %scan3A_896, %mul3A_899 : i32
      %jit3A_901 = arith.constant 984 : i32
      %select_n3A_902 = arith.select %eq3A_898, %jit3A_901, %mul3A_900 : i32
      %jit3A_903 = arith.constant 8 : i32
      %jit3A_904 = arith.constant 0 : i32
      %select_n3A_905 = arith.select %eq3A_898, %jit3A_903, %jit3A_904 : i32
      %get3A = arith.index_cast %select_n3A_902 : i32 to index
      %get3A_906 = tpu.vector_load %arg7[%get3A] {strides = array<i32>} : memref<1000xi32, #tpu.memory_space<vmem>>, vector<16xi32>,
      %ge3A = vector.broadcast %select_n3A_905 : i32 to vector<16xi32>
      %ge3A_907 = arith.cmpi sge, %iota3A, %ge3A : vector<16xi32>
      %jit3A_908 = arith.constant 0 : i32
      %broadcast_in_dim3A_909 = vector.broadcast %jit3A_908 : i32 to vector<16xi32>
      %select_n3A_910 = arith.select %ge3A_907, %get3A_906, %broadcast_in_dim3A_909 : vector<16xi1>, vector<16xi32>
      tpu.vector_store_idx %arg10[%select_n3A_910], %broadcast_in_dim3A_51 masked %ge3A_907 {add = true} : memref<2048xf32, #tpu.memory_space<vmem>>[vector<16xi32>], vector<16xf32>, vector<16xi1>
    }
    %scan3A_420 = arith.constant 63 : i32
    %dma_wait3A_421 = arith.constant 0 : i32
    %dma_wait3A_422 = arith.constant 0 : i32
    %dma_wait3A_423 = tpu.memref_slice %arg15[%arg1, %dma_wait3A_421, %dma_wait3A_422] : memref<16x2048x16xf32, #tpu.memory_space<vmem_shared>> -> memref<1x2048x16xf32, #tpu.memory_space<vmem_shared>>
    %dma_wait3A_424 = tpu.memref_squeeze %dma_wait3A_423 : memref<1x2048x16xf32, #tpu.memory_space<vmem_shared>> -> memref<2048x16xf32, #tpu.memory_space<vmem_shared>>
    %dma_wait3A_425 = arith.constant 0 : i32
    %dma_wait3A_426 = arith.constant 0 : i32
    %dma_wait3A_427 = tpu.memref_slice %dma_wait3A_424[%dma_wait3A_425, %dma_wait3A_426] : memref<2048x16xf32, #tpu.memory_space<vmem_shared>> -> memref<2048x16xf32, #tpu.memory_space<vmem_shared>>
    tpu.wait_indirect_dma semaphore(%arg21 : memref<!tpu.dma_semaphore, #tpu.memory_space<semaphore_mem>>) src(%arg5 : memref<1000x16xf32, #tpu.memory_space<vmem>>) dst(%dma_wait3A_427 : memref<2048x16xf32, #tpu.memory_space<vmem_shared>>)
    %add3A_428 = arith.constant 14000 : i32
    %add3A_429 = arith.addi %mul3A_34, %add3A_428 : i32
    %dma_start3A_430 = tpu.memref_slice %arg2[%add3A_429, %mul3A_32] : memref<100000x128xf32, #tpu.memory_space<hbm>> -> memref<1000x16xf32, #tpu.memory_space<hbm>>
    %dma_start3A_431 = tpu.memref_slice %arg2[%add3A_429, %mul3A_32] : memref<100000x128xf32, #tpu.memory_space<hbm>> -> memref<1000x16xf32, #tpu.memory_space<hbm>>
    tpu.enqueue_dma source(%dma_start3A_431 : memref<1000x16xf32, #tpu.memory_space<hbm>>) target(%arg5 : memref<1000x16xf32, #tpu.memory_space<vmem>>) target_semaphore(%arg17 : memref<!tpu.dma_semaphore, #tpu.memory_space<semaphore_mem>>)
    %dma_start3A_432 = tpu.memref_slice %arg3[%add3A_429] : memref<100000xi32, #tpu.memory_space<hbm>> -> memref<1000xi32, #tpu.memory_space<hbm>>
    %dma_start3A_433 = tpu.memref_slice %arg3[%add3A_429] : memref<100000xi32, #tpu.memory_space<hbm>> -> memref<1000xi32, #tpu.memory_space<hbm>>
    tpu.enqueue_dma source(%dma_start3A_433 : memref<1000xi32, #tpu.memory_space<hbm>>) target(%arg7 : memref<1000xi32, #tpu.memory_space<vmem>>) target_semaphore(%arg19 : memref<!tpu.dma_semaphore, #tpu.memory_space<semaphore_mem>>)
    %dma_wait3A_434 = tpu.memref_slice %arg2[%add3A_400, %mul3A_32] : memref<100000x128xf32, #tpu.memory_space<hbm>> -> memref<1000x16xf32, #tpu.memory_space<hbm>>
    %dma_wait3A_435 = tpu.memref_slice %arg2[%add3A_400, %mul3A_32] : memref<100000x128xf32, #tpu.memory_space<hbm>> -> memref<1000x16xf32, #tpu.memory_space<hbm>>
    tpu.wait_dma2 semaphore(%arg18 : memref<!tpu.dma_semaphore, #tpu.memory_space<semaphore_mem>>) src(%dma_wait3A_435 : memref<1000x16xf32, #tpu.memory_space<hbm>>) dst(%arg6 : memref<1000x16xf32, #tpu.memory_space<vmem>>)
    %dma_wait3A_436 = tpu.memref_slice %arg3[%add3A_400] : memref<100000xi32, #tpu.memory_space<hbm>> -> memref<1000xi32, #tpu.memory_space<hbm>>
    %dma_wait3A_437 = tpu.memref_slice %arg3[%add3A_400] : memref<100000xi32, #tpu.memory_space<hbm>> -> memref<1000xi32, #tpu.memory_space<hbm>>
    tpu.wait_dma2 semaphore(%arg20 : memref<!tpu.dma_semaphore, #tpu.memory_space<semaphore_mem>>) src(%dma_wait3A_437 : memref<1000xi32, #tpu.memory_space<hbm>>) dst(%arg8 : memref<1000xi32, #tpu.memory_space<vmem>>)
    %dma_start3A_438 = arith.constant 0 : i32
    %dma_start3A_439 = arith.constant 0 : i32
    %dma_start3A_440 = tpu.memref_slice %arg15[%arg1, %dma_start3A_438, %dma_start3A_439] : memref<16x2048x16xf32, #tpu.memory_space<vmem_shared>> -> memref<1x2048x16xf32, #tpu.memory_space<vmem_shared>>
    %dma_start3A_441 = tpu.memref_squeeze %dma_start3A_440 : memref<1x2048x16xf32, #tpu.memory_space<vmem_shared>> -> memref<2048x16xf32, #tpu.memory_space<vmem_shared>>
    %dma_start3A_442 = arith.constant 0 : i32
    %dma_start3A_443 = arith.constant 0 : i32
    %dma_start3A_444 = tpu.memref_slice %dma_start3A_441[%dma_start3A_442, %dma_start3A_443] : memref<2048x16xf32, #tpu.memory_space<vmem_shared>> -> memref<2048x16xf32, #tpu.memory_space<vmem_shared>>
    tpu.enqueue_indirect_dma source(%arg6 : memref<1000x16xf32, #tpu.memory_space<vmem>>) target(%dma_start3A_444 : memref<2048x16xf32, #tpu.memory_space<vmem_shared>>) offsets(%arg8 : memref<1000xi32, #tpu.memory_space<vmem>>) semaphore(%arg22 : memref<!tpu.dma_semaphore, #tpu.memory_space<semaphore_mem>>) {add = true}
    %scan3A_445 = arith.constant 0 : i32
    %scan3A_446 = arith.constant 63 : i32
    %scan3A_447 = arith.addi %scan3A_445, %scan3A_446 : i32
    %scan3A_448 = arith.constant 1 : i32
    scf.for %scan3A_896 = %scan3A_445 to %scan3A_447 step %scan3A_448  : i32 {
      %eq3A_897 = arith.constant 62 : i32
      %eq3A_898 = arith.cmpi eq, %scan3A_896, %eq3A_897 : i32
      %mul3A_899 = arith.constant 16 : i32
      %mul3A_900 = arith.muli %scan3A_896, %mul3A_899 : i32
      %jit3A_901 = arith.constant 984 : i32
      %select_n3A_902 = arith.select %eq3A_898, %jit3A_901, %mul3A_900 : i32
      %jit3A_903 = arith.constant 8 : i32
      %jit3A_904 = arith.constant 0 : i32
      %select_n3A_905 = arith.select %eq3A_898, %jit3A_903, %jit3A_904 : i32
      %get3A = arith.index_cast %select_n3A_902 : i32 to index
      %get3A_906 = tpu.vector_load %arg8[%get3A] {strides = array<i32>} : memref<1000xi32, #tpu.memory_space<vmem>>, vector<16xi32>,
      %ge3A = vector.broadcast %select_n3A_905 : i32 to vector<16xi32>
      %ge3A_907 = arith.cmpi sge, %iota3A, %ge3A : vector<16xi32>
      %jit3A_908 = arith.constant 0 : i32
      %broadcast_in_dim3A_909 = vector.broadcast %jit3A_908 : i32 to vector<16xi32>
      %select_n3A_910 = arith.select %ge3A_907, %get3A_906, %broadcast_in_dim3A_909 : vector<16xi1>, vector<16xi32>
      tpu.vector_store_idx %arg10[%select_n3A_910], %broadcast_in_dim3A_51 masked %ge3A_907 {add = true} : memref<2048xf32, #tpu.memory_space<vmem>>[vector<16xi32>], vector<16xf32>, vector<16xi1>
    }
    %scan3A_449 = arith.constant 63 : i32
    %dma_wait3A_450 = arith.constant 0 : i32
    %dma_wait3A_451 = arith.constant 0 : i32
    %dma_wait3A_452 = tpu.memref_slice %arg15[%arg1, %dma_wait3A_450, %dma_wait3A_451] : memref<16x2048x16xf32, #tpu.memory_space<vmem_shared>> -> memref<1x2048x16xf32, #tpu.memory_space<vmem_shared>>
    %dma_wait3A_453 = tpu.memref_squeeze %dma_wait3A_452 : memref<1x2048x16xf32, #tpu.memory_space<vmem_shared>> -> memref<2048x16xf32, #tpu.memory_space<vmem_shared>>
    %dma_wait3A_454 = arith.constant 0 : i32
    %dma_wait3A_455 = arith.constant 0 : i32
    %dma_wait3A_456 = tpu.memref_slice %dma_wait3A_453[%dma_wait3A_454, %dma_wait3A_455] : memref<2048x16xf32, #tpu.memory_space<vmem_shared>> -> memref<2048x16xf32, #tpu.memory_space<vmem_shared>>
    tpu.wait_indirect_dma semaphore(%arg22 : memref<!tpu.dma_semaphore, #tpu.memory_space<semaphore_mem>>) src(%arg6 : memref<1000x16xf32, #tpu.memory_space<vmem>>) dst(%dma_wait3A_456 : memref<2048x16xf32, #tpu.memory_space<vmem_shared>>)
    %add3A_457 = arith.constant 15000 : i32
    %add3A_458 = arith.addi %mul3A_34, %add3A_457 : i32
    %dma_start3A_459 = tpu.memref_slice %arg2[%add3A_458, %mul3A_32] : memref<100000x128xf32, #tpu.memory_space<hbm>> -> memref<1000x16xf32, #tpu.memory_space<hbm>>
    %dma_start3A_460 = tpu.memref_slice %arg2[%add3A_458, %mul3A_32] : memref<100000x128xf32, #tpu.memory_space<hbm>> -> memref<1000x16xf32, #tpu.memory_space<hbm>>
    tpu.enqueue_dma source(%dma_start3A_460 : memref<1000x16xf32, #tpu.memory_space<hbm>>) target(%arg6 : memref<1000x16xf32, #tpu.memory_space<vmem>>) target_semaphore(%arg18 : memref<!tpu.dma_semaphore, #tpu.memory_space<semaphore_mem>>)
    %dma_start3A_461 = tpu.memref_slice %arg3[%add3A_458] : memref<100000xi32, #tpu.memory_space<hbm>> -> memref<1000xi32, #tpu.memory_space<hbm>>
    %dma_start3A_462 = tpu.memref_slice %arg3[%add3A_458] : memref<100000xi32, #tpu.memory_space<hbm>> -> memref<1000xi32, #tpu.memory_space<hbm>>
    tpu.enqueue_dma source(%dma_start3A_462 : memref<1000xi32, #tpu.memory_space<hbm>>) target(%arg8 : memref<1000xi32, #tpu.memory_space<vmem>>) target_semaphore(%arg20 : memref<!tpu.dma_semaphore, #tpu.memory_space<semaphore_mem>>)
    %dma_wait3A_463 = tpu.memref_slice %arg2[%add3A_429, %mul3A_32] : memref<100000x128xf32, #tpu.memory_space<hbm>> -> memref<1000x16xf32, #tpu.memory_space<hbm>>
    %dma_wait3A_464 = tpu.memref_slice %arg2[%add3A_429, %mul3A_32] : memref<100000x128xf32, #tpu.memory_space<hbm>> -> memref<1000x16xf32, #tpu.memory_space<hbm>>
    tpu.wait_dma2 semaphore(%arg17 : memref<!tpu.dma_semaphore, #tpu.memory_space<semaphore_mem>>) src(%dma_wait3A_464 : memref<1000x16xf32, #tpu.memory_space<hbm>>) dst(%arg5 : memref<1000x16xf32, #tpu.memory_space<vmem>>)
    %dma_wait3A_465 = tpu.memref_slice %arg3[%add3A_429] : memref<100000xi32, #tpu.memory_space<hbm>> -> memref<1000xi32, #tpu.memory_space<hbm>>
    %dma_wait3A_466 = tpu.memref_slice %arg3[%add3A_429] : memref<100000xi32, #tpu.memory_space<hbm>> -> memref<1000xi32, #tpu.memory_space<hbm>>
    tpu.wait_dma2 semaphore(%arg19 : memref<!tpu.dma_semaphore, #tpu.memory_space<semaphore_mem>>) src(%dma_wait3A_466 : memref<1000xi32, #tpu.memory_space<hbm>>) dst(%arg7 : memref<1000xi32, #tpu.memory_space<vmem>>)
    %dma_start3A_467 = arith.constant 0 : i32
    %dma_start3A_468 = arith.constant 0 : i32
    %dma_start3A_469 = tpu.memref_slice %arg15[%arg1, %dma_start3A_467, %dma_start3A_468] : memref<16x2048x16xf32, #tpu.memory_space<vmem_shared>> -> memref<1x2048x16xf32, #tpu.memory_space<vmem_shared>>
    %dma_start3A_470 = tpu.memref_squeeze %dma_start3A_469 : memref<1x2048x16xf32, #tpu.memory_space<vmem_shared>> -> memref<2048x16xf32, #tpu.memory_space<vmem_shared>>
    %dma_start3A_471 = arith.constant 0 : i32
    %dma_start3A_472 = arith.constant 0 : i32
    %dma_start3A_473 = tpu.memref_slice %dma_start3A_470[%dma_start3A_471, %dma_start3A_472] : memref<2048x16xf32, #tpu.memory_space<vmem_shared>> -> memref<2048x16xf32, #tpu.memory_space<vmem_shared>>
    tpu.enqueue_indirect_dma source(%arg5 : memref<1000x16xf32, #tpu.memory_space<vmem>>) target(%dma_start3A_473 : memref<2048x16xf32, #tpu.memory_space<vmem_shared>>) offsets(%arg7 : memref<1000xi32, #tpu.memory_space<vmem>>) semaphore(%arg21 : memref<!tpu.dma_semaphore, #tpu.memory_space<semaphore_mem>>) {add = true}
    %scan3A_474 = arith.constant 0 : i32
    %scan3A_475 = arith.constant 63 : i32
    %scan3A_476 = arith.addi %scan3A_474, %scan3A_475 : i32
    %scan3A_477 = arith.constant 1 : i32
    scf.for %scan3A_896 = %scan3A_474 to %scan3A_476 step %scan3A_477  : i32 {
      %eq3A_897 = arith.constant 62 : i32
      %eq3A_898 = arith.cmpi eq, %scan3A_896, %eq3A_897 : i32
      %mul3A_899 = arith.constant 16 : i32
      %mul3A_900 = arith.muli %scan3A_896, %mul3A_899 : i32
      %jit3A_901 = arith.constant 984 : i32
      %select_n3A_902 = arith.select %eq3A_898, %jit3A_901, %mul3A_900 : i32
      %jit3A_903 = arith.constant 8 : i32
      %jit3A_904 = arith.constant 0 : i32
      %select_n3A_905 = arith.select %eq3A_898, %jit3A_903, %jit3A_904 : i32
      %get3A = arith.index_cast %select_n3A_902 : i32 to index
      %get3A_906 = tpu.vector_load %arg7[%get3A] {strides = array<i32>} : memref<1000xi32, #tpu.memory_space<vmem>>, vector<16xi32>,
      %ge3A = vector.broadcast %select_n3A_905 : i32 to vector<16xi32>
      %ge3A_907 = arith.cmpi sge, %iota3A, %ge3A : vector<16xi32>
      %jit3A_908 = arith.constant 0 : i32
      %broadcast_in_dim3A_909 = vector.broadcast %jit3A_908 : i32 to vector<16xi32>
      %select_n3A_910 = arith.select %ge3A_907, %get3A_906, %broadcast_in_dim3A_909 : vector<16xi1>, vector<16xi32>
      tpu.vector_store_idx %arg10[%select_n3A_910], %broadcast_in_dim3A_51 masked %ge3A_907 {add = true} : memref<2048xf32, #tpu.memory_space<vmem>>[vector<16xi32>], vector<16xf32>, vector<16xi1>
    }
    %scan3A_478 = arith.constant 63 : i32
    %dma_wait3A_479 = arith.constant 0 : i32
    %dma_wait3A_480 = arith.constant 0 : i32
    %dma_wait3A_481 = tpu.memref_slice %arg15[%arg1, %dma_wait3A_479, %dma_wait3A_480] : memref<16x2048x16xf32, #tpu.memory_space<vmem_shared>> -> memref<1x2048x16xf32, #tpu.memory_space<vmem_shared>>
    %dma_wait3A_482 = tpu.memref_squeeze %dma_wait3A_481 : memref<1x2048x16xf32, #tpu.memory_space<vmem_shared>> -> memref<2048x16xf32, #tpu.memory_space<vmem_shared>>
    %dma_wait3A_483 = arith.constant 0 : i32
    %dma_wait3A_484 = arith.constant 0 : i32
    %dma_wait3A_485 = tpu.memref_slice %dma_wait3A_482[%dma_wait3A_483, %dma_wait3A_484] : memref<2048x16xf32, #tpu.memory_space<vmem_shared>> -> memref<2048x16xf32, #tpu.memory_space<vmem_shared>>
    tpu.wait_indirect_dma semaphore(%arg21 : memref<!tpu.dma_semaphore, #tpu.memory_space<semaphore_mem>>) src(%arg5 : memref<1000x16xf32, #tpu.memory_space<vmem>>) dst(%dma_wait3A_485 : memref<2048x16xf32, #tpu.memory_space<vmem_shared>>)
    %add3A_486 = arith.constant 16000 : i32
    %add3A_487 = arith.addi %mul3A_34, %add3A_486 : i32
    %dma_start3A_488 = tpu.memref_slice %arg2[%add3A_487, %mul3A_32] : memref<100000x128xf32, #tpu.memory_space<hbm>> -> memref<1000x16xf32, #tpu.memory_space<hbm>>
    %dma_start3A_489 = tpu.memref_slice %arg2[%add3A_487, %mul3A_32] : memref<100000x128xf32, #tpu.memory_space<hbm>> -> memref<1000x16xf32, #tpu.memory_space<hbm>>
    tpu.enqueue_dma source(%dma_start3A_489 : memref<1000x16xf32, #tpu.memory_space<hbm>>) target(%arg5 : memref<1000x16xf32, #tpu.memory_space<vmem>>) target_semaphore(%arg17 : memref<!tpu.dma_semaphore, #tpu.memory_space<semaphore_mem>>)
    %dma_start3A_490 = tpu.memref_slice %arg3[%add3A_487] : memref<100000xi32, #tpu.memory_space<hbm>> -> memref<1000xi32, #tpu.memory_space<hbm>>
    %dma_start3A_491 = tpu.memref_slice %arg3[%add3A_487] : memref<100000xi32, #tpu.memory_space<hbm>> -> memref<1000xi32, #tpu.memory_space<hbm>>
    tpu.enqueue_dma source(%dma_start3A_491 : memref<1000xi32, #tpu.memory_space<hbm>>) target(%arg7 : memref<1000xi32, #tpu.memory_space<vmem>>) target_semaphore(%arg19 : memref<!tpu.dma_semaphore, #tpu.memory_space<semaphore_mem>>)
    %dma_wait3A_492 = tpu.memref_slice %arg2[%add3A_458, %mul3A_32] : memref<100000x128xf32, #tpu.memory_space<hbm>> -> memref<1000x16xf32, #tpu.memory_space<hbm>>
    %dma_wait3A_493 = tpu.memref_slice %arg2[%add3A_458, %mul3A_32] : memref<100000x128xf32, #tpu.memory_space<hbm>> -> memref<1000x16xf32, #tpu.memory_space<hbm>>
    tpu.wait_dma2 semaphore(%arg18 : memref<!tpu.dma_semaphore, #tpu.memory_space<semaphore_mem>>) src(%dma_wait3A_493 : memref<1000x16xf32, #tpu.memory_space<hbm>>) dst(%arg6 : memref<1000x16xf32, #tpu.memory_space<vmem>>)
    %dma_wait3A_494 = tpu.memref_slice %arg3[%add3A_458] : memref<100000xi32, #tpu.memory_space<hbm>> -> memref<1000xi32, #tpu.memory_space<hbm>>
    %dma_wait3A_495 = tpu.memref_slice %arg3[%add3A_458] : memref<100000xi32, #tpu.memory_space<hbm>> -> memref<1000xi32, #tpu.memory_space<hbm>>
    tpu.wait_dma2 semaphore(%arg20 : memref<!tpu.dma_semaphore, #tpu.memory_space<semaphore_mem>>) src(%dma_wait3A_495 : memref<1000xi32, #tpu.memory_space<hbm>>) dst(%arg8 : memref<1000xi32, #tpu.memory_space<vmem>>)
    %dma_start3A_496 = arith.constant 0 : i32
    %dma_start3A_497 = arith.constant 0 : i32
    %dma_start3A_498 = tpu.memref_slice %arg15[%arg1, %dma_start3A_496, %dma_start3A_497] : memref<16x2048x16xf32, #tpu.memory_space<vmem_shared>> -> memref<1x2048x16xf32, #tpu.memory_space<vmem_shared>>
    %dma_start3A_499 = tpu.memref_squeeze %dma_start3A_498 : memref<1x2048x16xf32, #tpu.memory_space<vmem_shared>> -> memref<2048x16xf32, #tpu.memory_space<vmem_shared>>
    %dma_start3A_500 = arith.constant 0 : i32
    %dma_start3A_501 = arith.constant 0 : i32
    %dma_start3A_502 = tpu.memref_slice %dma_start3A_499[%dma_start3A_500, %dma_start3A_501] : memref<2048x16xf32, #tpu.memory_space<vmem_shared>> -> memref<2048x16xf32, #tpu.memory_space<vmem_shared>>
    tpu.enqueue_indirect_dma source(%arg6 : memref<1000x16xf32, #tpu.memory_space<vmem>>) target(%dma_start3A_502 : memref<2048x16xf32, #tpu.memory_space<vmem_shared>>) offsets(%arg8 : memref<1000xi32, #tpu.memory_space<vmem>>) semaphore(%arg22 : memref<!tpu.dma_semaphore, #tpu.memory_space<semaphore_mem>>) {add = true}
    %scan3A_503 = arith.constant 0 : i32
    %scan3A_504 = arith.constant 63 : i32
    %scan3A_505 = arith.addi %scan3A_503, %scan3A_504 : i32
    %scan3A_506 = arith.constant 1 : i32
    scf.for %scan3A_896 = %scan3A_503 to %scan3A_505 step %scan3A_506  : i32 {
      %eq3A_897 = arith.constant 62 : i32
      %eq3A_898 = arith.cmpi eq, %scan3A_896, %eq3A_897 : i32
      %mul3A_899 = arith.constant 16 : i32
      %mul3A_900 = arith.muli %scan3A_896, %mul3A_899 : i32
      %jit3A_901 = arith.constant 984 : i32
      %select_n3A_902 = arith.select %eq3A_898, %jit3A_901, %mul3A_900 : i32
      %jit3A_903 = arith.constant 8 : i32
      %jit3A_904 = arith.constant 0 : i32
      %select_n3A_905 = arith.select %eq3A_898, %jit3A_903, %jit3A_904 : i32
      %get3A = arith.index_cast %select_n3A_902 : i32 to index
      %get3A_906 = tpu.vector_load %arg8[%get3A] {strides = array<i32>} : memref<1000xi32, #tpu.memory_space<vmem>>, vector<16xi32>,
      %ge3A = vector.broadcast %select_n3A_905 : i32 to vector<16xi32>
      %ge3A_907 = arith.cmpi sge, %iota3A, %ge3A : vector<16xi32>
      %jit3A_908 = arith.constant 0 : i32
      %broadcast_in_dim3A_909 = vector.broadcast %jit3A_908 : i32 to vector<16xi32>
      %select_n3A_910 = arith.select %ge3A_907, %get3A_906, %broadcast_in_dim3A_909 : vector<16xi1>, vector<16xi32>
      tpu.vector_store_idx %arg10[%select_n3A_910], %broadcast_in_dim3A_51 masked %ge3A_907 {add = true} : memref<2048xf32, #tpu.memory_space<vmem>>[vector<16xi32>], vector<16xf32>, vector<16xi1>
    }
    %scan3A_507 = arith.constant 63 : i32
    %dma_wait3A_508 = arith.constant 0 : i32
    %dma_wait3A_509 = arith.constant 0 : i32
    %dma_wait3A_510 = tpu.memref_slice %arg15[%arg1, %dma_wait3A_508, %dma_wait3A_509] : memref<16x2048x16xf32, #tpu.memory_space<vmem_shared>> -> memref<1x2048x16xf32, #tpu.memory_space<vmem_shared>>
    %dma_wait3A_511 = tpu.memref_squeeze %dma_wait3A_510 : memref<1x2048x16xf32, #tpu.memory_space<vmem_shared>> -> memref<2048x16xf32, #tpu.memory_space<vmem_shared>>
    %dma_wait3A_512 = arith.constant 0 : i32
    %dma_wait3A_513 = arith.constant 0 : i32
    %dma_wait3A_514 = tpu.memref_slice %dma_wait3A_511[%dma_wait3A_512, %dma_wait3A_513] : memref<2048x16xf32, #tpu.memory_space<vmem_shared>> -> memref<2048x16xf32, #tpu.memory_space<vmem_shared>>
    tpu.wait_indirect_dma semaphore(%arg22 : memref<!tpu.dma_semaphore, #tpu.memory_space<semaphore_mem>>) src(%arg6 : memref<1000x16xf32, #tpu.memory_space<vmem>>) dst(%dma_wait3A_514 : memref<2048x16xf32, #tpu.memory_space<vmem_shared>>)
    %add3A_515 = arith.constant 17000 : i32
    %add3A_516 = arith.addi %mul3A_34, %add3A_515 : i32
    %dma_start3A_517 = tpu.memref_slice %arg2[%add3A_516, %mul3A_32] : memref<100000x128xf32, #tpu.memory_space<hbm>> -> memref<1000x16xf32, #tpu.memory_space<hbm>>
    %dma_start3A_518 = tpu.memref_slice %arg2[%add3A_516, %mul3A_32] : memref<100000x128xf32, #tpu.memory_space<hbm>> -> memref<1000x16xf32, #tpu.memory_space<hbm>>
    tpu.enqueue_dma source(%dma_start3A_518 : memref<1000x16xf32, #tpu.memory_space<hbm>>) target(%arg6 : memref<1000x16xf32, #tpu.memory_space<vmem>>) target_semaphore(%arg18 : memref<!tpu.dma_semaphore, #tpu.memory_space<semaphore_mem>>)
    %dma_start3A_519 = tpu.memref_slice %arg3[%add3A_516] : memref<100000xi32, #tpu.memory_space<hbm>> -> memref<1000xi32, #tpu.memory_space<hbm>>
    %dma_start3A_520 = tpu.memref_slice %arg3[%add3A_516] : memref<100000xi32, #tpu.memory_space<hbm>> -> memref<1000xi32, #tpu.memory_space<hbm>>
    tpu.enqueue_dma source(%dma_start3A_520 : memref<1000xi32, #tpu.memory_space<hbm>>) target(%arg8 : memref<1000xi32, #tpu.memory_space<vmem>>) target_semaphore(%arg20 : memref<!tpu.dma_semaphore, #tpu.memory_space<semaphore_mem>>)
    %dma_wait3A_521 = tpu.memref_slice %arg2[%add3A_487, %mul3A_32] : memref<100000x128xf32, #tpu.memory_space<hbm>> -> memref<1000x16xf32, #tpu.memory_space<hbm>>
    %dma_wait3A_522 = tpu.memref_slice %arg2[%add3A_487, %mul3A_32] : memref<100000x128xf32, #tpu.memory_space<hbm>> -> memref<1000x16xf32, #tpu.memory_space<hbm>>
    tpu.wait_dma2 semaphore(%arg17 : memref<!tpu.dma_semaphore, #tpu.memory_space<semaphore_mem>>) src(%dma_wait3A_522 : memref<1000x16xf32, #tpu.memory_space<hbm>>) dst(%arg5 : memref<1000x16xf32, #tpu.memory_space<vmem>>)
    %dma_wait3A_523 = tpu.memref_slice %arg3[%add3A_487] : memref<100000xi32, #tpu.memory_space<hbm>> -> memref<1000xi32, #tpu.memory_space<hbm>>
    %dma_wait3A_524 = tpu.memref_slice %arg3[%add3A_487] : memref<100000xi32, #tpu.memory_space<hbm>> -> memref<1000xi32, #tpu.memory_space<hbm>>
    tpu.wait_dma2 semaphore(%arg19 : memref<!tpu.dma_semaphore, #tpu.memory_space<semaphore_mem>>) src(%dma_wait3A_524 : memref<1000xi32, #tpu.memory_space<hbm>>) dst(%arg7 : memref<1000xi32, #tpu.memory_space<vmem>>)
    %dma_start3A_525 = arith.constant 0 : i32
    %dma_start3A_526 = arith.constant 0 : i32
    %dma_start3A_527 = tpu.memref_slice %arg15[%arg1, %dma_start3A_525, %dma_start3A_526] : memref<16x2048x16xf32, #tpu.memory_space<vmem_shared>> -> memref<1x2048x16xf32, #tpu.memory_space<vmem_shared>>
    %dma_start3A_528 = tpu.memref_squeeze %dma_start3A_527 : memref<1x2048x16xf32, #tpu.memory_space<vmem_shared>> -> memref<2048x16xf32, #tpu.memory_space<vmem_shared>>
    %dma_start3A_529 = arith.constant 0 : i32
    %dma_start3A_530 = arith.constant 0 : i32
    %dma_start3A_531 = tpu.memref_slice %dma_start3A_528[%dma_start3A_529, %dma_start3A_530] : memref<2048x16xf32, #tpu.memory_space<vmem_shared>> -> memref<2048x16xf32, #tpu.memory_space<vmem_shared>>
    tpu.enqueue_indirect_dma source(%arg5 : memref<1000x16xf32, #tpu.memory_space<vmem>>) target(%dma_start3A_531 : memref<2048x16xf32, #tpu.memory_space<vmem_shared>>) offsets(%arg7 : memref<1000xi32, #tpu.memory_space<vmem>>) semaphore(%arg21 : memref<!tpu.dma_semaphore, #tpu.memory_space<semaphore_mem>>) {add = true}
    %scan3A_532 = arith.constant 0 : i32
    %scan3A_533 = arith.constant 63 : i32
    %scan3A_534 = arith.addi %scan3A_532, %scan3A_533 : i32
    %scan3A_535 = arith.constant 1 : i32
    scf.for %scan3A_896 = %scan3A_532 to %scan3A_534 step %scan3A_535  : i32 {
      %eq3A_897 = arith.constant 62 : i32
      %eq3A_898 = arith.cmpi eq, %scan3A_896, %eq3A_897 : i32
      %mul3A_899 = arith.constant 16 : i32
      %mul3A_900 = arith.muli %scan3A_896, %mul3A_899 : i32
      %jit3A_901 = arith.constant 984 : i32
      %select_n3A_902 = arith.select %eq3A_898, %jit3A_901, %mul3A_900 : i32
      %jit3A_903 = arith.constant 8 : i32
      %jit3A_904 = arith.constant 0 : i32
      %select_n3A_905 = arith.select %eq3A_898, %jit3A_903, %jit3A_904 : i32
      %get3A = arith.index_cast %select_n3A_902 : i32 to index
      %get3A_906 = tpu.vector_load %arg7[%get3A] {strides = array<i32>} : memref<1000xi32, #tpu.memory_space<vmem>>, vector<16xi32>,
      %ge3A = vector.broadcast %select_n3A_905 : i32 to vector<16xi32>
      %ge3A_907 = arith.cmpi sge, %iota3A, %ge3A : vector<16xi32>
      %jit3A_908 = arith.constant 0 : i32
      %broadcast_in_dim3A_909 = vector.broadcast %jit3A_908 : i32 to vector<16xi32>
      %select_n3A_910 = arith.select %ge3A_907, %get3A_906, %broadcast_in_dim3A_909 : vector<16xi1>, vector<16xi32>
      tpu.vector_store_idx %arg10[%select_n3A_910], %broadcast_in_dim3A_51 masked %ge3A_907 {add = true} : memref<2048xf32, #tpu.memory_space<vmem>>[vector<16xi32>], vector<16xf32>, vector<16xi1>
    }
    %scan3A_536 = arith.constant 63 : i32
    %dma_wait3A_537 = arith.constant 0 : i32
    %dma_wait3A_538 = arith.constant 0 : i32
    %dma_wait3A_539 = tpu.memref_slice %arg15[%arg1, %dma_wait3A_537, %dma_wait3A_538] : memref<16x2048x16xf32, #tpu.memory_space<vmem_shared>> -> memref<1x2048x16xf32, #tpu.memory_space<vmem_shared>>
    %dma_wait3A_540 = tpu.memref_squeeze %dma_wait3A_539 : memref<1x2048x16xf32, #tpu.memory_space<vmem_shared>> -> memref<2048x16xf32, #tpu.memory_space<vmem_shared>>
    %dma_wait3A_541 = arith.constant 0 : i32
    %dma_wait3A_542 = arith.constant 0 : i32
    %dma_wait3A_543 = tpu.memref_slice %dma_wait3A_540[%dma_wait3A_541, %dma_wait3A_542] : memref<2048x16xf32, #tpu.memory_space<vmem_shared>> -> memref<2048x16xf32, #tpu.memory_space<vmem_shared>>
    tpu.wait_indirect_dma semaphore(%arg21 : memref<!tpu.dma_semaphore, #tpu.memory_space<semaphore_mem>>) src(%arg5 : memref<1000x16xf32, #tpu.memory_space<vmem>>) dst(%dma_wait3A_543 : memref<2048x16xf32, #tpu.memory_space<vmem_shared>>)
    %add3A_544 = arith.constant 18000 : i32
    %add3A_545 = arith.addi %mul3A_34, %add3A_544 : i32
    %dma_start3A_546 = tpu.memref_slice %arg2[%add3A_545, %mul3A_32] : memref<100000x128xf32, #tpu.memory_space<hbm>> -> memref<1000x16xf32, #tpu.memory_space<hbm>>
    %dma_start3A_547 = tpu.memref_slice %arg2[%add3A_545, %mul3A_32] : memref<100000x128xf32, #tpu.memory_space<hbm>> -> memref<1000x16xf32, #tpu.memory_space<hbm>>
    tpu.enqueue_dma source(%dma_start3A_547 : memref<1000x16xf32, #tpu.memory_space<hbm>>) target(%arg5 : memref<1000x16xf32, #tpu.memory_space<vmem>>) target_semaphore(%arg17 : memref<!tpu.dma_semaphore, #tpu.memory_space<semaphore_mem>>)
    %dma_start3A_548 = tpu.memref_slice %arg3[%add3A_545] : memref<100000xi32, #tpu.memory_space<hbm>> -> memref<1000xi32, #tpu.memory_space<hbm>>
    %dma_start3A_549 = tpu.memref_slice %arg3[%add3A_545] : memref<100000xi32, #tpu.memory_space<hbm>> -> memref<1000xi32, #tpu.memory_space<hbm>>
    tpu.enqueue_dma source(%dma_start3A_549 : memref<1000xi32, #tpu.memory_space<hbm>>) target(%arg7 : memref<1000xi32, #tpu.memory_space<vmem>>) target_semaphore(%arg19 : memref<!tpu.dma_semaphore, #tpu.memory_space<semaphore_mem>>)
    %dma_wait3A_550 = tpu.memref_slice %arg2[%add3A_516, %mul3A_32] : memref<100000x128xf32, #tpu.memory_space<hbm>> -> memref<1000x16xf32, #tpu.memory_space<hbm>>
    %dma_wait3A_551 = tpu.memref_slice %arg2[%add3A_516, %mul3A_32] : memref<100000x128xf32, #tpu.memory_space<hbm>> -> memref<1000x16xf32, #tpu.memory_space<hbm>>
    tpu.wait_dma2 semaphore(%arg18 : memref<!tpu.dma_semaphore, #tpu.memory_space<semaphore_mem>>) src(%dma_wait3A_551 : memref<1000x16xf32, #tpu.memory_space<hbm>>) dst(%arg6 : memref<1000x16xf32, #tpu.memory_space<vmem>>)
    %dma_wait3A_552 = tpu.memref_slice %arg3[%add3A_516] : memref<100000xi32, #tpu.memory_space<hbm>> -> memref<1000xi32, #tpu.memory_space<hbm>>
    %dma_wait3A_553 = tpu.memref_slice %arg3[%add3A_516] : memref<100000xi32, #tpu.memory_space<hbm>> -> memref<1000xi32, #tpu.memory_space<hbm>>
    tpu.wait_dma2 semaphore(%arg20 : memref<!tpu.dma_semaphore, #tpu.memory_space<semaphore_mem>>) src(%dma_wait3A_553 : memref<1000xi32, #tpu.memory_space<hbm>>) dst(%arg8 : memref<1000xi32, #tpu.memory_space<vmem>>)
    %dma_start3A_554 = arith.constant 0 : i32
    %dma_start3A_555 = arith.constant 0 : i32
    %dma_start3A_556 = tpu.memref_slice %arg15[%arg1, %dma_start3A_554, %dma_start3A_555] : memref<16x2048x16xf32, #tpu.memory_space<vmem_shared>> -> memref<1x2048x16xf32, #tpu.memory_space<vmem_shared>>
    %dma_start3A_557 = tpu.memref_squeeze %dma_start3A_556 : memref<1x2048x16xf32, #tpu.memory_space<vmem_shared>> -> memref<2048x16xf32, #tpu.memory_space<vmem_shared>>
    %dma_start3A_558 = arith.constant 0 : i32
    %dma_start3A_559 = arith.constant 0 : i32
    %dma_start3A_560 = tpu.memref_slice %dma_start3A_557[%dma_start3A_558, %dma_start3A_559] : memref<2048x16xf32, #tpu.memory_space<vmem_shared>> -> memref<2048x16xf32, #tpu.memory_space<vmem_shared>>
    tpu.enqueue_indirect_dma source(%arg6 : memref<1000x16xf32, #tpu.memory_space<vmem>>) target(%dma_start3A_560 : memref<2048x16xf32, #tpu.memory_space<vmem_shared>>) offsets(%arg8 : memref<1000xi32, #tpu.memory_space<vmem>>) semaphore(%arg22 : memref<!tpu.dma_semaphore, #tpu.memory_space<semaphore_mem>>) {add = true}
    %scan3A_561 = arith.constant 0 : i32
    %scan3A_562 = arith.constant 63 : i32
    %scan3A_563 = arith.addi %scan3A_561, %scan3A_562 : i32
    %scan3A_564 = arith.constant 1 : i32
    scf.for %scan3A_896 = %scan3A_561 to %scan3A_563 step %scan3A_564  : i32 {
      %eq3A_897 = arith.constant 62 : i32
      %eq3A_898 = arith.cmpi eq, %scan3A_896, %eq3A_897 : i32
      %mul3A_899 = arith.constant 16 : i32
      %mul3A_900 = arith.muli %scan3A_896, %mul3A_899 : i32
      %jit3A_901 = arith.constant 984 : i32
      %select_n3A_902 = arith.select %eq3A_898, %jit3A_901, %mul3A_900 : i32
      %jit3A_903 = arith.constant 8 : i32
      %jit3A_904 = arith.constant 0 : i32
      %select_n3A_905 = arith.select %eq3A_898, %jit3A_903, %jit3A_904 : i32
      %get3A = arith.index_cast %select_n3A_902 : i32 to index
      %get3A_906 = tpu.vector_load %arg8[%get3A] {strides = array<i32>} : memref<1000xi32, #tpu.memory_space<vmem>>, vector<16xi32>,
      %ge3A = vector.broadcast %select_n3A_905 : i32 to vector<16xi32>
      %ge3A_907 = arith.cmpi sge, %iota3A, %ge3A : vector<16xi32>
      %jit3A_908 = arith.constant 0 : i32
      %broadcast_in_dim3A_909 = vector.broadcast %jit3A_908 : i32 to vector<16xi32>
      %select_n3A_910 = arith.select %ge3A_907, %get3A_906, %broadcast_in_dim3A_909 : vector<16xi1>, vector<16xi32>
      tpu.vector_store_idx %arg10[%select_n3A_910], %broadcast_in_dim3A_51 masked %ge3A_907 {add = true} : memref<2048xf32, #tpu.memory_space<vmem>>[vector<16xi32>], vector<16xf32>, vector<16xi1>
    }
    %scan3A_565 = arith.constant 63 : i32
    %dma_wait3A_566 = arith.constant 0 : i32
    %dma_wait3A_567 = arith.constant 0 : i32
    %dma_wait3A_568 = tpu.memref_slice %arg15[%arg1, %dma_wait3A_566, %dma_wait3A_567] : memref<16x2048x16xf32, #tpu.memory_space<vmem_shared>> -> memref<1x2048x16xf32, #tpu.memory_space<vmem_shared>>
    %dma_wait3A_569 = tpu.memref_squeeze %dma_wait3A_568 : memref<1x2048x16xf32, #tpu.memory_space<vmem_shared>> -> memref<2048x16xf32, #tpu.memory_space<vmem_shared>>
    %dma_wait3A_570 = arith.constant 0 : i32
    %dma_wait3A_571 = arith.constant 0 : i32
    %dma_wait3A_572 = tpu.memref_slice %dma_wait3A_569[%dma_wait3A_570, %dma_wait3A_571] : memref<2048x16xf32, #tpu.memory_space<vmem_shared>> -> memref<2048x16xf32, #tpu.memory_space<vmem_shared>>
    tpu.wait_indirect_dma semaphore(%arg22 : memref<!tpu.dma_semaphore, #tpu.memory_space<semaphore_mem>>) src(%arg6 : memref<1000x16xf32, #tpu.memory_space<vmem>>) dst(%dma_wait3A_572 : memref<2048x16xf32, #tpu.memory_space<vmem_shared>>)
    %add3A_573 = arith.constant 19000 : i32
    %add3A_574 = arith.addi %mul3A_34, %add3A_573 : i32
    %dma_start3A_575 = tpu.memref_slice %arg2[%add3A_574, %mul3A_32] : memref<100000x128xf32, #tpu.memory_space<hbm>> -> memref<1000x16xf32, #tpu.memory_space<hbm>>
    %dma_start3A_576 = tpu.memref_slice %arg2[%add3A_574, %mul3A_32] : memref<100000x128xf32, #tpu.memory_space<hbm>> -> memref<1000x16xf32, #tpu.memory_space<hbm>>
    tpu.enqueue_dma source(%dma_start3A_576 : memref<1000x16xf32, #tpu.memory_space<hbm>>) target(%arg6 : memref<1000x16xf32, #tpu.memory_space<vmem>>) target_semaphore(%arg18 : memref<!tpu.dma_semaphore, #tpu.memory_space<semaphore_mem>>)
    %dma_start3A_577 = tpu.memref_slice %arg3[%add3A_574] : memref<100000xi32, #tpu.memory_space<hbm>> -> memref<1000xi32, #tpu.memory_space<hbm>>
    %dma_start3A_578 = tpu.memref_slice %arg3[%add3A_574] : memref<100000xi32, #tpu.memory_space<hbm>> -> memref<1000xi32, #tpu.memory_space<hbm>>
    tpu.enqueue_dma source(%dma_start3A_578 : memref<1000xi32, #tpu.memory_space<hbm>>) target(%arg8 : memref<1000xi32, #tpu.memory_space<vmem>>) target_semaphore(%arg20 : memref<!tpu.dma_semaphore, #tpu.memory_space<semaphore_mem>>)
    %dma_wait3A_579 = tpu.memref_slice %arg2[%add3A_545, %mul3A_32] : memref<100000x128xf32, #tpu.memory_space<hbm>> -> memref<1000x16xf32, #tpu.memory_space<hbm>>
    %dma_wait3A_580 = tpu.memref_slice %arg2[%add3A_545, %mul3A_32] : memref<100000x128xf32, #tpu.memory_space<hbm>> -> memref<1000x16xf32, #tpu.memory_space<hbm>>
    tpu.wait_dma2 semaphore(%arg17 : memref<!tpu.dma_semaphore, #tpu.memory_space<semaphore_mem>>) src(%dma_wait3A_580 : memref<1000x16xf32, #tpu.memory_space<hbm>>) dst(%arg5 : memref<1000x16xf32, #tpu.memory_space<vmem>>)
    %dma_wait3A_581 = tpu.memref_slice %arg3[%add3A_545] : memref<100000xi32, #tpu.memory_space<hbm>> -> memref<1000xi32, #tpu.memory_space<hbm>>
    %dma_wait3A_582 = tpu.memref_slice %arg3[%add3A_545] : memref<100000xi32, #tpu.memory_space<hbm>> -> memref<1000xi32, #tpu.memory_space<hbm>>
    tpu.wait_dma2 semaphore(%arg19 : memref<!tpu.dma_semaphore, #tpu.memory_space<semaphore_mem>>) src(%dma_wait3A_582 : memref<1000xi32, #tpu.memory_space<hbm>>) dst(%arg7 : memref<1000xi32, #tpu.memory_space<vmem>>)
    %dma_start3A_583 = arith.constant 0 : i32
    %dma_start3A_584 = arith.constant 0 : i32
    %dma_start3A_585 = tpu.memref_slice %arg15[%arg1, %dma_start3A_583, %dma_start3A_584] : memref<16x2048x16xf32, #tpu.memory_space<vmem_shared>> -> memref<1x2048x16xf32, #tpu.memory_space<vmem_shared>>
    %dma_start3A_586 = tpu.memref_squeeze %dma_start3A_585 : memref<1x2048x16xf32, #tpu.memory_space<vmem_shared>> -> memref<2048x16xf32, #tpu.memory_space<vmem_shared>>
    %dma_start3A_587 = arith.constant 0 : i32
    %dma_start3A_588 = arith.constant 0 : i32
    %dma_start3A_589 = tpu.memref_slice %dma_start3A_586[%dma_start3A_587, %dma_start3A_588] : memref<2048x16xf32, #tpu.memory_space<vmem_shared>> -> memref<2048x16xf32, #tpu.memory_space<vmem_shared>>
    tpu.enqueue_indirect_dma source(%arg5 : memref<1000x16xf32, #tpu.memory_space<vmem>>) target(%dma_start3A_589 : memref<2048x16xf32, #tpu.memory_space<vmem_shared>>) offsets(%arg7 : memref<1000xi32, #tpu.memory_space<vmem>>) semaphore(%arg21 : memref<!tpu.dma_semaphore, #tpu.memory_space<semaphore_mem>>) {add = true}
    %scan3A_590 = arith.constant 0 : i32
    %scan3A_591 = arith.constant 63 : i32
    %scan3A_592 = arith.addi %scan3A_590, %scan3A_591 : i32
    %scan3A_593 = arith.constant 1 : i32
    scf.for %scan3A_896 = %scan3A_590 to %scan3A_592 step %scan3A_593  : i32 {
      %eq3A_897 = arith.constant 62 : i32
      %eq3A_898 = arith.cmpi eq, %scan3A_896, %eq3A_897 : i32
      %mul3A_899 = arith.constant 16 : i32
      %mul3A_900 = arith.muli %scan3A_896, %mul3A_899 : i32
      %jit3A_901 = arith.constant 984 : i32
      %select_n3A_902 = arith.select %eq3A_898, %jit3A_901, %mul3A_900 : i32
      %jit3A_903 = arith.constant 8 : i32
      %jit3A_904 = arith.constant 0 : i32
      %select_n3A_905 = arith.select %eq3A_898, %jit3A_903, %jit3A_904 : i32
      %get3A = arith.index_cast %select_n3A_902 : i32 to index
      %get3A_906 = tpu.vector_load %arg7[%get3A] {strides = array<i32>} : memref<1000xi32, #tpu.memory_space<vmem>>, vector<16xi32>,
      %ge3A = vector.broadcast %select_n3A_905 : i32 to vector<16xi32>
      %ge3A_907 = arith.cmpi sge, %iota3A, %ge3A : vector<16xi32>
      %jit3A_908 = arith.constant 0 : i32
      %broadcast_in_dim3A_909 = vector.broadcast %jit3A_908 : i32 to vector<16xi32>
      %select_n3A_910 = arith.select %ge3A_907, %get3A_906, %broadcast_in_dim3A_909 : vector<16xi1>, vector<16xi32>
      tpu.vector_store_idx %arg10[%select_n3A_910], %broadcast_in_dim3A_51 masked %ge3A_907 {add = true} : memref<2048xf32, #tpu.memory_space<vmem>>[vector<16xi32>], vector<16xf32>, vector<16xi1>
    }
    %scan3A_594 = arith.constant 63 : i32
    %dma_wait3A_595 = arith.constant 0 : i32
    %dma_wait3A_596 = arith.constant 0 : i32
    %dma_wait3A_597 = tpu.memref_slice %arg15[%arg1, %dma_wait3A_595, %dma_wait3A_596] : memref<16x2048x16xf32, #tpu.memory_space<vmem_shared>> -> memref<1x2048x16xf32, #tpu.memory_space<vmem_shared>>
    %dma_wait3A_598 = tpu.memref_squeeze %dma_wait3A_597 : memref<1x2048x16xf32, #tpu.memory_space<vmem_shared>> -> memref<2048x16xf32, #tpu.memory_space<vmem_shared>>
    %dma_wait3A_599 = arith.constant 0 : i32
    %dma_wait3A_600 = arith.constant 0 : i32
    %dma_wait3A_601 = tpu.memref_slice %dma_wait3A_598[%dma_wait3A_599, %dma_wait3A_600] : memref<2048x16xf32, #tpu.memory_space<vmem_shared>> -> memref<2048x16xf32, #tpu.memory_space<vmem_shared>>
    tpu.wait_indirect_dma semaphore(%arg21 : memref<!tpu.dma_semaphore, #tpu.memory_space<semaphore_mem>>) src(%arg5 : memref<1000x16xf32, #tpu.memory_space<vmem>>) dst(%dma_wait3A_601 : memref<2048x16xf32, #tpu.memory_space<vmem_shared>>)
    %add3A_602 = arith.constant 20000 : i32
    %add3A_603 = arith.addi %mul3A_34, %add3A_602 : i32
    %dma_start3A_604 = tpu.memref_slice %arg2[%add3A_603, %mul3A_32] : memref<100000x128xf32, #tpu.memory_space<hbm>> -> memref<1000x16xf32, #tpu.memory_space<hbm>>
    %dma_start3A_605 = tpu.memref_slice %arg2[%add3A_603, %mul3A_32] : memref<100000x128xf32, #tpu.memory_space<hbm>> -> memref<1000x16xf32, #tpu.memory_space<hbm>>
    tpu.enqueue_dma source(%dma_start3A_605 : memref<1000x16xf32, #tpu.memory_space<hbm>>) target(%arg5 : memref<1000x16xf32, #tpu.memory_space<vmem>>) target_semaphore(%arg17 : memref<!tpu.dma_semaphore, #tpu.memory_space<semaphore_mem>>)
    %dma_start3A_606 = tpu.memref_slice %arg3[%add3A_603] : memref<100000xi32, #tpu.memory_space<hbm>> -> memref<1000xi32, #tpu.memory_space<hbm>>
    %dma_start3A_607 = tpu.memref_slice %arg3[%add3A_603] : memref<100000xi32, #tpu.memory_space<hbm>> -> memref<1000xi32, #tpu.memory_space<hbm>>
    tpu.enqueue_dma source(%dma_start3A_607 : memref<1000xi32, #tpu.memory_space<hbm>>) target(%arg7 : memref<1000xi32, #tpu.memory_space<vmem>>) target_semaphore(%arg19 : memref<!tpu.dma_semaphore, #tpu.memory_space<semaphore_mem>>)
    %dma_wait3A_608 = tpu.memref_slice %arg2[%add3A_574, %mul3A_32] : memref<100000x128xf32, #tpu.memory_space<hbm>> -> memref<1000x16xf32, #tpu.memory_space<hbm>>
    %dma_wait3A_609 = tpu.memref_slice %arg2[%add3A_574, %mul3A_32] : memref<100000x128xf32, #tpu.memory_space<hbm>> -> memref<1000x16xf32, #tpu.memory_space<hbm>>
    tpu.wait_dma2 semaphore(%arg18 : memref<!tpu.dma_semaphore, #tpu.memory_space<semaphore_mem>>) src(%dma_wait3A_609 : memref<1000x16xf32, #tpu.memory_space<hbm>>) dst(%arg6 : memref<1000x16xf32, #tpu.memory_space<vmem>>)
    %dma_wait3A_610 = tpu.memref_slice %arg3[%add3A_574] : memref<100000xi32, #tpu.memory_space<hbm>> -> memref<1000xi32, #tpu.memory_space<hbm>>
    %dma_wait3A_611 = tpu.memref_slice %arg3[%add3A_574] : memref<100000xi32, #tpu.memory_space<hbm>> -> memref<1000xi32, #tpu.memory_space<hbm>>
    tpu.wait_dma2 semaphore(%arg20 : memref<!tpu.dma_semaphore, #tpu.memory_space<semaphore_mem>>) src(%dma_wait3A_611 : memref<1000xi32, #tpu.memory_space<hbm>>) dst(%arg8 : memref<1000xi32, #tpu.memory_space<vmem>>)
    %dma_start3A_612 = arith.constant 0 : i32
    %dma_start3A_613 = arith.constant 0 : i32
    %dma_start3A_614 = tpu.memref_slice %arg15[%arg1, %dma_start3A_612, %dma_start3A_613] : memref<16x2048x16xf32, #tpu.memory_space<vmem_shared>> -> memref<1x2048x16xf32, #tpu.memory_space<vmem_shared>>
    %dma_start3A_615 = tpu.memref_squeeze %dma_start3A_614 : memref<1x2048x16xf32, #tpu.memory_space<vmem_shared>> -> memref<2048x16xf32, #tpu.memory_space<vmem_shared>>
    %dma_start3A_616 = arith.constant 0 : i32
    %dma_start3A_617 = arith.constant 0 : i32
    %dma_start3A_618 = tpu.memref_slice %dma_start3A_615[%dma_start3A_616, %dma_start3A_617] : memref<2048x16xf32, #tpu.memory_space<vmem_shared>> -> memref<2048x16xf32, #tpu.memory_space<vmem_shared>>
    tpu.enqueue_indirect_dma source(%arg6 : memref<1000x16xf32, #tpu.memory_space<vmem>>) target(%dma_start3A_618 : memref<2048x16xf32, #tpu.memory_space<vmem_shared>>) offsets(%arg8 : memref<1000xi32, #tpu.memory_space<vmem>>) semaphore(%arg22 : memref<!tpu.dma_semaphore, #tpu.memory_space<semaphore_mem>>) {add = true}
    %scan3A_619 = arith.constant 0 : i32
    %scan3A_620 = arith.constant 63 : i32
    %scan3A_621 = arith.addi %scan3A_619, %scan3A_620 : i32
    %scan3A_622 = arith.constant 1 : i32
    scf.for %scan3A_896 = %scan3A_619 to %scan3A_621 step %scan3A_622  : i32 {
      %eq3A_897 = arith.constant 62 : i32
      %eq3A_898 = arith.cmpi eq, %scan3A_896, %eq3A_897 : i32
      %mul3A_899 = arith.constant 16 : i32
      %mul3A_900 = arith.muli %scan3A_896, %mul3A_899 : i32
      %jit3A_901 = arith.constant 984 : i32
      %select_n3A_902 = arith.select %eq3A_898, %jit3A_901, %mul3A_900 : i32
      %jit3A_903 = arith.constant 8 : i32
      %jit3A_904 = arith.constant 0 : i32
      %select_n3A_905 = arith.select %eq3A_898, %jit3A_903, %jit3A_904 : i32
      %get3A = arith.index_cast %select_n3A_902 : i32 to index
      %get3A_906 = tpu.vector_load %arg8[%get3A] {strides = array<i32>} : memref<1000xi32, #tpu.memory_space<vmem>>, vector<16xi32>,
      %ge3A = vector.broadcast %select_n3A_905 : i32 to vector<16xi32>
      %ge3A_907 = arith.cmpi sge, %iota3A, %ge3A : vector<16xi32>
      %jit3A_908 = arith.constant 0 : i32
      %broadcast_in_dim3A_909 = vector.broadcast %jit3A_908 : i32 to vector<16xi32>
      %select_n3A_910 = arith.select %ge3A_907, %get3A_906, %broadcast_in_dim3A_909 : vector<16xi1>, vector<16xi32>
      tpu.vector_store_idx %arg10[%select_n3A_910], %broadcast_in_dim3A_51 masked %ge3A_907 {add = true} : memref<2048xf32, #tpu.memory_space<vmem>>[vector<16xi32>], vector<16xf32>, vector<16xi1>
    }
    %scan3A_623 = arith.constant 63 : i32
    %dma_wait3A_624 = arith.constant 0 : i32
    %dma_wait3A_625 = arith.constant 0 : i32
    %dma_wait3A_626 = tpu.memref_slice %arg15[%arg1, %dma_wait3A_624, %dma_wait3A_625] : memref<16x2048x16xf32, #tpu.memory_space<vmem_shared>> -> memref<1x2048x16xf32, #tpu.memory_space<vmem_shared>>
    %dma_wait3A_627 = tpu.memref_squeeze %dma_wait3A_626 : memref<1x2048x16xf32, #tpu.memory_space<vmem_shared>> -> memref<2048x16xf32, #tpu.memory_space<vmem_shared>>
    %dma_wait3A_628 = arith.constant 0 : i32
    %dma_wait3A_629 = arith.constant 0 : i32
    %dma_wait3A_630 = tpu.memref_slice %dma_wait3A_627[%dma_wait3A_628, %dma_wait3A_629] : memref<2048x16xf32, #tpu.memory_space<vmem_shared>> -> memref<2048x16xf32, #tpu.memory_space<vmem_shared>>
    tpu.wait_indirect_dma semaphore(%arg22 : memref<!tpu.dma_semaphore, #tpu.memory_space<semaphore_mem>>) src(%arg6 : memref<1000x16xf32, #tpu.memory_space<vmem>>) dst(%dma_wait3A_630 : memref<2048x16xf32, #tpu.memory_space<vmem_shared>>)
    %add3A_631 = arith.constant 21000 : i32
    %add3A_632 = arith.addi %mul3A_34, %add3A_631 : i32
    %dma_start3A_633 = tpu.memref_slice %arg2[%add3A_632, %mul3A_32] : memref<100000x128xf32, #tpu.memory_space<hbm>> -> memref<1000x16xf32, #tpu.memory_space<hbm>>
    %dma_start3A_634 = tpu.memref_slice %arg2[%add3A_632, %mul3A_32] : memref<100000x128xf32, #tpu.memory_space<hbm>> -> memref<1000x16xf32, #tpu.memory_space<hbm>>
    tpu.enqueue_dma source(%dma_start3A_634 : memref<1000x16xf32, #tpu.memory_space<hbm>>) target(%arg6 : memref<1000x16xf32, #tpu.memory_space<vmem>>) target_semaphore(%arg18 : memref<!tpu.dma_semaphore, #tpu.memory_space<semaphore_mem>>)
    %dma_start3A_635 = tpu.memref_slice %arg3[%add3A_632] : memref<100000xi32, #tpu.memory_space<hbm>> -> memref<1000xi32, #tpu.memory_space<hbm>>
    %dma_start3A_636 = tpu.memref_slice %arg3[%add3A_632] : memref<100000xi32, #tpu.memory_space<hbm>> -> memref<1000xi32, #tpu.memory_space<hbm>>
    tpu.enqueue_dma source(%dma_start3A_636 : memref<1000xi32, #tpu.memory_space<hbm>>) target(%arg8 : memref<1000xi32, #tpu.memory_space<vmem>>) target_semaphore(%arg20 : memref<!tpu.dma_semaphore, #tpu.memory_space<semaphore_mem>>)
    %dma_wait3A_637 = tpu.memref_slice %arg2[%add3A_603, %mul3A_32] : memref<100000x128xf32, #tpu.memory_space<hbm>> -> memref<1000x16xf32, #tpu.memory_space<hbm>>
    %dma_wait3A_638 = tpu.memref_slice %arg2[%add3A_603, %mul3A_32] : memref<100000x128xf32, #tpu.memory_space<hbm>> -> memref<1000x16xf32, #tpu.memory_space<hbm>>
    tpu.wait_dma2 semaphore(%arg17 : memref<!tpu.dma_semaphore, #tpu.memory_space<semaphore_mem>>) src(%dma_wait3A_638 : memref<1000x16xf32, #tpu.memory_space<hbm>>) dst(%arg5 : memref<1000x16xf32, #tpu.memory_space<vmem>>)
    %dma_wait3A_639 = tpu.memref_slice %arg3[%add3A_603] : memref<100000xi32, #tpu.memory_space<hbm>> -> memref<1000xi32, #tpu.memory_space<hbm>>
    %dma_wait3A_640 = tpu.memref_slice %arg3[%add3A_603] : memref<100000xi32, #tpu.memory_space<hbm>> -> memref<1000xi32, #tpu.memory_space<hbm>>
    tpu.wait_dma2 semaphore(%arg19 : memref<!tpu.dma_semaphore, #tpu.memory_space<semaphore_mem>>) src(%dma_wait3A_640 : memref<1000xi32, #tpu.memory_space<hbm>>) dst(%arg7 : memref<1000xi32, #tpu.memory_space<vmem>>)
    %dma_start3A_641 = arith.constant 0 : i32
    %dma_start3A_642 = arith.constant 0 : i32
    %dma_start3A_643 = tpu.memref_slice %arg15[%arg1, %dma_start3A_641, %dma_start3A_642] : memref<16x2048x16xf32, #tpu.memory_space<vmem_shared>> -> memref<1x2048x16xf32, #tpu.memory_space<vmem_shared>>
    %dma_start3A_644 = tpu.memref_squeeze %dma_start3A_643 : memref<1x2048x16xf32, #tpu.memory_space<vmem_shared>> -> memref<2048x16xf32, #tpu.memory_space<vmem_shared>>
    %dma_start3A_645 = arith.constant 0 : i32
    %dma_start3A_646 = arith.constant 0 : i32
    %dma_start3A_647 = tpu.memref_slice %dma_start3A_644[%dma_start3A_645, %dma_start3A_646] : memref<2048x16xf32, #tpu.memory_space<vmem_shared>> -> memref<2048x16xf32, #tpu.memory_space<vmem_shared>>
    tpu.enqueue_indirect_dma source(%arg5 : memref<1000x16xf32, #tpu.memory_space<vmem>>) target(%dma_start3A_647 : memref<2048x16xf32, #tpu.memory_space<vmem_shared>>) offsets(%arg7 : memref<1000xi32, #tpu.memory_space<vmem>>) semaphore(%arg21 : memref<!tpu.dma_semaphore, #tpu.memory_space<semaphore_mem>>) {add = true}
    %scan3A_648 = arith.constant 0 : i32
    %scan3A_649 = arith.constant 63 : i32
    %scan3A_650 = arith.addi %scan3A_648, %scan3A_649 : i32
    %scan3A_651 = arith.constant 1 : i32
    scf.for %scan3A_896 = %scan3A_648 to %scan3A_650 step %scan3A_651  : i32 {
      %eq3A_897 = arith.constant 62 : i32
      %eq3A_898 = arith.cmpi eq, %scan3A_896, %eq3A_897 : i32
      %mul3A_899 = arith.constant 16 : i32
      %mul3A_900 = arith.muli %scan3A_896, %mul3A_899 : i32
      %jit3A_901 = arith.constant 984 : i32
      %select_n3A_902 = arith.select %eq3A_898, %jit3A_901, %mul3A_900 : i32
      %jit3A_903 = arith.constant 8 : i32
      %jit3A_904 = arith.constant 0 : i32
      %select_n3A_905 = arith.select %eq3A_898, %jit3A_903, %jit3A_904 : i32
      %get3A = arith.index_cast %select_n3A_902 : i32 to index
      %get3A_906 = tpu.vector_load %arg7[%get3A] {strides = array<i32>} : memref<1000xi32, #tpu.memory_space<vmem>>, vector<16xi32>,
      %ge3A = vector.broadcast %select_n3A_905 : i32 to vector<16xi32>
      %ge3A_907 = arith.cmpi sge, %iota3A, %ge3A : vector<16xi32>
      %jit3A_908 = arith.constant 0 : i32
      %broadcast_in_dim3A_909 = vector.broadcast %jit3A_908 : i32 to vector<16xi32>
      %select_n3A_910 = arith.select %ge3A_907, %get3A_906, %broadcast_in_dim3A_909 : vector<16xi1>, vector<16xi32>
      tpu.vector_store_idx %arg10[%select_n3A_910], %broadcast_in_dim3A_51 masked %ge3A_907 {add = true} : memref<2048xf32, #tpu.memory_space<vmem>>[vector<16xi32>], vector<16xf32>, vector<16xi1>
    }
    %scan3A_652 = arith.constant 63 : i32
    %dma_wait3A_653 = arith.constant 0 : i32
    %dma_wait3A_654 = arith.constant 0 : i32
    %dma_wait3A_655 = tpu.memref_slice %arg15[%arg1, %dma_wait3A_653, %dma_wait3A_654] : memref<16x2048x16xf32, #tpu.memory_space<vmem_shared>> -> memref<1x2048x16xf32, #tpu.memory_space<vmem_shared>>
    %dma_wait3A_656 = tpu.memref_squeeze %dma_wait3A_655 : memref<1x2048x16xf32, #tpu.memory_space<vmem_shared>> -> memref<2048x16xf32, #tpu.memory_space<vmem_shared>>
    %dma_wait3A_657 = arith.constant 0 : i32
    %dma_wait3A_658 = arith.constant 0 : i32
    %dma_wait3A_659 = tpu.memref_slice %dma_wait3A_656[%dma_wait3A_657, %dma_wait3A_658] : memref<2048x16xf32, #tpu.memory_space<vmem_shared>> -> memref<2048x16xf32, #tpu.memory_space<vmem_shared>>
    tpu.wait_indirect_dma semaphore(%arg21 : memref<!tpu.dma_semaphore, #tpu.memory_space<semaphore_mem>>) src(%arg5 : memref<1000x16xf32, #tpu.memory_space<vmem>>) dst(%dma_wait3A_659 : memref<2048x16xf32, #tpu.memory_space<vmem_shared>>)
    %add3A_660 = arith.constant 22000 : i32
    %add3A_661 = arith.addi %mul3A_34, %add3A_660 : i32
    %dma_start3A_662 = tpu.memref_slice %arg2[%add3A_661, %mul3A_32] : memref<100000x128xf32, #tpu.memory_space<hbm>> -> memref<1000x16xf32, #tpu.memory_space<hbm>>
    %dma_start3A_663 = tpu.memref_slice %arg2[%add3A_661, %mul3A_32] : memref<100000x128xf32, #tpu.memory_space<hbm>> -> memref<1000x16xf32, #tpu.memory_space<hbm>>
    tpu.enqueue_dma source(%dma_start3A_663 : memref<1000x16xf32, #tpu.memory_space<hbm>>) target(%arg5 : memref<1000x16xf32, #tpu.memory_space<vmem>>) target_semaphore(%arg17 : memref<!tpu.dma_semaphore, #tpu.memory_space<semaphore_mem>>)
    %dma_start3A_664 = tpu.memref_slice %arg3[%add3A_661] : memref<100000xi32, #tpu.memory_space<hbm>> -> memref<1000xi32, #tpu.memory_space<hbm>>
    %dma_start3A_665 = tpu.memref_slice %arg3[%add3A_661] : memref<100000xi32, #tpu.memory_space<hbm>> -> memref<1000xi32, #tpu.memory_space<hbm>>
    tpu.enqueue_dma source(%dma_start3A_665 : memref<1000xi32, #tpu.memory_space<hbm>>) target(%arg7 : memref<1000xi32, #tpu.memory_space<vmem>>) target_semaphore(%arg19 : memref<!tpu.dma_semaphore, #tpu.memory_space<semaphore_mem>>)
    %dma_wait3A_666 = tpu.memref_slice %arg2[%add3A_632, %mul3A_32] : memref<100000x128xf32, #tpu.memory_space<hbm>> -> memref<1000x16xf32, #tpu.memory_space<hbm>>
    %dma_wait3A_667 = tpu.memref_slice %arg2[%add3A_632, %mul3A_32] : memref<100000x128xf32, #tpu.memory_space<hbm>> -> memref<1000x16xf32, #tpu.memory_space<hbm>>
    tpu.wait_dma2 semaphore(%arg18 : memref<!tpu.dma_semaphore, #tpu.memory_space<semaphore_mem>>) src(%dma_wait3A_667 : memref<1000x16xf32, #tpu.memory_space<hbm>>) dst(%arg6 : memref<1000x16xf32, #tpu.memory_space<vmem>>)
    %dma_wait3A_668 = tpu.memref_slice %arg3[%add3A_632] : memref<100000xi32, #tpu.memory_space<hbm>> -> memref<1000xi32, #tpu.memory_space<hbm>>
    %dma_wait3A_669 = tpu.memref_slice %arg3[%add3A_632] : memref<100000xi32, #tpu.memory_space<hbm>> -> memref<1000xi32, #tpu.memory_space<hbm>>
    tpu.wait_dma2 semaphore(%arg20 : memref<!tpu.dma_semaphore, #tpu.memory_space<semaphore_mem>>) src(%dma_wait3A_669 : memref<1000xi32, #tpu.memory_space<hbm>>) dst(%arg8 : memref<1000xi32, #tpu.memory_space<vmem>>)
    %dma_start3A_670 = arith.constant 0 : i32
    %dma_start3A_671 = arith.constant 0 : i32
    %dma_start3A_672 = tpu.memref_slice %arg15[%arg1, %dma_start3A_670, %dma_start3A_671] : memref<16x2048x16xf32, #tpu.memory_space<vmem_shared>> -> memref<1x2048x16xf32, #tpu.memory_space<vmem_shared>>
    %dma_start3A_673 = tpu.memref_squeeze %dma_start3A_672 : memref<1x2048x16xf32, #tpu.memory_space<vmem_shared>> -> memref<2048x16xf32, #tpu.memory_space<vmem_shared>>
    %dma_start3A_674 = arith.constant 0 : i32
    %dma_start3A_675 = arith.constant 0 : i32
    %dma_start3A_676 = tpu.memref_slice %dma_start3A_673[%dma_start3A_674, %dma_start3A_675] : memref<2048x16xf32, #tpu.memory_space<vmem_shared>> -> memref<2048x16xf32, #tpu.memory_space<vmem_shared>>
    tpu.enqueue_indirect_dma source(%arg6 : memref<1000x16xf32, #tpu.memory_space<vmem>>) target(%dma_start3A_676 : memref<2048x16xf32, #tpu.memory_space<vmem_shared>>) offsets(%arg8 : memref<1000xi32, #tpu.memory_space<vmem>>) semaphore(%arg22 : memref<!tpu.dma_semaphore, #tpu.memory_space<semaphore_mem>>) {add = true}
    %scan3A_677 = arith.constant 0 : i32
    %scan3A_678 = arith.constant 63 : i32
    %scan3A_679 = arith.addi %scan3A_677, %scan3A_678 : i32
    %scan3A_680 = arith.constant 1 : i32
    scf.for %scan3A_896 = %scan3A_677 to %scan3A_679 step %scan3A_680  : i32 {
      %eq3A_897 = arith.constant 62 : i32
      %eq3A_898 = arith.cmpi eq, %scan3A_896, %eq3A_897 : i32
      %mul3A_899 = arith.constant 16 : i32
      %mul3A_900 = arith.muli %scan3A_896, %mul3A_899 : i32
      %jit3A_901 = arith.constant 984 : i32
      %select_n3A_902 = arith.select %eq3A_898, %jit3A_901, %mul3A_900 : i32
      %jit3A_903 = arith.constant 8 : i32
      %jit3A_904 = arith.constant 0 : i32
      %select_n3A_905 = arith.select %eq3A_898, %jit3A_903, %jit3A_904 : i32
      %get3A = arith.index_cast %select_n3A_902 : i32 to index
      %get3A_906 = tpu.vector_load %arg8[%get3A] {strides = array<i32>} : memref<1000xi32, #tpu.memory_space<vmem>>, vector<16xi32>,
      %ge3A = vector.broadcast %select_n3A_905 : i32 to vector<16xi32>
      %ge3A_907 = arith.cmpi sge, %iota3A, %ge3A : vector<16xi32>
      %jit3A_908 = arith.constant 0 : i32
      %broadcast_in_dim3A_909 = vector.broadcast %jit3A_908 : i32 to vector<16xi32>
      %select_n3A_910 = arith.select %ge3A_907, %get3A_906, %broadcast_in_dim3A_909 : vector<16xi1>, vector<16xi32>
      tpu.vector_store_idx %arg10[%select_n3A_910], %broadcast_in_dim3A_51 masked %ge3A_907 {add = true} : memref<2048xf32, #tpu.memory_space<vmem>>[vector<16xi32>], vector<16xf32>, vector<16xi1>
    }
    %scan3A_681 = arith.constant 63 : i32
    %dma_wait3A_682 = arith.constant 0 : i32
    %dma_wait3A_683 = arith.constant 0 : i32
    %dma_wait3A_684 = tpu.memref_slice %arg15[%arg1, %dma_wait3A_682, %dma_wait3A_683] : memref<16x2048x16xf32, #tpu.memory_space<vmem_shared>> -> memref<1x2048x16xf32, #tpu.memory_space<vmem_shared>>
    %dma_wait3A_685 = tpu.memref_squeeze %dma_wait3A_684 : memref<1x2048x16xf32, #tpu.memory_space<vmem_shared>> -> memref<2048x16xf32, #tpu.memory_space<vmem_shared>>
    %dma_wait3A_686 = arith.constant 0 : i32
    %dma_wait3A_687 = arith.constant 0 : i32
    %dma_wait3A_688 = tpu.memref_slice %dma_wait3A_685[%dma_wait3A_686, %dma_wait3A_687] : memref<2048x16xf32, #tpu.memory_space<vmem_shared>> -> memref<2048x16xf32, #tpu.memory_space<vmem_shared>>
    tpu.wait_indirect_dma semaphore(%arg22 : memref<!tpu.dma_semaphore, #tpu.memory_space<semaphore_mem>>) src(%arg6 : memref<1000x16xf32, #tpu.memory_space<vmem>>) dst(%dma_wait3A_688 : memref<2048x16xf32, #tpu.memory_space<vmem_shared>>)
    %add3A_689 = arith.constant 23000 : i32
    %add3A_690 = arith.addi %mul3A_34, %add3A_689 : i32
    %dma_start3A_691 = tpu.memref_slice %arg2[%add3A_690, %mul3A_32] : memref<100000x128xf32, #tpu.memory_space<hbm>> -> memref<1000x16xf32, #tpu.memory_space<hbm>>
    %dma_start3A_692 = tpu.memref_slice %arg2[%add3A_690, %mul3A_32] : memref<100000x128xf32, #tpu.memory_space<hbm>> -> memref<1000x16xf32, #tpu.memory_space<hbm>>
    tpu.enqueue_dma source(%dma_start3A_692 : memref<1000x16xf32, #tpu.memory_space<hbm>>) target(%arg6 : memref<1000x16xf32, #tpu.memory_space<vmem>>) target_semaphore(%arg18 : memref<!tpu.dma_semaphore, #tpu.memory_space<semaphore_mem>>)
    %dma_start3A_693 = tpu.memref_slice %arg3[%add3A_690] : memref<100000xi32, #tpu.memory_space<hbm>> -> memref<1000xi32, #tpu.memory_space<hbm>>
    %dma_start3A_694 = tpu.memref_slice %arg3[%add3A_690] : memref<100000xi32, #tpu.memory_space<hbm>> -> memref<1000xi32, #tpu.memory_space<hbm>>
    tpu.enqueue_dma source(%dma_start3A_694 : memref<1000xi32, #tpu.memory_space<hbm>>) target(%arg8 : memref<1000xi32, #tpu.memory_space<vmem>>) target_semaphore(%arg20 : memref<!tpu.dma_semaphore, #tpu.memory_space<semaphore_mem>>)
    %dma_wait3A_695 = tpu.memref_slice %arg2[%add3A_661, %mul3A_32] : memref<100000x128xf32, #tpu.memory_space<hbm>> -> memref<1000x16xf32, #tpu.memory_space<hbm>>
    %dma_wait3A_696 = tpu.memref_slice %arg2[%add3A_661, %mul3A_32] : memref<100000x128xf32, #tpu.memory_space<hbm>> -> memref<1000x16xf32, #tpu.memory_space<hbm>>
    tpu.wait_dma2 semaphore(%arg17 : memref<!tpu.dma_semaphore, #tpu.memory_space<semaphore_mem>>) src(%dma_wait3A_696 : memref<1000x16xf32, #tpu.memory_space<hbm>>) dst(%arg5 : memref<1000x16xf32, #tpu.memory_space<vmem>>)
    %dma_wait3A_697 = tpu.memref_slice %arg3[%add3A_661] : memref<100000xi32, #tpu.memory_space<hbm>> -> memref<1000xi32, #tpu.memory_space<hbm>>
    %dma_wait3A_698 = tpu.memref_slice %arg3[%add3A_661] : memref<100000xi32, #tpu.memory_space<hbm>> -> memref<1000xi32, #tpu.memory_space<hbm>>
    tpu.wait_dma2 semaphore(%arg19 : memref<!tpu.dma_semaphore, #tpu.memory_space<semaphore_mem>>) src(%dma_wait3A_698 : memref<1000xi32, #tpu.memory_space<hbm>>) dst(%arg7 : memref<1000xi32, #tpu.memory_space<vmem>>)
    %dma_start3A_699 = arith.constant 0 : i32
    %dma_start3A_700 = arith.constant 0 : i32
    %dma_start3A_701 = tpu.memref_slice %arg15[%arg1, %dma_start3A_699, %dma_start3A_700] : memref<16x2048x16xf32, #tpu.memory_space<vmem_shared>> -> memref<1x2048x16xf32, #tpu.memory_space<vmem_shared>>
    %dma_start3A_702 = tpu.memref_squeeze %dma_start3A_701 : memref<1x2048x16xf32, #tpu.memory_space<vmem_shared>> -> memref<2048x16xf32, #tpu.memory_space<vmem_shared>>
    %dma_start3A_703 = arith.constant 0 : i32
    %dma_start3A_704 = arith.constant 0 : i32
    %dma_start3A_705 = tpu.memref_slice %dma_start3A_702[%dma_start3A_703, %dma_start3A_704] : memref<2048x16xf32, #tpu.memory_space<vmem_shared>> -> memref<2048x16xf32, #tpu.memory_space<vmem_shared>>
    tpu.enqueue_indirect_dma source(%arg5 : memref<1000x16xf32, #tpu.memory_space<vmem>>) target(%dma_start3A_705 : memref<2048x16xf32, #tpu.memory_space<vmem_shared>>) offsets(%arg7 : memref<1000xi32, #tpu.memory_space<vmem>>) semaphore(%arg21 : memref<!tpu.dma_semaphore, #tpu.memory_space<semaphore_mem>>) {add = true}
    %scan3A_706 = arith.constant 0 : i32
    %scan3A_707 = arith.constant 63 : i32
    %scan3A_708 = arith.addi %scan3A_706, %scan3A_707 : i32
    %scan3A_709 = arith.constant 1 : i32
    scf.for %scan3A_896 = %scan3A_706 to %scan3A_708 step %scan3A_709  : i32 {
      %eq3A_897 = arith.constant 62 : i32
      %eq3A_898 = arith.cmpi eq, %scan3A_896, %eq3A_897 : i32
      %mul3A_899 = arith.constant 16 : i32
      %mul3A_900 = arith.muli %scan3A_896, %mul3A_899 : i32
      %jit3A_901 = arith.constant 984 : i32
      %select_n3A_902 = arith.select %eq3A_898, %jit3A_901, %mul3A_900 : i32
      %jit3A_903 = arith.constant 8 : i32
      %jit3A_904 = arith.constant 0 : i32
      %select_n3A_905 = arith.select %eq3A_898, %jit3A_903, %jit3A_904 : i32
      %get3A = arith.index_cast %select_n3A_902 : i32 to index
      %get3A_906 = tpu.vector_load %arg7[%get3A] {strides = array<i32>} : memref<1000xi32, #tpu.memory_space<vmem>>, vector<16xi32>,
      %ge3A = vector.broadcast %select_n3A_905 : i32 to vector<16xi32>
      %ge3A_907 = arith.cmpi sge, %iota3A, %ge3A : vector<16xi32>
      %jit3A_908 = arith.constant 0 : i32
      %broadcast_in_dim3A_909 = vector.broadcast %jit3A_908 : i32 to vector<16xi32>
      %select_n3A_910 = arith.select %ge3A_907, %get3A_906, %broadcast_in_dim3A_909 : vector<16xi1>, vector<16xi32>
      tpu.vector_store_idx %arg10[%select_n3A_910], %broadcast_in_dim3A_51 masked %ge3A_907 {add = true} : memref<2048xf32, #tpu.memory_space<vmem>>[vector<16xi32>], vector<16xf32>, vector<16xi1>
    }
    %scan3A_710 = arith.constant 63 : i32
    %dma_wait3A_711 = arith.constant 0 : i32
    %dma_wait3A_712 = arith.constant 0 : i32
    %dma_wait3A_713 = tpu.memref_slice %arg15[%arg1, %dma_wait3A_711, %dma_wait3A_712] : memref<16x2048x16xf32, #tpu.memory_space<vmem_shared>> -> memref<1x2048x16xf32, #tpu.memory_space<vmem_shared>>
    %dma_wait3A_714 = tpu.memref_squeeze %dma_wait3A_713 : memref<1x2048x16xf32, #tpu.memory_space<vmem_shared>> -> memref<2048x16xf32, #tpu.memory_space<vmem_shared>>
    %dma_wait3A_715 = arith.constant 0 : i32
    %dma_wait3A_716 = arith.constant 0 : i32
    %dma_wait3A_717 = tpu.memref_slice %dma_wait3A_714[%dma_wait3A_715, %dma_wait3A_716] : memref<2048x16xf32, #tpu.memory_space<vmem_shared>> -> memref<2048x16xf32, #tpu.memory_space<vmem_shared>>
    tpu.wait_indirect_dma semaphore(%arg21 : memref<!tpu.dma_semaphore, #tpu.memory_space<semaphore_mem>>) src(%arg5 : memref<1000x16xf32, #tpu.memory_space<vmem>>) dst(%dma_wait3A_717 : memref<2048x16xf32, #tpu.memory_space<vmem_shared>>)
    %add3A_718 = arith.constant 24000 : i32
    %add3A_719 = arith.addi %mul3A_34, %add3A_718 : i32
    %dma_start3A_720 = tpu.memref_slice %arg2[%add3A_719, %mul3A_32] : memref<100000x128xf32, #tpu.memory_space<hbm>> -> memref<1000x16xf32, #tpu.memory_space<hbm>>
    %dma_start3A_721 = tpu.memref_slice %arg2[%add3A_719, %mul3A_32] : memref<100000x128xf32, #tpu.memory_space<hbm>> -> memref<1000x16xf32, #tpu.memory_space<hbm>>
    tpu.enqueue_dma source(%dma_start3A_721 : memref<1000x16xf32, #tpu.memory_space<hbm>>) target(%arg5 : memref<1000x16xf32, #tpu.memory_space<vmem>>) target_semaphore(%arg17 : memref<!tpu.dma_semaphore, #tpu.memory_space<semaphore_mem>>)
    %dma_start3A_722 = tpu.memref_slice %arg3[%add3A_719] : memref<100000xi32, #tpu.memory_space<hbm>> -> memref<1000xi32, #tpu.memory_space<hbm>>
    %dma_start3A_723 = tpu.memref_slice %arg3[%add3A_719] : memref<100000xi32, #tpu.memory_space<hbm>> -> memref<1000xi32, #tpu.memory_space<hbm>>
    tpu.enqueue_dma source(%dma_start3A_723 : memref<1000xi32, #tpu.memory_space<hbm>>) target(%arg7 : memref<1000xi32, #tpu.memory_space<vmem>>) target_semaphore(%arg19 : memref<!tpu.dma_semaphore, #tpu.memory_space<semaphore_mem>>)
    %dma_wait3A_724 = tpu.memref_slice %arg2[%add3A_690, %mul3A_32] : memref<100000x128xf32, #tpu.memory_space<hbm>> -> memref<1000x16xf32, #tpu.memory_space<hbm>>
    %dma_wait3A_725 = tpu.memref_slice %arg2[%add3A_690, %mul3A_32] : memref<100000x128xf32, #tpu.memory_space<hbm>> -> memref<1000x16xf32, #tpu.memory_space<hbm>>
    tpu.wait_dma2 semaphore(%arg18 : memref<!tpu.dma_semaphore, #tpu.memory_space<semaphore_mem>>) src(%dma_wait3A_725 : memref<1000x16xf32, #tpu.memory_space<hbm>>) dst(%arg6 : memref<1000x16xf32, #tpu.memory_space<vmem>>)
    %dma_wait3A_726 = tpu.memref_slice %arg3[%add3A_690] : memref<100000xi32, #tpu.memory_space<hbm>> -> memref<1000xi32, #tpu.memory_space<hbm>>
    %dma_wait3A_727 = tpu.memref_slice %arg3[%add3A_690] : memref<100000xi32, #tpu.memory_space<hbm>> -> memref<1000xi32, #tpu.memory_space<hbm>>
    tpu.wait_dma2 semaphore(%arg20 : memref<!tpu.dma_semaphore, #tpu.memory_space<semaphore_mem>>) src(%dma_wait3A_727 : memref<1000xi32, #tpu.memory_space<hbm>>) dst(%arg8 : memref<1000xi32, #tpu.memory_space<vmem>>)
    %dma_start3A_728 = arith.constant 0 : i32
    %dma_start3A_729 = arith.constant 0 : i32
    %dma_start3A_730 = tpu.memref_slice %arg15[%arg1, %dma_start3A_728, %dma_start3A_729] : memref<16x2048x16xf32, #tpu.memory_space<vmem_shared>> -> memref<1x2048x16xf32, #tpu.memory_space<vmem_shared>>
    %dma_start3A_731 = tpu.memref_squeeze %dma_start3A_730 : memref<1x2048x16xf32, #tpu.memory_space<vmem_shared>> -> memref<2048x16xf32, #tpu.memory_space<vmem_shared>>
    %dma_start3A_732 = arith.constant 0 : i32
    %dma_start3A_733 = arith.constant 0 : i32
    %dma_start3A_734 = tpu.memref_slice %dma_start3A_731[%dma_start3A_732, %dma_start3A_733] : memref<2048x16xf32, #tpu.memory_space<vmem_shared>> -> memref<2048x16xf32, #tpu.memory_space<vmem_shared>>
    tpu.enqueue_indirect_dma source(%arg6 : memref<1000x16xf32, #tpu.memory_space<vmem>>) target(%dma_start3A_734 : memref<2048x16xf32, #tpu.memory_space<vmem_shared>>) offsets(%arg8 : memref<1000xi32, #tpu.memory_space<vmem>>) semaphore(%arg22 : memref<!tpu.dma_semaphore, #tpu.memory_space<semaphore_mem>>) {add = true}
    %scan3A_735 = arith.constant 0 : i32
    %scan3A_736 = arith.constant 63 : i32
    %scan3A_737 = arith.addi %scan3A_735, %scan3A_736 : i32
    %scan3A_738 = arith.constant 1 : i32
    scf.for %scan3A_896 = %scan3A_735 to %scan3A_737 step %scan3A_738  : i32 {
      %eq3A_897 = arith.constant 62 : i32
      %eq3A_898 = arith.cmpi eq, %scan3A_896, %eq3A_897 : i32
      %mul3A_899 = arith.constant 16 : i32
      %mul3A_900 = arith.muli %scan3A_896, %mul3A_899 : i32
      %jit3A_901 = arith.constant 984 : i32
      %select_n3A_902 = arith.select %eq3A_898, %jit3A_901, %mul3A_900 : i32
      %jit3A_903 = arith.constant 8 : i32
      %jit3A_904 = arith.constant 0 : i32
      %select_n3A_905 = arith.select %eq3A_898, %jit3A_903, %jit3A_904 : i32
      %get3A = arith.index_cast %select_n3A_902 : i32 to index
      %get3A_906 = tpu.vector_load %arg8[%get3A] {strides = array<i32>} : memref<1000xi32, #tpu.memory_space<vmem>>, vector<16xi32>,
      %ge3A = vector.broadcast %select_n3A_905 : i32 to vector<16xi32>
      %ge3A_907 = arith.cmpi sge, %iota3A, %ge3A : vector<16xi32>
      %jit3A_908 = arith.constant 0 : i32
      %broadcast_in_dim3A_909 = vector.broadcast %jit3A_908 : i32 to vector<16xi32>
      %select_n3A_910 = arith.select %ge3A_907, %get3A_906, %broadcast_in_dim3A_909 : vector<16xi1>, vector<16xi32>
      tpu.vector_store_idx %arg10[%select_n3A_910], %broadcast_in_dim3A_51 masked %ge3A_907 {add = true} : memref<2048xf32, #tpu.memory_space<vmem>>[vector<16xi32>], vector<16xf32>, vector<16xi1>
    }
    %scan3A_739 = arith.constant 63 : i32
    %dma_wait3A_740 = arith.constant 0 : i32
    %dma_wait3A_741 = arith.constant 0 : i32
    %dma_wait3A_742 = tpu.memref_slice %arg15[%arg1, %dma_wait3A_740, %dma_wait3A_741] : memref<16x2048x16xf32, #tpu.memory_space<vmem_shared>> -> memref<1x2048x16xf32, #tpu.memory_space<vmem_shared>>
    %dma_wait3A_743 = tpu.memref_squeeze %dma_wait3A_742 : memref<1x2048x16xf32, #tpu.memory_space<vmem_shared>> -> memref<2048x16xf32, #tpu.memory_space<vmem_shared>>
    %dma_wait3A_744 = arith.constant 0 : i32
    %dma_wait3A_745 = arith.constant 0 : i32
    %dma_wait3A_746 = tpu.memref_slice %dma_wait3A_743[%dma_wait3A_744, %dma_wait3A_745] : memref<2048x16xf32, #tpu.memory_space<vmem_shared>> -> memref<2048x16xf32, #tpu.memory_space<vmem_shared>>
    tpu.wait_indirect_dma semaphore(%arg22 : memref<!tpu.dma_semaphore, #tpu.memory_space<semaphore_mem>>) src(%arg6 : memref<1000x16xf32, #tpu.memory_space<vmem>>) dst(%dma_wait3A_746 : memref<2048x16xf32, #tpu.memory_space<vmem_shared>>)
    %dma_wait3A_747 = tpu.memref_slice %arg2[%add3A_719, %mul3A_32] : memref<100000x128xf32, #tpu.memory_space<hbm>> -> memref<1000x16xf32, #tpu.memory_space<hbm>>
    %dma_wait3A_748 = tpu.memref_slice %arg2[%add3A_719, %mul3A_32] : memref<100000x128xf32, #tpu.memory_space<hbm>> -> memref<1000x16xf32, #tpu.memory_space<hbm>>
    tpu.wait_dma2 semaphore(%arg17 : memref<!tpu.dma_semaphore, #tpu.memory_space<semaphore_mem>>) src(%dma_wait3A_748 : memref<1000x16xf32, #tpu.memory_space<hbm>>) dst(%arg5 : memref<1000x16xf32, #tpu.memory_space<vmem>>)
    %dma_wait3A_749 = tpu.memref_slice %arg3[%add3A_719] : memref<100000xi32, #tpu.memory_space<hbm>> -> memref<1000xi32, #tpu.memory_space<hbm>>
    %dma_wait3A_750 = tpu.memref_slice %arg3[%add3A_719] : memref<100000xi32, #tpu.memory_space<hbm>> -> memref<1000xi32, #tpu.memory_space<hbm>>
    tpu.wait_dma2 semaphore(%arg19 : memref<!tpu.dma_semaphore, #tpu.memory_space<semaphore_mem>>) src(%dma_wait3A_750 : memref<1000xi32, #tpu.memory_space<hbm>>) dst(%arg7 : memref<1000xi32, #tpu.memory_space<vmem>>)
    %dma_start3A_751 = arith.constant 0 : i32
    %dma_start3A_752 = arith.constant 0 : i32
    %dma_start3A_753 = tpu.memref_slice %arg15[%arg1, %dma_start3A_751, %dma_start3A_752] : memref<16x2048x16xf32, #tpu.memory_space<vmem_shared>> -> memref<1x2048x16xf32, #tpu.memory_space<vmem_shared>>
    %dma_start3A_754 = tpu.memref_squeeze %dma_start3A_753 : memref<1x2048x16xf32, #tpu.memory_space<vmem_shared>> -> memref<2048x16xf32, #tpu.memory_space<vmem_shared>>
    %dma_start3A_755 = arith.constant 0 : i32
    %dma_start3A_756 = arith.constant 0 : i32
    %dma_start3A_757 = tpu.memref_slice %dma_start3A_754[%dma_start3A_755, %dma_start3A_756] : memref<2048x16xf32, #tpu.memory_space<vmem_shared>> -> memref<2048x16xf32, #tpu.memory_space<vmem_shared>>
    tpu.enqueue_indirect_dma source(%arg5 : memref<1000x16xf32, #tpu.memory_space<vmem>>) target(%dma_start3A_757 : memref<2048x16xf32, #tpu.memory_space<vmem_shared>>) offsets(%arg7 : memref<1000xi32, #tpu.memory_space<vmem>>) semaphore(%arg21 : memref<!tpu.dma_semaphore, #tpu.memory_space<semaphore_mem>>) {add = true}
    %scan3A_758 = arith.constant 0 : i32
    %scan3A_759 = arith.constant 63 : i32
    %scan3A_760 = arith.addi %scan3A_758, %scan3A_759 : i32
    %scan3A_761 = arith.constant 1 : i32
    scf.for %scan3A_896 = %scan3A_758 to %scan3A_760 step %scan3A_761  : i32 {
      %eq3A_897 = arith.constant 62 : i32
      %eq3A_898 = arith.cmpi eq, %scan3A_896, %eq3A_897 : i32
      %mul3A_899 = arith.constant 16 : i32
      %mul3A_900 = arith.muli %scan3A_896, %mul3A_899 : i32
      %jit3A_901 = arith.constant 984 : i32
      %select_n3A_902 = arith.select %eq3A_898, %jit3A_901, %mul3A_900 : i32
      %jit3A_903 = arith.constant 8 : i32
      %jit3A_904 = arith.constant 0 : i32
      %select_n3A_905 = arith.select %eq3A_898, %jit3A_903, %jit3A_904 : i32
      %get3A = arith.index_cast %select_n3A_902 : i32 to index
      %get3A_906 = tpu.vector_load %arg7[%get3A] {strides = array<i32>} : memref<1000xi32, #tpu.memory_space<vmem>>, vector<16xi32>,
      %ge3A = vector.broadcast %select_n3A_905 : i32 to vector<16xi32>
      %ge3A_907 = arith.cmpi sge, %iota3A, %ge3A : vector<16xi32>
      %jit3A_908 = arith.constant 0 : i32
      %broadcast_in_dim3A_909 = vector.broadcast %jit3A_908 : i32 to vector<16xi32>
      %select_n3A_910 = arith.select %ge3A_907, %get3A_906, %broadcast_in_dim3A_909 : vector<16xi1>, vector<16xi32>
      tpu.vector_store_idx %arg10[%select_n3A_910], %broadcast_in_dim3A_51 masked %ge3A_907 {add = true} : memref<2048xf32, #tpu.memory_space<vmem>>[vector<16xi32>], vector<16xf32>, vector<16xi1>
    }
    %scan3A_762 = arith.constant 63 : i32
    %dma_wait3A_763 = arith.constant 0 : i32
    %dma_wait3A_764 = arith.constant 0 : i32
    %dma_wait3A_765 = tpu.memref_slice %arg15[%arg1, %dma_wait3A_763, %dma_wait3A_764] : memref<16x2048x16xf32, #tpu.memory_space<vmem_shared>> -> memref<1x2048x16xf32, #tpu.memory_space<vmem_shared>>
    %dma_wait3A_766 = tpu.memref_squeeze %dma_wait3A_765 : memref<1x2048x16xf32, #tpu.memory_space<vmem_shared>> -> memref<2048x16xf32, #tpu.memory_space<vmem_shared>>
    %dma_wait3A_767 = arith.constant 0 : i32
    %dma_wait3A_768 = arith.constant 0 : i32
    %dma_wait3A_769 = tpu.memref_slice %dma_wait3A_766[%dma_wait3A_767, %dma_wait3A_768] : memref<2048x16xf32, #tpu.memory_space<vmem_shared>> -> memref<2048x16xf32, #tpu.memory_space<vmem_shared>>
    tpu.wait_indirect_dma semaphore(%arg21 : memref<!tpu.dma_semaphore, #tpu.memory_space<semaphore_mem>>) src(%arg5 : memref<1000x16xf32, #tpu.memory_space<vmem>>) dst(%dma_wait3A_769 : memref<2048x16xf32, #tpu.memory_space<vmem_shared>>)
    %eq3A_770 = arith.cmpi eq, %select_n3A_30, %arg0 : i32
    %convert_element_type3A = arith.extui %eq3A_770 : i1 to i32
    %cond3A = arith.constant 0 : i32
    %cond3A_771 = arith.cmpi ne, %convert_element_type3A, %cond3A : i32
    scf.if %cond3A_771 {
      "tpu.region"() ({
        %run_scoped3A_896 = tpu.sem_alloc : memref<!tpu.dma_semaphore, #tpu.memory_space<semaphore_mem>>
        %dma_start3A_897 = arith.constant 0 : i32
        %dma_start3A_898 = tpu.memref_slice %arg16[%select_n3A, %dma_start3A_897] : memref<4x2048xf32, #tpu.memory_space<vmem_shared>> -> memref<1x2048xf32, #tpu.memory_space<vmem_shared>>
        %dma_start3A_899 = tpu.memref_squeeze %dma_start3A_898 : memref<1x2048xf32, #tpu.memory_space<vmem_shared>> -> memref<2048xf32, #tpu.memory_space<vmem_shared>>
        %dma_start3A_900 = arith.constant 0 : i32
        %dma_start3A_901 = tpu.memref_slice %arg16[%select_n3A, %dma_start3A_900] : memref<4x2048xf32, #tpu.memory_space<vmem_shared>> -> memref<1x2048xf32, #tpu.memory_space<vmem_shared>>
        %dma_start3A_902 = tpu.memref_squeeze %dma_start3A_901 : memref<1x2048xf32, #tpu.memory_space<vmem_shared>> -> memref<2048xf32, #tpu.memory_space<vmem_shared>>
        tpu.enqueue_dma source(%arg10 : memref<2048xf32, #tpu.memory_space<vmem>>) target(%dma_start3A_902 : memref<2048xf32, #tpu.memory_space<vmem_shared>>) target_semaphore(%run_scoped3A_896 : memref<!tpu.dma_semaphore, #tpu.memory_space<semaphore_mem>>)
        %dma_wait3A_903 = arith.constant 0 : i32
        %dma_wait3A_904 = tpu.memref_slice %arg16[%select_n3A, %dma_wait3A_903] : memref<4x2048xf32, #tpu.memory_space<vmem_shared>> -> memref<1x2048xf32, #tpu.memory_space<vmem_shared>>
        %dma_wait3A_905 = tpu.memref_squeeze %dma_wait3A_904 : memref<1x2048xf32, #tpu.memory_space<vmem_shared>> -> memref<2048xf32, #tpu.memory_space<vmem_shared>>
        %dma_wait3A_906 = arith.constant 0 : i32
        %dma_wait3A_907 = tpu.memref_slice %arg16[%select_n3A, %dma_wait3A_906] : memref<4x2048xf32, #tpu.memory_space<vmem_shared>> -> memref<1x2048xf32, #tpu.memory_space<vmem_shared>>
        %dma_wait3A_908 = tpu.memref_squeeze %dma_wait3A_907 : memref<1x2048xf32, #tpu.memory_space<vmem_shared>> -> memref<2048xf32, #tpu.memory_space<vmem_shared>>
        tpu.wait_dma2 semaphore(%run_scoped3A_896 : memref<!tpu.dma_semaphore, #tpu.memory_space<semaphore_mem>>) src(%arg10 : memref<2048xf32, #tpu.memory_space<vmem>>) dst(%dma_wait3A_908 : memref<2048xf32, #tpu.memory_space<vmem_shared>>)
        tpu.yield
      }) : () -> ()
    } else {
    }
    %barrier3A = arith.constant 0 : index
    tpu.barrier barrier_id(%barrier3A)
    "tpu.region"() ({
      %run_scoped3A_896 = tpu.sem_alloc : memref<!tpu.dma_semaphore, #tpu.memory_space<semaphore_mem>>
      tpu.enqueue_dma source(%arg16 : memref<4x2048xf32, #tpu.memory_space<vmem_shared>>) target(%arg11 : memref<4x2048xf32, #tpu.memory_space<vmem>>) target_semaphore(%run_scoped3A_896 : memref<!tpu.dma_semaphore, #tpu.memory_space<semaphore_mem>>)
      tpu.wait_dma2 semaphore(%run_scoped3A_896 : memref<!tpu.dma_semaphore, #tpu.memory_space<semaphore_mem>>) src(%arg16 : memref<4x2048xf32, #tpu.memory_space<vmem_shared>>) dst(%arg11 : memref<4x2048xf32, #tpu.memory_space<vmem>>)
      tpu.yield
    }) : () -> ()
    %mul3A_772 = arith.constant 512 : i32
    %mul3A_773 = arith.muli %select_n3A, %mul3A_772 : i32
    %jit3A_774 = arith.constant 2 : i32
    %div3A_775 = arith.divsi %select_n3A_30, %jit3A_774 : i32
    %sign3A_776 = arith.constant 0 : i32
    %sign3A_777 = arith.cmpi sgt, %select_n3A_30, %sign3A_776 : i32
    %sign3A_778 = arith.extui %sign3A_777 : i1 to i32
    %sign3A_779 = arith.constant 0 : i32
    %sign3A_780 = arith.cmpi slt, %select_n3A_30, %sign3A_779 : i32
    %sign3A_781 = arith.extui %sign3A_780 : i1 to i32
    %sign3A_782 = arith.subi %sign3A_778, %sign3A_781 : i32
    %sign3A_783 = arith.constant 0 : i32
    %sign3A_784 = arith.cmpi sgt, %jit3A_774, %sign3A_783 : i32
    %sign3A_785 = arith.extui %sign3A_784 : i1 to i32
    %sign3A_786 = arith.constant 0 : i32
    %sign3A_787 = arith.cmpi slt, %jit3A_774, %sign3A_786 : i32
    %sign3A_788 = arith.extui %sign3A_787 : i1 to i32
    %sign3A_789 = arith.subi %sign3A_785, %sign3A_788 : i32
    %ne3A_790 = arith.cmpi ne, %sign3A_782, %sign3A_789 : i32
    %rem3A_791 = arith.remsi %select_n3A_30, %jit3A_774 : i32
    %ne3A_792 = arith.constant 0 : i32
    %ne3A_793 = arith.cmpi ne, %rem3A_791, %ne3A_792 : i32
    %and3A_794 = arith.andi %ne3A_790, %ne3A_793 : i1
    %sub3A_795 = arith.constant 1 : i32
    %sub3A_796 = arith.subi %div3A_775, %sub3A_795 : i32
    %select_n3A_797 = arith.select %and3A_794, %sub3A_796, %div3A_775 : i32
    %add3A_798 = arith.constant 0 : i32
    %add3A_799 = arith.addi %add3A_798, %select_n3A_797 : i32
    %run_scoped3A = arith.constant 0 : i32
    "tpu.region"() ({
      %run_scoped3A_896 = tpu.sem_alloc : memref<!tpu.dma_semaphore, #tpu.memory_space<semaphore_mem>>
      %dma_start3A_897 = arith.constant 0 : i32
      %dma_start3A_898 = arith.constant 0 : i32
      %dma_start3A_899 = tpu.memref_slice %arg12[%run_scoped3A, %dma_start3A_897, %dma_start3A_898] : memref<4x512x16xf32, #tpu.memory_space<vmem>> -> memref<1x512x16xf32, #tpu.memory_space<vmem>>
      %dma_start3A_900 = tpu.memref_squeeze %dma_start3A_899 : memref<1x512x16xf32, #tpu.memory_space<vmem>> -> memref<512x16xf32, #tpu.memory_space<vmem>>
      %dma_start3A_901 = arith.constant 0 : i32
      %dma_start3A_902 = tpu.memref_slice %arg15[%add3A_799, %mul3A_773, %dma_start3A_901] : memref<16x2048x16xf32, #tpu.memory_space<vmem_shared>> -> memref<1x512x16xf32, #tpu.memory_space<vmem_shared>>
      %dma_start3A_903 = tpu.memref_squeeze %dma_start3A_902 : memref<1x512x16xf32, #tpu.memory_space<vmem_shared>> -> memref<512x16xf32, #tpu.memory_space<vmem_shared>>
      %dma_start3A_904 = arith.constant 0 : i32
      %dma_start3A_905 = arith.constant 0 : i32
      %dma_start3A_906 = tpu.memref_slice %arg12[%run_scoped3A, %dma_start3A_904, %dma_start3A_905] : memref<4x512x16xf32, #tpu.memory_space<vmem>> -> memref<1x512x16xf32, #tpu.memory_space<vmem>>
      %dma_start3A_907 = tpu.memref_squeeze %dma_start3A_906 : memref<1x512x16xf32, #tpu.memory_space<vmem>> -> memref<512x16xf32, #tpu.memory_space<vmem>>
      %dma_start3A_908 = arith.constant 0 : i32
      %dma_start3A_909 = tpu.memref_slice %arg15[%add3A_799, %mul3A_773, %dma_start3A_908] : memref<16x2048x16xf32, #tpu.memory_space<vmem_shared>> -> memref<1x512x16xf32, #tpu.memory_space<vmem_shared>>
      %dma_start3A_910 = tpu.memref_squeeze %dma_start3A_909 : memref<1x512x16xf32, #tpu.memory_space<vmem_shared>> -> memref<512x16xf32, #tpu.memory_space<vmem_shared>>
      tpu.enqueue_dma source(%dma_start3A_910 : memref<512x16xf32, #tpu.memory_space<vmem_shared>>) target(%dma_start3A_907 : memref<512x16xf32, #tpu.memory_space<vmem>>) target_semaphore(%run_scoped3A_896 : memref<!tpu.dma_semaphore, #tpu.memory_space<semaphore_mem>>)
      %dma_wait3A_911 = arith.constant 0 : i32
      %dma_wait3A_912 = arith.constant 0 : i32
      %dma_wait3A_913 = tpu.memref_slice %arg12[%run_scoped3A, %dma_wait3A_911, %dma_wait3A_912] : memref<4x512x16xf32, #tpu.memory_space<vmem>> -> memref<1x512x16xf32, #tpu.memory_space<vmem>>
      %dma_wait3A_914 = tpu.memref_squeeze %dma_wait3A_913 : memref<1x512x16xf32, #tpu.memory_space<vmem>> -> memref<512x16xf32, #tpu.memory_space<vmem>>
      %dma_wait3A_915 = arith.constant 0 : i32
      %dma_wait3A_916 = tpu.memref_slice %arg15[%add3A_799, %mul3A_773, %dma_wait3A_915] : memref<16x2048x16xf32, #tpu.memory_space<vmem_shared>> -> memref<1x512x16xf32, #tpu.memory_space<vmem_shared>>
      %dma_wait3A_917 = tpu.memref_squeeze %dma_wait3A_916 : memref<1x512x16xf32, #tpu.memory_space<vmem_shared>> -> memref<512x16xf32, #tpu.memory_space<vmem_shared>>
      %dma_wait3A_918 = arith.constant 0 : i32
      %dma_wait3A_919 = arith.constant 0 : i32
      %dma_wait3A_920 = tpu.memref_slice %arg12[%run_scoped3A, %dma_wait3A_918, %dma_wait3A_919] : memref<4x512x16xf32, #tpu.memory_space<vmem>> -> memref<1x512x16xf32, #tpu.memory_space<vmem>>
      %dma_wait3A_921 = tpu.memref_squeeze %dma_wait3A_920 : memref<1x512x16xf32, #tpu.memory_space<vmem>> -> memref<512x16xf32, #tpu.memory_space<vmem>>
      %dma_wait3A_922 = arith.constant 0 : i32
      %dma_wait3A_923 = tpu.memref_slice %arg15[%add3A_799, %mul3A_773, %dma_wait3A_922] : memref<16x2048x16xf32, #tpu.memory_space<vmem_shared>> -> memref<1x512x16xf32, #tpu.memory_space<vmem_shared>>
      %dma_wait3A_924 = tpu.memref_squeeze %dma_wait3A_923 : memref<1x512x16xf32, #tpu.memory_space<vmem_shared>> -> memref<512x16xf32, #tpu.memory_space<vmem_shared>>
      tpu.wait_dma2 semaphore(%run_scoped3A_896 : memref<!tpu.dma_semaphore, #tpu.memory_space<semaphore_mem>>) src(%dma_wait3A_924 : memref<512x16xf32, #tpu.memory_space<vmem_shared>>) dst(%dma_wait3A_921 : memref<512x16xf32, #tpu.memory_space<vmem>>)
      tpu.yield
    }) : () -> ()
    %jit3A_800 = arith.constant 2 : i32
    %div3A_801 = arith.divsi %select_n3A_30, %jit3A_800 : i32
    %sign3A_802 = arith.constant 0 : i32
    %sign3A_803 = arith.cmpi sgt, %select_n3A_30, %sign3A_802 : i32
    %sign3A_804 = arith.extui %sign3A_803 : i1 to i32
    %sign3A_805 = arith.constant 0 : i32
    %sign3A_806 = arith.cmpi slt, %select_n3A_30, %sign3A_805 : i32
    %sign3A_807 = arith.extui %sign3A_806 : i1 to i32
    %sign3A_808 = arith.subi %sign3A_804, %sign3A_807 : i32
    %sign3A_809 = arith.constant 0 : i32
    %sign3A_810 = arith.cmpi sgt, %jit3A_800, %sign3A_809 : i32
    %sign3A_811 = arith.extui %sign3A_810 : i1 to i32
    %sign3A_812 = arith.constant 0 : i32
    %sign3A_813 = arith.cmpi slt, %jit3A_800, %sign3A_812 : i32
    %sign3A_814 = arith.extui %sign3A_813 : i1 to i32
    %sign3A_815 = arith.subi %sign3A_811, %sign3A_814 : i32
    %ne3A_816 = arith.cmpi ne, %sign3A_808, %sign3A_815 : i32
    %rem3A_817 = arith.remsi %select_n3A_30, %jit3A_800 : i32
    %ne3A_818 = arith.constant 0 : i32
    %ne3A_819 = arith.cmpi ne, %rem3A_817, %ne3A_818 : i32
    %and3A_820 = arith.andi %ne3A_816, %ne3A_819 : i1
    %sub3A_821 = arith.constant 1 : i32
    %sub3A_822 = arith.subi %div3A_801, %sub3A_821 : i32
    %select_n3A_823 = arith.select %and3A_820, %sub3A_822, %div3A_801 : i32
    %add3A_824 = arith.constant 4 : i32
    %add3A_825 = arith.addi %add3A_824, %select_n3A_823 : i32
    %run_scoped3A_826 = arith.constant 1 : i32
    "tpu.region"() ({
      %run_scoped3A_896 = tpu.sem_alloc : memref<!tpu.dma_semaphore, #tpu.memory_space<semaphore_mem>>
      %dma_start3A_897 = arith.constant 0 : i32
      %dma_start3A_898 = arith.constant 0 : i32
      %dma_start3A_899 = tpu.memref_slice %arg12[%run_scoped3A_826, %dma_start3A_897, %dma_start3A_898] : memref<4x512x16xf32, #tpu.memory_space<vmem>> -> memref<1x512x16xf32, #tpu.memory_space<vmem>>
      %dma_start3A_900 = tpu.memref_squeeze %dma_start3A_899 : memref<1x512x16xf32, #tpu.memory_space<vmem>> -> memref<512x16xf32, #tpu.memory_space<vmem>>
      %dma_start3A_901 = arith.constant 0 : i32
      %dma_start3A_902 = tpu.memref_slice %arg15[%add3A_825, %mul3A_773, %dma_start3A_901] : memref<16x2048x16xf32, #tpu.memory_space<vmem_shared>> -> memref<1x512x16xf32, #tpu.memory_space<vmem_shared>>
      %dma_start3A_903 = tpu.memref_squeeze %dma_start3A_902 : memref<1x512x16xf32, #tpu.memory_space<vmem_shared>> -> memref<512x16xf32, #tpu.memory_space<vmem_shared>>
      %dma_start3A_904 = arith.constant 0 : i32
      %dma_start3A_905 = arith.constant 0 : i32
      %dma_start3A_906 = tpu.memref_slice %arg12[%run_scoped3A_826, %dma_start3A_904, %dma_start3A_905] : memref<4x512x16xf32, #tpu.memory_space<vmem>> -> memref<1x512x16xf32, #tpu.memory_space<vmem>>
      %dma_start3A_907 = tpu.memref_squeeze %dma_start3A_906 : memref<1x512x16xf32, #tpu.memory_space<vmem>> -> memref<512x16xf32, #tpu.memory_space<vmem>>
      %dma_start3A_908 = arith.constant 0 : i32
      %dma_start3A_909 = tpu.memref_slice %arg15[%add3A_825, %mul3A_773, %dma_start3A_908] : memref<16x2048x16xf32, #tpu.memory_space<vmem_shared>> -> memref<1x512x16xf32, #tpu.memory_space<vmem_shared>>
      %dma_start3A_910 = tpu.memref_squeeze %dma_start3A_909 : memref<1x512x16xf32, #tpu.memory_space<vmem_shared>> -> memref<512x16xf32, #tpu.memory_space<vmem_shared>>
      tpu.enqueue_dma source(%dma_start3A_910 : memref<512x16xf32, #tpu.memory_space<vmem_shared>>) target(%dma_start3A_907 : memref<512x16xf32, #tpu.memory_space<vmem>>) target_semaphore(%run_scoped3A_896 : memref<!tpu.dma_semaphore, #tpu.memory_space<semaphore_mem>>)
      %dma_wait3A_911 = arith.constant 0 : i32
      %dma_wait3A_912 = arith.constant 0 : i32
      %dma_wait3A_913 = tpu.memref_slice %arg12[%run_scoped3A_826, %dma_wait3A_911, %dma_wait3A_912] : memref<4x512x16xf32, #tpu.memory_space<vmem>> -> memref<1x512x16xf32, #tpu.memory_space<vmem>>
      %dma_wait3A_914 = tpu.memref_squeeze %dma_wait3A_913 : memref<1x512x16xf32, #tpu.memory_space<vmem>> -> memref<512x16xf32, #tpu.memory_space<vmem>>
      %dma_wait3A_915 = arith.constant 0 : i32
      %dma_wait3A_916 = tpu.memref_slice %arg15[%add3A_825, %mul3A_773, %dma_wait3A_915] : memref<16x2048x16xf32, #tpu.memory_space<vmem_shared>> -> memref<1x512x16xf32, #tpu.memory_space<vmem_shared>>
      %dma_wait3A_917 = tpu.memref_squeeze %dma_wait3A_916 : memref<1x512x16xf32, #tpu.memory_space<vmem_shared>> -> memref<512x16xf32, #tpu.memory_space<vmem_shared>>
      %dma_wait3A_918 = arith.constant 0 : i32
      %dma_wait3A_919 = arith.constant 0 : i32
      %dma_wait3A_920 = tpu.memref_slice %arg12[%run_scoped3A_826, %dma_wait3A_918, %dma_wait3A_919] : memref<4x512x16xf32, #tpu.memory_space<vmem>> -> memref<1x512x16xf32, #tpu.memory_space<vmem>>
      %dma_wait3A_921 = tpu.memref_squeeze %dma_wait3A_920 : memref<1x512x16xf32, #tpu.memory_space<vmem>> -> memref<512x16xf32, #tpu.memory_space<vmem>>
      %dma_wait3A_922 = arith.constant 0 : i32
      %dma_wait3A_923 = tpu.memref_slice %arg15[%add3A_825, %mul3A_773, %dma_wait3A_922] : memref<16x2048x16xf32, #tpu.memory_space<vmem_shared>> -> memref<1x512x16xf32, #tpu.memory_space<vmem_shared>>
      %dma_wait3A_924 = tpu.memref_squeeze %dma_wait3A_923 : memref<1x512x16xf32, #tpu.memory_space<vmem_shared>> -> memref<512x16xf32, #tpu.memory_space<vmem_shared>>
      tpu.wait_dma2 semaphore(%run_scoped3A_896 : memref<!tpu.dma_semaphore, #tpu.memory_space<semaphore_mem>>) src(%dma_wait3A_924 : memref<512x16xf32, #tpu.memory_space<vmem_shared>>) dst(%dma_wait3A_921 : memref<512x16xf32, #tpu.memory_space<vmem>>)
      tpu.yield
    }) : () -> ()
    %jit3A_827 = arith.constant 2 : i32
    %div3A_828 = arith.divsi %select_n3A_30, %jit3A_827 : i32
    %sign3A_829 = arith.constant 0 : i32
    %sign3A_830 = arith.cmpi sgt, %select_n3A_30, %sign3A_829 : i32
    %sign3A_831 = arith.extui %sign3A_830 : i1 to i32
    %sign3A_832 = arith.constant 0 : i32
    %sign3A_833 = arith.cmpi slt, %select_n3A_30, %sign3A_832 : i32
    %sign3A_834 = arith.extui %sign3A_833 : i1 to i32
    %sign3A_835 = arith.subi %sign3A_831, %sign3A_834 : i32
    %sign3A_836 = arith.constant 0 : i32
    %sign3A_837 = arith.cmpi sgt, %jit3A_827, %sign3A_836 : i32
    %sign3A_838 = arith.extui %sign3A_837 : i1 to i32
    %sign3A_839 = arith.constant 0 : i32
    %sign3A_840 = arith.cmpi slt, %jit3A_827, %sign3A_839 : i32
    %sign3A_841 = arith.extui %sign3A_840 : i1 to i32
    %sign3A_842 = arith.subi %sign3A_838, %sign3A_841 : i32
    %ne3A_843 = arith.cmpi ne, %sign3A_835, %sign3A_842 : i32
    %rem3A_844 = arith.remsi %select_n3A_30, %jit3A_827 : i32
    %ne3A_845 = arith.constant 0 : i32
    %ne3A_846 = arith.cmpi ne, %rem3A_844, %ne3A_845 : i32
    %and3A_847 = arith.andi %ne3A_843, %ne3A_846 : i1
    %sub3A_848 = arith.constant 1 : i32
    %sub3A_849 = arith.subi %div3A_828, %sub3A_848 : i32
    %select_n3A_850 = arith.select %and3A_847, %sub3A_849, %div3A_828 : i32
    %add3A_851 = arith.constant 8 : i32
    %add3A_852 = arith.addi %add3A_851, %select_n3A_850 : i32
    %run_scoped3A_853 = arith.constant 2 : i32
    "tpu.region"() ({
      %run_scoped3A_896 = tpu.sem_alloc : memref<!tpu.dma_semaphore, #tpu.memory_space<semaphore_mem>>
      %dma_start3A_897 = arith.constant 0 : i32
      %dma_start3A_898 = arith.constant 0 : i32
      %dma_start3A_899 = tpu.memref_slice %arg12[%run_scoped3A_853, %dma_start3A_897, %dma_start3A_898] : memref<4x512x16xf32, #tpu.memory_space<vmem>> -> memref<1x512x16xf32, #tpu.memory_space<vmem>>
      %dma_start3A_900 = tpu.memref_squeeze %dma_start3A_899 : memref<1x512x16xf32, #tpu.memory_space<vmem>> -> memref<512x16xf32, #tpu.memory_space<vmem>>
      %dma_start3A_901 = arith.constant 0 : i32
      %dma_start3A_902 = tpu.memref_slice %arg15[%add3A_852, %mul3A_773, %dma_start3A_901] : memref<16x2048x16xf32, #tpu.memory_space<vmem_shared>> -> memref<1x512x16xf32, #tpu.memory_space<vmem_shared>>
      %dma_start3A_903 = tpu.memref_squeeze %dma_start3A_902 : memref<1x512x16xf32, #tpu.memory_space<vmem_shared>> -> memref<512x16xf32, #tpu.memory_space<vmem_shared>>
      %dma_start3A_904 = arith.constant 0 : i32
      %dma_start3A_905 = arith.constant 0 : i32
      %dma_start3A_906 = tpu.memref_slice %arg12[%run_scoped3A_853, %dma_start3A_904, %dma_start3A_905] : memref<4x512x16xf32, #tpu.memory_space<vmem>> -> memref<1x512x16xf32, #tpu.memory_space<vmem>>
      %dma_start3A_907 = tpu.memref_squeeze %dma_start3A_906 : memref<1x512x16xf32, #tpu.memory_space<vmem>> -> memref<512x16xf32, #tpu.memory_space<vmem>>
      %dma_start3A_908 = arith.constant 0 : i32
      %dma_start3A_909 = tpu.memref_slice %arg15[%add3A_852, %mul3A_773, %dma_start3A_908] : memref<16x2048x16xf32, #tpu.memory_space<vmem_shared>> -> memref<1x512x16xf32, #tpu.memory_space<vmem_shared>>
      %dma_start3A_910 = tpu.memref_squeeze %dma_start3A_909 : memref<1x512x16xf32, #tpu.memory_space<vmem_shared>> -> memref<512x16xf32, #tpu.memory_space<vmem_shared>>
      tpu.enqueue_dma source(%dma_start3A_910 : memref<512x16xf32, #tpu.memory_space<vmem_shared>>) target(%dma_start3A_907 : memref<512x16xf32, #tpu.memory_space<vmem>>) target_semaphore(%run_scoped3A_896 : memref<!tpu.dma_semaphore, #tpu.memory_space<semaphore_mem>>)
      %dma_wait3A_911 = arith.constant 0 : i32
      %dma_wait3A_912 = arith.constant 0 : i32
      %dma_wait3A_913 = tpu.memref_slice %arg12[%run_scoped3A_853, %dma_wait3A_911, %dma_wait3A_912] : memref<4x512x16xf32, #tpu.memory_space<vmem>> -> memref<1x512x16xf32, #tpu.memory_space<vmem>>
      %dma_wait3A_914 = tpu.memref_squeeze %dma_wait3A_913 : memref<1x512x16xf32, #tpu.memory_space<vmem>> -> memref<512x16xf32, #tpu.memory_space<vmem>>
      %dma_wait3A_915 = arith.constant 0 : i32
      %dma_wait3A_916 = tpu.memref_slice %arg15[%add3A_852, %mul3A_773, %dma_wait3A_915] : memref<16x2048x16xf32, #tpu.memory_space<vmem_shared>> -> memref<1x512x16xf32, #tpu.memory_space<vmem_shared>>
      %dma_wait3A_917 = tpu.memref_squeeze %dma_wait3A_916 : memref<1x512x16xf32, #tpu.memory_space<vmem_shared>> -> memref<512x16xf32, #tpu.memory_space<vmem_shared>>
      %dma_wait3A_918 = arith.constant 0 : i32
      %dma_wait3A_919 = arith.constant 0 : i32
      %dma_wait3A_920 = tpu.memref_slice %arg12[%run_scoped3A_853, %dma_wait3A_918, %dma_wait3A_919] : memref<4x512x16xf32, #tpu.memory_space<vmem>> -> memref<1x512x16xf32, #tpu.memory_space<vmem>>
      %dma_wait3A_921 = tpu.memref_squeeze %dma_wait3A_920 : memref<1x512x16xf32, #tpu.memory_space<vmem>> -> memref<512x16xf32, #tpu.memory_space<vmem>>
      %dma_wait3A_922 = arith.constant 0 : i32
      %dma_wait3A_923 = tpu.memref_slice %arg15[%add3A_852, %mul3A_773, %dma_wait3A_922] : memref<16x2048x16xf32, #tpu.memory_space<vmem_shared>> -> memref<1x512x16xf32, #tpu.memory_space<vmem_shared>>
      %dma_wait3A_924 = tpu.memref_squeeze %dma_wait3A_923 : memref<1x512x16xf32, #tpu.memory_space<vmem_shared>> -> memref<512x16xf32, #tpu.memory_space<vmem_shared>>
      tpu.wait_dma2 semaphore(%run_scoped3A_896 : memref<!tpu.dma_semaphore, #tpu.memory_space<semaphore_mem>>) src(%dma_wait3A_924 : memref<512x16xf32, #tpu.memory_space<vmem_shared>>) dst(%dma_wait3A_921 : memref<512x16xf32, #tpu.memory_space<vmem>>)
      tpu.yield
    }) : () -> ()
    %jit3A_854 = arith.constant 2 : i32
    %div3A_855 = arith.divsi %select_n3A_30, %jit3A_854 : i32
    %sign3A_856 = arith.constant 0 : i32
    %sign3A_857 = arith.cmpi sgt, %select_n3A_30, %sign3A_856 : i32
    %sign3A_858 = arith.extui %sign3A_857 : i1 to i32
    %sign3A_859 = arith.constant 0 : i32
    %sign3A_860 = arith.cmpi slt, %select_n3A_30, %sign3A_859 : i32
    %sign3A_861 = arith.extui %sign3A_860 : i1 to i32
    %sign3A_862 = arith.subi %sign3A_858, %sign3A_861 : i32
    %sign3A_863 = arith.constant 0 : i32
    %sign3A_864 = arith.cmpi sgt, %jit3A_854, %sign3A_863 : i32
    %sign3A_865 = arith.extui %sign3A_864 : i1 to i32
    %sign3A_866 = arith.constant 0 : i32
    %sign3A_867 = arith.cmpi slt, %jit3A_854, %sign3A_866 : i32
    %sign3A_868 = arith.extui %sign3A_867 : i1 to i32
    %sign3A_869 = arith.subi %sign3A_865, %sign3A_868 : i32
    %ne3A_870 = arith.cmpi ne, %sign3A_862, %sign3A_869 : i32
    %rem3A_871 = arith.remsi %select_n3A_30, %jit3A_854 : i32
    %ne3A_872 = arith.constant 0 : i32
    %ne3A_873 = arith.cmpi ne, %rem3A_871, %ne3A_872 : i32
    %and3A_874 = arith.andi %ne3A_870, %ne3A_873 : i1
    %sub3A_875 = arith.constant 1 : i32
    %sub3A_876 = arith.subi %div3A_855, %sub3A_875 : i32
    %select_n3A_877 = arith.select %and3A_874, %sub3A_876, %div3A_855 : i32
    %add3A_878 = arith.constant 12 : i32
    %add3A_879 = arith.addi %add3A_878, %select_n3A_877 : i32
    %run_scoped3A_880 = arith.constant 3 : i32
    "tpu.region"() ({
      %run_scoped3A_896 = tpu.sem_alloc : memref<!tpu.dma_semaphore, #tpu.memory_space<semaphore_mem>>
      %dma_start3A_897 = arith.constant 0 : i32
      %dma_start3A_898 = arith.constant 0 : i32
      %dma_start3A_899 = tpu.memref_slice %arg12[%run_scoped3A_880, %dma_start3A_897, %dma_start3A_898] : memref<4x512x16xf32, #tpu.memory_space<vmem>> -> memref<1x512x16xf32, #tpu.memory_space<vmem>>
      %dma_start3A_900 = tpu.memref_squeeze %dma_start3A_899 : memref<1x512x16xf32, #tpu.memory_space<vmem>> -> memref<512x16xf32, #tpu.memory_space<vmem>>
      %dma_start3A_901 = arith.constant 0 : i32
      %dma_start3A_902 = tpu.memref_slice %arg15[%add3A_879, %mul3A_773, %dma_start3A_901] : memref<16x2048x16xf32, #tpu.memory_space<vmem_shared>> -> memref<1x512x16xf32, #tpu.memory_space<vmem_shared>>
      %dma_start3A_903 = tpu.memref_squeeze %dma_start3A_902 : memref<1x512x16xf32, #tpu.memory_space<vmem_shared>> -> memref<512x16xf32, #tpu.memory_space<vmem_shared>>
      %dma_start3A_904 = arith.constant 0 : i32
      %dma_start3A_905 = arith.constant 0 : i32
      %dma_start3A_906 = tpu.memref_slice %arg12[%run_scoped3A_880, %dma_start3A_904, %dma_start3A_905] : memref<4x512x16xf32, #tpu.memory_space<vmem>> -> memref<1x512x16xf32, #tpu.memory_space<vmem>>
      %dma_start3A_907 = tpu.memref_squeeze %dma_start3A_906 : memref<1x512x16xf32, #tpu.memory_space<vmem>> -> memref<512x16xf32, #tpu.memory_space<vmem>>
      %dma_start3A_908 = arith.constant 0 : i32
      %dma_start3A_909 = tpu.memref_slice %arg15[%add3A_879, %mul3A_773, %dma_start3A_908] : memref<16x2048x16xf32, #tpu.memory_space<vmem_shared>> -> memref<1x512x16xf32, #tpu.memory_space<vmem_shared>>
      %dma_start3A_910 = tpu.memref_squeeze %dma_start3A_909 : memref<1x512x16xf32, #tpu.memory_space<vmem_shared>> -> memref<512x16xf32, #tpu.memory_space<vmem_shared>>
      tpu.enqueue_dma source(%dma_start3A_910 : memref<512x16xf32, #tpu.memory_space<vmem_shared>>) target(%dma_start3A_907 : memref<512x16xf32, #tpu.memory_space<vmem>>) target_semaphore(%run_scoped3A_896 : memref<!tpu.dma_semaphore, #tpu.memory_space<semaphore_mem>>)
      %dma_wait3A_911 = arith.constant 0 : i32
      %dma_wait3A_912 = arith.constant 0 : i32
      %dma_wait3A_913 = tpu.memref_slice %arg12[%run_scoped3A_880, %dma_wait3A_911, %dma_wait3A_912] : memref<4x512x16xf32, #tpu.memory_space<vmem>> -> memref<1x512x16xf32, #tpu.memory_space<vmem>>
      %dma_wait3A_914 = tpu.memref_squeeze %dma_wait3A_913 : memref<1x512x16xf32, #tpu.memory_space<vmem>> -> memref<512x16xf32, #tpu.memory_space<vmem>>
      %dma_wait3A_915 = arith.constant 0 : i32
      %dma_wait3A_916 = tpu.memref_slice %arg15[%add3A_879, %mul3A_773, %dma_wait3A_915] : memref<16x2048x16xf32, #tpu.memory_space<vmem_shared>> -> memref<1x512x16xf32, #tpu.memory_space<vmem_shared>>
      %dma_wait3A_917 = tpu.memref_squeeze %dma_wait3A_916 : memref<1x512x16xf32, #tpu.memory_space<vmem_shared>> -> memref<512x16xf32, #tpu.memory_space<vmem_shared>>
      %dma_wait3A_918 = arith.constant 0 : i32
      %dma_wait3A_919 = arith.constant 0 : i32
      %dma_wait3A_920 = tpu.memref_slice %arg12[%run_scoped3A_880, %dma_wait3A_918, %dma_wait3A_919] : memref<4x512x16xf32, #tpu.memory_space<vmem>> -> memref<1x512x16xf32, #tpu.memory_space<vmem>>
      %dma_wait3A_921 = tpu.memref_squeeze %dma_wait3A_920 : memref<1x512x16xf32, #tpu.memory_space<vmem>> -> memref<512x16xf32, #tpu.memory_space<vmem>>
      %dma_wait3A_922 = arith.constant 0 : i32
      %dma_wait3A_923 = tpu.memref_slice %arg15[%add3A_879, %mul3A_773, %dma_wait3A_922] : memref<16x2048x16xf32, #tpu.memory_space<vmem_shared>> -> memref<1x512x16xf32, #tpu.memory_space<vmem_shared>>
      %dma_wait3A_924 = tpu.memref_squeeze %dma_wait3A_923 : memref<1x512x16xf32, #tpu.memory_space<vmem_shared>> -> memref<512x16xf32, #tpu.memory_space<vmem_shared>>
      tpu.wait_dma2 semaphore(%run_scoped3A_896 : memref<!tpu.dma_semaphore, #tpu.memory_space<semaphore_mem>>) src(%dma_wait3A_924 : memref<512x16xf32, #tpu.memory_space<vmem_shared>>) dst(%dma_wait3A_921 : memref<512x16xf32, #tpu.memory_space<vmem>>)
      tpu.yield
    }) : () -> ()
    %scan3A_881 = arith.constant 1.000000e+00 : f32
    %scan3A_882 = arith.constant 0 : i32
    %scan3A_883 = arith.constant 128 : i32
    %scan3A_884 = arith.addi %scan3A_882, %scan3A_883 : i32
    %scan3A_885 = arith.constant 1 : i32
    scf.for %scan3A_896 = %scan3A_882 to %scan3A_884 step %scan3A_885  : i32 {
      %mul3A_897 = arith.constant 16 : i32
      %mul3A_898 = arith.muli %scan3A_896, %mul3A_897 : i32
      %get3A = arith.constant 0 : i32
      %get3A_899 = arith.index_cast %get3A : i32 to index
      %get3A_900 = arith.index_cast %mul3A_898 : i32 to index
      %get3A_901 = tpu.vector_load %arg11[%get3A_899, %get3A_900] {strides = array<i32>} : memref<4x2048xf32, #tpu.memory_space<vmem>>, vector<16xf32>,
      %get3A_902 = arith.constant 1 : i32
      %get3A_903 = arith.index_cast %get3A_902 : i32 to index
      %get3A_904 = arith.index_cast %mul3A_898 : i32 to index
      %get3A_905 = tpu.vector_load %arg11[%get3A_903, %get3A_904] {strides = array<i32>} : memref<4x2048xf32, #tpu.memory_space<vmem>>, vector<16xf32>,
      %add3A_906 = arith.addf %get3A_901, %get3A_905 : vector<16xf32>
      %get3A_907 = arith.constant 2 : i32
      %get3A_908 = arith.index_cast %get3A_907 : i32 to index
      %get3A_909 = arith.index_cast %mul3A_898 : i32 to index
      %get3A_910 = tpu.vector_load %arg11[%get3A_908, %get3A_909] {strides = array<i32>} : memref<4x2048xf32, #tpu.memory_space<vmem>>, vector<16xf32>,
      %add3A_911 = arith.addf %add3A_906, %get3A_910 : vector<16xf32>
      %get3A_912 = arith.constant 3 : i32
      %get3A_913 = arith.index_cast %get3A_912 : i32 to index
      %get3A_914 = arith.index_cast %mul3A_898 : i32 to index
      %get3A_915 = tpu.vector_load %arg11[%get3A_913, %get3A_914] {strides = array<i32>} : memref<4x2048xf32, #tpu.memory_space<vmem>>, vector<16xf32>,
      %add3A_916 = arith.addf %add3A_911, %get3A_915 : vector<16xf32>
      %div3A_917 = vector.broadcast %scan3A_881 : f32 to vector<16xf32>
      %div3A_918 = arith.divf %div3A_917, %add3A_916 : vector<16xf32>
      %swap3A = arith.index_cast %mul3A_898 : i32 to index
      %swap3A_919 = tpu.vector_load %arg14[%swap3A] {strides = array<i32>} : memref<2048xf32, #tpu.memory_space<vmem>>, vector<16xf32>,
      tpu.vector_store %arg14[%swap3A], %div3A_918 {strides = array<i32>} : memref<2048xf32, #tpu.memory_space<vmem>>, vector<16xf32>,
    }
    %scan3A_886 = arith.constant 128 : i32
    %scan3A_887 = arith.constant 0 : i32
    %scan3A_888 = arith.constant 32 : i32
    %scan3A_889 = arith.addi %scan3A_887, %scan3A_888 : i32
    %scan3A_890 = arith.constant 1 : i32
    scf.for %scan3A_896 = %scan3A_887 to %scan3A_889 step %scan3A_890  : i32 {
      %mul3A_897 = arith.constant 16 : i32
      %mul3A_898 = arith.muli %scan3A_896, %mul3A_897 : i32
      %add3A_899 = arith.addi %mul3A_773, %mul3A_898 : i32
      %get3A = arith.index_cast %add3A_899 : i32 to index
      %get3A_900 = tpu.vector_load %arg14[%get3A] {strides = array<i32>} : memref<2048xf32, #tpu.memory_space<vmem>>, vector<16xf32>,
      %mul3A_901 = arith.constant 16 : i32
      %mul3A_902 = arith.muli %scan3A_896, %mul3A_901 : i32
      %add3A_903 = arith.constant 0 : i32
      %add3A_904 = arith.addi %mul3A_902, %add3A_903 : i32
      %get3A_905 = arith.constant 0 : i32
      %get3A_906 = arith.index_cast %get3A_905 : i32 to index
      %get3A_907 = arith.index_cast %add3A_904 : i32 to index
      %get3A_908 = arith.constant 0 : index
      %get3A_909 = tpu.vector_load %arg12[%get3A_906, %get3A_907, %get3A_908] {strides = array<i32>} : memref<4x512x16xf32, #tpu.memory_space<vmem>>, vector<16xf32>,
      %get3A_910 = arith.constant 1 : i32
      %get3A_911 = arith.index_cast %get3A_910 : i32 to index
      %get3A_912 = arith.index_cast %add3A_904 : i32 to index
      %get3A_913 = arith.constant 0 : index
      %get3A_914 = tpu.vector_load %arg12[%get3A_911, %get3A_912, %get3A_913] {strides = array<i32>} : memref<4x512x16xf32, #tpu.memory_space<vmem>>, vector<16xf32>,
      %add3A_915 = arith.addf %get3A_909, %get3A_914 : vector<16xf32>
      %get3A_916 = arith.constant 2 : i32
      %get3A_917 = arith.index_cast %get3A_916 : i32 to index
      %get3A_918 = arith.index_cast %add3A_904 : i32 to index
      %get3A_919 = arith.constant 0 : index
      %get3A_920 = tpu.vector_load %arg12[%get3A_917, %get3A_918, %get3A_919] {strides = array<i32>} : memref<4x512x16xf32, #tpu.memory_space<vmem>>, vector<16xf32>,
      %add3A_921 = arith.addf %add3A_915, %get3A_920 : vector<16xf32>
      %get3A_922 = arith.constant 3 : i32
      %get3A_923 = arith.index_cast %get3A_922 : i32 to index
      %get3A_924 = arith.index_cast %add3A_904 : i32 to index
      %get3A_925 = arith.constant 0 : index
      %get3A_926 = tpu.vector_load %arg12[%get3A_923, %get3A_924, %get3A_925] {strides = array<i32>} : memref<4x512x16xf32, #tpu.memory_space<vmem>>, vector<16xf32>,
      %add3A_927 = arith.addf %add3A_921, %get3A_926 : vector<16xf32>
      %slice3A = vector.extract_strided_slice %get3A_900 {offsets = [0], sizes = [1], strides = [1]} : vector<16xf32> to vector<1xf32>
      %squeeze3A = vector.extract %slice3A[0] : f32 from vector<1xf32>
      %mul3A_928 = vector.broadcast %squeeze3A : f32 to vector<16xf32>
      %mul3A_929 = arith.mulf %add3A_927, %mul3A_928 : vector<16xf32>
      %swap3A = arith.index_cast %add3A_904 : i32 to index
      %swap3A_930 = arith.constant 0 : index
      %swap3A_931 = tpu.vector_load %arg13[%swap3A, %swap3A_930] {strides = array<i32>} : memref<512x16xf32, #tpu.memory_space<vmem>>, vector<16xf32>,
      tpu.vector_store %arg13[%swap3A, %swap3A_930], %mul3A_929 {strides = array<i32>} : memref<512x16xf32, #tpu.memory_space<vmem>>, vector<16xf32>,
      %mul3A_932 = arith.constant 16 : i32
      %mul3A_933 = arith.muli %scan3A_896, %mul3A_932 : i32
      %add3A_934 = arith.constant 1 : i32
      %add3A_935 = arith.addi %mul3A_933, %add3A_934 : i32
      %get3A_936 = arith.constant 0 : i32
      %get3A_937 = arith.index_cast %get3A_936 : i32 to index
      %get3A_938 = arith.index_cast %add3A_935 : i32 to index
      %get3A_939 = arith.constant 0 : index
      %get3A_940 = tpu.vector_load %arg12[%get3A_937, %get3A_938, %get3A_939] {strides = array<i32>} : memref<4x512x16xf32, #tpu.memory_space<vmem>>, vector<16xf32>,
      %get3A_941 = arith.constant 1 : i32
      %get3A_942 = arith.index_cast %get3A_941 : i32 to index
      %get3A_943 = arith.index_cast %add3A_935 : i32 to index
      %get3A_944 = arith.constant 0 : index
      %get3A_945 = tpu.vector_load %arg12[%get3A_942, %get3A_943, %get3A_944] {strides = array<i32>} : memref<4x512x16xf32, #tpu.memory_space<vmem>>, vector<16xf32>,
      %add3A_946 = arith.addf %get3A_940, %get3A_945 : vector<16xf32>
      %get3A_947 = arith.constant 2 : i32
      %get3A_948 = arith.index_cast %get3A_947 : i32 to index
      %get3A_949 = arith.index_cast %add3A_935 : i32 to index
      %get3A_950 = arith.constant 0 : index
      %get3A_951 = tpu.vector_load %arg12[%get3A_948, %get3A_949, %get3A_950] {strides = array<i32>} : memref<4x512x16xf32, #tpu.memory_space<vmem>>, vector<16xf32>,
      %add3A_952 = arith.addf %add3A_946, %get3A_951 : vector<16xf32>
      %get3A_953 = arith.constant 3 : i32
      %get3A_954 = arith.index_cast %get3A_953 : i32 to index
      %get3A_955 = arith.index_cast %add3A_935 : i32 to index
      %get3A_956 = arith.constant 0 : index
      %get3A_957 = tpu.vector_load %arg12[%get3A_954, %get3A_955, %get3A_956] {strides = array<i32>} : memref<4x512x16xf32, #tpu.memory_space<vmem>>, vector<16xf32>,
      %add3A_958 = arith.addf %add3A_952, %get3A_957 : vector<16xf32>
      %slice3A_959 = vector.extract_strided_slice %get3A_900 {offsets = [1], sizes = [1], strides = [1]} : vector<16xf32> to vector<1xf32>
      %squeeze3A_960 = vector.extract %slice3A_959[0] : f32 from vector<1xf32>
      %mul3A_961 = vector.broadcast %squeeze3A_960 : f32 to vector<16xf32>
      %mul3A_962 = arith.mulf %add3A_958, %mul3A_961 : vector<16xf32>
      %swap3A_963 = arith.index_cast %add3A_935 : i32 to index
      %swap3A_964 = arith.constant 0 : index
      %swap3A_965 = tpu.vector_load %arg13[%swap3A_963, %swap3A_964] {strides = array<i32>} : memref<512x16xf32, #tpu.memory_space<vmem>>, vector<16xf32>,
      tpu.vector_store %arg13[%swap3A_963, %swap3A_964], %mul3A_962 {strides = array<i32>} : memref<512x16xf32, #tpu.memory_space<vmem>>, vector<16xf32>,
      %mul3A_966 = arith.constant 16 : i32
      %mul3A_967 = arith.muli %scan3A_896, %mul3A_966 : i32
      %add3A_968 = arith.constant 2 : i32
      %add3A_969 = arith.addi %mul3A_967, %add3A_968 : i32
      %get3A_970 = arith.constant 0 : i32
      %get3A_971 = arith.index_cast %get3A_970 : i32 to index
      %get3A_972 = arith.index_cast %add3A_969 : i32 to index
      %get3A_973 = arith.constant 0 : index
      %get3A_974 = tpu.vector_load %arg12[%get3A_971, %get3A_972, %get3A_973] {strides = array<i32>} : memref<4x512x16xf32, #tpu.memory_space<vmem>>, vector<16xf32>,
      %get3A_975 = arith.constant 1 : i32
      %get3A_976 = arith.index_cast %get3A_975 : i32 to index
      %get3A_977 = arith.index_cast %add3A_969 : i32 to index
      %get3A_978 = arith.constant 0 : index
      %get3A_979 = tpu.vector_load %arg12[%get3A_976, %get3A_977, %get3A_978] {strides = array<i32>} : memref<4x512x16xf32, #tpu.memory_space<vmem>>, vector<16xf32>,
      %add3A_980 = arith.addf %get3A_974, %get3A_979 : vector<16xf32>
      %get3A_981 = arith.constant 2 : i32
      %get3A_982 = arith.index_cast %get3A_981 : i32 to index
      %get3A_983 = arith.index_cast %add3A_969 : i32 to index
      %get3A_984 = arith.constant 0 : index
      %get3A_985 = tpu.vector_load %arg12[%get3A_982, %get3A_983, %get3A_984] {strides = array<i32>} : memref<4x512x16xf32, #tpu.memory_space<vmem>>, vector<16xf32>,
      %add3A_986 = arith.addf %add3A_980, %get3A_985 : vector<16xf32>
      %get3A_987 = arith.constant 3 : i32
      %get3A_988 = arith.index_cast %get3A_987 : i32 to index
      %get3A_989 = arith.index_cast %add3A_969 : i32 to index
      %get3A_990 = arith.constant 0 : index
      %get3A_991 = tpu.vector_load %arg12[%get3A_988, %get3A_989, %get3A_990] {strides = array<i32>} : memref<4x512x16xf32, #tpu.memory_space<vmem>>, vector<16xf32>,
      %add3A_992 = arith.addf %add3A_986, %get3A_991 : vector<16xf32>
      %slice3A_993 = vector.extract_strided_slice %get3A_900 {offsets = [2], sizes = [1], strides = [1]} : vector<16xf32> to vector<1xf32>
      %squeeze3A_994 = vector.extract %slice3A_993[0] : f32 from vector<1xf32>
      %mul3A_995 = vector.broadcast %squeeze3A_994 : f32 to vector<16xf32>
      %mul3A_996 = arith.mulf %add3A_992, %mul3A_995 : vector<16xf32>
      %swap3A_997 = arith.index_cast %add3A_969 : i32 to index
      %swap3A_998 = arith.constant 0 : index
      %swap3A_999 = tpu.vector_load %arg13[%swap3A_997, %swap3A_998] {strides = array<i32>} : memref<512x16xf32, #tpu.memory_space<vmem>>, vector<16xf32>,
      tpu.vector_store %arg13[%swap3A_997, %swap3A_998], %mul3A_996 {strides = array<i32>} : memref<512x16xf32, #tpu.memory_space<vmem>>, vector<16xf32>,
      %mul3A_1000 = arith.constant 16 : i32
      %mul3A_1001 = arith.muli %scan3A_896, %mul3A_1000 : i32
      %add3A_1002 = arith.constant 3 : i32
      %add3A_1003 = arith.addi %mul3A_1001, %add3A_1002 : i32
      %get3A_1004 = arith.constant 0 : i32
      %get3A_1005 = arith.index_cast %get3A_1004 : i32 to index
      %get3A_1006 = arith.index_cast %add3A_1003 : i32 to index
      %get3A_1007 = arith.constant 0 : index
      %get3A_1008 = tpu.vector_load %arg12[%get3A_1005, %get3A_1006, %get3A_1007] {strides = array<i32>} : memref<4x512x16xf32, #tpu.memory_space<vmem>>, vector<16xf32>,
      %get3A_1009 = arith.constant 1 : i32
      %get3A_1010 = arith.index_cast %get3A_1009 : i32 to index
      %get3A_1011 = arith.index_cast %add3A_1003 : i32 to index
      %get3A_1012 = arith.constant 0 : index
      %get3A_1013 = tpu.vector_load %arg12[%get3A_1010, %get3A_1011, %get3A_1012] {strides = array<i32>} : memref<4x512x16xf32, #tpu.memory_space<vmem>>, vector<16xf32>,
      %add3A_1014 = arith.addf %get3A_1008, %get3A_1013 : vector<16xf32>
      %get3A_1015 = arith.constant 2 : i32
      %get3A_1016 = arith.index_cast %get3A_1015 : i32 to index
      %get3A_1017 = arith.index_cast %add3A_1003 : i32 to index
      %get3A_1018 = arith.constant 0 : index
      %get3A_1019 = tpu.vector_load %arg12[%get3A_1016, %get3A_1017, %get3A_1018] {strides = array<i32>} : memref<4x512x16xf32, #tpu.memory_space<vmem>>, vector<16xf32>,
      %add3A_1020 = arith.addf %add3A_1014, %get3A_1019 : vector<16xf32>
      %get3A_1021 = arith.constant 3 : i32
      %get3A_1022 = arith.index_cast %get3A_1021 : i32 to index
      %get3A_1023 = arith.index_cast %add3A_1003 : i32 to index
      %get3A_1024 = arith.constant 0 : index
      %get3A_1025 = tpu.vector_load %arg12[%get3A_1022, %get3A_1023, %get3A_1024] {strides = array<i32>} : memref<4x512x16xf32, #tpu.memory_space<vmem>>, vector<16xf32>,
      %add3A_1026 = arith.addf %add3A_1020, %get3A_1025 : vector<16xf32>
      %slice3A_1027 = vector.extract_strided_slice %get3A_900 {offsets = [3], sizes = [1], strides = [1]} : vector<16xf32> to vector<1xf32>
      %squeeze3A_1028 = vector.extract %slice3A_1027[0] : f32 from vector<1xf32>
      %mul3A_1029 = vector.broadcast %squeeze3A_1028 : f32 to vector<16xf32>
      %mul3A_1030 = arith.mulf %add3A_1026, %mul3A_1029 : vector<16xf32>
      %swap3A_1031 = arith.index_cast %add3A_1003 : i32 to index
      %swap3A_1032 = arith.constant 0 : index
      %swap3A_1033 = tpu.vector_load %arg13[%swap3A_1031, %swap3A_1032] {strides = array<i32>} : memref<512x16xf32, #tpu.memory_space<vmem>>, vector<16xf32>,
      tpu.vector_store %arg13[%swap3A_1031, %swap3A_1032], %mul3A_1030 {strides = array<i32>} : memref<512x16xf32, #tpu.memory_space<vmem>>, vector<16xf32>,
      %mul3A_1034 = arith.constant 16 : i32
      %mul3A_1035 = arith.muli %scan3A_896, %mul3A_1034 : i32
      %add3A_1036 = arith.constant 4 : i32
      %add3A_1037 = arith.addi %mul3A_1035, %add3A_1036 : i32
      %get3A_1038 = arith.constant 0 : i32
      %get3A_1039 = arith.index_cast %get3A_1038 : i32 to index
      %get3A_1040 = arith.index_cast %add3A_1037 : i32 to index
      %get3A_1041 = arith.constant 0 : index
      %get3A_1042 = tpu.vector_load %arg12[%get3A_1039, %get3A_1040, %get3A_1041] {strides = array<i32>} : memref<4x512x16xf32, #tpu.memory_space<vmem>>, vector<16xf32>,
      %get3A_1043 = arith.constant 1 : i32
      %get3A_1044 = arith.index_cast %get3A_1043 : i32 to index
      %get3A_1045 = arith.index_cast %add3A_1037 : i32 to index
      %get3A_1046 = arith.constant 0 : index
      %get3A_1047 = tpu.vector_load %arg12[%get3A_1044, %get3A_1045, %get3A_1046] {strides = array<i32>} : memref<4x512x16xf32, #tpu.memory_space<vmem>>, vector<16xf32>,
      %add3A_1048 = arith.addf %get3A_1042, %get3A_1047 : vector<16xf32>
      %get3A_1049 = arith.constant 2 : i32
      %get3A_1050 = arith.index_cast %get3A_1049 : i32 to index
      %get3A_1051 = arith.index_cast %add3A_1037 : i32 to index
      %get3A_1052 = arith.constant 0 : index
      %get3A_1053 = tpu.vector_load %arg12[%get3A_1050, %get3A_1051, %get3A_1052] {strides = array<i32>} : memref<4x512x16xf32, #tpu.memory_space<vmem>>, vector<16xf32>,
      %add3A_1054 = arith.addf %add3A_1048, %get3A_1053 : vector<16xf32>
      %get3A_1055 = arith.constant 3 : i32
      %get3A_1056 = arith.index_cast %get3A_1055 : i32 to index
      %get3A_1057 = arith.index_cast %add3A_1037 : i32 to index
      %get3A_1058 = arith.constant 0 : index
      %get3A_1059 = tpu.vector_load %arg12[%get3A_1056, %get3A_1057, %get3A_1058] {strides = array<i32>} : memref<4x512x16xf32, #tpu.memory_space<vmem>>, vector<16xf32>,
      %add3A_1060 = arith.addf %add3A_1054, %get3A_1059 : vector<16xf32>
      %slice3A_1061 = vector.extract_strided_slice %get3A_900 {offsets = [4], sizes = [1], strides = [1]} : vector<16xf32> to vector<1xf32>
      %squeeze3A_1062 = vector.extract %slice3A_1061[0] : f32 from vector<1xf32>
      %mul3A_1063 = vector.broadcast %squeeze3A_1062 : f32 to vector<16xf32>
      %mul3A_1064 = arith.mulf %add3A_1060, %mul3A_1063 : vector<16xf32>
      %swap3A_1065 = arith.index_cast %add3A_1037 : i32 to index
      %swap3A_1066 = arith.constant 0 : index
      %swap3A_1067 = tpu.vector_load %arg13[%swap3A_1065, %swap3A_1066] {strides = array<i32>} : memref<512x16xf32, #tpu.memory_space<vmem>>, vector<16xf32>,
      tpu.vector_store %arg13[%swap3A_1065, %swap3A_1066], %mul3A_1064 {strides = array<i32>} : memref<512x16xf32, #tpu.memory_space<vmem>>, vector<16xf32>,
      %mul3A_1068 = arith.constant 16 : i32
      %mul3A_1069 = arith.muli %scan3A_896, %mul3A_1068 : i32
      %add3A_1070 = arith.constant 5 : i32
      %add3A_1071 = arith.addi %mul3A_1069, %add3A_1070 : i32
      %get3A_1072 = arith.constant 0 : i32
      %get3A_1073 = arith.index_cast %get3A_1072 : i32 to index
      %get3A_1074 = arith.index_cast %add3A_1071 : i32 to index
      %get3A_1075 = arith.constant 0 : index
      %get3A_1076 = tpu.vector_load %arg12[%get3A_1073, %get3A_1074, %get3A_1075] {strides = array<i32>} : memref<4x512x16xf32, #tpu.memory_space<vmem>>, vector<16xf32>,
      %get3A_1077 = arith.constant 1 : i32
      %get3A_1078 = arith.index_cast %get3A_1077 : i32 to index
      %get3A_1079 = arith.index_cast %add3A_1071 : i32 to index
      %get3A_1080 = arith.constant 0 : index
      %get3A_1081 = tpu.vector_load %arg12[%get3A_1078, %get3A_1079, %get3A_1080] {strides = array<i32>} : memref<4x512x16xf32, #tpu.memory_space<vmem>>, vector<16xf32>,
      %add3A_1082 = arith.addf %get3A_1076, %get3A_1081 : vector<16xf32>
      %get3A_1083 = arith.constant 2 : i32
      %get3A_1084 = arith.index_cast %get3A_1083 : i32 to index
      %get3A_1085 = arith.index_cast %add3A_1071 : i32 to index
      %get3A_1086 = arith.constant 0 : index
      %get3A_1087 = tpu.vector_load %arg12[%get3A_1084, %get3A_1085, %get3A_1086] {strides = array<i32>} : memref<4x512x16xf32, #tpu.memory_space<vmem>>, vector<16xf32>,
      %add3A_1088 = arith.addf %add3A_1082, %get3A_1087 : vector<16xf32>
      %get3A_1089 = arith.constant 3 : i32
      %get3A_1090 = arith.index_cast %get3A_1089 : i32 to index
      %get3A_1091 = arith.index_cast %add3A_1071 : i32 to index
      %get3A_1092 = arith.constant 0 : index
      %get3A_1093 = tpu.vector_load %arg12[%get3A_1090, %get3A_1091, %get3A_1092] {strides = array<i32>} : memref<4x512x16xf32, #tpu.memory_space<vmem>>, vector<16xf32>,
      %add3A_1094 = arith.addf %add3A_1088, %get3A_1093 : vector<16xf32>
      %slice3A_1095 = vector.extract_strided_slice %get3A_900 {offsets = [5], sizes = [1], strides = [1]} : vector<16xf32> to vector<1xf32>
      %squeeze3A_1096 = vector.extract %slice3A_1095[0] : f32 from vector<1xf32>
      %mul3A_1097 = vector.broadcast %squeeze3A_1096 : f32 to vector<16xf32>
      %mul3A_1098 = arith.mulf %add3A_1094, %mul3A_1097 : vector<16xf32>
      %swap3A_1099 = arith.index_cast %add3A_1071 : i32 to index
      %swap3A_1100 = arith.constant 0 : index
      %swap3A_1101 = tpu.vector_load %arg13[%swap3A_1099, %swap3A_1100] {strides = array<i32>} : memref<512x16xf32, #tpu.memory_space<vmem>>, vector<16xf32>,
      tpu.vector_store %arg13[%swap3A_1099, %swap3A_1100], %mul3A_1098 {strides = array<i32>} : memref<512x16xf32, #tpu.memory_space<vmem>>, vector<16xf32>,
      %mul3A_1102 = arith.constant 16 : i32
      %mul3A_1103 = arith.muli %scan3A_896, %mul3A_1102 : i32
      %add3A_1104 = arith.constant 6 : i32
      %add3A_1105 = arith.addi %mul3A_1103, %add3A_1104 : i32
      %get3A_1106 = arith.constant 0 : i32
      %get3A_1107 = arith.index_cast %get3A_1106 : i32 to index
      %get3A_1108 = arith.index_cast %add3A_1105 : i32 to index
      %get3A_1109 = arith.constant 0 : index
      %get3A_1110 = tpu.vector_load %arg12[%get3A_1107, %get3A_1108, %get3A_1109] {strides = array<i32>} : memref<4x512x16xf32, #tpu.memory_space<vmem>>, vector<16xf32>,
      %get3A_1111 = arith.constant 1 : i32
      %get3A_1112 = arith.index_cast %get3A_1111 : i32 to index
      %get3A_1113 = arith.index_cast %add3A_1105 : i32 to index
      %get3A_1114 = arith.constant 0 : index
      %get3A_1115 = tpu.vector_load %arg12[%get3A_1112, %get3A_1113, %get3A_1114] {strides = array<i32>} : memref<4x512x16xf32, #tpu.memory_space<vmem>>, vector<16xf32>,
      %add3A_1116 = arith.addf %get3A_1110, %get3A_1115 : vector<16xf32>
      %get3A_1117 = arith.constant 2 : i32
      %get3A_1118 = arith.index_cast %get3A_1117 : i32 to index
      %get3A_1119 = arith.index_cast %add3A_1105 : i32 to index
      %get3A_1120 = arith.constant 0 : index
      %get3A_1121 = tpu.vector_load %arg12[%get3A_1118, %get3A_1119, %get3A_1120] {strides = array<i32>} : memref<4x512x16xf32, #tpu.memory_space<vmem>>, vector<16xf32>,
      %add3A_1122 = arith.addf %add3A_1116, %get3A_1121 : vector<16xf32>
      %get3A_1123 = arith.constant 3 : i32
      %get3A_1124 = arith.index_cast %get3A_1123 : i32 to index
      %get3A_1125 = arith.index_cast %add3A_1105 : i32 to index
      %get3A_1126 = arith.constant 0 : index
      %get3A_1127 = tpu.vector_load %arg12[%get3A_1124, %get3A_1125, %get3A_1126] {strides = array<i32>} : memref<4x512x16xf32, #tpu.memory_space<vmem>>, vector<16xf32>,
      %add3A_1128 = arith.addf %add3A_1122, %get3A_1127 : vector<16xf32>
      %slice3A_1129 = vector.extract_strided_slice %get3A_900 {offsets = [6], sizes = [1], strides = [1]} : vector<16xf32> to vector<1xf32>
      %squeeze3A_1130 = vector.extract %slice3A_1129[0] : f32 from vector<1xf32>
      %mul3A_1131 = vector.broadcast %squeeze3A_1130 : f32 to vector<16xf32>
      %mul3A_1132 = arith.mulf %add3A_1128, %mul3A_1131 : vector<16xf32>
      %swap3A_1133 = arith.index_cast %add3A_1105 : i32 to index
      %swap3A_1134 = arith.constant 0 : index
      %swap3A_1135 = tpu.vector_load %arg13[%swap3A_1133, %swap3A_1134] {strides = array<i32>} : memref<512x16xf32, #tpu.memory_space<vmem>>, vector<16xf32>,
      tpu.vector_store %arg13[%swap3A_1133, %swap3A_1134], %mul3A_1132 {strides = array<i32>} : memref<512x16xf32, #tpu.memory_space<vmem>>, vector<16xf32>,
      %mul3A_1136 = arith.constant 16 : i32
      %mul3A_1137 = arith.muli %scan3A_896, %mul3A_1136 : i32
      %add3A_1138 = arith.constant 7 : i32
      %add3A_1139 = arith.addi %mul3A_1137, %add3A_1138 : i32
      %get3A_1140 = arith.constant 0 : i32
      %get3A_1141 = arith.index_cast %get3A_1140 : i32 to index
      %get3A_1142 = arith.index_cast %add3A_1139 : i32 to index
      %get3A_1143 = arith.constant 0 : index
      %get3A_1144 = tpu.vector_load %arg12[%get3A_1141, %get3A_1142, %get3A_1143] {strides = array<i32>} : memref<4x512x16xf32, #tpu.memory_space<vmem>>, vector<16xf32>,
      %get3A_1145 = arith.constant 1 : i32
      %get3A_1146 = arith.index_cast %get3A_1145 : i32 to index
      %get3A_1147 = arith.index_cast %add3A_1139 : i32 to index
      %get3A_1148 = arith.constant 0 : index
      %get3A_1149 = tpu.vector_load %arg12[%get3A_1146, %get3A_1147, %get3A_1148] {strides = array<i32>} : memref<4x512x16xf32, #tpu.memory_space<vmem>>, vector<16xf32>,
      %add3A_1150 = arith.addf %get3A_1144, %get3A_1149 : vector<16xf32>
      %get3A_1151 = arith.constant 2 : i32
      %get3A_1152 = arith.index_cast %get3A_1151 : i32 to index
      %get3A_1153 = arith.index_cast %add3A_1139 : i32 to index
      %get3A_1154 = arith.constant 0 : index
      %get3A_1155 = tpu.vector_load %arg12[%get3A_1152, %get3A_1153, %get3A_1154] {strides = array<i32>} : memref<4x512x16xf32, #tpu.memory_space<vmem>>, vector<16xf32>,
      %add3A_1156 = arith.addf %add3A_1150, %get3A_1155 : vector<16xf32>
      %get3A_1157 = arith.constant 3 : i32
      %get3A_1158 = arith.index_cast %get3A_1157 : i32 to index
      %get3A_1159 = arith.index_cast %add3A_1139 : i32 to index
      %get3A_1160 = arith.constant 0 : index
      %get3A_1161 = tpu.vector_load %arg12[%get3A_1158, %get3A_1159, %get3A_1160] {strides = array<i32>} : memref<4x512x16xf32, #tpu.memory_space<vmem>>, vector<16xf32>,
      %add3A_1162 = arith.addf %add3A_1156, %get3A_1161 : vector<16xf32>
      %slice3A_1163 = vector.extract_strided_slice %get3A_900 {offsets = [7], sizes = [1], strides = [1]} : vector<16xf32> to vector<1xf32>
      %squeeze3A_1164 = vector.extract %slice3A_1163[0] : f32 from vector<1xf32>
      %mul3A_1165 = vector.broadcast %squeeze3A_1164 : f32 to vector<16xf32>
      %mul3A_1166 = arith.mulf %add3A_1162, %mul3A_1165 : vector<16xf32>
      %swap3A_1167 = arith.index_cast %add3A_1139 : i32 to index
      %swap3A_1168 = arith.constant 0 : index
      %swap3A_1169 = tpu.vector_load %arg13[%swap3A_1167, %swap3A_1168] {strides = array<i32>} : memref<512x16xf32, #tpu.memory_space<vmem>>, vector<16xf32>,
      tpu.vector_store %arg13[%swap3A_1167, %swap3A_1168], %mul3A_1166 {strides = array<i32>} : memref<512x16xf32, #tpu.memory_space<vmem>>, vector<16xf32>,
      %mul3A_1170 = arith.constant 16 : i32
      %mul3A_1171 = arith.muli %scan3A_896, %mul3A_1170 : i32
      %add3A_1172 = arith.constant 8 : i32
      %add3A_1173 = arith.addi %mul3A_1171, %add3A_1172 : i32
      %get3A_1174 = arith.constant 0 : i32
      %get3A_1175 = arith.index_cast %get3A_1174 : i32 to index
      %get3A_1176 = arith.index_cast %add3A_1173 : i32 to index
      %get3A_1177 = arith.constant 0 : index
      %get3A_1178 = tpu.vector_load %arg12[%get3A_1175, %get3A_1176, %get3A_1177] {strides = array<i32>} : memref<4x512x16xf32, #tpu.memory_space<vmem>>, vector<16xf32>,
      %get3A_1179 = arith.constant 1 : i32
      %get3A_1180 = arith.index_cast %get3A_1179 : i32 to index
      %get3A_1181 = arith.index_cast %add3A_1173 : i32 to index
      %get3A_1182 = arith.constant 0 : index
      %get3A_1183 = tpu.vector_load %arg12[%get3A_1180, %get3A_1181, %get3A_1182] {strides = array<i32>} : memref<4x512x16xf32, #tpu.memory_space<vmem>>, vector<16xf32>,
      %add3A_1184 = arith.addf %get3A_1178, %get3A_1183 : vector<16xf32>
      %get3A_1185 = arith.constant 2 : i32
      %get3A_1186 = arith.index_cast %get3A_1185 : i32 to index
      %get3A_1187 = arith.index_cast %add3A_1173 : i32 to index
      %get3A_1188 = arith.constant 0 : index
      %get3A_1189 = tpu.vector_load %arg12[%get3A_1186, %get3A_1187, %get3A_1188] {strides = array<i32>} : memref<4x512x16xf32, #tpu.memory_space<vmem>>, vector<16xf32>,
      %add3A_1190 = arith.addf %add3A_1184, %get3A_1189 : vector<16xf32>
      %get3A_1191 = arith.constant 3 : i32
      %get3A_1192 = arith.index_cast %get3A_1191 : i32 to index
      %get3A_1193 = arith.index_cast %add3A_1173 : i32 to index
      %get3A_1194 = arith.constant 0 : index
      %get3A_1195 = tpu.vector_load %arg12[%get3A_1192, %get3A_1193, %get3A_1194] {strides = array<i32>} : memref<4x512x16xf32, #tpu.memory_space<vmem>>, vector<16xf32>,
      %add3A_1196 = arith.addf %add3A_1190, %get3A_1195 : vector<16xf32>
      %slice3A_1197 = vector.extract_strided_slice %get3A_900 {offsets = [8], sizes = [1], strides = [1]} : vector<16xf32> to vector<1xf32>
      %squeeze3A_1198 = vector.extract %slice3A_1197[0] : f32 from vector<1xf32>
      %mul3A_1199 = vector.broadcast %squeeze3A_1198 : f32 to vector<16xf32>
      %mul3A_1200 = arith.mulf %add3A_1196, %mul3A_1199 : vector<16xf32>
      %swap3A_1201 = arith.index_cast %add3A_1173 : i32 to index
      %swap3A_1202 = arith.constant 0 : index
      %swap3A_1203 = tpu.vector_load %arg13[%swap3A_1201, %swap3A_1202] {strides = array<i32>} : memref<512x16xf32, #tpu.memory_space<vmem>>, vector<16xf32>,
      tpu.vector_store %arg13[%swap3A_1201, %swap3A_1202], %mul3A_1200 {strides = array<i32>} : memref<512x16xf32, #tpu.memory_space<vmem>>, vector<16xf32>,
      %mul3A_1204 = arith.constant 16 : i32
      %mul3A_1205 = arith.muli %scan3A_896, %mul3A_1204 : i32
      %add3A_1206 = arith.constant 9 : i32
      %add3A_1207 = arith.addi %mul3A_1205, %add3A_1206 : i32
      %get3A_1208 = arith.constant 0 : i32
      %get3A_1209 = arith.index_cast %get3A_1208 : i32 to index
      %get3A_1210 = arith.index_cast %add3A_1207 : i32 to index
      %get3A_1211 = arith.constant 0 : index
      %get3A_1212 = tpu.vector_load %arg12[%get3A_1209, %get3A_1210, %get3A_1211] {strides = array<i32>} : memref<4x512x16xf32, #tpu.memory_space<vmem>>, vector<16xf32>,
      %get3A_1213 = arith.constant 1 : i32
      %get3A_1214 = arith.index_cast %get3A_1213 : i32 to index
      %get3A_1215 = arith.index_cast %add3A_1207 : i32 to index
      %get3A_1216 = arith.constant 0 : index
      %get3A_1217 = tpu.vector_load %arg12[%get3A_1214, %get3A_1215, %get3A_1216] {strides = array<i32>} : memref<4x512x16xf32, #tpu.memory_space<vmem>>, vector<16xf32>,
      %add3A_1218 = arith.addf %get3A_1212, %get3A_1217 : vector<16xf32>
      %get3A_1219 = arith.constant 2 : i32
      %get3A_1220 = arith.index_cast %get3A_1219 : i32 to index
      %get3A_1221 = arith.index_cast %add3A_1207 : i32 to index
      %get3A_1222 = arith.constant 0 : index
      %get3A_1223 = tpu.vector_load %arg12[%get3A_1220, %get3A_1221, %get3A_1222] {strides = array<i32>} : memref<4x512x16xf32, #tpu.memory_space<vmem>>, vector<16xf32>,
      %add3A_1224 = arith.addf %add3A_1218, %get3A_1223 : vector<16xf32>
      %get3A_1225 = arith.constant 3 : i32
      %get3A_1226 = arith.index_cast %get3A_1225 : i32 to index
      %get3A_1227 = arith.index_cast %add3A_1207 : i32 to index
      %get3A_1228 = arith.constant 0 : index
      %get3A_1229 = tpu.vector_load %arg12[%get3A_1226, %get3A_1227, %get3A_1228] {strides = array<i32>} : memref<4x512x16xf32, #tpu.memory_space<vmem>>, vector<16xf32>,
      %add3A_1230 = arith.addf %add3A_1224, %get3A_1229 : vector<16xf32>
      %slice3A_1231 = vector.extract_strided_slice %get3A_900 {offsets = [9], sizes = [1], strides = [1]} : vector<16xf32> to vector<1xf32>
      %squeeze3A_1232 = vector.extract %slice3A_1231[0] : f32 from vector<1xf32>
      %mul3A_1233 = vector.broadcast %squeeze3A_1232 : f32 to vector<16xf32>
      %mul3A_1234 = arith.mulf %add3A_1230, %mul3A_1233 : vector<16xf32>
      %swap3A_1235 = arith.index_cast %add3A_1207 : i32 to index
      %swap3A_1236 = arith.constant 0 : index
      %swap3A_1237 = tpu.vector_load %arg13[%swap3A_1235, %swap3A_1236] {strides = array<i32>} : memref<512x16xf32, #tpu.memory_space<vmem>>, vector<16xf32>,
      tpu.vector_store %arg13[%swap3A_1235, %swap3A_1236], %mul3A_1234 {strides = array<i32>} : memref<512x16xf32, #tpu.memory_space<vmem>>, vector<16xf32>,
      %mul3A_1238 = arith.constant 16 : i32
      %mul3A_1239 = arith.muli %scan3A_896, %mul3A_1238 : i32
      %add3A_1240 = arith.constant 10 : i32
      %add3A_1241 = arith.addi %mul3A_1239, %add3A_1240 : i32
      %get3A_1242 = arith.constant 0 : i32
      %get3A_1243 = arith.index_cast %get3A_1242 : i32 to index
      %get3A_1244 = arith.index_cast %add3A_1241 : i32 to index
      %get3A_1245 = arith.constant 0 : index
      %get3A_1246 = tpu.vector_load %arg12[%get3A_1243, %get3A_1244, %get3A_1245] {strides = array<i32>} : memref<4x512x16xf32, #tpu.memory_space<vmem>>, vector<16xf32>,
      %get3A_1247 = arith.constant 1 : i32
      %get3A_1248 = arith.index_cast %get3A_1247 : i32 to index
      %get3A_1249 = arith.index_cast %add3A_1241 : i32 to index
      %get3A_1250 = arith.constant 0 : index
      %get3A_1251 = tpu.vector_load %arg12[%get3A_1248, %get3A_1249, %get3A_1250] {strides = array<i32>} : memref<4x512x16xf32, #tpu.memory_space<vmem>>, vector<16xf32>,
      %add3A_1252 = arith.addf %get3A_1246, %get3A_1251 : vector<16xf32>
      %get3A_1253 = arith.constant 2 : i32
      %get3A_1254 = arith.index_cast %get3A_1253 : i32 to index
      %get3A_1255 = arith.index_cast %add3A_1241 : i32 to index
      %get3A_1256 = arith.constant 0 : index
      %get3A_1257 = tpu.vector_load %arg12[%get3A_1254, %get3A_1255, %get3A_1256] {strides = array<i32>} : memref<4x512x16xf32, #tpu.memory_space<vmem>>, vector<16xf32>,
      %add3A_1258 = arith.addf %add3A_1252, %get3A_1257 : vector<16xf32>
      %get3A_1259 = arith.constant 3 : i32
      %get3A_1260 = arith.index_cast %get3A_1259 : i32 to index
      %get3A_1261 = arith.index_cast %add3A_1241 : i32 to index
      %get3A_1262 = arith.constant 0 : index
      %get3A_1263 = tpu.vector_load %arg12[%get3A_1260, %get3A_1261, %get3A_1262] {strides = array<i32>} : memref<4x512x16xf32, #tpu.memory_space<vmem>>, vector<16xf32>,
      %add3A_1264 = arith.addf %add3A_1258, %get3A_1263 : vector<16xf32>
      %slice3A_1265 = vector.extract_strided_slice %get3A_900 {offsets = [10], sizes = [1], strides = [1]} : vector<16xf32> to vector<1xf32>
      %squeeze3A_1266 = vector.extract %slice3A_1265[0] : f32 from vector<1xf32>
      %mul3A_1267 = vector.broadcast %squeeze3A_1266 : f32 to vector<16xf32>
      %mul3A_1268 = arith.mulf %add3A_1264, %mul3A_1267 : vector<16xf32>
      %swap3A_1269 = arith.index_cast %add3A_1241 : i32 to index
      %swap3A_1270 = arith.constant 0 : index
      %swap3A_1271 = tpu.vector_load %arg13[%swap3A_1269, %swap3A_1270] {strides = array<i32>} : memref<512x16xf32, #tpu.memory_space<vmem>>, vector<16xf32>,
      tpu.vector_store %arg13[%swap3A_1269, %swap3A_1270], %mul3A_1268 {strides = array<i32>} : memref<512x16xf32, #tpu.memory_space<vmem>>, vector<16xf32>,
      %mul3A_1272 = arith.constant 16 : i32
      %mul3A_1273 = arith.muli %scan3A_896, %mul3A_1272 : i32
      %add3A_1274 = arith.constant 11 : i32
      %add3A_1275 = arith.addi %mul3A_1273, %add3A_1274 : i32
      %get3A_1276 = arith.constant 0 : i32
      %get3A_1277 = arith.index_cast %get3A_1276 : i32 to index
      %get3A_1278 = arith.index_cast %add3A_1275 : i32 to index
      %get3A_1279 = arith.constant 0 : index
      %get3A_1280 = tpu.vector_load %arg12[%get3A_1277, %get3A_1278, %get3A_1279] {strides = array<i32>} : memref<4x512x16xf32, #tpu.memory_space<vmem>>, vector<16xf32>,
      %get3A_1281 = arith.constant 1 : i32
      %get3A_1282 = arith.index_cast %get3A_1281 : i32 to index
      %get3A_1283 = arith.index_cast %add3A_1275 : i32 to index
      %get3A_1284 = arith.constant 0 : index
      %get3A_1285 = tpu.vector_load %arg12[%get3A_1282, %get3A_1283, %get3A_1284] {strides = array<i32>} : memref<4x512x16xf32, #tpu.memory_space<vmem>>, vector<16xf32>,
      %add3A_1286 = arith.addf %get3A_1280, %get3A_1285 : vector<16xf32>
      %get3A_1287 = arith.constant 2 : i32
      %get3A_1288 = arith.index_cast %get3A_1287 : i32 to index
      %get3A_1289 = arith.index_cast %add3A_1275 : i32 to index
      %get3A_1290 = arith.constant 0 : index
      %get3A_1291 = tpu.vector_load %arg12[%get3A_1288, %get3A_1289, %get3A_1290] {strides = array<i32>} : memref<4x512x16xf32, #tpu.memory_space<vmem>>, vector<16xf32>,
      %add3A_1292 = arith.addf %add3A_1286, %get3A_1291 : vector<16xf32>
      %get3A_1293 = arith.constant 3 : i32
      %get3A_1294 = arith.index_cast %get3A_1293 : i32 to index
      %get3A_1295 = arith.index_cast %add3A_1275 : i32 to index
      %get3A_1296 = arith.constant 0 : index
      %get3A_1297 = tpu.vector_load %arg12[%get3A_1294, %get3A_1295, %get3A_1296] {strides = array<i32>} : memref<4x512x16xf32, #tpu.memory_space<vmem>>, vector<16xf32>,
      %add3A_1298 = arith.addf %add3A_1292, %get3A_1297 : vector<16xf32>
      %slice3A_1299 = vector.extract_strided_slice %get3A_900 {offsets = [11], sizes = [1], strides = [1]} : vector<16xf32> to vector<1xf32>
      %squeeze3A_1300 = vector.extract %slice3A_1299[0] : f32 from vector<1xf32>
      %mul3A_1301 = vector.broadcast %squeeze3A_1300 : f32 to vector<16xf32>
      %mul3A_1302 = arith.mulf %add3A_1298, %mul3A_1301 : vector<16xf32>
      %swap3A_1303 = arith.index_cast %add3A_1275 : i32 to index
      %swap3A_1304 = arith.constant 0 : index
      %swap3A_1305 = tpu.vector_load %arg13[%swap3A_1303, %swap3A_1304] {strides = array<i32>} : memref<512x16xf32, #tpu.memory_space<vmem>>, vector<16xf32>,
      tpu.vector_store %arg13[%swap3A_1303, %swap3A_1304], %mul3A_1302 {strides = array<i32>} : memref<512x16xf32, #tpu.memory_space<vmem>>, vector<16xf32>,
      %mul3A_1306 = arith.constant 16 : i32
      %mul3A_1307 = arith.muli %scan3A_896, %mul3A_1306 : i32
      %add3A_1308 = arith.constant 12 : i32
      %add3A_1309 = arith.addi %mul3A_1307, %add3A_1308 : i32
      %get3A_1310 = arith.constant 0 : i32
      %get3A_1311 = arith.index_cast %get3A_1310 : i32 to index
      %get3A_1312 = arith.index_cast %add3A_1309 : i32 to index
      %get3A_1313 = arith.constant 0 : index
      %get3A_1314 = tpu.vector_load %arg12[%get3A_1311, %get3A_1312, %get3A_1313] {strides = array<i32>} : memref<4x512x16xf32, #tpu.memory_space<vmem>>, vector<16xf32>,
      %get3A_1315 = arith.constant 1 : i32
      %get3A_1316 = arith.index_cast %get3A_1315 : i32 to index
      %get3A_1317 = arith.index_cast %add3A_1309 : i32 to index
      %get3A_1318 = arith.constant 0 : index
      %get3A_1319 = tpu.vector_load %arg12[%get3A_1316, %get3A_1317, %get3A_1318] {strides = array<i32>} : memref<4x512x16xf32, #tpu.memory_space<vmem>>, vector<16xf32>,
      %add3A_1320 = arith.addf %get3A_1314, %get3A_1319 : vector<16xf32>
      %get3A_1321 = arith.constant 2 : i32
      %get3A_1322 = arith.index_cast %get3A_1321 : i32 to index
      %get3A_1323 = arith.index_cast %add3A_1309 : i32 to index
      %get3A_1324 = arith.constant 0 : index
      %get3A_1325 = tpu.vector_load %arg12[%get3A_1322, %get3A_1323, %get3A_1324] {strides = array<i32>} : memref<4x512x16xf32, #tpu.memory_space<vmem>>, vector<16xf32>,
      %add3A_1326 = arith.addf %add3A_1320, %get3A_1325 : vector<16xf32>
      %get3A_1327 = arith.constant 3 : i32
      %get3A_1328 = arith.index_cast %get3A_1327 : i32 to index
      %get3A_1329 = arith.index_cast %add3A_1309 : i32 to index
      %get3A_1330 = arith.constant 0 : index
      %get3A_1331 = tpu.vector_load %arg12[%get3A_1328, %get3A_1329, %get3A_1330] {strides = array<i32>} : memref<4x512x16xf32, #tpu.memory_space<vmem>>, vector<16xf32>,
      %add3A_1332 = arith.addf %add3A_1326, %get3A_1331 : vector<16xf32>
      %slice3A_1333 = vector.extract_strided_slice %get3A_900 {offsets = [12], sizes = [1], strides = [1]} : vector<16xf32> to vector<1xf32>
      %squeeze3A_1334 = vector.extract %slice3A_1333[0] : f32 from vector<1xf32>
      %mul3A_1335 = vector.broadcast %squeeze3A_1334 : f32 to vector<16xf32>
      %mul3A_1336 = arith.mulf %add3A_1332, %mul3A_1335 : vector<16xf32>
      %swap3A_1337 = arith.index_cast %add3A_1309 : i32 to index
      %swap3A_1338 = arith.constant 0 : index
      %swap3A_1339 = tpu.vector_load %arg13[%swap3A_1337, %swap3A_1338] {strides = array<i32>} : memref<512x16xf32, #tpu.memory_space<vmem>>, vector<16xf32>,
      tpu.vector_store %arg13[%swap3A_1337, %swap3A_1338], %mul3A_1336 {strides = array<i32>} : memref<512x16xf32, #tpu.memory_space<vmem>>, vector<16xf32>,
      %mul3A_1340 = arith.constant 16 : i32
      %mul3A_1341 = arith.muli %scan3A_896, %mul3A_1340 : i32
      %add3A_1342 = arith.constant 13 : i32
      %add3A_1343 = arith.addi %mul3A_1341, %add3A_1342 : i32
      %get3A_1344 = arith.constant 0 : i32
      %get3A_1345 = arith.index_cast %get3A_1344 : i32 to index
      %get3A_1346 = arith.index_cast %add3A_1343 : i32 to index
      %get3A_1347 = arith.constant 0 : index
      %get3A_1348 = tpu.vector_load %arg12[%get3A_1345, %get3A_1346, %get3A_1347] {strides = array<i32>} : memref<4x512x16xf32, #tpu.memory_space<vmem>>, vector<16xf32>,
      %get3A_1349 = arith.constant 1 : i32
      %get3A_1350 = arith.index_cast %get3A_1349 : i32 to index
      %get3A_1351 = arith.index_cast %add3A_1343 : i32 to index
      %get3A_1352 = arith.constant 0 : index
      %get3A_1353 = tpu.vector_load %arg12[%get3A_1350, %get3A_1351, %get3A_1352] {strides = array<i32>} : memref<4x512x16xf32, #tpu.memory_space<vmem>>, vector<16xf32>,
      %add3A_1354 = arith.addf %get3A_1348, %get3A_1353 : vector<16xf32>
      %get3A_1355 = arith.constant 2 : i32
      %get3A_1356 = arith.index_cast %get3A_1355 : i32 to index
      %get3A_1357 = arith.index_cast %add3A_1343 : i32 to index
      %get3A_1358 = arith.constant 0 : index
      %get3A_1359 = tpu.vector_load %arg12[%get3A_1356, %get3A_1357, %get3A_1358] {strides = array<i32>} : memref<4x512x16xf32, #tpu.memory_space<vmem>>, vector<16xf32>,
      %add3A_1360 = arith.addf %add3A_1354, %get3A_1359 : vector<16xf32>
      %get3A_1361 = arith.constant 3 : i32
      %get3A_1362 = arith.index_cast %get3A_1361 : i32 to index
      %get3A_1363 = arith.index_cast %add3A_1343 : i32 to index
      %get3A_1364 = arith.constant 0 : index
      %get3A_1365 = tpu.vector_load %arg12[%get3A_1362, %get3A_1363, %get3A_1364] {strides = array<i32>} : memref<4x512x16xf32, #tpu.memory_space<vmem>>, vector<16xf32>,
      %add3A_1366 = arith.addf %add3A_1360, %get3A_1365 : vector<16xf32>
      %slice3A_1367 = vector.extract_strided_slice %get3A_900 {offsets = [13], sizes = [1], strides = [1]} : vector<16xf32> to vector<1xf32>
      %squeeze3A_1368 = vector.extract %slice3A_1367[0] : f32 from vector<1xf32>
      %mul3A_1369 = vector.broadcast %squeeze3A_1368 : f32 to vector<16xf32>
      %mul3A_1370 = arith.mulf %add3A_1366, %mul3A_1369 : vector<16xf32>
      %swap3A_1371 = arith.index_cast %add3A_1343 : i32 to index
      %swap3A_1372 = arith.constant 0 : index
      %swap3A_1373 = tpu.vector_load %arg13[%swap3A_1371, %swap3A_1372] {strides = array<i32>} : memref<512x16xf32, #tpu.memory_space<vmem>>, vector<16xf32>,
      tpu.vector_store %arg13[%swap3A_1371, %swap3A_1372], %mul3A_1370 {strides = array<i32>} : memref<512x16xf32, #tpu.memory_space<vmem>>, vector<16xf32>,
      %mul3A_1374 = arith.constant 16 : i32
      %mul3A_1375 = arith.muli %scan3A_896, %mul3A_1374 : i32
      %add3A_1376 = arith.constant 14 : i32
      %add3A_1377 = arith.addi %mul3A_1375, %add3A_1376 : i32
      %get3A_1378 = arith.constant 0 : i32
      %get3A_1379 = arith.index_cast %get3A_1378 : i32 to index
      %get3A_1380 = arith.index_cast %add3A_1377 : i32 to index
      %get3A_1381 = arith.constant 0 : index
      %get3A_1382 = tpu.vector_load %arg12[%get3A_1379, %get3A_1380, %get3A_1381] {strides = array<i32>} : memref<4x512x16xf32, #tpu.memory_space<vmem>>, vector<16xf32>,
      %get3A_1383 = arith.constant 1 : i32
      %get3A_1384 = arith.index_cast %get3A_1383 : i32 to index
      %get3A_1385 = arith.index_cast %add3A_1377 : i32 to index
      %get3A_1386 = arith.constant 0 : index
      %get3A_1387 = tpu.vector_load %arg12[%get3A_1384, %get3A_1385, %get3A_1386] {strides = array<i32>} : memref<4x512x16xf32, #tpu.memory_space<vmem>>, vector<16xf32>,
      %add3A_1388 = arith.addf %get3A_1382, %get3A_1387 : vector<16xf32>
      %get3A_1389 = arith.constant 2 : i32
      %get3A_1390 = arith.index_cast %get3A_1389 : i32 to index
      %get3A_1391 = arith.index_cast %add3A_1377 : i32 to index
      %get3A_1392 = arith.constant 0 : index
      %get3A_1393 = tpu.vector_load %arg12[%get3A_1390, %get3A_1391, %get3A_1392] {strides = array<i32>} : memref<4x512x16xf32, #tpu.memory_space<vmem>>, vector<16xf32>,
      %add3A_1394 = arith.addf %add3A_1388, %get3A_1393 : vector<16xf32>
      %get3A_1395 = arith.constant 3 : i32
      %get3A_1396 = arith.index_cast %get3A_1395 : i32 to index
      %get3A_1397 = arith.index_cast %add3A_1377 : i32 to index
      %get3A_1398 = arith.constant 0 : index
      %get3A_1399 = tpu.vector_load %arg12[%get3A_1396, %get3A_1397, %get3A_1398] {strides = array<i32>} : memref<4x512x16xf32, #tpu.memory_space<vmem>>, vector<16xf32>,
      %add3A_1400 = arith.addf %add3A_1394, %get3A_1399 : vector<16xf32>
      %slice3A_1401 = vector.extract_strided_slice %get3A_900 {offsets = [14], sizes = [1], strides = [1]} : vector<16xf32> to vector<1xf32>
      %squeeze3A_1402 = vector.extract %slice3A_1401[0] : f32 from vector<1xf32>
      %mul3A_1403 = vector.broadcast %squeeze3A_1402 : f32 to vector<16xf32>
      %mul3A_1404 = arith.mulf %add3A_1400, %mul3A_1403 : vector<16xf32>
      %swap3A_1405 = arith.index_cast %add3A_1377 : i32 to index
      %swap3A_1406 = arith.constant 0 : index
      %swap3A_1407 = tpu.vector_load %arg13[%swap3A_1405, %swap3A_1406] {strides = array<i32>} : memref<512x16xf32, #tpu.memory_space<vmem>>, vector<16xf32>,
      tpu.vector_store %arg13[%swap3A_1405, %swap3A_1406], %mul3A_1404 {strides = array<i32>} : memref<512x16xf32, #tpu.memory_space<vmem>>, vector<16xf32>,
      %mul3A_1408 = arith.constant 16 : i32
      %mul3A_1409 = arith.muli %scan3A_896, %mul3A_1408 : i32
      %add3A_1410 = arith.constant 15 : i32
      %add3A_1411 = arith.addi %mul3A_1409, %add3A_1410 : i32
      %get3A_1412 = arith.constant 0 : i32
      %get3A_1413 = arith.index_cast %get3A_1412 : i32 to index
      %get3A_1414 = arith.index_cast %add3A_1411 : i32 to index
      %get3A_1415 = arith.constant 0 : index
      %get3A_1416 = tpu.vector_load %arg12[%get3A_1413, %get3A_1414, %get3A_1415] {strides = array<i32>} : memref<4x512x16xf32, #tpu.memory_space<vmem>>, vector<16xf32>,
      %get3A_1417 = arith.constant 1 : i32
      %get3A_1418 = arith.index_cast %get3A_1417 : i32 to index
      %get3A_1419 = arith.index_cast %add3A_1411 : i32 to index
      %get3A_1420 = arith.constant 0 : index
      %get3A_1421 = tpu.vector_load %arg12[%get3A_1418, %get3A_1419, %get3A_1420] {strides = array<i32>} : memref<4x512x16xf32, #tpu.memory_space<vmem>>, vector<16xf32>,
      %add3A_1422 = arith.addf %get3A_1416, %get3A_1421 : vector<16xf32>
      %get3A_1423 = arith.constant 2 : i32
      %get3A_1424 = arith.index_cast %get3A_1423 : i32 to index
      %get3A_1425 = arith.index_cast %add3A_1411 : i32 to index
      %get3A_1426 = arith.constant 0 : index
      %get3A_1427 = tpu.vector_load %arg12[%get3A_1424, %get3A_1425, %get3A_1426] {strides = array<i32>} : memref<4x512x16xf32, #tpu.memory_space<vmem>>, vector<16xf32>,
      %add3A_1428 = arith.addf %add3A_1422, %get3A_1427 : vector<16xf32>
      %get3A_1429 = arith.constant 3 : i32
      %get3A_1430 = arith.index_cast %get3A_1429 : i32 to index
      %get3A_1431 = arith.index_cast %add3A_1411 : i32 to index
      %get3A_1432 = arith.constant 0 : index
      %get3A_1433 = tpu.vector_load %arg12[%get3A_1430, %get3A_1431, %get3A_1432] {strides = array<i32>} : memref<4x512x16xf32, #tpu.memory_space<vmem>>, vector<16xf32>,
      %add3A_1434 = arith.addf %add3A_1428, %get3A_1433 : vector<16xf32>
      %slice3A_1435 = vector.extract_strided_slice %get3A_900 {offsets = [15], sizes = [1], strides = [1]} : vector<16xf32> to vector<1xf32>
      %squeeze3A_1436 = vector.extract %slice3A_1435[0] : f32 from vector<1xf32>
      %mul3A_1437 = vector.broadcast %squeeze3A_1436 : f32 to vector<16xf32>
      %mul3A_1438 = arith.mulf %add3A_1434, %mul3A_1437 : vector<16xf32>
      %swap3A_1439 = arith.index_cast %add3A_1411 : i32 to index
      %swap3A_1440 = arith.constant 0 : index
      %swap3A_1441 = tpu.vector_load %arg13[%swap3A_1439, %swap3A_1440] {strides = array<i32>} : memref<512x16xf32, #tpu.memory_space<vmem>>, vector<16xf32>,
      tpu.vector_store %arg13[%swap3A_1439, %swap3A_1440], %mul3A_1438 {strides = array<i32>} : memref<512x16xf32, #tpu.memory_space<vmem>>, vector<16xf32>,
    }
    %scan3A_891 = arith.constant 32 : i32
    %dma_start3A_892 = tpu.memref_slice %arg4[%mul3A_773, %mul3A_32] : memref<2048x128xf32, #tpu.memory_space<hbm>> -> memref<512x16xf32, #tpu.memory_space<hbm>>
    %dma_start3A_893 = tpu.memref_slice %arg4[%mul3A_773, %mul3A_32] : memref<2048x128xf32, #tpu.memory_space<hbm>> -> memref<512x16xf32, #tpu.memory_space<hbm>>
    tpu.enqueue_dma source(%arg13 : memref<512x16xf32, #tpu.memory_space<vmem>>) target(%dma_start3A_893 : memref<512x16xf32, #tpu.memory_space<hbm>>) target_semaphore(%arg17 : memref<!tpu.dma_semaphore, #tpu.memory_space<semaphore_mem>>)
    %dma_wait3A_894 = tpu.memref_slice %arg4[%mul3A_773, %mul3A_32] : memref<2048x128xf32, #tpu.memory_space<hbm>> -> memref<512x16xf32, #tpu.memory_space<hbm>>
    %dma_wait3A_895 = tpu.memref_slice %arg4[%mul3A_773, %mul3A_32] : memref<2048x128xf32, #tpu.memory_space<hbm>> -> memref<512x16xf32, #tpu.memory_space<hbm>>
    tpu.wait_dma2 semaphore(%arg17 : memref<!tpu.dma_semaphore, #tpu.memory_space<semaphore_mem>>) src(%arg13 : memref<512x16xf32, #tpu.memory_space<vmem>>) dst(%dma_wait3A_895 : memref<512x16xf32, #tpu.memory_space<hbm>>)
    return
  }
}

</mosaic_0001>

<sc_bundles>
// kernel: kernel.3.cloned.1.call-start
scs
__scs_entry_jumppad:
0x0: {  	(pc) =	sbr.rel $0x88, $3  }
0x1: {  	(tag) =	ssettag $0x0;
	lr =	simm.s32 $0x1  }
0x2: {  	[smem:$0x3F9F] =	sst lr;
	_ =	strace $0xD0000000  }
0x3: {  	_ = 	snop  }
0x4: {  	_ = 	snop  }
0x5: {  	_ = 	snop  }
0x6: {  	_ = 	snop  }
0x7: {  	_ = 	snop  }
__scs_overlays_trampoline_lowered:
0x8: {  	[smem:$0x3FAE] =	sst s0  }
0x9: {  	[smem:$0x3FAF] =	sst s1  }
0xa: {  	[smem:$0x3FB0] =	sst s2  }
0xb: {  	[smem:$0x3FB1] =	sst s3  }
0xc: {  	[smem:$0x3FB2] =	sst s4  }
0xd: {  	[smem:$0x3FB3] =	sst s5  }
0xe: {  	[smem:$0x3FB4] =	sst s6  }
0xf: {  	[smem:$0x3FB5] =	sst s7  }
0x10: {  	[smem:$0x3FB6] =	sst s8  }
0x11: {  	[smem:$0x3FB7] =	sst s9;
	s0 =	simm.s32 @!p0 $0x0  }
0x12: {  	s1 =	sld [smem:$0x3F9D];
	s0 =	simm.s32 @p0 $0x1  }
0x13: {  	[smem:$0x3FB8] =	sst s0;
	s0 =	simm.s32 @!p1 $0x0  }
0x14: {  	s2 =	sld [smem:$0x3F9C];
	s0 =	simm.s32 @p1 $0x1  }
0x15: {  	[smem:$0x3FB9] =	sst s0;
	s0 =	simm.s32 @!p2 $0x0  }
0x16: {  	s3 =	sld [smem:$0x3FDB];
	s0 =	simm.s32 @p2 $0x1  }
0x17: {  	s4 =	simm.s32 $0x1BF5;
	[smem:$0x3FBB] =	sst s0  }
0x18: {  	s0 =	sld [smem:$0x3F9E];
	_ =	swait.ge [sflag:s4], $0x0  }
0x19: {  	s7 =	sld [smem:$0x3F9F]  }
0x1a: {  	s8 =	sadd.s32 $0xFFFFE003, lr  }
0x1b: {  	s9 =	sadd.s32 $0xFFFFFEF7, lr;
	s5 =	simm.s32 $0xFFFFFFFF;
	p2 =	slt.u32 s8, $0xFFFFF086  }
0x1c: {  	p1 =	slt.u32 s9, $0xF7A;
	s5 =	simm.s32 @!p2 $0x0  }
0x1d: {  	s5 =	simm.s32 @p1 $0x1;
	p0 =	seq.s32 s7, s2  }
0x1e: {  	s7 =	smul.u32 @!p0 $0xF7A, s2;
	p2 =	seq.s32 @!p0 s5, $0x0  }
0x1f: {  	s9 =	smul.u32 $0xF7A, s1;
	s8 =	simm.s32 @!p0 $0x1BF5;
	p2 =	por !p2, p0  }
0x20: {  	[sflag:s8] =	ssyncset.s32 @!p0 $0xFFFFF086;
	s6 =	sadd.s32 @!p0 s3, s7;
	s7 =	simm.s32 @!p0 $0x108  }
0x21: {  	s3 =	sadd.s32 s3, s9;
	s6 =	sadd.s32 @!p0 $0x88, s6;
	s7 =	simm.s32 @p2 $0x1082  }
0x22: {  	[simem:s7], [sflag:s8] =	dma.local @!p0 [hbm:s6], $0xF7A  }
0x23: {  	s9 =	sor.u32 $0xD0000000, s2;
	s6 =	simm.s32 $0x108;
	_ =	swait.ge @!p0 [sflag:s8], $0x0  }
0x24: {  	s3 =	sadd.s32 $0x88, s3;
	s6 =	simm.s32 @!p1 $0x1082;
	[sflag:s4] =	ssyncset.s32 $0xFFFFF086  }
0x25: {  	[simem:s6], [sflag:s4] =	dma.local [hbm:s3], $0xF7A  }
0x26: {  	[smem:$0x3F9F] =	sst s1;
	(tag) =	ssettag s2;
	_ =	strace s9  }
0x27: {  	s1 =	sld [smem:$0x3FAF]  }
0x28: {  	s2 =	sld [smem:$0x3FB0]  }
0x29: {  	s4 =	sld [smem:$0x3FB2]  }
0x2a: {  	p0 =	seq.s32 s5, $0x0;
	s5 =	sld [smem:$0x3FB3]  }
0x2b: {  	s6 =	sld [smem:$0x3FB4]  }
0x2c: {  	s7 =	sld [smem:$0x3FB5]  }
0x2d: {  	s3 =	simm.s32 $0x108;
	s8 =	sld [smem:$0x3FB6]  }
0x2e: {  	s3 =	simm.s32 @!p0 $0x1082;
	s9 =	sld [smem:$0x3FB7]  }
0x2f: {  	lr =	sadd.s32 s0, s3;
	s0 =	sld [smem:$0x3FAE]  }
0x30: {  	s3 =	sld [smem:$0x3FB1]  }
0x31: {  	[smem:$0x3FBA] =	sst s10  }
0x32: {  	s10 =	sld [smem:$0x3FB8];
	_ =	sdelay $0x3  }
0x33: {  	p0 =	seq.s32 s10, $0x1;
	s10 =	sld [smem:$0x3FBA];
	_ =	sdelay $0x3  }
0x34: {  	[smem:$0x3FBA] =	sst s10  }
0x35: {  	s10 =	sld [smem:$0x3FB9];
	_ =	sdelay $0x3  }
0x36: {  	p1 =	seq.s32 s10, $0x1;
	s10 =	sld [smem:$0x3FBA];
	_ =	sdelay $0x3  }
0x37: {  	[smem:$0x3FBA] =	sst s10  }
0x38: {  	s10 =	sld [smem:$0x3FBB]  }
0x39: {  	_ = 	snop;
	(pc) =	sbr.ind lr, $3  }
0x3a: {  	_ = 	snop  }
0x3b: {  	_ = 	snop  }
0x3c: {  	p2 =	seq.s32 s10, $0x1;
	s10 =	sld [smem:$0x3FBA]  }
0x3d: {  	_ =	shalt  }
0x3e: {  	_ =	shalt  }
0x3f: {  	_ =	shalt  }
0x40: {  	_ =	shalt  }
0x41: {  	_ =	shalt  }
0x42: {  	_ =	shalt  }
0x43: {  	_ =	shalt  }
0x44: {  	_ =	shalt  }
0x45: {  	_ =	shalt  }
0x46: {  	_ =	shalt  }
0x47: {  	_ =	shalt  }
0x48: {  	_ =	shalt  }
0x49: {  	_ =	shalt  }
0x4a: {  	_ =	shalt  }
0x4b: {  	_ =	shalt  }
0x4c: {  	_ =	shalt  }
0x4d: {  	_ =	shalt  }
0x4e: {  	_ =	shalt  }
0x4f: {  	_ =	shalt  }
0x50: {  	_ =	shalt  }
0x51: {  	_ =	shalt  }
0x52: {  	_ =	shalt  }
0x53: {  	_ =	shalt  }
0x54: {  	_ =	shalt  }
0x55: {  	_ =	shalt  }
0x56: {  	_ =	shalt  }
0x57: {  	_ =	shalt  }
0x58: {  	_ =	shalt  }
0x59: {  	_ =	shalt  }
0x5a: {  	_ =	shalt  }
0x5b: {  	_ =	shalt  }
0x5c: {  	_ =	shalt  }
0x5d: {  	_ =	shalt  }
0x5e: {  	_ =	shalt  }
0x5f: {  	_ =	shalt  }
0x60: {  	_ =	shalt  }
0x61: {  	_ =	shalt  }
0x62: {  	_ =	shalt  }
0x63: {  	_ =	shalt  }
0x64: {  	_ =	shalt  }
0x65: {  	_ =	shalt  }
0x66: {  	_ =	shalt  }
0x67: {  	_ =	shalt  }
0x68: {  	_ =	shalt  }
0x69: {  	_ =	shalt  }
0x6a: {  	_ =	shalt  }
0x6b: {  	_ =	shalt  }
0x6c: {  	_ =	shalt  }
0x6d: {  	_ =	shalt  }
0x6e: {  	_ =	shalt  }
0x6f: {  	_ =	shalt  }
0x70: {  	_ =	shalt  }
0x71: {  	_ =	shalt  }
0x72: {  	_ =	shalt  }
0x73: {  	_ =	shalt  }
0x74: {  	_ =	shalt  }
0x75: {  	_ =	shalt  }
0x76: {  	_ =	shalt  }
0x77: {  	_ =	shalt  }
0x78: {  	_ =	shalt  }
0x79: {  	_ =	shalt  }
0x7a: {  	_ =	shalt  }
0x7b: {  	_ =	shalt  }
0x7c: {  	_ =	shalt  }
0x7d: {  	_ =	shalt  }
0x7e: {  	_ =	shalt  }
0x7f: {  	_ =	shalt  }
0x80: {  	_ =	shalt  }
0x81: {  	_ =	shalt  }
0x82: {  	_ =	shalt  }
0x83: {  	_ =	shalt  }
0x84: {  	_ =	shalt  }
0x85: {  	_ =	shalt  }
0x86: {  	_ =	shalt  }
0x87: {  	_ =	shalt  }
.Lfunc_end0:
.L_simem_size_0:
called_computation_lowered:
.L_overlay_start_0:
0x88: {  	s2 =	sld [smem:$0x3FD9]  }
0x89: {  	s3 =	sld [smem:$0x3FFE];
	_ =	sdelay $0x1  }
0x8a: {  	s1 =	srdreg.scid  }
0x8b: {  	s0 =	sand.u32 $0x1, s1  }
0x8c: {  	s18 =	sshll.u32 s0, $0xA;
	s2 =	sadd.s32 s3, s2  }
0x8d: {  	s2 =	sadd.s32 s2, s18  }
0x8e: {  	[smem:$0x3FC6] =	sst s2  }
0x8f: {  	_ = 	snop  }
0x90: {  	s2 =	sld [smem:$0x3FC9]  }
0x91: {  	s19 =	sld [smem:$0x3FC8]  }
0x92: {  	s4 =	sld [smem:$0x3FD0];
	(tm) =	ssettm $0x1  }
0x93: {  	s5 =	sld [smem:$0x3FFB];
	_ =	sdelay $0x3  }
0x94: {  	_ =	strace s5  }
0x95: {  	s5 =	sld [smem:$0x3FFC];
	_ =	sdelay $0x3  }
0x96: {  	_ =	strace s5  }
0x97: {  	s5 =	sld [smem:$0x3FFD];
	_ =	sdelay $0x3  }
0x98: {  	_ =	strace s5  }
0x99: {  	_ =	strace $0x8FFFFFFF  }
0x9a: {  	s20 =	sld [smem:$0x3FDB];
	_ =	sdelay $0x1  }
0x9b: {  	s6 =	simm.s32 $_scs_section_size  }
0x9c: {  	s7 =	simm.s32 $_size__tile_overlayer_lowered;
	s8 =	simm.s32 $_tile_overlayer_lowered  }
0x9d: {  	s23 =	simm.s32 $0x1BFF;
	s22 =	sshll.u32 s8, $0x1;
	s5 =	sadd.s32 s6, s20  }
0x9e: {  	s9 =	simm.s32 $0x0;
	s21 =	sshll.u32 s7, $0x1;
	s7 =	sadd.s32 s22, s5  }
0x9f: {  	[timem:s9], [sflag:s23] =	dma.local [hbm:s7], s21  }
0xa0: {  	_ =	swait.ge [sflag:s23], s21  }
0xa1: {  	s6 =	ssub.s32 $0x0, s21;
	[sflag:s23] =	ssyncset.done $0x0  }
0xa2: {  	[sflag:s23] =	ssyncadd.s32 s6;
	_ =	sdelay $0x1  }
0xa3: {  	s24 =	simm.s32 $0x1B8B  }
0xa4: {  	_ =	swait.ge [sflag:s24], $0x1  }
0xa5: {  	[sflag:s24] =	ssyncset.done $0x0  }
0xa6: {  	s25 =	simm.s32 $0x1B8E;
	[sflag:s24] =	ssyncadd.s32 $0xFFFFFFFF  }
0xa7: {  	s26 =	simm.s32 $execute0_lowered;
	[smem:$0x3FD2] =	sst s25  }
0xa8: {  	s6 =	sshll.u32 s26, $0x1;
	_ =	strace $0x80000046;
	[dreg:$0x1] =	wrdreg $0xFFFFFFFF  }
0xa9: {  	s28 =	simm.s32 $_size_execute0_lowered;
	s5 =	sadd.s32 s5, s6;
	[dreg:$0x0] =	wrdreg $0x0  }
0xaa: {  	s6 =	sshll.u32 s28, $0x1;
	[dreg:$0x2] =	wrdreg s5  }
0xab: {  	[dreg:$0x3] =	wrdreg s6  }
0xac: {  	[dreg:$0x4] =	wrdreg $0xC0  }
0xad: {  	_ =	task [dreg:s9], $0x5FFFF  }
0xae: {  	[dreg:$0x1] =	wrdreg $0xFFFFFFFF  }
0xaf: {  	[dreg:$0x0] =	wrdreg $0x60  }
0xb0: {  	[dreg:$0x2] =	wrdreg s2  }
0xb1: {  	[dreg:$0x3] =	wrdreg s19  }
0xb2: {  	[dreg:$0x4] =	wrdreg s4  }
0xb3: {  	[dreg:$0x5] =	wrdreg $0x164D00  }
0xb4: {  	[dreg:$0x6] =	wrdreg $0x1E4D00  }
0xb5: {  	[dreg:$0x7] =	wrdreg $0x9  }
0xb6: {  	_ =	task.clear_ibuf [dreg:s9], $0x8FFFF;
	_ =	strace $0x90000046  }
0xb7: {  	s29 =	simm.s32 $0x9;
	_ =	strace $0x80000048  }
0xb8: {  	_ =	swait.ge [sflag:s29], $0x1  }
0xb9: {  	[sflag:s29] =	ssyncadd.s32 $0xFFFFFFFF  }
0xba: {  	_ =	strace $0x90000048  }
0xbb: {  	_ =	sfence  }
0xbc: {  	s30 =	sld [smem:$0x0];
	_ =	sdelay $0x2  }
0xbd: {  	s31 =	sshll.u32 s1, $0xD;
	s1 =	sshrl.u32 s1, $0x2  }
0xbe: {  	s3 =	sand.u32 $0x4000, s31;
	s1 =	sadd.s32 s1, s30  }
0xbf: {  	s0 =	sor.u32 s3, s0;
	s1 =	sshll.u32 s1, $0x11  }
0xc0: {  	s0 =	sor.u32 s1, s0  }
0xc1: {  	s0 =	sadd.s32 $0x8F2B, s0  }
0xc2: {  	[sflag:s0] =	ssyncadd.remote.s32 $0x1  }
0xc3: {  	_ =	sfence.sel $0xFFFF  }
0xc4: {  	[dreg:$0x0] =	wrdreg $0xFFFFFFFF;
	(pc) =	sbr.abs _section_cstart, $3  }
0xc5: {  	[dreg:$0x1] =	wrdreg $0xFFFFFFFF  }
0xc6: {  	_ =	task.clear_ibuf [dreg:s9], $0x2FFFF;
	_ =	strace $0x9FFFFFFF  }
0xc7: {  	(tm) =	ssettm $0x7FFFFFFF  }
tec
execute0_lowered:
.L_overlay_start_1:
0x0: {  	(tag) =	ssettag $0x1  }
0x1: {  	s0 =	stileid.u32  }
0x2: {  	s1 =	srdreg.scid;
	s4 =	rddreg [dreg:$0x0];
	s2 =	sshll.u32 s0, $0x1  }
0x3: {  	s0 =	sshrl.u32 s0, $0x2;
	s3 =	sand.u32 $0x1, s1;
	s31 =	sand.u32 $0x6, s2  }
0x4: {  	[smem:$0x7F6] =	sst s0;
	s5 =	smul.u32 $0x30D400, s0;
	s2 =	sor.u32 s3, s31  }
0x5: {  	s7 =	smul.u32 $0x61A8, s0;
	s6 =	ssub.s32 $0x2, s3;
	s3 =	sshll.u32 s2, $0x4  }
0x6: {  	[smem:$0x7F5] =	sst s31;
	s1 =	sshrl.u32 s6, $0x1;
	s8 =	sor.u32 s5, s3  }
0x7: {  	s2 =	ssub.s32 s6, s1;
	s5 =	sadd.s32 $0x3E8, s7;
	s9 =	sshrl.u32 s8, $0x3  }
0x8: {  	s6 =	sadd.s32 $0x7D0, s7;
	s10 =	sshll.u32 s5, $0x7;
	s11 =	sadd.s32 s4, s9  }
0x9: {  	s8 =	sor.u32 s3, s10;
	s10 =	sshll.u32 s6, $0x7;
	[dreg:$0x6] =	wrdreg s11  }
0xa: {  	s9 =	sshrl.u32 s8, $0x3;
	s8 =	sadd.s32 $0xBB8, s7;
	s13 =	sor.u32 s3, s10  }
0xb: {  	s12 =	sadd.s32 s4, s9;
	s14 =	sshll.u32 s8, $0x7;
	s11 =	sshrl.u32 s13, $0x3  }
0xc: {  	s9 =	sadd.s32 $0xFA0, s7;
	[dreg:$0x7] =	wrdreg s12;
	s10 =	sor.u32 s3, s14  }
0xd: {  	s15 =	sadd.s32 s4, s11;
	s16 =	sshll.u32 s9, $0x7;
	s10 =	sshrl.u32 s10, $0x3  }
0xe: {  	[dreg:$0x8] =	wrdreg s15;
	s11 =	sor.u32 s3, s16;
	s17 =	sadd.s32 s4, s10  }
0xf: {  	s10 =	sadd.s32 $0x1388, s7;
	s12 =	sshrl.u32 s11, $0x3;
	s11 =	sadd.s32 $0x1770, s7  }
0x10: {  	[dreg:$0x9] =	wrdreg s17;
	s13 =	sshll.u32 s10, $0x7;
	s18 =	sadd.s32 s4, s12  }
0x11: {  	s20 =	sshll.u32 s11, $0x7;
	s12 =	sadd.s32 $0x1B58, s7;
	s19 =	sor.u32 s3, s13  }
0x12: {  	[dreg:$0xa] =	wrdreg s18;
	s13 =	sor.u32 s3, s20;
	s14 =	sshrl.u32 s19, $0x3  }
0x13: {  	s22 =	sshll.u32 s12, $0x7;
	s13 =	sshrl.u32 s13, $0x3;
	s21 =	sadd.s32 s4, s14  }
0x14: {  	s23 =	sadd.s32 s4, s13;
	s14 =	sor.u32 s3, s22;
	[dreg:$0xb] =	wrdreg s21  }
0x15: {  	s13 =	sadd.s32 $0x1F40, s7;
	[dreg:$0xc] =	wrdreg s23;
	s15 =	sshrl.u32 s14, $0x3  }
0x16: {  	s16 =	sshll.u32 s13, $0x7;
	s14 =	sadd.s32 $0x2328, s7;
	s24 =	sadd.s32 s4, s15  }
0x17: {  	s25 =	sor.u32 s3, s16;
	s26 =	sshll.u32 s14, $0x7;
	s15 =	sadd.s32 $0x2710, s7  }
0x18: {  	[dreg:$0xd] =	wrdreg s24;
	s17 =	sshrl.u32 s25, $0x3;
	s16 =	sor.u32 s3, s26  }
0x19: {  	s29 =	sshll.u32 s15, $0x7;
	s28 =	sadd.s32 s4, s17;
	s16 =	sshrl.u32 s16, $0x3  }
0x1a: {  	s17 =	sor.u32 s3, s29;
	[dreg:$0xe] =	wrdreg s28;
	s30 =	sadd.s32 s4, s16  }
0x1b: {  	s16 =	sadd.s32 $0x2AF8, s7;
	s18 =	sshrl.u32 s17, $0x3;
	s17 =	sadd.s32 $0x2EE0, s7  }
0x1c: {  	[dreg:$0xf] =	wrdreg s30;
	s19 =	sshll.u32 s16, $0x7;
	s31 =	sadd.s32 s4, s18  }
0x1d: {  	s1 =	sshll.u32 s17, $0x7;
	s18 =	sadd.s32 $0x32C8, s7;
	s0 =	sor.u32 s3, s19  }
0x1e: {  	[dreg:$0x10] =	wrdreg s31;
	s19 =	sor.u32 s3, s1;
	s20 =	sshrl.u32 s0, $0x3  }
0x1f: {  	s22 =	sshll.u32 s18, $0x7;
	s19 =	sshrl.u32 s19, $0x3;
	s21 =	sadd.s32 s4, s20  }
0x20: {  	s23 =	sadd.s32 s4, s19;
	s20 =	sor.u32 s3, s22;
	[dreg:$0x11] =	wrdreg s21  }
0x21: {  	s19 =	sadd.s32 $0x36B0, s7;
	[dreg:$0x12] =	wrdreg s23;
	s21 =	sshrl.u32 s20, $0x3  }
0x22: {  	s22 =	sshll.u32 s19, $0x7;
	s20 =	sadd.s32 $0x3A98, s7;
	s24 =	sadd.s32 s4, s21  }
0x23: {  	s25 =	sor.u32 s3, s22;
	s26 =	sshll.u32 s20, $0x7;
	s21 =	sadd.s32 $0x3E80, s7  }
0x24: {  	[dreg:$0x13] =	wrdreg s24;
	s23 =	sshrl.u32 s25, $0x3;
	s22 =	sor.u32 s3, s26  }
0x25: {  	s29 =	sshll.u32 s21, $0x7;
	s28 =	sadd.s32 s4, s23;
	s22 =	sshrl.u32 s22, $0x3  }
0x26: {  	s23 =	sor.u32 s3, s29;
	[dreg:$0x14] =	wrdreg s28;
	s30 =	sadd.s32 s4, s22  }
0x27: {  	s22 =	sadd.s32 $0x4268, s7;
	s24 =	sshrl.u32 s23, $0x3;
	s23 =	sadd.s32 $0x4650, s7  }
0x28: {  	[dreg:$0x15] =	wrdreg s30;
	s25 =	sshll.u32 s22, $0x7;
	s31 =	sadd.s32 s4, s24  }
0x29: {  	s1 =	sshll.u32 s23, $0x7;
	s24 =	sadd.s32 $0x4A38, s7;
	s0 =	sor.u32 s3, s25  }
0x2a: {  	[dreg:$0x16] =	wrdreg s31;
	s25 =	sor.u32 s3, s1;
	s26 =	sshrl.u32 s0, $0x3  }
0x2b: {  	s29 =	sshll.u32 s24, $0x7;
	s25 =	sshrl.u32 s25, $0x3;
	s28 =	sadd.s32 s4, s26  }
0x2c: {  	s30 =	sadd.s32 s4, s25;
	s26 =	sor.u32 s3, s29;
	[dreg:$0x17] =	wrdreg s28  }
0x2d: {  	s25 =	sadd.s32 $0x4E20, s7;
	[dreg:$0x18] =	wrdreg s30;
	s28 =	sshrl.u32 s26, $0x3  }
0x2e: {  	s29 =	sshll.u32 s25, $0x7;
	s26 =	sadd.s32 $0x5208, s7;
	s31 =	sadd.s32 s4, s28  }
0x2f: {  	s0 =	sor.u32 s3, s29;
	s1 =	sshll.u32 s26, $0x7;
	s28 =	sadd.s32 $0x55F0, s7  }
0x30: {  	[dreg:$0x19] =	wrdreg s31;
	s30 =	sshrl.u32 s0, $0x3;
	s29 =	sor.u32 s3, s1  }
0x31: {  	s1 =	sshll.u32 s28, $0x7;
	s31 =	sadd.s32 s4, s30;
	s29 =	sshrl.u32 s29, $0x3  }
0x32: {  	s0 =	sor.u32 s3, s1;
	s30 =	sadd.s32 $0x59D8, s7;
	[dreg:$0x1a] =	wrdreg s31  }
0x33: {  	s31 =	sadd.s32 s4, s29;
	s1 =	sshll.u32 s30, $0x7;
	s29 =	sshrl.u32 s0, $0x3  }
0x34: {  	[dreg:$0x1b] =	wrdreg s31;
	s31 =	sshrl.u32 s7, $0x3;
	s0 =	sor.u32 s3, s1  }
0x35: {  	s7 =	sadd.s32 $0x5DC0, s7;
	s29 =	sadd.s32 s4, s29;
	s0 =	sshrl.u32 s0, $0x3  }
0x36: {  	s1 =	sshll.u32 s7, $0x7;
	[dreg:$0x1c] =	wrdreg s29;
	s0 =	sadd.s32 s4, s0  }
0x37: {  	s5 =	sshrl.u32 s5, $0x3;
	s1 =	sor.u32 s3, s1;
	[dreg:$0x1d] =	wrdreg s0  }
0x38: {  	s8 =	sshrl.u32 s8, $0x3;
	s29 =	sshrl.u32 s1, $0x3;
	s1 =	rddreg [dreg:$0x1]  }
0x39: {  	s0 =	sadd.s32 s4, s29;
	s4 =	sadd.s32 s1, s31;
	s29 =	sadd.s32 s1, s8  }
0x3a: {  	s31 =	sshrl.u32 s9, $0x3;
	s9 =	sshrl.u32 s13, $0x3;
	s13 =	sshrl.u32 s16, $0x3  }
0x3b: {  	s16 =	sshrl.u32 s18, $0x3;
	s18 =	sshrl.u32 s20, $0x3;
	[dreg:$0x1e] =	wrdreg s0  }
0x3c: {  	s20 =	sshrl.u32 s21, $0x3;
	s21 =	sshrl.u32 s22, $0x3;
	[dreg:$0x1f] =	wrdreg s4  }
0x3d: {  	s22 =	sshrl.u32 s23, $0x3;
	s0 =	sadd.s32 s1, s5;
	[smem:$0x7DF] =	sst s29  }
0x3e: {  	s4 =	sshrl.u32 s10, $0x3;
	s10 =	sshrl.u32 s14, $0x3;
	s14 =	sshrl.u32 s17, $0x3  }
0x3f: {  	s17 =	sshrl.u32 s19, $0x3;
	s19 =	sadd.s32 s1, s18;
	[smem:$0x7DD] =	sst s0  }
0x40: {  	s6 =	sshrl.u32 s6, $0x3;
	s23 =	sadd.s32 s1, s22;
	[smem:$0x7EB] =	sst s19  }
0x41: {  	s8 =	sshrl.u32 s12, $0x3;
	s12 =	sshrl.u32 s15, $0x3;
	[smem:$0x7EE] =	sst s23  }
0x42: {  	s5 =	sshrl.u32 s11, $0x3;
	s11 =	sadd.s32 s1, s10;
	s10 =	rddreg [dreg:$0x3]  }
0x43: {  	s18 =	simm.s32 $0x0;
	s15 =	sadd.s32 s1, s14;
	s14 =	sld [smem:$0x7F6]  }
0x44: {  	s0 =	sadd.s32 s1, s6;
	[smem:$0x7FF] =	sst s18  }
0x45: {  	s6 =	sadd.s32 s1, s5;
	[smem:$0x7DE] =	sst s0  }
0x46: {  	[smem:$0x7E2] =	sst s6  }
0x47: {  	[smem:$0x7E5] =	sst s11  }
0x48: {  	s24 =	sshrl.u32 s24, $0x3;
	s0 =	sadd.s32 s1, s31;
	[smem:$0x7E8] =	sst s15  }
0x49: {  	s31 =	sshrl.u32 s26, $0x3;
	[smem:$0x7E0] =	sst s0;
	s0 =	sadd.s32 s1, s4  }
0x4a: {  	s29 =	sshrl.u32 s25, $0x3;
	s4 =	sadd.s32 s1, s31;
	[smem:$0x7E1] =	sst s0  }
0x4b: {  	s25 =	smax.u32 s2, $0x1;
	s0 =	sadd.s32 s1, s8;
	[smem:$0x7F1] =	sst s4  }
0x4c: {  	s8 =	sshrl.u32 s7, $0x3;
	[smem:$0x7E3] =	sst s0;
	s0 =	sadd.s32 s1, s9  }
0x4d: {  	s5 =	sshrl.u32 s28, $0x3;
	s9 =	sadd.s32 s1, s8;
	[smem:$0x7E4] =	sst s0  }
0x4e: {  	s18 =	simm.s32 $0x2;
	s6 =	sshrl.u32 s30, $0x3;
	[smem:$0x7F4] =	sst s9  }
0x4f: {  	s11 =	stileid.u32;
	s0 =	sadd.s32 s1, s12;
	s12 =	sld [smem:$0x7F5]  }
0x50: {  	s15 =	sshll.u32 s14, $0x10;
	[smem:$0x7E6] =	sst s0;
	s0 =	sadd.s32 s1, s13  }
0x51: {  	s19 =	sshll.u32 s14, $0xD;
	[smem:$0x7E7] =	sst s0;
	s0 =	sadd.s32 s1, s16  }
0x52: {  	s7 =	simm.s32 $0x80;
	s22 =	sshrl.u32 s19, $0x2;
	[smem:$0x7E9] =	sst s0  }
0x53: {  	s8 =	simm.s32 $0x7D00;
	s0 =	sadd.s32 s1, s17;
	s17 =	rddreg [dreg:$0x2]  }
0x54: {  	s9 =	simm.s32 $0x84D0;
	[smem:$0x7EA] =	sst s0;
	s0 =	sadd.s32 s1, s20  }
0x55: {  	s16 =	sor.u32 s15, s3;
	s15 =	simm.s32 $0x3E8;
	[smem:$0x7EC] =	sst s0  }
0x56: {  	s13 =	sshll.u32 s12, $0xE;
	s0 =	sadd.s32 s1, s21;
	s21 =	rddreg [dreg:$0x4]  }
0x57: {  	p0 =	sne.s32 s12, $0x0;
	[smem:$0x7ED] =	sst s0;
	s0 =	sadd.s32 s1, s24  }
0x58: {  	s12 =	simm.s32 $0x80E8;
	[smem:$0x7EF] =	sst s0;
	s0 =	sadd.s32 s1, s29  }
0x59: {  	s24 =	sshll.u32 s14, $0x9;
	[smem:$0x7F0] =	sst s0;
	s0 =	sadd.s32 s1, s5  }
0x5a: {  	s14 =	simm.s32 $0x3;
	s26 =	sadd.s32 $0x15CD0, s24;
	[smem:$0x7F2] =	sst s0  }
0x5b: {  	s0 =	sadd.s32 s1, s6;
	s1 =	sshll.u32 s11, $0xF;
	s6 =	simm.s32 $0x10  }
0x5c: {  	s11 =	simm.s32 $0x3E80;
	[smem:$0x7F3] =	sst s0;
	s20 =	sadd.s32 s1, s10  }
0x5d: {  	s0 =	sadd.s32 s13, s10;
	s1 =	sshrl.u32 s16, $0x3;
	s10 =	simm.s32 $0x7  }
0x5e: {  	s13 =	simm.s32 $0x1;
	s16 =	simm.s32 $0x94D0;
	s1 =	sadd.s32 s17, s1  }
0x5f: {  	s23 =	sadd.s32 s19, s0;
	s0 =	sadd.s32 s22, s21;
	s28 =	sadd.s32 $0x1000, s20  }
0x60: {  	s29 =	sadd.s32 $0x2000, s20;
	s30 =	sadd.s32 $0x3000, s20;
	[smem:$0x7F7] =	sst s1  }
0x61: {  	s31 =	sadd.s32 $0x4000, s20;
	_ =	strace $0x80000047;
	[smem:$0x7F8] =	sst s0  }
0x62: {  	s2 =	sadd.s32 $0x7000, s20;
	s17 =	simm.s32 $0x5;
	[smem:$0x7F9] =	sst s25  }
0x63: {  	s19 =	simm.s32 $0x4;
	s21 =	simm.s32 $0x6;
	[smem:$0x7FA] =	sst s28  }
0x64: {  	s22 =	simm.s32 $0x0;
	s1 =	sadd.s32 $0x6000, s20;
	[smem:$0x7FB] =	sst s29  }
0x65: {  	v0 =	vimm.f32 $0.0e+00;
	s3 =	sadd.s32 $0x20000, s23;
	s4 =	sadd.s32 $0x40000, s23;
	[smem:$0x7FC] =	sst s30  }
0x66: {  	v1 =	vimm.f32 $1.000000000e+00;
	vm0 =	vmmov $0xff;
	vm1 =	vcmask $0x3F20;
	s5 =	sadd.s32 $0x60000, s23;
	[smem:$0x7FD] =	sst s31;
	s0 =	sadd.s32 $0x5000, s20  }
.LBB2_1:
0x67: {  	s24 =	rddreg [dreg:$0x6];
	s25 =	simm.s32 $0x0  }
0x68: {  	[tilespmem:s25], [sflag:$0x1] =	stream.strided.gather [hbm4b:s24+s6], $0x3E80, s7, s6, $0x38;
	[tilespmem:$0x1E6D0] =	vst v63  }
0x69: {  	s31 =	rddreg [dreg:$0x1f]  }
0x6a: {  	[tilespmem:s8], [sflag:$0x3] =	stream.linear.gather [hbm4b:s31+s25], $0x3E8, $0x38;
	[tilespmem:$0x1E6D0] =	vst v63  }
0x6b: {  	s24 =	simm.s32 $0x40;
	s25 =	simm.s32 $0x0  }
.LBB2_2:
0x6c: {  	p1 =	sne.s32 s24, $0x3FC0;
	[tilespmem:s25+$0x84D0] =	vst v0;
	s25 =	smov.u32 s24;
	s24 =	sadd.s32 $0x40, s24  }
.Ltmp0:
0x6d: {  	(pc) =	sbr.rel @p1 .LBB2_2-.Ltmp0, $2  }
0x6e: {  	_ =	sdelay $0x2  }
0x6f: {  	s25 =	sshra.s32 s25, $0x2  }
0x70: {  	[tilespmem:s25+$0x84D0] =	vst v0  }
0x71: {  	[spmem:s20] =	stream.linear.scatter [tilespmem:s9], [sflag:$0x7], $0x1000, $0x38;
	[tilespmem:$0x1E6D0] =	vst v63  }
0x72: {  	_ =	swait.ge [sflag:s10], $0x1000  }
0x73: {  	s24 =	sld [smem:$0x7FA]  }
0x74: {  	[sflag:s10] =	ssyncset.done $0x0  }
0x75: {  	[sflag:s10] =	ssyncadd.s32 $0xFFFFF000  }
0x76: {  	[spmem:s24] =	stream.linear.scatter [tilespmem:s9], [sflag:$0x7], $0x1000, $0x38;
	[tilespmem:$0x1E6D0] =	vst v63  }
0x77: {  	_ =	swait.ge [sflag:s10], $0x1000  }
0x78: {  	s29 =	sld [smem:$0x7FB]  }
0x79: {  	[sflag:s10] =	ssyncset.done $0x0  }
0x7a: {  	[sflag:s10] =	ssyncadd.s32 $0xFFFFF000  }
0x7b: {  	[spmem:s29] =	stream.linear.scatter [tilespmem:s9], [sflag:$0x7], $0x1000, $0x38;
	[tilespmem:$0x1E6D0] =	vst v63  }
0x7c: {  	_ =	swait.ge [sflag:s10], $0x1000  }
0x7d: {  	s30 =	sld [smem:$0x7FC]  }
0x7e: {  	[sflag:s10] =	ssyncset.done $0x0  }
0x7f: {  	[sflag:s10] =	ssyncadd.s32 $0xFFFFF000  }
0x80: {  	[spmem:s30] =	stream.linear.scatter [tilespmem:s9], [sflag:$0x7], $0x1000, $0x38;
	[tilespmem:$0x1E6D0] =	vst v63  }
0x81: {  	_ =	swait.ge [sflag:s10], $0x1000  }
0x82: {  	s31 =	sld [smem:$0x7FD]  }
0x83: {  	[sflag:s10] =	ssyncset.done $0x0  }
0x84: {  	[sflag:s10] =	ssyncadd.s32 $0xFFFFF000  }
0x85: {  	[spmem:s31] =	stream.linear.scatter [tilespmem:s9], [sflag:$0x7], $0x1000, $0x38;
	[tilespmem:$0x1E6D0] =	vst v63  }
0x86: {  	_ =	swait.ge [sflag:s10], $0x1000  }
0x87: {  	[sflag:s10] =	ssyncset.done $0x0  }
0x88: {  	[sflag:s10] =	ssyncadd.s32 $0xFFFFF000  }
0x89: {  	[spmem:s0] =	stream.linear.scatter [tilespmem:s9], [sflag:$0x7], $0x1000, $0x38;
	[tilespmem:$0x1E6D0] =	vst v63  }
0x8a: {  	_ =	swait.ge [sflag:s10], $0x1000  }
0x8b: {  	[sflag:s10] =	ssyncset.done $0x0  }
0x8c: {  	[sflag:s10] =	ssyncadd.s32 $0xFFFFF000  }
0x8d: {  	[spmem:s1] =	stream.linear.scatter [tilespmem:s9], [sflag:$0x7], $0x1000, $0x38;
	[tilespmem:$0x1E6D0] =	vst v63  }
0x8e: {  	_ =	swait.ge [sflag:s10], $0x1000  }
0x8f: {  	[sflag:s10] =	ssyncset.done $0x0  }
0x90: {  	[sflag:s10] =	ssyncadd.s32 $0xFFFFF000  }
0x91: {  	[spmem:s2] =	stream.linear.scatter [tilespmem:s9], [sflag:$0x7], $0x1000, $0x38;
	[tilespmem:$0x1E6D0] =	vst v63  }
0x92: {  	_ =	swait.ge [sflag:s10], $0x1000  }
0x93: {  	[sflag:s10] =	ssyncset.done $0x0  }
0x94: {  	s25 =	simm.s32 $0x0;
	s24 =	simm.s32 $0x40;
	[sflag:s10] =	ssyncadd.s32 $0xFFFFF000  }
.LBB2_4:
0x95: {  	p1 =	sne.s32 s24, $0x1FC0;
	[tilespmem:s25+$0x94D0] =	vst v0;
	s25 =	smov.u32 s24;
	s24 =	sadd.s32 $0x40, s24  }
.Ltmp1:
0x96: {  	(pc) =	sbr.rel @p1 .LBB2_4-.Ltmp1, $2  }
0x97: {  	_ =	sdelay $0x2  }
0x98: {  	s25 =	sshra.s32 s25, $0x2  }
0x99: {  	s24 =	rddreg [dreg:$0x7]  }
0x9a: {  	[tilespmem:s25+$0x94D0] =	vst v0;
	s31 =	sld [smem:$0x7DD]  }
0x9b: {  	[tilespmem:s11], [sflag:$0x2] =	stream.strided.gather [hbm4b:s24+s6], $0x3E80, s7, s6, $0x38;
	[tilespmem:$0x1E6D0] =	vst v63  }
0x9c: {  	s30 =	simm.s32 $0x0  }
0x9d: {  	[tilespmem:s12], [sflag:$0x4] =	stream.linear.gather [hbm4b:s31+s30], $0x3E8, $0x38;
	[tilespmem:$0x1E6D0] =	vst v63  }
0x9e: {  	_ =	swait.ge [sflag:s13], $0x3E80  }
0x9f: {  	[sflag:s13] =	ssyncset.done $0x0  }
0xa0: {  	[sflag:s13] =	ssyncadd.s32 $0xFFFFC180  }
0xa1: {  	_ =	swait.ge [sflag:s14], $0x3E8  }
0xa2: {  	[sflag:s14] =	ssyncset.done $0x0  }
0xa3: {  	s25 =	simm.s32 $0x0;
	s24 =	simm.s32 $0x40;
	[sflag:s14] =	ssyncadd.s32 $0xFFFFFC18  }
0xa4: {  	[spmem:s20] =	stream.indirect.scatter.add.f32 [tilespmem:s30], [sflag:$0x5], $0x10, s8, s15, $0xb8;
	[tilespmem:$0x1E6D0] =	vst v63  }
.LBB2_6:
0xa5: {  	p1 =	sne.s32 s24, $0xF40;
	v2 =	vld [tilespmem:s25+$0x7D00];
	_ =	sdelay $0x3  }
.Ltmp2:
0xa6: {  	(pc) =	sbr.rel @p1 .LBB2_6-.Ltmp2, $2  }
0xa7: {  	_ =	sdelay $0x2  }
0xa8: {  	s25 =	sshra.s32 s24, $0x2;
	s24 =	sadd.s32 $0x40, s24;
	[tilespmem:v2+s16+$0x0] =	vst.idx.add.f32.msk $0xffff, v1  }
0xa9: {  	v2 =	vld [tilespmem:s25+$0x7D00];
	_ =	sdelay $0x7  }
0xaa: {  	[tilespmem:v2+s16+$0x0] =	vst.idx.add.f32.msk $0xffff, v1  }
0xab: {  	v2 =	vld [tilespmem:$0x80D8];
	_ =	sdelay $0x4  }
0xac: {  	v2 =	vsel vm0, $0x0, v2;
	_ =	sdelay $0x4  }
0xad: {  	[tilespmem:v2+s16+$0x0] =	vst.idx.add.f32.msk vm1, v1  }
0xae: {  	_ =	swait.ge [sflag:s17], $0x3E80  }
0xaf: {  	[sflag:s17] =	ssyncset.done $0x0;
	s30 =	rddreg [dreg:$0x8]  }
0xb0: {  	s24 =	simm.s32 $0x0;
	s31 =	sld [smem:$0x7DE];
	[sflag:s17] =	ssyncadd.s32 $0xFFFFC180  }
0xb1: {  	[tilespmem:s24], [sflag:$0x1] =	stream.strided.gather [hbm4b:s30+s6], $0x3E80, s7, s6, $0x38;
	[tilespmem:$0x1E6D0] =	vst v63  }
0xb2: {  	_ = 	snop  }
0xb3: {  	[tilespmem:s8], [sflag:$0x3] =	stream.linear.gather [hbm4b:s31+s24], $0x3E8, $0x38;
	[tilespmem:$0x1E6D0] =	vst v63  }
0xb4: {  	_ =	swait.ge [sflag:s18], $0x3E80  }
0xb5: {  	[sflag:s18] =	ssyncset.done $0x0  }
0xb6: {  	[sflag:s18] =	ssyncadd.s32 $0xFFFFC180  }
0xb7: {  	_ =	swait.ge [sflag:s19], $0x3E8  }
0xb8: {  	[sflag:s19] =	ssyncset.done $0x0  }
0xb9: {  	s25 =	simm.s32 $0x0;
	s24 =	simm.s32 $0x40;
	[sflag:s19] =	ssyncadd.s32 $0xFFFFFC18  }
0xba: {  	[spmem:s20] =	stream.indirect.scatter.add.f32 [tilespmem:s11], [sflag:$0x6], $0x10, s12, s15, $0xb8;
	[tilespmem:$0x1E6D0] =	vst v63  }
.LBB2_8:
0xbb: {  	p1 =	sne.s32 s24, $0xF40;
	v2 =	vld [tilespmem:s25+$0x80E8];
	_ =	sdelay $0x3  }
.Ltmp3:
0xbc: {  	(pc) =	sbr.rel @p1 .LBB2_8-.Ltmp3, $2  }
0xbd: {  	_ =	sdelay $0x2  }
0xbe: {  	s25 =	sshra.s32 s24, $0x2;
	s24 =	sadd.s32 $0x40, s24;
	[tilespmem:v2+s16+$0x0] =	vst.idx.add.f32.msk $0xffff, v1  }
0xbf: {  	v2 =	vld [tilespmem:s25+$0x80E8];
	_ =	sdelay $0x7  }
0xc0: {  	[tilespmem:v2+s16+$0x0] =	vst.idx.add.f32.msk $0xffff, v1  }
0xc1: {  	v2 =	vld [tilespmem:$0x84C0];
	_ =	sdelay $0x4  }
0xc2: {  	v2 =	vsel vm0, $0x0, v2;
	_ =	sdelay $0x4  }
0xc3: {  	[tilespmem:v2+s16+$0x0] =	vst.idx.add.f32.msk vm1, v1  }
0xc4: {  	_ =	swait.ge [sflag:s21], $0x3E80  }
0xc5: {  	[sflag:s21] =	ssyncset.done $0x0;
	s24 =	rddreg [dreg:$0x9]  }
0xc6: {  	s31 =	sld [smem:$0x7DF];
	[sflag:s21] =	ssyncadd.s32 $0xFFFFC180  }
0xc7: {  	[tilespmem:s11], [sflag:$0x2] =	stream.strided.gather [hbm4b:s24+s6], $0x3E80, s7, s6, $0x38;
	[tilespmem:$0x1E6D0] =	vst v63  }
0xc8: {  	s30 =	simm.s32 $0x0  }
0xc9: {  	[tilespmem:s12], [sflag:$0x4] =	stream.linear.gather [hbm4b:s31+s30], $0x3E8, $0x38;
	[tilespmem:$0x1E6D0] =	vst v63  }
0xca: {  	_ =	swait.ge [sflag:s13], $0x3E80  }
0xcb: {  	[sflag:s13] =	ssyncset.done $0x0  }
0xcc: {  	[sflag:s13] =	ssyncadd.s32 $0xFFFFC180  }
0xcd: {  	_ =	swait.ge [sflag:s14], $0x3E8  }
0xce: {  	[sflag:s14] =	ssyncset.done $0x0  }
0xcf: {  	s25 =	simm.s32 $0x0;
	s24 =	simm.s32 $0x40;
	[sflag:s14] =	ssyncadd.s32 $0xFFFFFC18  }
0xd0: {  	[spmem:s20] =	stream.indirect.scatter.add.f32 [tilespmem:s30], [sflag:$0x5], $0x10, s8, s15, $0xb8;
	[tilespmem:$0x1E6D0] =	vst v63  }
.LBB2_10:
0xd1: {  	p1 =	sne.s32 s24, $0xF40;
	v2 =	vld [tilespmem:s25+$0x7D00];
	_ =	sdelay $0x3  }
.Ltmp4:
0xd2: {  	(pc) =	sbr.rel @p1 .LBB2_10-.Ltmp4, $2  }
0xd3: {  	_ =	sdelay $0x2  }
0xd4: {  	s25 =	sshra.s32 s24, $0x2;
	s24 =	sadd.s32 $0x40, s24;
	[tilespmem:v2+s16+$0x0] =	vst.idx.add.f32.msk $0xffff, v1  }
0xd5: {  	v2 =	vld [tilespmem:s25+$0x7D00];
	_ =	sdelay $0x7  }
0xd6: {  	[tilespmem:v2+s16+$0x0] =	vst.idx.add.f32.msk $0xffff, v1  }
0xd7: {  	v2 =	vld [tilespmem:$0x80D8];
	_ =	sdelay $0x4  }
0xd8: {  	v2 =	vsel vm0, $0x0, v2;
	_ =	sdelay $0x4  }
0xd9: {  	[tilespmem:v2+s16+$0x0] =	vst.idx.add.f32.msk vm1, v1  }
0xda: {  	_ =	swait.ge [sflag:s17], $0x3E80  }
0xdb: {  	[sflag:s17] =	ssyncset.done $0x0;
	s30 =	rddreg [dreg:$0xa]  }
0xdc: {  	s24 =	simm.s32 $0x0;
	s31 =	sld [smem:$0x7E0];
	[sflag:s17] =	ssyncadd.s32 $0xFFFFC180  }
0xdd: {  	[tilespmem:s24], [sflag:$0x1] =	stream.strided.gather [hbm4b:s30+s6], $0x3E80, s7, s6, $0x38;
	[tilespmem:$0x1E6D0] =	vst v63  }
0xde: {  	_ = 	snop  }
0xdf: {  	[tilespmem:s8], [sflag:$0x3] =	stream.linear.gather [hbm4b:s31+s24], $0x3E8, $0x38;
	[tilespmem:$0x1E6D0] =	vst v63  }
0xe0: {  	_ =	swait.ge [sflag:s18], $0x3E80  }
0xe1: {  	[sflag:s18] =	ssyncset.done $0x0  }
0xe2: {  	[sflag:s18] =	ssyncadd.s32 $0xFFFFC180  }
0xe3: {  	_ =	swait.ge [sflag:s19], $0x3E8  }
0xe4: {  	[sflag:s19] =	ssyncset.done $0x0  }
0xe5: {  	s25 =	simm.s32 $0x0;
	s24 =	simm.s32 $0x40;
	[sflag:s19] =	ssyncadd.s32 $0xFFFFFC18  }
0xe6: {  	[spmem:s20] =	stream.indirect.scatter.add.f32 [tilespmem:s11], [sflag:$0x6], $0x10, s12, s15, $0xb8;
	[tilespmem:$0x1E6D0] =	vst v63  }
.LBB2_12:
0xe7: {  	p1 =	sne.s32 s24, $0xF40;
	v2 =	vld [tilespmem:s25+$0x80E8];
	_ =	sdelay $0x3  }
.Ltmp5:
0xe8: {  	(pc) =	sbr.rel @p1 .LBB2_12-.Ltmp5, $2  }
0xe9: {  	_ =	sdelay $0x2  }
0xea: {  	s25 =	sshra.s32 s24, $0x2;
	s24 =	sadd.s32 $0x40, s24;
	[tilespmem:v2+s16+$0x0] =	vst.idx.add.f32.msk $0xffff, v1  }
0xeb: {  	v2 =	vld [tilespmem:s25+$0x80E8];
	_ =	sdelay $0x7  }
0xec: {  	[tilespmem:v2+s16+$0x0] =	vst.idx.add.f32.msk $0xffff, v1  }
0xed: {  	v2 =	vld [tilespmem:$0x84C0];
	_ =	sdelay $0x4  }
0xee: {  	v2 =	vsel vm0, $0x0, v2;
	_ =	sdelay $0x4  }
0xef: {  	[tilespmem:v2+s16+$0x0] =	vst.idx.add.f32.msk vm1, v1  }
0xf0: {  	_ =	swait.ge [sflag:s21], $0x3E80  }
0xf1: {  	[sflag:s21] =	ssyncset.done $0x0;
	s24 =	rddreg [dreg:$0xb]  }
0xf2: {  	s31 =	sld [smem:$0x7E1];
	[sflag:s21] =	ssyncadd.s32 $0xFFFFC180  }
0xf3: {  	[tilespmem:s11], [sflag:$0x2] =	stream.strided.gather [hbm4b:s24+s6], $0x3E80, s7, s6, $0x38;
	[tilespmem:$0x1E6D0] =	vst v63  }
0xf4: {  	s30 =	simm.s32 $0x0  }
0xf5: {  	[tilespmem:s12], [sflag:$0x4] =	stream.linear.gather [hbm4b:s31+s30], $0x3E8, $0x38;
	[tilespmem:$0x1E6D0] =	vst v63  }
0xf6: {  	_ =	swait.ge [sflag:s13], $0x3E80  }
0xf7: {  	[sflag:s13] =	ssyncset.done $0x0  }
0xf8: {  	[sflag:s13] =	ssyncadd.s32 $0xFFFFC180  }
0xf9: {  	_ =	swait.ge [sflag:s14], $0x3E8  }
0xfa: {  	[sflag:s14] =	ssyncset.done $0x0  }
0xfb: {  	s25 =	simm.s32 $0x0;
	s24 =	simm.s32 $0x40;
	[sflag:s14] =	ssyncadd.s32 $0xFFFFFC18  }
0xfc: {  	[spmem:s20] =	stream.indirect.scatter.add.f32 [tilespmem:s30], [sflag:$0x5], $0x10, s8, s15, $0xb8;
	[tilespmem:$0x1E6D0] =	vst v63  }
.LBB2_14:
0xfd: {  	p1 =	sne.s32 s24, $0xF40;
	v2 =	vld [tilespmem:s25+$0x7D00];
	_ =	sdelay $0x3  }
.Ltmp6:
0xfe: {  	(pc) =	sbr.rel @p1 .LBB2_14-.Ltmp6, $2  }
0xff: {  	_ =	sdelay $0x2  }
0x100: {  	s25 =	sshra.s32 s24, $0x2;
	s24 =	sadd.s32 $0x40, s24;
	[tilespmem:v2+s16+$0x0] =	vst.idx.add.f32.msk $0xffff, v1  }
0x101: {  	v2 =	vld [tilespmem:s25+$0x7D00];
	_ =	sdelay $0x7  }
0x102: {  	[tilespmem:v2+s16+$0x0] =	vst.idx.add.f32.msk $0xffff, v1  }
0x103: {  	v2 =	vld [tilespmem:$0x80D8];
	_ =	sdelay $0x4  }
0x104: {  	v2 =	vsel vm0, $0x0, v2;
	_ =	sdelay $0x4  }
0x105: {  	[tilespmem:v2+s16+$0x0] =	vst.idx.add.f32.msk vm1, v1  }
0x106: {  	_ =	swait.ge [sflag:s17], $0x3E80  }
0x107: {  	[sflag:s17] =	ssyncset.done $0x0;
	s30 =	rddreg [dreg:$0xc]  }
0x108: {  	s24 =	simm.s32 $0x0;
	s31 =	sld [smem:$0x7E2];
	[sflag:s17] =	ssyncadd.s32 $0xFFFFC180  }
0x109: {  	[tilespmem:s24], [sflag:$0x1] =	stream.strided.gather [hbm4b:s30+s6], $0x3E80, s7, s6, $0x38;
	[tilespmem:$0x1E6D0] =	vst v63  }
0x10a: {  	_ = 	snop  }
0x10b: {  	[tilespmem:s8], [sflag:$0x3] =	stream.linear.gather [hbm4b:s31+s24], $0x3E8, $0x38;
	[tilespmem:$0x1E6D0] =	vst v63  }
0x10c: {  	_ =	swait.ge [sflag:s18], $0x3E80  }
0x10d: {  	[sflag:s18] =	ssyncset.done $0x0  }
0x10e: {  	[sflag:s18] =	ssyncadd.s32 $0xFFFFC180  }
0x10f: {  	_ =	swait.ge [sflag:s19], $0x3E8  }
0x110: {  	[sflag:s19] =	ssyncset.done $0x0  }
0x111: {  	s25 =	simm.s32 $0x0;
	s24 =	simm.s32 $0x40;
	[sflag:s19] =	ssyncadd.s32 $0xFFFFFC18  }
0x112: {  	[spmem:s20] =	stream.indirect.scatter.add.f32 [tilespmem:s11], [sflag:$0x6], $0x10, s12, s15, $0xb8;
	[tilespmem:$0x1E6D0] =	vst v63  }
.LBB2_16:
0x113: {  	p1 =	sne.s32 s24, $0xF40;
	v2 =	vld [tilespmem:s25+$0x80E8];
	_ =	sdelay $0x3  }
.Ltmp7:
0x114: {  	(pc) =	sbr.rel @p1 .LBB2_16-.Ltmp7, $2  }
0x115: {  	_ =	sdelay $0x2  }
0x116: {  	s25 =	sshra.s32 s24, $0x2;
	s24 =	sadd.s32 $0x40, s24;
	[tilespmem:v2+s16+$0x0] =	vst.idx.add.f32.msk $0xffff, v1  }
0x117: {  	v2 =	vld [tilespmem:s25+$0x80E8];
	_ =	sdelay $0x7  }
0x118: {  	[tilespmem:v2+s16+$0x0] =	vst.idx.add.f32.msk $0xffff, v1  }
0x119: {  	v2 =	vld [tilespmem:$0x84C0];
	_ =	sdelay $0x4  }
0x11a: {  	v2 =	vsel vm0, $0x0, v2;
	_ =	sdelay $0x4  }
0x11b: {  	[tilespmem:v2+s16+$0x0] =	vst.idx.add.f32.msk vm1, v1  }
0x11c: {  	_ =	swait.ge [sflag:s21], $0x3E80  }
0x11d: {  	[sflag:s21] =	ssyncset.done $0x0;
	s24 =	rddreg [dreg:$0xd]  }
0x11e: {  	s31 =	sld [smem:$0x7E3];
	[sflag:s21] =	ssyncadd.s32 $0xFFFFC180  }
0x11f: {  	[tilespmem:s11], [sflag:$0x2] =	stream.strided.gather [hbm4b:s24+s6], $0x3E80, s7, s6, $0x38;
	[tilespmem:$0x1E6D0] =	vst v63  }
0x120: {  	s30 =	simm.s32 $0x0  }
0x121: {  	[tilespmem:s12], [sflag:$0x4] =	stream.linear.gather [hbm4b:s31+s30], $0x3E8, $0x38;
	[tilespmem:$0x1E6D0] =	vst v63  }
0x122: {  	_ =	swait.ge [sflag:s13], $0x3E80  }
0x123: {  	[sflag:s13] =	ssyncset.done $0x0  }
0x124: {  	[sflag:s13] =	ssyncadd.s32 $0xFFFFC180  }
0x125: {  	_ =	swait.ge [sflag:s14], $0x3E8  }
0x126: {  	[sflag:s14] =	ssyncset.done $0x0  }
0x127: {  	s25 =	simm.s32 $0x0;
	s24 =	simm.s32 $0x40;
	[sflag:s14] =	ssyncadd.s32 $0xFFFFFC18  }
0x128: {  	[spmem:s20] =	stream.indirect.scatter.add.f32 [tilespmem:s30], [sflag:$0x5], $0x10, s8, s15, $0xb8;
	[tilespmem:$0x1E6D0] =	vst v63  }
.LBB2_18:
0x129: {  	p1 =	sne.s32 s24, $0xF40;
	v2 =	vld [tilespmem:s25+$0x7D00];
	_ =	sdelay $0x3  }
.Ltmp8:
0x12a: {  	(pc) =	sbr.rel @p1 .LBB2_18-.Ltmp8, $2  }
0x12b: {  	_ =	sdelay $0x2  }
0x12c: {  	s25 =	sshra.s32 s24, $0x2;
	s24 =	sadd.s32 $0x40, s24;
	[tilespmem:v2+s16+$0x0] =	vst.idx.add.f32.msk $0xffff, v1  }
0x12d: {  	v2 =	vld [tilespmem:s25+$0x7D00];
	_ =	sdelay $0x7  }
0x12e: {  	[tilespmem:v2+s16+$0x0] =	vst.idx.add.f32.msk $0xffff, v1  }
0x12f: {  	v2 =	vld [tilespmem:$0x80D8];
	_ =	sdelay $0x4  }
0x130: {  	v2 =	vsel vm0, $0x0, v2;
	_ =	sdelay $0x4  }
0x131: {  	[tilespmem:v2+s16+$0x0] =	vst.idx.add.f32.msk vm1, v1  }
0x132: {  	_ =	swait.ge [sflag:s17], $0x3E80  }
0x133: {  	[sflag:s17] =	ssyncset.done $0x0;
	s30 =	rddreg [dreg:$0xe]  }
0x134: {  	s24 =	simm.s32 $0x0;
	s31 =	sld [smem:$0x7E4];
	[sflag:s17] =	ssyncadd.s32 $0xFFFFC180  }
0x135: {  	[tilespmem:s24], [sflag:$0x1] =	stream.strided.gather [hbm4b:s30+s6], $0x3E80, s7, s6, $0x38;
	[tilespmem:$0x1E6D0] =	vst v63  }
0x136: {  	_ = 	snop  }
0x137: {  	[tilespmem:s8], [sflag:$0x3] =	stream.linear.gather [hbm4b:s31+s24], $0x3E8, $0x38;
	[tilespmem:$0x1E6D0] =	vst v63  }
0x138: {  	_ =	swait.ge [sflag:s18], $0x3E80  }
0x139: {  	[sflag:s18] =	ssyncset.done $0x0  }
0x13a: {  	[sflag:s18] =	ssyncadd.s32 $0xFFFFC180  }
0x13b: {  	_ =	swait.ge [sflag:s19], $0x3E8  }
0x13c: {  	[sflag:s19] =	ssyncset.done $0x0  }
0x13d: {  	s25 =	simm.s32 $0x0;
	s24 =	simm.s32 $0x40;
	[sflag:s19] =	ssyncadd.s32 $0xFFFFFC18  }
0x13e: {  	[spmem:s20] =	stream.indirect.scatter.add.f32 [tilespmem:s11], [sflag:$0x6], $0x10, s12, s15, $0xb8;
	[tilespmem:$0x1E6D0] =	vst v63  }
.LBB2_20:
0x13f: {  	p1 =	sne.s32 s24, $0xF40;
	v2 =	vld [tilespmem:s25+$0x80E8];
	_ =	sdelay $0x3  }
.Ltmp9:
0x140: {  	(pc) =	sbr.rel @p1 .LBB2_20-.Ltmp9, $2  }
0x141: {  	_ =	sdelay $0x2  }
0x142: {  	s25 =	sshra.s32 s24, $0x2;
	s24 =	sadd.s32 $0x40, s24;
	[tilespmem:v2+s16+$0x0] =	vst.idx.add.f32.msk $0xffff, v1  }
0x143: {  	v2 =	vld [tilespmem:s25+$0x80E8];
	_ =	sdelay $0x7  }
0x144: {  	[tilespmem:v2+s16+$0x0] =	vst.idx.add.f32.msk $0xffff, v1  }
0x145: {  	v2 =	vld [tilespmem:$0x84C0];
	_ =	sdelay $0x4  }
0x146: {  	v2 =	vsel vm0, $0x0, v2;
	_ =	sdelay $0x4  }
0x147: {  	[tilespmem:v2+s16+$0x0] =	vst.idx.add.f32.msk vm1, v1  }
0x148: {  	_ =	swait.ge [sflag:s21], $0x3E80  }
0x149: {  	[sflag:s21] =	ssyncset.done $0x0;
	s24 =	rddreg [dreg:$0xf]  }
0x14a: {  	s31 =	sld [smem:$0x7E5];
	[sflag:s21] =	ssyncadd.s32 $0xFFFFC180  }
0x14b: {  	[tilespmem:s11], [sflag:$0x2] =	stream.strided.gather [hbm4b:s24+s6], $0x3E80, s7, s6, $0x38;
	[tilespmem:$0x1E6D0] =	vst v63  }
0x14c: {  	s30 =	simm.s32 $0x0  }
0x14d: {  	[tilespmem:s12], [sflag:$0x4] =	stream.linear.gather [hbm4b:s31+s30], $0x3E8, $0x38;
	[tilespmem:$0x1E6D0] =	vst v63  }
0x14e: {  	_ =	swait.ge [sflag:s13], $0x3E80  }
0x14f: {  	[sflag:s13] =	ssyncset.done $0x0  }
0x150: {  	[sflag:s13] =	ssyncadd.s32 $0xFFFFC180  }
0x151: {  	_ =	swait.ge [sflag:s14], $0x3E8  }
0x152: {  	[sflag:s14] =	ssyncset.done $0x0  }
0x153: {  	s25 =	simm.s32 $0x0;
	s24 =	simm.s32 $0x40;
	[sflag:s14] =	ssyncadd.s32 $0xFFFFFC18  }
0x154: {  	[spmem:s20] =	stream.indirect.scatter.add.f32 [tilespmem:s30], [sflag:$0x5], $0x10, s8, s15, $0xb8;
	[tilespmem:$0x1E6D0] =	vst v63  }
.LBB2_22:
0x155: {  	p1 =	sne.s32 s24, $0xF40;
	v2 =	vld [tilespmem:s25+$0x7D00];
	_ =	sdelay $0x3  }
.Ltmp10:
0x156: {  	(pc) =	sbr.rel @p1 .LBB2_22-.Ltmp10, $2  }
0x157: {  	_ =	sdelay $0x2  }
0x158: {  	s25 =	sshra.s32 s24, $0x2;
	s24 =	sadd.s32 $0x40, s24;
	[tilespmem:v2+s16+$0x0] =	vst.idx.add.f32.msk $0xffff, v1  }
0x159: {  	v2 =	vld [tilespmem:s25+$0x7D00];
	_ =	sdelay $0x7  }
0x15a: {  	[tilespmem:v2+s16+$0x0] =	vst.idx.add.f32.msk $0xffff, v1  }
0x15b: {  	v2 =	vld [tilespmem:$0x80D8];
	_ =	sdelay $0x4  }
0x15c: {  	v2 =	vsel vm0, $0x0, v2;
	_ =	sdelay $0x4  }
0x15d: {  	[tilespmem:v2+s16+$0x0] =	vst.idx.add.f32.msk vm1, v1  }
0x15e: {  	_ =	swait.ge [sflag:s17], $0x3E80  }
0x15f: {  	[sflag:s17] =	ssyncset.done $0x0;
	s30 =	rddreg [dreg:$0x10]  }
0x160: {  	s24 =	simm.s32 $0x0;
	s31 =	sld [smem:$0x7E6];
	[sflag:s17] =	ssyncadd.s32 $0xFFFFC180  }
0x161: {  	[tilespmem:s24], [sflag:$0x1] =	stream.strided.gather [hbm4b:s30+s6], $0x3E80, s7, s6, $0x38;
	[tilespmem:$0x1E6D0] =	vst v63  }
0x162: {  	_ = 	snop  }
0x163: {  	[tilespmem:s8], [sflag:$0x3] =	stream.linear.gather [hbm4b:s31+s24], $0x3E8, $0x38;
	[tilespmem:$0x1E6D0] =	vst v63  }
0x164: {  	_ =	swait.ge [sflag:s18], $0x3E80  }
0x165: {  	[sflag:s18] =	ssyncset.done $0x0  }
0x166: {  	[sflag:s18] =	ssyncadd.s32 $0xFFFFC180  }
0x167: {  	_ =	swait.ge [sflag:s19], $0x3E8  }
0x168: {  	[sflag:s19] =	ssyncset.done $0x0  }
0x169: {  	s25 =	simm.s32 $0x0;
	s24 =	simm.s32 $0x40;
	[sflag:s19] =	ssyncadd.s32 $0xFFFFFC18  }
0x16a: {  	[spmem:s20] =	stream.indirect.scatter.add.f32 [tilespmem:s11], [sflag:$0x6], $0x10, s12, s15, $0xb8;
	[tilespmem:$0x1E6D0] =	vst v63  }
.LBB2_24:
0x16b: {  	p1 =	sne.s32 s24, $0xF40;
	v2 =	vld [tilespmem:s25+$0x80E8];
	_ =	sdelay $0x3  }
.Ltmp11:
0x16c: {  	(pc) =	sbr.rel @p1 .LBB2_24-.Ltmp11, $2  }
0x16d: {  	_ =	sdelay $0x2  }
0x16e: {  	s25 =	sshra.s32 s24, $0x2;
	s24 =	sadd.s32 $0x40, s24;
	[tilespmem:v2+s16+$0x0] =	vst.idx.add.f32.msk $0xffff, v1  }
0x16f: {  	v2 =	vld [tilespmem:s25+$0x80E8];
	_ =	sdelay $0x7  }
0x170: {  	[tilespmem:v2+s16+$0x0] =	vst.idx.add.f32.msk $0xffff, v1  }
0x171: {  	v2 =	vld [tilespmem:$0x84C0];
	_ =	sdelay $0x4  }
0x172: {  	v2 =	vsel vm0, $0x0, v2;
	_ =	sdelay $0x4  }
0x173: {  	[tilespmem:v2+s16+$0x0] =	vst.idx.add.f32.msk vm1, v1  }
0x174: {  	_ =	swait.ge [sflag:s21], $0x3E80  }
0x175: {  	[sflag:s21] =	ssyncset.done $0x0;
	s24 =	rddreg [dreg:$0x11]  }
0x176: {  	s31 =	sld [smem:$0x7E7];
	[sflag:s21] =	ssyncadd.s32 $0xFFFFC180  }
0x177: {  	[tilespmem:s11], [sflag:$0x2] =	stream.strided.gather [hbm4b:s24+s6], $0x3E80, s7, s6, $0x38;
	[tilespmem:$0x1E6D0] =	vst v63  }
0x178: {  	s30 =	simm.s32 $0x0  }
0x179: {  	[tilespmem:s12], [sflag:$0x4] =	stream.linear.gather [hbm4b:s31+s30], $0x3E8, $0x38;
	[tilespmem:$0x1E6D0] =	vst v63  }
0x17a: {  	_ =	swait.ge [sflag:s13], $0x3E80  }
0x17b: {  	[sflag:s13] =	ssyncset.done $0x0  }
0x17c: {  	[sflag:s13] =	ssyncadd.s32 $0xFFFFC180  }
0x17d: {  	_ =	swait.ge [sflag:s14], $0x3E8  }
0x17e: {  	[sflag:s14] =	ssyncset.done $0x0  }
0x17f: {  	s25 =	simm.s32 $0x0;
	s24 =	simm.s32 $0x40;
	[sflag:s14] =	ssyncadd.s32 $0xFFFFFC18  }
0x180: {  	[spmem:s20] =	stream.indirect.scatter.add.f32 [tilespmem:s30], [sflag:$0x5], $0x10, s8, s15, $0xb8;
	[tilespmem:$0x1E6D0] =	vst v63  }
.LBB2_26:
0x181: {  	p1 =	sne.s32 s24, $0xF40;
	v2 =	vld [tilespmem:s25+$0x7D00];
	_ =	sdelay $0x3  }
.Ltmp12:
0x182: {  	(pc) =	sbr.rel @p1 .LBB2_26-.Ltmp12, $2  }
0x183: {  	_ =	sdelay $0x2  }
0x184: {  	s25 =	sshra.s32 s24, $0x2;
	s24 =	sadd.s32 $0x40, s24;
	[tilespmem:v2+s16+$0x0] =	vst.idx.add.f32.msk $0xffff, v1  }
0x185: {  	v2 =	vld [tilespmem:s25+$0x7D00];
	_ =	sdelay $0x7  }
0x186: {  	[tilespmem:v2+s16+$0x0] =	vst.idx.add.f32.msk $0xffff, v1  }
0x187: {  	v2 =	vld [tilespmem:$0x80D8];
	_ =	sdelay $0x4  }
0x188: {  	v2 =	vsel vm0, $0x0, v2;
	_ =	sdelay $0x4  }
0x189: {  	[tilespmem:v2+s16+$0x0] =	vst.idx.add.f32.msk vm1, v1  }
0x18a: {  	_ =	swait.ge [sflag:s17], $0x3E80  }
0x18b: {  	[sflag:s17] =	ssyncset.done $0x0;
	s30 =	rddreg [dreg:$0x12]  }
0x18c: {  	s24 =	simm.s32 $0x0;
	s31 =	sld [smem:$0x7E8];
	[sflag:s17] =	ssyncadd.s32 $0xFFFFC180  }
0x18d: {  	[tilespmem:s24], [sflag:$0x1] =	stream.strided.gather [hbm4b:s30+s6], $0x3E80, s7, s6, $0x38;
	[tilespmem:$0x1E6D0] =	vst v63  }
0x18e: {  	_ = 	snop  }
0x18f: {  	[tilespmem:s8], [sflag:$0x3] =	stream.linear.gather [hbm4b:s31+s24], $0x3E8, $0x38;
	[tilespmem:$0x1E6D0] =	vst v63  }
0x190: {  	_ =	swait.ge [sflag:s18], $0x3E80  }
0x191: {  	[sflag:s18] =	ssyncset.done $0x0  }
0x192: {  	[sflag:s18] =	ssyncadd.s32 $0xFFFFC180  }
0x193: {  	_ =	swait.ge [sflag:s19], $0x3E8  }
0x194: {  	[sflag:s19] =	ssyncset.done $0x0  }
0x195: {  	s25 =	simm.s32 $0x0;
	s24 =	simm.s32 $0x40;
	[sflag:s19] =	ssyncadd.s32 $0xFFFFFC18  }
0x196: {  	[spmem:s20] =	stream.indirect.scatter.add.f32 [tilespmem:s11], [sflag:$0x6], $0x10, s12, s15, $0xb8;
	[tilespmem:$0x1E6D0] =	vst v63  }
.LBB2_28:
0x197: {  	p1 =	sne.s32 s24, $0xF40;
	v2 =	vld [tilespmem:s25+$0x80E8];
	_ =	sdelay $0x3  }
.Ltmp13:
0x198: {  	(pc) =	sbr.rel @p1 .LBB2_28-.Ltmp13, $2  }
0x199: {  	_ =	sdelay $0x2  }
0x19a: {  	s25 =	sshra.s32 s24, $0x2;
	s24 =	sadd.s32 $0x40, s24;
	[tilespmem:v2+s16+$0x0] =	vst.idx.add.f32.msk $0xffff, v1  }
0x19b: {  	v2 =	vld [tilespmem:s25+$0x80E8];
	_ =	sdelay $0x7  }
0x19c: {  	[tilespmem:v2+s16+$0x0] =	vst.idx.add.f32.msk $0xffff, v1  }
0x19d: {  	v2 =	vld [tilespmem:$0x84C0];
	_ =	sdelay $0x4  }
0x19e: {  	v2 =	vsel vm0, $0x0, v2;
	_ =	sdelay $0x4  }
0x19f: {  	[tilespmem:v2+s16+$0x0] =	vst.idx.add.f32.msk vm1, v1  }
0x1a0: {  	_ =	swait.ge [sflag:s21], $0x3E80  }
0x1a1: {  	[sflag:s21] =	ssyncset.done $0x0;
	s24 =	rddreg [dreg:$0x13]  }
0x1a2: {  	s31 =	sld [smem:$0x7E9];
	[sflag:s21] =	ssyncadd.s32 $0xFFFFC180  }
0x1a3: {  	[tilespmem:s11], [sflag:$0x2] =	stream.strided.gather [hbm4b:s24+s6], $0x3E80, s7, s6, $0x38;
	[tilespmem:$0x1E6D0] =	vst v63  }
0x1a4: {  	s30 =	simm.s32 $0x0  }
0x1a5: {  	[tilespmem:s12], [sflag:$0x4] =	stream.linear.gather [hbm4b:s31+s30], $0x3E8, $0x38;
	[tilespmem:$0x1E6D0] =	vst v63  }
0x1a6: {  	_ =	swait.ge [sflag:s13], $0x3E80  }
0x1a7: {  	[sflag:s13] =	ssyncset.done $0x0  }
0x1a8: {  	[sflag:s13] =	ssyncadd.s32 $0xFFFFC180  }
0x1a9: {  	_ =	swait.ge [sflag:s14], $0x3E8  }
0x1aa: {  	[sflag:s14] =	ssyncset.done $0x0  }
0x1ab: {  	s25 =	simm.s32 $0x0;
	s24 =	simm.s32 $0x40;
	[sflag:s14] =	ssyncadd.s32 $0xFFFFFC18  }
0x1ac: {  	[spmem:s20] =	stream.indirect.scatter.add.f32 [tilespmem:s30], [sflag:$0x5], $0x10, s8, s15, $0xb8;
	[tilespmem:$0x1E6D0] =	vst v63  }
.LBB2_30:
0x1ad: {  	p1 =	sne.s32 s24, $0xF40;
	v2 =	vld [tilespmem:s25+$0x7D00];
	_ =	sdelay $0x3  }
.Ltmp14:
0x1ae: {  	(pc) =	sbr.rel @p1 .LBB2_30-.Ltmp14, $2  }
0x1af: {  	_ =	sdelay $0x2  }
0x1b0: {  	s25 =	sshra.s32 s24, $0x2;
	s24 =	sadd.s32 $0x40, s24;
	[tilespmem:v2+s16+$0x0] =	vst.idx.add.f32.msk $0xffff, v1  }
0x1b1: {  	v2 =	vld [tilespmem:s25+$0x7D00];
	_ =	sdelay $0x7  }
0x1b2: {  	[tilespmem:v2+s16+$0x0] =	vst.idx.add.f32.msk $0xffff, v1  }
0x1b3: {  	v2 =	vld [tilespmem:$0x80D8];
	_ =	sdelay $0x4  }
0x1b4: {  	v2 =	vsel vm0, $0x0, v2;
	_ =	sdelay $0x4  }
0x1b5: {  	[tilespmem:v2+s16+$0x0] =	vst.idx.add.f32.msk vm1, v1  }
0x1b6: {  	_ =	swait.ge [sflag:s17], $0x3E80  }
0x1b7: {  	[sflag:s17] =	ssyncset.done $0x0;
	s30 =	rddreg [dreg:$0x14]  }
0x1b8: {  	s24 =	simm.s32 $0x0;
	s31 =	sld [smem:$0x7EA];
	[sflag:s17] =	ssyncadd.s32 $0xFFFFC180  }
0x1b9: {  	[tilespmem:s24], [sflag:$0x1] =	stream.strided.gather [hbm4b:s30+s6], $0x3E80, s7, s6, $0x38;
	[tilespmem:$0x1E6D0] =	vst v63  }
0x1ba: {  	_ = 	snop  }
0x1bb: {  	[tilespmem:s8], [sflag:$0x3] =	stream.linear.gather [hbm4b:s31+s24], $0x3E8, $0x38;
	[tilespmem:$0x1E6D0] =	vst v63  }
0x1bc: {  	_ =	swait.ge [sflag:s18], $0x3E80  }
0x1bd: {  	[sflag:s18] =	ssyncset.done $0x0  }
0x1be: {  	[sflag:s18] =	ssyncadd.s32 $0xFFFFC180  }
0x1bf: {  	_ =	swait.ge [sflag:s19], $0x3E8  }
0x1c0: {  	[sflag:s19] =	ssyncset.done $0x0  }
0x1c1: {  	s25 =	simm.s32 $0x0;
	s24 =	simm.s32 $0x40;
	[sflag:s19] =	ssyncadd.s32 $0xFFFFFC18  }
0x1c2: {  	[spmem:s20] =	stream.indirect.scatter.add.f32 [tilespmem:s11], [sflag:$0x6], $0x10, s12, s15, $0xb8;
	[tilespmem:$0x1E6D0] =	vst v63  }
.LBB2_32:
0x1c3: {  	p1 =	sne.s32 s24, $0xF40;
	v2 =	vld [tilespmem:s25+$0x80E8];
	_ =	sdelay $0x3  }
.Ltmp15:
0x1c4: {  	(pc) =	sbr.rel @p1 .LBB2_32-.Ltmp15, $2  }
0x1c5: {  	_ =	sdelay $0x2  }
0x1c6: {  	s25 =	sshra.s32 s24, $0x2;
	s24 =	sadd.s32 $0x40, s24;
	[tilespmem:v2+s16+$0x0] =	vst.idx.add.f32.msk $0xffff, v1  }
0x1c7: {  	v2 =	vld [tilespmem:s25+$0x80E8];
	_ =	sdelay $0x7  }
0x1c8: {  	[tilespmem:v2+s16+$0x0] =	vst.idx.add.f32.msk $0xffff, v1  }
0x1c9: {  	v2 =	vld [tilespmem:$0x84C0];
	_ =	sdelay $0x4  }
0x1ca: {  	v2 =	vsel vm0, $0x0, v2;
	_ =	sdelay $0x4  }
0x1cb: {  	[tilespmem:v2+s16+$0x0] =	vst.idx.add.f32.msk vm1, v1  }
0x1cc: {  	_ =	swait.ge [sflag:s21], $0x3E80  }
0x1cd: {  	[sflag:s21] =	ssyncset.done $0x0;
	s24 =	rddreg [dreg:$0x15]  }
0x1ce: {  	s31 =	sld [smem:$0x7EB];
	[sflag:s21] =	ssyncadd.s32 $0xFFFFC180  }
0x1cf: {  	[tilespmem:s11], [sflag:$0x2] =	stream.strided.gather [hbm4b:s24+s6], $0x3E80, s7, s6, $0x38;
	[tilespmem:$0x1E6D0] =	vst v63  }
0x1d0: {  	s30 =	simm.s32 $0x0  }
0x1d1: {  	[tilespmem:s12], [sflag:$0x4] =	stream.linear.gather [hbm4b:s31+s30], $0x3E8, $0x38;
	[tilespmem:$0x1E6D0] =	vst v63  }
0x1d2: {  	_ =	swait.ge [sflag:s13], $0x3E80  }
0x1d3: {  	[sflag:s13] =	ssyncset.done $0x0  }
0x1d4: {  	[sflag:s13] =	ssyncadd.s32 $0xFFFFC180  }
0x1d5: {  	_ =	swait.ge [sflag:s14], $0x3E8  }
0x1d6: {  	[sflag:s14] =	ssyncset.done $0x0  }
0x1d7: {  	s25 =	simm.s32 $0x0;
	s24 =	simm.s32 $0x40;
	[sflag:s14] =	ssyncadd.s32 $0xFFFFFC18  }
0x1d8: {  	[spmem:s20] =	stream.indirect.scatter.add.f32 [tilespmem:s30], [sflag:$0x5], $0x10, s8, s15, $0xb8;
	[tilespmem:$0x1E6D0] =	vst v63  }
.LBB2_34:
0x1d9: {  	p1 =	sne.s32 s24, $0xF40;
	v2 =	vld [tilespmem:s25+$0x7D00];
	_ =	sdelay $0x3  }
.Ltmp16:
0x1da: {  	(pc) =	sbr.rel @p1 .LBB2_34-.Ltmp16, $2  }
0x1db: {  	_ =	sdelay $0x2  }
0x1dc: {  	s25 =	sshra.s32 s24, $0x2;
	s24 =	sadd.s32 $0x40, s24;
	[tilespmem:v2+s16+$0x0] =	vst.idx.add.f32.msk $0xffff, v1  }
0x1dd: {  	v2 =	vld [tilespmem:s25+$0x7D00];
	_ =	sdelay $0x7  }
0x1de: {  	[tilespmem:v2+s16+$0x0] =	vst.idx.add.f32.msk $0xffff, v1  }
0x1df: {  	v2 =	vld [tilespmem:$0x80D8];
	_ =	sdelay $0x4  }
0x1e0: {  	v2 =	vsel vm0, $0x0, v2;
	_ =	sdelay $0x4  }
0x1e1: {  	[tilespmem:v2+s16+$0x0] =	vst.idx.add.f32.msk vm1, v1  }
0x1e2: {  	_ =	swait.ge [sflag:s17], $0x3E80  }
0x1e3: {  	[sflag:s17] =	ssyncset.done $0x0;
	s30 =	rddreg [dreg:$0x16]  }
0x1e4: {  	s24 =	simm.s32 $0x0;
	s31 =	sld [smem:$0x7EC];
	[sflag:s17] =	ssyncadd.s32 $0xFFFFC180  }
0x1e5: {  	[tilespmem:s24], [sflag:$0x1] =	stream.strided.gather [hbm4b:s30+s6], $0x3E80, s7, s6, $0x38;
	[tilespmem:$0x1E6D0] =	vst v63  }
0x1e6: {  	_ = 	snop  }
0x1e7: {  	[tilespmem:s8], [sflag:$0x3] =	stream.linear.gather [hbm4b:s31+s24], $0x3E8, $0x38;
	[tilespmem:$0x1E6D0] =	vst v63  }
0x1e8: {  	_ =	swait.ge [sflag:s18], $0x3E80  }
0x1e9: {  	[sflag:s18] =	ssyncset.done $0x0  }
0x1ea: {  	[sflag:s18] =	ssyncadd.s32 $0xFFFFC180  }
0x1eb: {  	_ =	swait.ge [sflag:s19], $0x3E8  }
0x1ec: {  	[sflag:s19] =	ssyncset.done $0x0  }
0x1ed: {  	s25 =	simm.s32 $0x0;
	s24 =	simm.s32 $0x40;
	[sflag:s19] =	ssyncadd.s32 $0xFFFFFC18  }
0x1ee: {  	[spmem:s20] =	stream.indirect.scatter.add.f32 [tilespmem:s11], [sflag:$0x6], $0x10, s12, s15, $0xb8;
	[tilespmem:$0x1E6D0] =	vst v63  }
.LBB2_36:
0x1ef: {  	p1 =	sne.s32 s24, $0xF40;
	v2 =	vld [tilespmem:s25+$0x80E8];
	_ =	sdelay $0x3  }
.Ltmp17:
0x1f0: {  	(pc) =	sbr.rel @p1 .LBB2_36-.Ltmp17, $2  }
0x1f1: {  	_ =	sdelay $0x2  }
0x1f2: {  	s25 =	sshra.s32 s24, $0x2;
	s24 =	sadd.s32 $0x40, s24;
	[tilespmem:v2+s16+$0x0] =	vst.idx.add.f32.msk $0xffff, v1  }
0x1f3: {  	v2 =	vld [tilespmem:s25+$0x80E8];
	_ =	sdelay $0x7  }
0x1f4: {  	[tilespmem:v2+s16+$0x0] =	vst.idx.add.f32.msk $0xffff, v1  }
0x1f5: {  	v2 =	vld [tilespmem:$0x84C0];
	_ =	sdelay $0x4  }
0x1f6: {  	v2 =	vsel vm0, $0x0, v2;
	_ =	sdelay $0x4  }
0x1f7: {  	[tilespmem:v2+s16+$0x0] =	vst.idx.add.f32.msk vm1, v1  }
0x1f8: {  	_ =	swait.ge [sflag:s21], $0x3E80  }
0x1f9: {  	[sflag:s21] =	ssyncset.done $0x0;
	s24 =	rddreg [dreg:$0x17]  }
0x1fa: {  	s31 =	sld [smem:$0x7ED];
	[sflag:s21] =	ssyncadd.s32 $0xFFFFC180  }
0x1fb: {  	[tilespmem:s11], [sflag:$0x2] =	stream.strided.gather [hbm4b:s24+s6], $0x3E80, s7, s6, $0x38;
	[tilespmem:$0x1E6D0] =	vst v63  }
0x1fc: {  	s30 =	simm.s32 $0x0  }
0x1fd: {  	[tilespmem:s12], [sflag:$0x4] =	stream.linear.gather [hbm4b:s31+s30], $0x3E8, $0x38;
	[tilespmem:$0x1E6D0] =	vst v63  }
0x1fe: {  	_ =	swait.ge [sflag:s13], $0x3E80  }
0x1ff: {  	[sflag:s13] =	ssyncset.done $0x0  }
0x200: {  	[sflag:s13] =	ssyncadd.s32 $0xFFFFC180  }
0x201: {  	_ =	swait.ge [sflag:s14], $0x3E8  }
0x202: {  	[sflag:s14] =	ssyncset.done $0x0  }
0x203: {  	s25 =	simm.s32 $0x0;
	s24 =	simm.s32 $0x40;
	[sflag:s14] =	ssyncadd.s32 $0xFFFFFC18  }
0x204: {  	[spmem:s20] =	stream.indirect.scatter.add.f32 [tilespmem:s30], [sflag:$0x5], $0x10, s8, s15, $0xb8;
	[tilespmem:$0x1E6D0] =	vst v63  }
.LBB2_38:
0x205: {  	p1 =	sne.s32 s24, $0xF40;
	v2 =	vld [tilespmem:s25+$0x7D00];
	_ =	sdelay $0x3  }
.Ltmp18:
0x206: {  	(pc) =	sbr.rel @p1 .LBB2_38-.Ltmp18, $2  }
0x207: {  	_ =	sdelay $0x2  }
0x208: {  	s25 =	sshra.s32 s24, $0x2;
	s24 =	sadd.s32 $0x40, s24;
	[tilespmem:v2+s16+$0x0] =	vst.idx.add.f32.msk $0xffff, v1  }
0x209: {  	v2 =	vld [tilespmem:s25+$0x7D00];
	_ =	sdelay $0x7  }
0x20a: {  	[tilespmem:v2+s16+$0x0] =	vst.idx.add.f32.msk $0xffff, v1  }
0x20b: {  	v2 =	vld [tilespmem:$0x80D8];
	_ =	sdelay $0x4  }
0x20c: {  	v2 =	vsel vm0, $0x0, v2;
	_ =	sdelay $0x4  }
0x20d: {  	[tilespmem:v2+s16+$0x0] =	vst.idx.add.f32.msk vm1, v1  }
0x20e: {  	_ =	swait.ge [sflag:s17], $0x3E80  }
0x20f: {  	[sflag:s17] =	ssyncset.done $0x0;
	s30 =	rddreg [dreg:$0x18]  }
0x210: {  	s24 =	simm.s32 $0x0;
	s31 =	sld [smem:$0x7EE];
	[sflag:s17] =	ssyncadd.s32 $0xFFFFC180  }
0x211: {  	[tilespmem:s24], [sflag:$0x1] =	stream.strided.gather [hbm4b:s30+s6], $0x3E80, s7, s6, $0x38;
	[tilespmem:$0x1E6D0] =	vst v63  }
0x212: {  	_ = 	snop  }
0x213: {  	[tilespmem:s8], [sflag:$0x3] =	stream.linear.gather [hbm4b:s31+s24], $0x3E8, $0x38;
	[tilespmem:$0x1E6D0] =	vst v63  }
0x214: {  	_ =	swait.ge [sflag:s18], $0x3E80  }
0x215: {  	[sflag:s18] =	ssyncset.done $0x0  }
0x216: {  	[sflag:s18] =	ssyncadd.s32 $0xFFFFC180  }
0x217: {  	_ =	swait.ge [sflag:s19], $0x3E8  }
0x218: {  	[sflag:s19] =	ssyncset.done $0x0  }
0x219: {  	s25 =	simm.s32 $0x0;
	s24 =	simm.s32 $0x40;
	[sflag:s19] =	ssyncadd.s32 $0xFFFFFC18  }
0x21a: {  	[spmem:s20] =	stream.indirect.scatter.add.f32 [tilespmem:s11], [sflag:$0x6], $0x10, s12, s15, $0xb8;
	[tilespmem:$0x1E6D0] =	vst v63  }
.LBB2_40:
0x21b: {  	p1 =	sne.s32 s24, $0xF40;
	v2 =	vld [tilespmem:s25+$0x80E8];
	_ =	sdelay $0x3  }
.Ltmp19:
0x21c: {  	(pc) =	sbr.rel @p1 .LBB2_40-.Ltmp19, $2  }
0x21d: {  	_ =	sdelay $0x2  }
0x21e: {  	s25 =	sshra.s32 s24, $0x2;
	s24 =	sadd.s32 $0x40, s24;
	[tilespmem:v2+s16+$0x0] =	vst.idx.add.f32.msk $0xffff, v1  }
0x21f: {  	v2 =	vld [tilespmem:s25+$0x80E8];
	_ =	sdelay $0x7  }
0x220: {  	[tilespmem:v2+s16+$0x0] =	vst.idx.add.f32.msk $0xffff, v1  }
0x221: {  	v2 =	vld [tilespmem:$0x84C0];
	_ =	sdelay $0x4  }
0x222: {  	v2 =	vsel vm0, $0x0, v2;
	_ =	sdelay $0x4  }
0x223: {  	[tilespmem:v2+s16+$0x0] =	vst.idx.add.f32.msk vm1, v1  }
0x224: {  	_ =	swait.ge [sflag:s21], $0x3E80  }
0x225: {  	[sflag:s21] =	ssyncset.done $0x0;
	s24 =	rddreg [dreg:$0x19]  }
0x226: {  	s31 =	sld [smem:$0x7EF];
	[sflag:s21] =	ssyncadd.s32 $0xFFFFC180  }
0x227: {  	[tilespmem:s11], [sflag:$0x2] =	stream.strided.gather [hbm4b:s24+s6], $0x3E80, s7, s6, $0x38;
	[tilespmem:$0x1E6D0] =	vst v63  }
0x228: {  	s30 =	simm.s32 $0x0  }
0x229: {  	[tilespmem:s12], [sflag:$0x4] =	stream.linear.gather [hbm4b:s31+s30], $0x3E8, $0x38;
	[tilespmem:$0x1E6D0] =	vst v63  }
0x22a: {  	_ =	swait.ge [sflag:s13], $0x3E80  }
0x22b: {  	[sflag:s13] =	ssyncset.done $0x0  }
0x22c: {  	[sflag:s13] =	ssyncadd.s32 $0xFFFFC180  }
0x22d: {  	_ =	swait.ge [sflag:s14], $0x3E8  }
0x22e: {  	[sflag:s14] =	ssyncset.done $0x0  }
0x22f: {  	s25 =	simm.s32 $0x0;
	s24 =	simm.s32 $0x40;
	[sflag:s14] =	ssyncadd.s32 $0xFFFFFC18  }
0x230: {  	[spmem:s20] =	stream.indirect.scatter.add.f32 [tilespmem:s30], [sflag:$0x5], $0x10, s8, s15, $0xb8;
	[tilespmem:$0x1E6D0] =	vst v63  }
.LBB2_42:
0x231: {  	p1 =	sne.s32 s24, $0xF40;
	v2 =	vld [tilespmem:s25+$0x7D00];
	_ =	sdelay $0x3  }
.Ltmp20:
0x232: {  	(pc) =	sbr.rel @p1 .LBB2_42-.Ltmp20, $2  }
0x233: {  	_ =	sdelay $0x2  }
0x234: {  	s25 =	sshra.s32 s24, $0x2;
	s24 =	sadd.s32 $0x40, s24;
	[tilespmem:v2+s16+$0x0] =	vst.idx.add.f32.msk $0xffff, v1  }
0x235: {  	v2 =	vld [tilespmem:s25+$0x7D00];
	_ =	sdelay $0x7  }
0x236: {  	[tilespmem:v2+s16+$0x0] =	vst.idx.add.f32.msk $0xffff, v1  }
0x237: {  	v2 =	vld [tilespmem:$0x80D8];
	_ =	sdelay $0x4  }
0x238: {  	v2 =	vsel vm0, $0x0, v2;
	_ =	sdelay $0x4  }
0x239: {  	[tilespmem:v2+s16+$0x0] =	vst.idx.add.f32.msk vm1, v1  }
0x23a: {  	_ =	swait.ge [sflag:s17], $0x3E80  }
0x23b: {  	[sflag:s17] =	ssyncset.done $0x0;
	s30 =	rddreg [dreg:$0x1a]  }
0x23c: {  	s24 =	simm.s32 $0x0;
	s31 =	sld [smem:$0x7F0];
	[sflag:s17] =	ssyncadd.s32 $0xFFFFC180  }
0x23d: {  	[tilespmem:s24], [sflag:$0x1] =	stream.strided.gather [hbm4b:s30+s6], $0x3E80, s7, s6, $0x38;
	[tilespmem:$0x1E6D0] =	vst v63  }
0x23e: {  	_ = 	snop  }
0x23f: {  	[tilespmem:s8], [sflag:$0x3] =	stream.linear.gather [hbm4b:s31+s24], $0x3E8, $0x38;
	[tilespmem:$0x1E6D0] =	vst v63  }
0x240: {  	_ =	swait.ge [sflag:s18], $0x3E80  }
0x241: {  	[sflag:s18] =	ssyncset.done $0x0  }
0x242: {  	[sflag:s18] =	ssyncadd.s32 $0xFFFFC180  }
0x243: {  	_ =	swait.ge [sflag:s19], $0x3E8  }
0x244: {  	[sflag:s19] =	ssyncset.done $0x0  }
0x245: {  	s25 =	simm.s32 $0x0;
	s24 =	simm.s32 $0x40;
	[sflag:s19] =	ssyncadd.s32 $0xFFFFFC18  }
0x246: {  	[spmem:s20] =	stream.indirect.scatter.add.f32 [tilespmem:s11], [sflag:$0x6], $0x10, s12, s15, $0xb8;
	[tilespmem:$0x1E6D0] =	vst v63  }
.LBB2_44:
0x247: {  	p1 =	sne.s32 s24, $0xF40;
	v2 =	vld [tilespmem:s25+$0x80E8];
	_ =	sdelay $0x3  }
.Ltmp21:
0x248: {  	(pc) =	sbr.rel @p1 .LBB2_44-.Ltmp21, $2  }
0x249: {  	_ =	sdelay $0x2  }
0x24a: {  	s25 =	sshra.s32 s24, $0x2;
	s24 =	sadd.s32 $0x40, s24;
	[tilespmem:v2+s16+$0x0] =	vst.idx.add.f32.msk $0xffff, v1  }
0x24b: {  	v2 =	vld [tilespmem:s25+$0x80E8];
	_ =	sdelay $0x7  }
0x24c: {  	[tilespmem:v2+s16+$0x0] =	vst.idx.add.f32.msk $0xffff, v1  }
0x24d: {  	v2 =	vld [tilespmem:$0x84C0];
	_ =	sdelay $0x4  }
0x24e: {  	v2 =	vsel vm0, $0x0, v2;
	_ =	sdelay $0x4  }
0x24f: {  	[tilespmem:v2+s16+$0x0] =	vst.idx.add.f32.msk vm1, v1  }
0x250: {  	_ =	swait.ge [sflag:s21], $0x3E80  }
0x251: {  	[sflag:s21] =	ssyncset.done $0x0;
	s24 =	rddreg [dreg:$0x1b]  }
0x252: {  	s31 =	sld [smem:$0x7F1];
	[sflag:s21] =	ssyncadd.s32 $0xFFFFC180  }
0x253: {  	[tilespmem:s11], [sflag:$0x2] =	stream.strided.gather [hbm4b:s24+s6], $0x3E80, s7, s6, $0x38;
	[tilespmem:$0x1E6D0] =	vst v63  }
0x254: {  	s30 =	simm.s32 $0x0  }
0x255: {  	[tilespmem:s12], [sflag:$0x4] =	stream.linear.gather [hbm4b:s31+s30], $0x3E8, $0x38;
	[tilespmem:$0x1E6D0] =	vst v63  }
0x256: {  	_ =	swait.ge [sflag:s13], $0x3E80  }
0x257: {  	[sflag:s13] =	ssyncset.done $0x0  }
0x258: {  	[sflag:s13] =	ssyncadd.s32 $0xFFFFC180  }
0x259: {  	_ =	swait.ge [sflag:s14], $0x3E8  }
0x25a: {  	[sflag:s14] =	ssyncset.done $0x0  }
0x25b: {  	s25 =	simm.s32 $0x0;
	s24 =	simm.s32 $0x40;
	[sflag:s14] =	ssyncadd.s32 $0xFFFFFC18  }
0x25c: {  	[spmem:s20] =	stream.indirect.scatter.add.f32 [tilespmem:s30], [sflag:$0x5], $0x10, s8, s15, $0xb8;
	[tilespmem:$0x1E6D0] =	vst v63  }
.LBB2_46:
0x25d: {  	p1 =	sne.s32 s24, $0xF40;
	v2 =	vld [tilespmem:s25+$0x7D00];
	_ =	sdelay $0x3  }
.Ltmp22:
0x25e: {  	(pc) =	sbr.rel @p1 .LBB2_46-.Ltmp22, $2  }
0x25f: {  	_ =	sdelay $0x2  }
0x260: {  	s25 =	sshra.s32 s24, $0x2;
	s24 =	sadd.s32 $0x40, s24;
	[tilespmem:v2+s16+$0x0] =	vst.idx.add.f32.msk $0xffff, v1  }
0x261: {  	v2 =	vld [tilespmem:s25+$0x7D00];
	_ =	sdelay $0x7  }
0x262: {  	[tilespmem:v2+s16+$0x0] =	vst.idx.add.f32.msk $0xffff, v1  }
0x263: {  	v2 =	vld [tilespmem:$0x80D8];
	_ =	sdelay $0x4  }
0x264: {  	v2 =	vsel vm0, $0x0, v2;
	_ =	sdelay $0x4  }
0x265: {  	[tilespmem:v2+s16+$0x0] =	vst.idx.add.f32.msk vm1, v1  }
0x266: {  	_ =	swait.ge [sflag:s17], $0x3E80  }
0x267: {  	[sflag:s17] =	ssyncset.done $0x0;
	s30 =	rddreg [dreg:$0x1c]  }
0x268: {  	s24 =	simm.s32 $0x0;
	s31 =	sld [smem:$0x7F2];
	[sflag:s17] =	ssyncadd.s32 $0xFFFFC180  }
0x269: {  	[tilespmem:s24], [sflag:$0x1] =	stream.strided.gather [hbm4b:s30+s6], $0x3E80, s7, s6, $0x38;
	[tilespmem:$0x1E6D0] =	vst v63  }
0x26a: {  	_ = 	snop  }
0x26b: {  	[tilespmem:s8], [sflag:$0x3] =	stream.linear.gather [hbm4b:s31+s24], $0x3E8, $0x38;
	[tilespmem:$0x1E6D0] =	vst v63  }
0x26c: {  	_ =	swait.ge [sflag:s18], $0x3E80  }
0x26d: {  	[sflag:s18] =	ssyncset.done $0x0  }
0x26e: {  	[sflag:s18] =	ssyncadd.s32 $0xFFFFC180  }
0x26f: {  	_ =	swait.ge [sflag:s19], $0x3E8  }
0x270: {  	[sflag:s19] =	ssyncset.done $0x0  }
0x271: {  	s25 =	simm.s32 $0x0;
	s24 =	simm.s32 $0x40;
	[sflag:s19] =	ssyncadd.s32 $0xFFFFFC18  }
0x272: {  	[spmem:s20] =	stream.indirect.scatter.add.f32 [tilespmem:s11], [sflag:$0x6], $0x10, s12, s15, $0xb8;
	[tilespmem:$0x1E6D0] =	vst v63  }
.LBB2_48:
0x273: {  	p1 =	sne.s32 s24, $0xF40;
	v2 =	vld [tilespmem:s25+$0x80E8];
	_ =	sdelay $0x3  }
.Ltmp23:
0x274: {  	(pc) =	sbr.rel @p1 .LBB2_48-.Ltmp23, $2  }
0x275: {  	_ =	sdelay $0x2  }
0x276: {  	s25 =	sshra.s32 s24, $0x2;
	s24 =	sadd.s32 $0x40, s24;
	[tilespmem:v2+s16+$0x0] =	vst.idx.add.f32.msk $0xffff, v1  }
0x277: {  	v2 =	vld [tilespmem:s25+$0x80E8];
	_ =	sdelay $0x7  }
0x278: {  	[tilespmem:v2+s16+$0x0] =	vst.idx.add.f32.msk $0xffff, v1  }
0x279: {  	v2 =	vld [tilespmem:$0x84C0];
	_ =	sdelay $0x4  }
0x27a: {  	v2 =	vsel vm0, $0x0, v2;
	_ =	sdelay $0x4  }
0x27b: {  	[tilespmem:v2+s16+$0x0] =	vst.idx.add.f32.msk vm1, v1  }
0x27c: {  	_ =	swait.ge [sflag:s21], $0x3E80  }
0x27d: {  	[sflag:s21] =	ssyncset.done $0x0;
	s24 =	rddreg [dreg:$0x1d]  }
0x27e: {  	s31 =	sld [smem:$0x7F3];
	[sflag:s21] =	ssyncadd.s32 $0xFFFFC180  }
0x27f: {  	[tilespmem:s11], [sflag:$0x2] =	stream.strided.gather [hbm4b:s24+s6], $0x3E80, s7, s6, $0x38;
	[tilespmem:$0x1E6D0] =	vst v63  }
0x280: {  	s30 =	simm.s32 $0x0  }
0x281: {  	[tilespmem:s12], [sflag:$0x4] =	stream.linear.gather [hbm4b:s31+s30], $0x3E8, $0x38;
	[tilespmem:$0x1E6D0] =	vst v63  }
0x282: {  	_ =	swait.ge [sflag:s13], $0x3E80  }
0x283: {  	[sflag:s13] =	ssyncset.done $0x0  }
0x284: {  	[sflag:s13] =	ssyncadd.s32 $0xFFFFC180  }
0x285: {  	_ =	swait.ge [sflag:s14], $0x3E8  }
0x286: {  	[sflag:s14] =	ssyncset.done $0x0  }
0x287: {  	s25 =	simm.s32 $0x0;
	s24 =	simm.s32 $0x40;
	[sflag:s14] =	ssyncadd.s32 $0xFFFFFC18  }
0x288: {  	[spmem:s20] =	stream.indirect.scatter.add.f32 [tilespmem:s30], [sflag:$0x5], $0x10, s8, s15, $0xb8;
	[tilespmem:$0x1E6D0] =	vst v63  }
.LBB2_50:
0x289: {  	p1 =	sne.s32 s24, $0xF40;
	v2 =	vld [tilespmem:s25+$0x7D00];
	_ =	sdelay $0x3  }
.Ltmp24:
0x28a: {  	(pc) =	sbr.rel @p1 .LBB2_50-.Ltmp24, $2  }
0x28b: {  	_ =	sdelay $0x2  }
0x28c: {  	s25 =	sshra.s32 s24, $0x2;
	s24 =	sadd.s32 $0x40, s24;
	[tilespmem:v2+s16+$0x0] =	vst.idx.add.f32.msk $0xffff, v1  }
0x28d: {  	v2 =	vld [tilespmem:s25+$0x7D00];
	_ =	sdelay $0x7  }
0x28e: {  	[tilespmem:v2+s16+$0x0] =	vst.idx.add.f32.msk $0xffff, v1  }
0x28f: {  	v2 =	vld [tilespmem:$0x80D8];
	_ =	sdelay $0x4  }
0x290: {  	v2 =	vsel vm0, $0x0, v2;
	_ =	sdelay $0x4  }
0x291: {  	[tilespmem:v2+s16+$0x0] =	vst.idx.add.f32.msk vm1, v1  }
0x292: {  	_ =	swait.ge [sflag:s17], $0x3E80  }
0x293: {  	[sflag:s17] =	ssyncset.done $0x0;
	s30 =	rddreg [dreg:$0x1e]  }
0x294: {  	s24 =	simm.s32 $0x0;
	s31 =	sld [smem:$0x7F4];
	[sflag:s17] =	ssyncadd.s32 $0xFFFFC180  }
0x295: {  	[tilespmem:s24], [sflag:$0x1] =	stream.strided.gather [hbm4b:s30+s6], $0x3E80, s7, s6, $0x38;
	[tilespmem:$0x1E6D0] =	vst v63  }
0x296: {  	_ = 	snop  }
0x297: {  	[tilespmem:s8], [sflag:$0x3] =	stream.linear.gather [hbm4b:s31+s24], $0x3E8, $0x38;
	[tilespmem:$0x1E6D0] =	vst v63  }
0x298: {  	_ =	swait.ge [sflag:s18], $0x3E80  }
0x299: {  	[sflag:s18] =	ssyncset.done $0x0  }
0x29a: {  	[sflag:s18] =	ssyncadd.s32 $0xFFFFC180  }
0x29b: {  	_ =	swait.ge [sflag:s19], $0x3E8  }
0x29c: {  	[sflag:s19] =	ssyncset.done $0x0  }
0x29d: {  	s25 =	simm.s32 $0x0;
	s24 =	simm.s32 $0x40;
	[sflag:s19] =	ssyncadd.s32 $0xFFFFFC18  }
0x29e: {  	[spmem:s20] =	stream.indirect.scatter.add.f32 [tilespmem:s11], [sflag:$0x6], $0x10, s12, s15, $0xb8;
	[tilespmem:$0x1E6D0] =	vst v63  }
.LBB2_52:
0x29f: {  	p1 =	sne.s32 s24, $0xF40;
	v2 =	vld [tilespmem:s25+$0x80E8];
	_ =	sdelay $0x3  }
.Ltmp25:
0x2a0: {  	(pc) =	sbr.rel @p1 .LBB2_52-.Ltmp25, $2  }
0x2a1: {  	_ =	sdelay $0x2  }
0x2a2: {  	s25 =	sshra.s32 s24, $0x2;
	s24 =	sadd.s32 $0x40, s24;
	[tilespmem:v2+s16+$0x0] =	vst.idx.add.f32.msk $0xffff, v1  }
0x2a3: {  	v2 =	vld [tilespmem:s25+$0x80E8];
	_ =	sdelay $0x7  }
0x2a4: {  	[tilespmem:v2+s16+$0x0] =	vst.idx.add.f32.msk $0xffff, v1  }
0x2a5: {  	v2 =	vld [tilespmem:$0x84C0];
	_ =	sdelay $0x4  }
0x2a6: {  	v2 =	vsel vm0, $0x0, v2;
	_ =	sdelay $0x4  }
0x2a7: {  	[tilespmem:v2+s16+$0x0] =	vst.idx.add.f32.msk vm1, v1  }
0x2a8: {  	_ =	swait.ge [sflag:s21], $0x3E80  }
0x2a9: {  	[sflag:s21] =	ssyncset.done $0x0  }
0x2aa: {  	[sflag:s21] =	ssyncadd.s32 $0xFFFFC180  }
0x2ab: {  	_ =	swait.ge [sflag:s13], $0x3E80  }
0x2ac: {  	[sflag:s13] =	ssyncset.done $0x0  }
0x2ad: {  	[sflag:s13] =	ssyncadd.s32 $0xFFFFC180  }
0x2ae: {  	_ =	swait.ge [sflag:s14], $0x3E8  }
0x2af: {  	[sflag:s14] =	ssyncset.done $0x0  }
0x2b0: {  	s24 =	simm.s32 $0x0;
	[sflag:s14] =	ssyncadd.s32 $0xFFFFFC18  }
0x2b1: {  	[spmem:s20] =	stream.indirect.scatter.add.f32 [tilespmem:s24], [sflag:$0x5], $0x10, s8, s15, $0xb8;
	[tilespmem:$0x1E6D0] =	vst v63  }
0x2b2: {  	s25 =	simm.s32 $0x0;
	s24 =	simm.s32 $0x40  }
.LBB2_54:
0x2b3: {  	p1 =	sne.s32 s24, $0xF40;
	v2 =	vld [tilespmem:s25+$0x7D00];
	_ =	sdelay $0x3  }
.Ltmp26:
0x2b4: {  	(pc) =	sbr.rel @p1 .LBB2_54-.Ltmp26, $2  }
0x2b5: {  	_ =	sdelay $0x2  }
0x2b6: {  	s25 =	sshra.s32 s24, $0x2;
	s24 =	sadd.s32 $0x40, s24;
	[tilespmem:v2+s16+$0x0] =	vst.idx.add.f32.msk $0xffff, v1  }
0x2b7: {  	v2 =	vld [tilespmem:s25+$0x7D00];
	_ =	sdelay $0x7  }
0x2b8: {  	[tilespmem:v2+s16+$0x0] =	vst.idx.add.f32.msk $0xffff, v1  }
0x2b9: {  	v2 =	vld [tilespmem:$0x80D8];
	_ =	sdelay $0x4  }
0x2ba: {  	v2 =	vsel vm0, $0x0, v2;
	_ =	sdelay $0x4  }
0x2bb: {  	[tilespmem:v2+s16+$0x0] =	vst.idx.add.f32.msk vm1, v1  }
0x2bc: {  	_ =	swait.ge [sflag:s17], $0x3E80  }
0x2bd: {  	s25 =	sld [smem:$0x7F8]  }
0x2be: {  	[sflag:s17] =	ssyncset.done $0x0  }
0x2bf: {  	s24 =	simm.s32 @!p0 $0x94D0;
	[sflag:s17] =	ssyncadd.s32 $0xFFFFC180  }
0x2c0: {  	[spmem:s25] =	stream.linear.scatter @!p0 [tilespmem:s24], [sflag:$0x7], $0x800, $0x38;
	[tilespmem:$0x1E6D0] =	vst v63  }
0x2c1: {  	s24 =	simm.s32 @!p0 $0x7  }
0x2c2: {  	_ =	swait.ge @!p0 [sflag:s24], $0x800  }
0x2c3: {  	[sflag:s24] =	ssyncset.done @!p0 $0x0  }
0x2c4: {  	[sflag:s24] =	ssyncadd.s32 @!p0 $0xFFFFF800  }
0x2c5: {  	[bflag:$0x0] =	sbarrier.arrive $0xFFFF  }
0x2c6: {  	s31 =	simm.s32 $0x9CD0;
	s25 =	rddreg [dreg:$0x4]  }
0x2c7: {  	[tilespmem:s31], [sflag:$0x7] =	stream.linear.gather [spmem:s25], $0x2000, $0x38;
	[tilespmem:$0x1E6D0] =	vst v63  }
0x2c8: {  	_ =	swait.ge [sflag:s10], $0x2000  }
0x2c9: {  	[sflag:s10] =	ssyncset.done $0x0  }
0x2ca: {  	s25 =	simm.s32 $0xBCD0;
	[sflag:s10] =	ssyncadd.s32 $0xFFFFE000  }
0x2cb: {  	[tilespmem:s25], [sflag:$0x7] =	stream.linear.gather [spmem:s23], $0x2000, $0x38;
	[tilespmem:$0x1E6D0] =	vst v63  }
0x2cc: {  	_ =	swait.ge [sflag:s10], $0x2000  }
0x2cd: {  	[sflag:s10] =	ssyncset.done $0x0  }
0x2ce: {  	s31 =	simm.s32 $0xDCD0;
	[sflag:s10] =	ssyncadd.s32 $0xFFFFE000  }
0x2cf: {  	[tilespmem:s31], [sflag:$0x7] =	stream.linear.gather [spmem:s3], $0x2000, $0x38;
	[tilespmem:$0x1E6D0] =	vst v63  }
0x2d0: {  	_ =	swait.ge [sflag:s10], $0x2000  }
0x2d1: {  	[sflag:s10] =	ssyncset.done $0x0  }
0x2d2: {  	s25 =	simm.s32 $0xFCD0;
	[sflag:s10] =	ssyncadd.s32 $0xFFFFE000  }
0x2d3: {  	[tilespmem:s25], [sflag:$0x7] =	stream.linear.gather [spmem:s4], $0x2000, $0x38;
	[tilespmem:$0x1E6D0] =	vst v63  }
0x2d4: {  	_ =	swait.ge [sflag:s10], $0x2000  }
0x2d5: {  	[sflag:s10] =	ssyncset.done $0x0  }
0x2d6: {  	s31 =	simm.s32 $0x11CD0;
	[sflag:s10] =	ssyncadd.s32 $0xFFFFE000  }
0x2d7: {  	[tilespmem:s31], [sflag:$0x7] =	stream.linear.gather [spmem:s5], $0x2000, $0x38;
	[tilespmem:$0x1E6D0] =	vst v63  }
0x2d8: {  	_ =	swait.ge [sflag:s10], $0x2000  }
0x2d9: {  	[sflag:s10] =	ssyncset.done $0x0  }
0x2da: {  	s25 =	simm.s32 $0x0;
	[sflag:s10] =	ssyncadd.s32 $0xFFFFE000  }
0x2db: {  	v2 =	vld [tilespmem:s25+$0x9CD0]  }
0x2dc: {  	v3 =	vld [tilespmem:s25+$0xA4D0]  }
0x2dd: {  	s24 =	simm.s32 $0x10;
	v4 =	vld [tilespmem:s25+$0xACD0]  }
0x2de: {  	v5 =	vld [tilespmem:s24+$0x9CD0]  }
0x2df: {  	v6 =	vld [tilespmem:s24+$0xA4D0]  }
0x2e0: {  	v7 =	vld [tilespmem:s25+$0xB4D0]  }
0x2e1: {  	v2 =	vadd.f32 v3, v2  }
0x2e2: {  	v8 =	vld [tilespmem:s24+$0xACD0]  }
0x2e3: {  	v2 =	vadd.f32 v4, v2;
	_ =	sdelay $0x1  }
0x2e4: {  	v3 =	vadd.f32 v6, v5;
	v4 =	vadd.f32 v7, v2  }
0x2e5: {  	s28 =	simm.s32 $0x20;
	v9 =	vld [tilespmem:s24+$0xB4D0]  }
0x2e6: {  	v5 =	vadd.f32 v8, v3;
	v3 =	vld [tilespmem:s28+$0xA4D0];
	(erf) = vrcp.f32 v4  }
0x2e7: {  	v2 =	vld [tilespmem:s28+$0x9CD0];
	_ =	sdelay $0x1  }
0x2e8: {  	v4 =	vld [tilespmem:s28+$0xACD0]  }
0x2e9: {  	s30 =	simm.s32 $0xC0;
	s29 =	simm.s32 $0x0;
	v5 =	vadd.f32 v9, v5  }
.LBB2_56:
0x2ea: {  	s31 =	sshra.s32 s30, $0x2;
	v6 =	vld [tilespmem:s28+$0xB4D0];
	p1 =	sne.s32 s30, $0x1FC0  }
.Ltmp27:
0x2eb: {  	s30 =	sadd.s32 $0x40, s30;
	v8 =	vadd.f32 v3, v2;
	v2 =	vld [tilespmem:s31+$0x9CD0];
	(erf) = vrcp.f32 v5;
	(pc) =	sbr.rel @p1 .LBB2_56-.Ltmp27, $4  }
0x2ec: {  	v3 =	vld [tilespmem:s31+$0xA4D0]  }
0x2ed: {  	v5 =	vadd.f32 v4, v8  }
0x2ee: {  	v4 =	vld [tilespmem:s31+$0xACD0];
	v7 =	vpop (erf)  }
0x2ef: {  	v5 =	vadd.f32 v6, v5;
	[tilespmem:s29+$0x15CD0] =	vst v7;
	s29 =	smov.u32 s24;
	s24 =	smov.u32 s28;
	s28 =	smov.u32 s31  }
0x2f0: {  	v6 =	vld [tilespmem:s28+$0xB4D0]  }
0x2f1: {  	v2 =	vadd.f32 v3, v2;
	_ =	sdelay $0x1  }
0x2f2: {  	v2 =	vadd.f32 v4, v2;
	_ =	sdelay $0x1  }
0x2f3: {  	v2 =	vadd.f32 v6, v2  }
0x2f4: {  	(erf) = vrcp.f32 v5  }
0x2f5: {  	(erf) = vrcp.f32 v2;
	_ =	sdelay $0x6  }
0x2f6: {  	v2 =	vpop (erf)  }
0x2f7: {  	[tilespmem:s29+$0x15CD0] =	vst v2;
	v2 =	vpop (erf)  }
0x2f8: {  	[tilespmem:s24+$0x15CD0] =	vst v2;
	v2 =	vpop (erf)  }
0x2f9: {  	[tilespmem:s28+$0x15CD0] =	vst v2  }
0x2fa: {  	v2 =	vld [tilespmem:s25+$0x11CD0]  }
0x2fb: {  	v3 =	vld [tilespmem:s25+$0x11CE0]  }
0x2fc: {  	v4 =	vld [tilespmem:s25+$0xFCD0]  }
0x2fd: {  	v5 =	vld [tilespmem:s25+$0xFCE0]  }
0x2fe: {  	v6 =	vld [tilespmem:s25+$0xFCF0]  }
0x2ff: {  	v7 =	vld [tilespmem:s25+$0xFD00]  }
0x300: {  	v8 =	vld [tilespmem:s25+$0xFD10]  }
0x301: {  	v9 =	vld [tilespmem:s25+$0xFD20]  }
0x302: {  	v10 =	vld [tilespmem:s25+$0xFD30]  }
0x303: {  	v11 =	vld [tilespmem:s25+$0xFD40]  }
0x304: {  	v12 =	vld [tilespmem:s25+$0xBCD0]  }
0x305: {  	v13 =	vld [tilespmem:s25+$0xDCD0]  }
0x306: {  	v14 =	vld [tilespmem:s25+$0xBCE0]  }
0x307: {  	v15 =	vld [tilespmem:s25+$0xDCE0]  }
0x308: {  	v16 =	vld [tilespmem:s25+$0xBCF0]  }
0x309: {  	v17 =	vld [tilespmem:s25+$0xDCF0]  }
0x30a: {  	v18 =	vld [tilespmem:s25+$0xBD00]  }
0x30b: {  	v19 =	vld [tilespmem:s25+$0xDD00]  }
0x30c: {  	v20 =	vld [tilespmem:s25+$0xBD10]  }
0x30d: {  	v21 =	vld [tilespmem:s25+$0xDD10]  }
0x30e: {  	v22 =	vld [tilespmem:s25+$0xBD20]  }
0x30f: {  	v23 =	vld [tilespmem:s25+$0xDD20]  }
0x310: {  	v24 =	vld [tilespmem:s25+$0xBD30]  }
0x311: {  	v25 =	vld [tilespmem:s25+$0xDD30]  }
0x312: {  	v26 =	vld [tilespmem:s25+$0xBD40]  }
0x313: {  	v27 =	vld [tilespmem:s25+$0xDD40]  }
0x314: {  	v28 =	vld [tilespmem:s25+$0xBD50]  }
0x315: {  	v29 =	vld [tilespmem:s25+$0xDD50]  }
0x316: {  	v30 =	vld [tilespmem:s25+$0xBD60]  }
0x317: {  	v31 =	vld [tilespmem:s25+$0xDD60]  }
0x318: {  	v32 =	vld [tilespmem:s25+$0xBD70]  }
0x319: {  	v33 =	vld [tilespmem:s25+$0xDD70]  }
0x31a: {  	v34 =	vld [tilespmem:s25+$0xBD80]  }
0x31b: {  	v35 =	vld [tilespmem:s25+$0xDD80]  }
0x31c: {  	v36 =	vld [tilespmem:s25+$0xBD90]  }
0x31d: {  	v37 =	vld [tilespmem:s25+$0xDD90]  }
0x31e: {  	v38 =	vld [tilespmem:s25+$0xBDA0]  }
0x31f: {  	v39 =	vld [tilespmem:s25+$0xDDA0]  }
0x320: {  	v40 =	vld [tilespmem:s25+$0xBDB0]  }
0x321: {  	v41 =	vld [tilespmem:s25+$0xDDB0]  }
0x322: {  	v42 =	vld [tilespmem:s25+$0xBDC0]  }
0x323: {  	v43 =	vld [tilespmem:s25+$0xDDC0]  }
0x324: {  	v44 =	vld [tilespmem:s25+$0xFD50]  }
0x325: {  	v45 =	vld [tilespmem:s25+$0xFD60]  }
0x326: {  	v12 =	vadd.f32 v13, v12;
	v13 =	vld [tilespmem:s25+$0xFD70]  }
0x327: {  	v14 =	vadd.f32 v15, v14;
	v15 =	vadd.f32 v17, v16;
	v16 =	vld [tilespmem:s26+$0x0]  }
0x328: {  	v17 =	vadd.f32 v19, v18;
	v19 =	vld [tilespmem:s25+$0xFD80]  }
0x329: {  	v18 =	vadd.f32 v21, v20;
	v20 =	vadd.f32 v23, v22;
	v22 =	vld [tilespmem:s25+$0x11CF0]  }
0x32a: {  	v4 =	vadd.f32 v4, v12;
	v12 =	vld [tilespmem:s25+$0x11D00]  }
0x32b: {  	v21 =	vadd.f32 v25, v24;
	v5 =	vadd.f32 v5, v14;
	v14 =	vld [tilespmem:s25+$0x11D10]  }
0x32c: {  	v6 =	vadd.f32 v6, v15;
	v7 =	vadd.f32 v7, v17;
	v15 =	vld [tilespmem:s25+$0xFD90]  }
0x32d: {  	v8 =	vadd.f32 v8, v18;
	v9 =	vadd.f32 v9, v20;
	v17 =	vld [tilespmem:s25+$0x11D20]  }
0x32e: {  	v18 =	vld [tilespmem:s25+$0xFDA0];
	v10 =	vadd.f32 v10, v21;
	v2 =	vadd.f32 v2, v4;
	v4 =	vbroadcast v16, $0x0  }
0x32f: {  	v20 =	vld [tilespmem:s25+$0x11D40];
	v3 =	vadd.f32 v3, v5;
	v5 =	vbroadcast v16, $0x1;
	v6 =	vadd.f32 v22, v6  }
0x330: {  	v2 =	vmul.f32 v2, v4;
	v4 =	vbroadcast v16, $0x2;
	v7 =	vadd.f32 v12, v7;
	v12 =	vld [tilespmem:s25+$0x11D30]  }
0x331: {  	v21 =	vld [tilespmem:s25+$0xFDC0];
	v3 =	vmul.f32 v3, v5;
	v5 =	vbroadcast v16, $0x3;
	v8 =	vadd.f32 v14, v8  }
0x332: {  	v14 =	vld [tilespmem:s25+$0xFDB0];
	v4 =	vmul.f32 v6, v4;
	[tilespmem:s25+$0x13CD0] =	vst v2;
	v2 =	vbroadcast v16, $0x4;
	v6 =	vadd.f32 v27, v26  }
0x333: {  	v5 =	vmul.f32 v7, v5;
	[tilespmem:s25+$0x13CE0] =	vst v3;
	v3 =	vadd.f32 v17, v9;
	v7 =	vbroadcast v16, $0x5;
	v17 =	vld [tilespmem:s25+$0x11D80]  }
0x334: {  	[tilespmem:s25+$0x13CF0] =	vst v4;
	v2 =	vmul.f32 v8, v2;
	v4 =	vadd.f32 v29, v28;
	v6 =	vadd.f32 v11, v6;
	v8 =	vld [tilespmem:s25+$0x11D50]  }
0x335: {  	[tilespmem:s25+$0x13D00] =	vst v5;
	v5 =	vld [tilespmem:s25+$0x11D60];
	v3 =	vmul.f32 v3, v7;
	v9 =	vadd.f32 v12, v10;
	v10 =	vbroadcast v16, $0x6  }
0x336: {  	s24 =	simm.s32 $0x100;
	v7 =	vadd.f32 v31, v30;
	v11 =	vld [tilespmem:s25+$0x11D70];
	v12 =	vbroadcast v16, $0x7;
	[tilespmem:s25+$0x13D10] =	vst v2;
	v6 =	vadd.f32 v20, v6  }
0x337: {  	v4 =	vadd.f32 v44, v4;
	v2 =	vld [tilespmem:s24+$0x11CD0];
	v9 =	vmul.f32 v9, v10;
	[tilespmem:s25+$0x13D20] =	vst v3;
	v10 =	vadd.f32 v33, v32  }
0x338: {  	v7 =	vadd.f32 v45, v7;
	v3 =	vld [tilespmem:s24+$0x11CE0];
	v6 =	vmul.f32 v6, v12  }
0x339: {  	v12 =	vbroadcast v16, $0x8;
	v8 =	vadd.f32 v8, v4;
	[tilespmem:s25+$0x13D30] =	vst v9;
	v10 =	vadd.f32 v13, v10;
	v13 =	vld [tilespmem:s25+$0x11D90]  }
0x33a: {  	v20 =	vbroadcast v16, $0x9;
	v9 =	vadd.f32 v35, v34;
	v4 =	vld [tilespmem:s24+$0xFCD0];
	[tilespmem:s25+$0x13D40] =	vst v6  }
0x33b: {  	v7 =	vadd.f32 v5, v7;
	v6 =	vadd.f32 v37, v36;
	v8 =	vmul.f32 v8, v12;
	v5 =	vld [tilespmem:s24+$0xFCE0]  }
0x33c: {  	v9 =	vadd.f32 v19, v9;
	v12 =	vld [tilespmem:s25+$0x11DA0];
	v10 =	vadd.f32 v11, v10;
	v11 =	vbroadcast v16, $0xA  }
0x33d: {  	v7 =	vmul.f32 v7, v20;
	v19 =	vld [tilespmem:s25+$0x11DB0];
	v15 =	vadd.f32 v15, v6  }
0x33e: {  	v20 =	vld [tilespmem:s25+$0x11DC0];
	[tilespmem:s25+$0x13D50] =	vst v8;
	v8 =	vadd.f32 v39, v38;
	v9 =	vadd.f32 v17, v9;
	v10 =	vmul.f32 v10, v11  }
0x33f: {  	v17 =	vbroadcast v16, $0xB;
	v11 =	vadd.f32 v41, v40;
	v6 =	vld [tilespmem:s24+$0xFCF0];
	[tilespmem:s25+$0x13D60] =	vst v7;
	v13 =	vadd.f32 v13, v15  }
0x340: {  	v15 =	vbroadcast v16, $0xC;
	v18 =	vadd.f32 v18, v8;
	v7 =	vld [tilespmem:s24+$0xFD00];
	[tilespmem:s25+$0x13D70] =	vst v10;
	v10 =	vadd.f32 v43, v42  }
0x341: {  	v9 =	vmul.f32 v9, v17;
	v11 =	vadd.f32 v14, v11;
	v14 =	vbroadcast v16, $0xD  }
0x342: {  	v13 =	vmul.f32 v13, v15;
	v12 =	vadd.f32 v12, v18;
	v15 =	vadd.f32 v21, v10  }
0x343: {  	v17 =	vbroadcast v16, $0xE;
	v8 =	vld [tilespmem:s24+$0xFD10];
	[tilespmem:s25+$0x13D80] =	vst v9;
	v11 =	vadd.f32 v19, v11  }
0x344: {  	v9 =	vld [tilespmem:s24+$0xFD20];
	[tilespmem:s25+$0x13D90] =	vst v13;
	v12 =	vmul.f32 v12, v14;
	v13 =	vadd.f32 v20, v15;
	v14 =	vbroadcast v16, $0xF  }
0x345: {  	v15 =	vmul.f32 v11, v17  }
0x346: {  	v10 =	vld [tilespmem:s24+$0xFD30];
	[tilespmem:s25+$0x13DA0] =	vst v12;
	v12 =	vmul.f32 v13, v14  }
0x347: {  	v11 =	vld [tilespmem:s24+$0xFD40];
	[tilespmem:s25+$0x13DB0] =	vst v15  }
0x348: {  	v13 =	vld [tilespmem:s24+$0xBCD0];
	[tilespmem:s25+$0x13DC0] =	vst v12  }
0x349: {  	v12 =	vld [tilespmem:s24+$0xDCD0]  }
0x34a: {  	v14 =	vld [tilespmem:s24+$0xBCE0]  }
0x34b: {  	v15 =	vld [tilespmem:s24+$0xDCE0]  }
0x34c: {  	v16 =	vld [tilespmem:s24+$0xBCF0]  }
0x34d: {  	v17 =	vld [tilespmem:s24+$0xDCF0]  }
0x34e: {  	v18 =	vld [tilespmem:s24+$0xBD00]  }
0x34f: {  	v19 =	vld [tilespmem:s24+$0xDD00]  }
0x350: {  	v20 =	vld [tilespmem:s24+$0xBD10]  }
0x351: {  	v21 =	vld [tilespmem:s24+$0xDD10]  }
0x352: {  	v22 =	vld [tilespmem:s24+$0xBD20]  }
0x353: {  	v23 =	vld [tilespmem:s24+$0xDD20]  }
0x354: {  	v24 =	vld [tilespmem:s24+$0xBD30]  }
0x355: {  	v25 =	vld [tilespmem:s24+$0xDD30]  }
0x356: {  	v33 =	vld [tilespmem:s24+$0xBD40]  }
0x357: {  	v52 =	vld [tilespmem:s24+$0xDD40]  }
0x358: {  	v53 =	vld [tilespmem:s24+$0xBD50]  }
0x359: {  	v54 =	vld [tilespmem:s24+$0xDD50]  }
0x35a: {  	v55 =	vld [tilespmem:s24+$0xBD60]  }
0x35b: {  	v56 =	vld [tilespmem:s24+$0xDD60]  }
0x35c: {  	v57 =	vld [tilespmem:s24+$0xBD70]  }
0x35d: {  	v58 =	vld [tilespmem:s24+$0xDD70]  }
0x35e: {  	v59 =	vld [tilespmem:s24+$0xBD80]  }
0x35f: {  	v60 =	vld [tilespmem:s24+$0xDD80]  }
0x360: {  	v61 =	vld [tilespmem:s24+$0xBD90]  }
0x361: {  	v62 =	vld [tilespmem:s24+$0xDD90]  }
0x362: {  	v63 =	vld [tilespmem:s24+$0xBDA0]  }
0x363: {  	v46 =	vld [tilespmem:s24+$0xDDA0]  }
0x364: {  	v47 =	vld [tilespmem:s24+$0xBDB0]  }
0x365: {  	v48 =	vld [tilespmem:s24+$0xBDC0];
	v28 =	vadd.f32 v12, v13;
	v29 =	vadd.f32 v15, v14  }
0x366: {  	v49 =	vld [tilespmem:s24+$0xDDC0];
	v30 =	vadd.f32 v17, v16;
	v31 =	vadd.f32 v19, v18  }
0x367: {  	v12 =	vld [tilespmem:s24+$0xDDB0];
	v32 =	vadd.f32 v21, v20;
	v26 =	vadd.f32 v23, v22  }
0x368: {  	v27 =	vadd.f32 v25, v24;
	v24 =	vadd.f32 v52, v33;
	v20 =	vld [tilespmem:s24+$0xFD50]  }
0x369: {  	v25 =	vadd.f32 v54, v53;
	v17 =	vadd.f32 v56, v55;
	v21 =	vld [tilespmem:s24+$0xFD60]  }
0x36a: {  	v18 =	vadd.f32 v58, v57;
	v22 =	vld [tilespmem:s24+$0xFD70];
	v15 =	vadd.f32 v60, v59  }
0x36b: {  	v19 =	vld [tilespmem:s24+$0xFD80];
	v16 =	vadd.f32 v62, v61;
	v13 =	vadd.f32 v46, v63  }
0x36c: {  	s28 =	simm.s32 $0x800;
	s25 =	smov.u32 s26;
	v23 =	vld [tilespmem:s24+$0xFD90];
	v14 =	vadd.f32 v12, v47;
	v12 =	vadd.f32 v49, v48  }
.LBB2_58:
0x36d: {  	p1 =	sne.s32 s28, $0x7C00;
	v4 =	vadd.f32 v4, v28;
	v5 =	vadd.f32 v5, v29;
	v28 =	vld [tilespmem:s24+$0xFDA0]  }
0x36e: {  	v6 =	vadd.f32 v6, v30;
	v7 =	vadd.f32 v7, v31;
	v29 =	vld [tilespmem:s24+$0xFDB0]  }
0x36f: {  	v8 =	vadd.f32 v8, v32;
	v9 =	vadd.f32 v9, v26;
	v26 =	vld [tilespmem:s24+$0xFDC0]  }
0x370: {  	v10 =	vadd.f32 v10, v27;
	v11 =	vadd.f32 v11, v24;
	s25 =	sadd.s32 $0x10, s25;
	v30 =	vld [tilespmem:s24+$0x11CF0]  }
0x371: {  	v20 =	vadd.f32 v20, v25;
	v17 =	vadd.f32 v21, v17;
	v24 =	vld [tilespmem:s25+$0x0]  }
0x372: {  	v18 =	vadd.f32 v22, v18;
	v15 =	vadd.f32 v19, v15;
	v21 =	vld [tilespmem:s24+$0x11D00]  }
0x373: {  	v16 =	vadd.f32 v23, v16;
	v13 =	vadd.f32 v28, v13;
	v19 =	vld [tilespmem:s24+$0x11D10]  }
0x374: {  	v14 =	vadd.f32 v29, v14;
	v22 =	vld [tilespmem:s24+$0x11D20];
	v12 =	vadd.f32 v26, v12  }
0x375: {  	v2 =	vadd.f32 v2, v4;
	v3 =	vadd.f32 v3, v5;
	v4 =	vld [tilespmem:s24+$0x11D30]  }
0x376: {  	v6 =	vadd.f32 v30, v6;
	v5 =	vbroadcast v24, $0x0;
	v23 =	vbroadcast v24, $0x1;
	v25 =	vld [tilespmem:s24+$0x11D40]  }
0x377: {  	v26 =	vbroadcast v24, $0x2;
	v7 =	vadd.f32 v21, v7;
	v21 =	vbroadcast v24, $0x3;
	v27 =	vld [tilespmem:s24+$0x11D50]  }
0x378: {  	v2 =	vmul.f32 v2, v5;
	v3 =	vmul.f32 v3, v23;
	v5 =	vadd.f32 v19, v8;
	v8 =	vld [tilespmem:s24+$0x11D60]  }
0x379: {  	v6 =	vmul.f32 v6, v26;
	v7 =	vmul.f32 v7, v21;
	v9 =	vadd.f32 v22, v9;
	v19 =	vld [tilespmem:s24+$0x11D70]  }
0x37a: {  	v21 =	vbroadcast v24, $0x5;
	[tilespmem:s24+$0x13CD0] =	vst v2;
	v2 =	vbroadcast v24, $0x4;
	v4 =	vadd.f32 v4, v10;
	v10 =	vld [tilespmem:s24+$0x11D80]  }
0x37b: {  	v22 =	vbroadcast v24, $0x7;
	[tilespmem:s24+$0x13CE0] =	vst v3;
	v3 =	vbroadcast v24, $0x6;
	v11 =	vadd.f32 v25, v11;
	v23 =	vld [tilespmem:s24+$0x11D90]  }
0x37c: {  	[tilespmem:s24+$0x13CF0] =	vst v6;
	v2 =	vmul.f32 v5, v2;
	v5 =	vmul.f32 v9, v21;
	v6 =	vadd.f32 v27, v20;
	v9 =	vld [tilespmem:s24+$0x11DA0]  }
0x37d: {  	[tilespmem:s24+$0x13D00] =	vst v7;
	v4 =	vmul.f32 v4, v3;
	v7 =	vmul.f32 v11, v22;
	v8 =	vadd.f32 v8, v17;
	v11 =	vld [tilespmem:s24+$0x11DB0]  }
0x37e: {  	s29 =	sshra.s32 s28, $0x2;
	v20 =	vbroadcast v24, $0x9;
	v17 =	vbroadcast v24, $0x8;
	[tilespmem:s24+$0x13D10] =	vst v2;
	v18 =	vadd.f32 v19, v18;
	v19 =	vld [tilespmem:s24+$0x11DC0]  }
0x37f: {  	v2 =	vld [tilespmem:s29+$0x11CD0];
	[tilespmem:s24+$0x13D20] =	vst v5;
	v5 =	vbroadcast v24, $0xA;
	v10 =	vadd.f32 v10, v15;
	v15 =	vbroadcast v24, $0xB  }
0x380: {  	v6 =	vmul.f32 v6, v17;
	v8 =	vmul.f32 v8, v20;
	v3 =	vld [tilespmem:s29+$0x11CE0];
	[tilespmem:s24+$0x13D30] =	vst v4;
	v16 =	vadd.f32 v23, v16  }
0x381: {  	v4 =	vld [tilespmem:s29+$0xFCD0];
	[tilespmem:s24+$0x13D40] =	vst v7;
	v17 =	vmul.f32 v18, v5;
	v10 =	vmul.f32 v10, v15;
	v9 =	vadd.f32 v9, v13  }
0x382: {  	v13 =	vbroadcast v24, $0xC;
	v15 =	vbroadcast v24, $0xD;
	v5 =	vld [tilespmem:s29+$0xFCE0];
	[tilespmem:s24+$0x13D50] =	vst v6;
	v11 =	vadd.f32 v11, v14  }
0x383: {  	v18 =	vbroadcast v24, $0xF;
	v14 =	vbroadcast v24, $0xE;
	v6 =	vld [tilespmem:s29+$0xFCF0];
	[tilespmem:s24+$0x13D60] =	vst v8;
	v12 =	vadd.f32 v19, v12  }
0x384: {  	v13 =	vmul.f32 v16, v13;
	v15 =	vmul.f32 v9, v15;
	v7 =	vld [tilespmem:s29+$0xFD00];
	[tilespmem:s24+$0x13D70] =	vst v17  }
0x385: {  	v14 =	vmul.f32 v11, v14;
	v8 =	vld [tilespmem:s29+$0xFD10];
	[tilespmem:s24+$0x13D80] =	vst v10;
	v12 =	vmul.f32 v12, v18  }
0x386: {  	v9 =	vld [tilespmem:s29+$0xFD20];
	[tilespmem:s24+$0x13D90] =	vst v13  }
0x387: {  	v10 =	vld [tilespmem:s29+$0xFD30];
	[tilespmem:s24+$0x13DA0] =	vst v15  }
0x388: {  	v11 =	vld [tilespmem:s29+$0xFD40];
	[tilespmem:s24+$0x13DB0] =	vst v14  }
0x389: {  	v13 =	vld [tilespmem:s29+$0xBCD0];
	[tilespmem:s24+$0x13DC0] =	vst v12;
	s24 =	smov.u32 s29  }
0x38a: {  	v12 =	vld [tilespmem:s24+$0xDCD0]  }
0x38b: {  	v14 =	vld [tilespmem:s24+$0xBCE0]  }
0x38c: {  	v15 =	vld [tilespmem:s24+$0xDCE0]  }
0x38d: {  	v16 =	vld [tilespmem:s24+$0xBCF0]  }
0x38e: {  	v17 =	vld [tilespmem:s24+$0xDCF0]  }
0x38f: {  	v18 =	vld [tilespmem:s24+$0xBD00]  }
0x390: {  	v19 =	vld [tilespmem:s24+$0xDD00]  }
0x391: {  	v20 =	vld [tilespmem:s24+$0xBD10]  }
0x392: {  	v21 =	vld [tilespmem:s24+$0xDD10]  }
0x393: {  	v22 =	vld [tilespmem:s24+$0xBD20]  }
0x394: {  	v23 =	vld [tilespmem:s24+$0xDD20]  }
0x395: {  	v24 =	vld [tilespmem:s24+$0xBD30]  }
0x396: {  	v25 =	vld [tilespmem:s24+$0xDD30]  }
0x397: {  	v33 =	vld [tilespmem:s24+$0xBD40]  }
0x398: {  	v34 =	vld [tilespmem:s24+$0xDD40]  }
0x399: {  	v35 =	vld [tilespmem:s24+$0xBD50]  }
0x39a: {  	v36 =	vld [tilespmem:s24+$0xDD50]  }
0x39b: {  	v37 =	vld [tilespmem:s24+$0xBD60]  }
0x39c: {  	v38 =	vld [tilespmem:s24+$0xDD60]  }
0x39d: {  	v39 =	vld [tilespmem:s24+$0xBD70]  }
0x39e: {  	v40 =	vld [tilespmem:s24+$0xDD70]  }
0x39f: {  	v41 =	vld [tilespmem:s24+$0xBD80]  }
0x3a0: {  	v42 =	vld [tilespmem:s24+$0xDD80]  }
0x3a1: {  	v43 =	vld [tilespmem:s24+$0xBD90]  }
0x3a2: {  	v44 =	vld [tilespmem:s24+$0xDD90]  }
0x3a3: {  	v45 =	vld [tilespmem:s24+$0xBDA0]  }
0x3a4: {  	v46 =	vld [tilespmem:s24+$0xDDA0]  }
0x3a5: {  	v47 =	vld [tilespmem:s24+$0xBDB0]  }
0x3a6: {  	v28 =	vadd.f32 v12, v13;
	v29 =	vadd.f32 v15, v14;
	v12 =	vld [tilespmem:s24+$0xDDB0]  }
0x3a7: {  	v30 =	vadd.f32 v17, v16;
	v31 =	vadd.f32 v19, v18;
	v48 =	vld [tilespmem:s24+$0xBDC0]  }
0x3a8: {  	v32 =	vadd.f32 v21, v20;
	v26 =	vadd.f32 v23, v22;
	v49 =	vld [tilespmem:s24+$0xDDC0]  }
.Ltmp28:
0x3a9: {  	v27 =	vadd.f32 v25, v24;
	v24 =	vadd.f32 v34, v33;
	v20 =	vld [tilespmem:s24+$0xFD50];
	(pc) =	sbr.rel @p1 .LBB2_58-.Ltmp28, $4  }
0x3aa: {  	v25 =	vadd.f32 v36, v35;
	v17 =	vadd.f32 v38, v37;
	v21 =	vld [tilespmem:s24+$0xFD60]  }
0x3ab: {  	v18 =	vadd.f32 v40, v39;
	v15 =	vadd.f32 v42, v41;
	v22 =	vld [tilespmem:s24+$0xFD70]  }
0x3ac: {  	v16 =	vadd.f32 v44, v43;
	v13 =	vadd.f32 v46, v45;
	v19 =	vld [tilespmem:s24+$0xFD80]  }
0x3ad: {  	s28 =	sadd.s32 $0x400, s28;
	v14 =	vadd.f32 v12, v47;
	v23 =	vld [tilespmem:s24+$0xFD90];
	v12 =	vadd.f32 v49, v48  }
0x3ae: {  	v36 =	vld [tilespmem:s24+$0x11CF0];
	v4 =	vadd.f32 v4, v28;
	v5 =	vadd.f32 v5, v29  }
0x3af: {  	s25 =	sadd.s32 $0x10, s25;
	v38 =	vld [tilespmem:s24+$0x11D00];
	v6 =	vadd.f32 v6, v30;
	v7 =	vadd.f32 v7, v31  }
0x3b0: {  	v8 =	vadd.f32 v8, v32;
	v9 =	vadd.f32 v9, v26;
	v37 =	vld [tilespmem:s25+$0x0]  }
0x3b1: {  	v39 =	vld [tilespmem:s24+$0x11D10];
	v10 =	vadd.f32 v10, v27;
	v11 =	vadd.f32 v11, v24  }
0x3b2: {  	v34 =	vld [tilespmem:s24+$0xFDB0];
	v20 =	vadd.f32 v20, v25;
	v25 =	vadd.f32 v21, v17  }
0x3b3: {  	v56 =	vld [tilespmem:s24+$0x11D20];
	v2 =	vadd.f32 v2, v4;
	v3 =	vadd.f32 v3, v5  }
0x3b4: {  	v35 =	vld [tilespmem:s24+$0xFDC0];
	v27 =	vadd.f32 v22, v18;
	v6 =	vadd.f32 v36, v6  }
0x3b5: {  	v57 =	vld [tilespmem:s24+$0x11D30];
	v7 =	vadd.f32 v38, v7;
	v36 =	vadd.f32 v23, v16;
	v58 =	vbroadcast v37, $0x0  }
0x3b6: {  	v59 =	vld [tilespmem:s24+$0x11D40];
	v8 =	vadd.f32 v39, v8;
	v61 =	vbroadcast v37, $0x1;
	v32 =	vbroadcast v37, $0x3  }
0x3b7: {  	v62 =	vld [tilespmem:s24+$0x11D60];
	v41 =	vadd.f32 v34, v14;
	v40 =	vbroadcast v37, $0x4;
	v2 =	vmul.f32 v2, v58  }
0x3b8: {  	v63 =	vld [tilespmem:s24+$0x11D70];
	v9 =	vadd.f32 v56, v9;
	v43 =	vbroadcast v37, $0x5;
	v3 =	vmul.f32 v3, v61  }
0x3b9: {  	v60 =	vld [tilespmem:s24+$0x11D50];
	v44 =	vadd.f32 v35, v12;
	v45 =	vbroadcast v37, $0x6;
	v7 =	vmul.f32 v7, v32;
	[tilespmem:s24+$0x13CD0] =	vst v2  }
0x3ba: {  	v33 =	vld [tilespmem:s24+$0xFDA0];
	v10 =	vadd.f32 v57, v10;
	v47 =	vbroadcast v37, $0x7;
	v8 =	vmul.f32 v8, v40;
	[tilespmem:s24+$0x13CE0] =	vst v3  }
0x3bb: {  	v50 =	vld [tilespmem:s24+$0x11DC0];
	v11 =	vadd.f32 v59, v11;
	v49 =	vbroadcast v37, $0x8;
	v9 =	vmul.f32 v9, v43;
	[tilespmem:s24+$0x13D00] =	vst v7  }
0x3bc: {  	v31 =	vld [tilespmem:s24+$0x11D80];
	v4 =	vadd.f32 v62, v25;
	v51 =	vbroadcast v37, $0x9;
	v10 =	vmul.f32 v10, v45;
	[tilespmem:s24+$0x13D10] =	vst v8  }
0x3bd: {  	v38 =	vld [tilespmem:s24+$0x11D90];
	v52 =	vadd.f32 v63, v27;
	v53 =	vbroadcast v37, $0xA;
	v11 =	vmul.f32 v11, v47;
	[tilespmem:s24+$0x13D20] =	vst v9  }
0x3be: {  	v46 =	vld [tilespmem:s24+$0x11DB0];
	v48 =	vadd.f32 v60, v20;
	v4 =	vmul.f32 v4, v51;
	v2 =	vbroadcast v37, $0x2;
	[tilespmem:s24+$0x13D30] =	vst v10  }
0x3bf: {  	v42 =	vld [tilespmem:s24+$0x11DA0];
	v54 =	vbroadcast v37, $0xB;
	v56 =	vmul.f32 v52, v53;
	v3 =	vadd.f32 v19, v15;
	[tilespmem:s24+$0x13D40] =	vst v11  }
0x3c0: {  	v62 =	vbroadcast v37, $0xF;
	v61 =	vadd.f32 v50, v44;
	[tilespmem:s24+$0x13D60] =	vst v4;
	v2 =	vmul.f32 v6, v2  }
0x3c1: {  	v57 =	vbroadcast v37, $0xC;
	v8 =	vmul.f32 v48, v49;
	[tilespmem:s24+$0x13D70] =	vst v56;
	v3 =	vadd.f32 v31, v3  }
0x3c2: {  	v55 =	vadd.f32 v38, v36;
	v63 =	vmul.f32 v61, v62;
	[tilespmem:s24+$0x13CF0] =	vst v2;
	v2 =	vadd.f32 v33, v13  }
0x3c3: {  	v60 =	vbroadcast v37, $0xE;
	v59 =	vadd.f32 v46, v41;
	[tilespmem:s24+$0x13D50] =	vst v8;
	v3 =	vmul.f32 v3, v54  }
0x3c4: {  	v58 =	vbroadcast v37, $0xD;
	v5 =	vmul.f32 v55, v57;
	[tilespmem:s24+$0x13DC0] =	vst v63;
	v2 =	vadd.f32 v42, v2  }
0x3c5: {  	[tilespmem:s24+$0x13D80] =	vst v3;
	v3 =	vmul.f32 v59, v60  }
0x3c6: {  	s29 =	sld [smem:$0x7F7];
	[tilespmem:s24+$0x13D90] =	vst v5;
	v2 =	vmul.f32 v2, v58  }
0x3c7: {  	[tilespmem:s24+$0x13DB0] =	vst v3  }
0x3c8: {  	s30 =	simm.s32 $0x13CD0;
	[tilespmem:s24+$0x13DA0] =	vst v2  }
0x3c9: {  	[hbm4b:s29+s6] =	stream.strided.scatter [tilespmem:s30], [sflag:$0x1], $0x2000, s7, s6, $0x38;
	[tilespmem:$0x1E6D0] =	vst v63  }
0x3ca: {  	_ =	swait.ge [sflag:s13], $0x2000  }
0x3cb: {  	s31 =	sld [smem:$0x7F9];
	_ =	sdelay $0x1  }
0x3cc: {  	s22 =	sadd.s32 $0x1, s22  }
0x3cd: {  	p1 =	sne.s32 s22, s31  }
.Ltmp29:
0x3ce: {  	_ = 	snop;
	(pc) =	sbr.rel @p1 .LBB2_1-.Ltmp29, $3  }
0x3cf: {  	_ =	sdelay $0x1  }
0x3d0: {  	[sflag:s13] =	ssyncset.done $0x0  }
0x3d1: {  	[sflag:s13] =	ssyncadd.s32 $0xFFFFE000  }
0x3d2: {  	_ =	sfence.sel $0x180000  }
0x3d3: {  	[bflag:$0x0] =	sbarrier.arrive $0xFFFF  }
0x3d4: {  	_ =	strace $0x90000047  }
0x3d5: {  	s0 =	stileid.u32;
	[bflag:$0x2] =	sbarrier.arrive $0xFFFF  }
0x3d6: {  	p0 =	sne.s32 s0, $0x0;
	s0 =	rddreg [dreg:$0x5]  }
0x3d7: {  	s0 =	sadd.s32 @!p0 $0x100000, s0  }
0x3d8: {  	[sflag:s0] =	ssyncadd.tile.s32 @!p0 $0x1;
	_ =	shalt  }
.Lfunc_end2:
_tile_overlayer_lowered:
.L_overlay_start_2:
0x3d9: {  	(tag) =	ssettag $0x2  }
0x3da: {  	s0 =	rddreg [dreg:$0x0];
	s2 =	stileid.u32  }
0x3db: {  	s1 =	rddreg [dreg:$0x1];
	p0 =	sne.s32 s2, $0x0  }
0x3dc: {  	s3 =	rddreg [dreg:$0x2];
	[bflag:$0x3] =	sbarrier.arrive $0xFFFF;
	s2 =	simm.s32 @!p0 $0x1C07  }
0x3dd: {  	[timem:s3], [sflag:s2] =	dma.local @!p0 [hbm:s0], s1  }
0x3de: {  	s0 =	simm.s32 @!p0 $0x7  }
0x3df: {  	_ =	swait.ge @!p0 [sflag:s0], s1  }
0x3e0: {  	s1 =	ssub.s32 @!p0 $0x0, s1;
	[sflag:s0] =	ssyncset.done @!p0 $0x0  }
0x3e1: {  	[sflag:s0] =	ssyncadd.s32 @!p0 s1  }
0x3e2: {  	[bflag:$0x3] =	sbarrier.arrive $0xFFFF  }
0x3e3: {  	_ =	shalt  }

</sc_bundles>
